<compile_context>
chip_gen: v7x
topology: tpu7x:2x2x1
jax: 0.10.2.dev20260603
libtpu: 0.0.44.dev20260713+nightly
codegen_flags: <defaults>
</compile_context>

<pallas_src>
import functools

import jax
import jax.numpy as jnp
from jax import lax
from jax.experimental import pallas as pl
from jax.experimental.pallas import tpu as pltpu
from jax.experimental.pallas import tpu_sc as plsc

_N = 10000
_E = 320000
_D = 128
_NC = 2
_NS = 16
_NW = _NC * _NS
_EPW = _E // _NW
_C = 80
_NCHUNK = _EPW // _C
_NB = 3
_RPT = _N // _NS
_WBR = 624
_TC_BR = 1000


def _tanh_body(x_ref, o_ref):
    o_ref[...] = jnp.tanh(x_ref[...])


def _add_body(a_ref, b_ref, o_ref):
    o_ref[...] = a_ref[0] + b_ref[0]


_sc_mesh = plsc.VectorSubcoreMesh(core_axis_name="c", subcore_axis_name="s")


@functools.partial(
    pl.kernel,
    out_type=jax.ShapeDtypeStruct((_NC, _N, _D), jnp.float32),
    mesh=_sc_mesh,
    compiler_params=pltpu.CompilerParams(needs_layout_passes=False),
    scratch_types=[
        pltpu.VMEM((_EPW,), jnp.int32),
        [pltpu.VMEM((_C,), jnp.int32)] * _NB,
        [pltpu.VMEM((_C,), jnp.int32)] * _NB,
        [pltpu.VMEM((_C,), jnp.int32)] * _NB,
        [pltpu.VMEM((_C,), jnp.float32)] * _NB,
        [pltpu.VMEM((_C, _D), jnp.float32)] * _NB,
        pltpu.VMEM_SHARED((_N, _D), jnp.float32),
        [pltpu.SemaphoreType.DMA] * _NB,
        [pltpu.SemaphoreType.DMA] * _NB,
        [pltpu.SemaphoreType.DMA] * _NB,
    ],
)
def _sc_scatter(t_hbm, widx_hbm, wflat_hbm, out_hbm,
                widx_v, srcs, dsts, wps, wvs, rowss, acc_sh, gw, gt, sc):
    c = lax.axis_index("c")
    s = lax.axis_index("s")
    wid = c * _NS + s

    pltpu.sync_copy(widx_hbm.at[pl.ds(wid * _EPW, _EPW)], widx_v)

    def _zrow(e, carry):
        z = jnp.zeros((16,), jnp.float32)
        for j in range(_D // 16):
            rowss[0][e, pl.ds(j * 16, 16)] = z
        return carry

    lax.fori_loop(0, _C, _zrow, 0)
    zbase = s * _RPT
    for r in range(_RPT // _C):
        pltpu.sync_copy(rowss[0], acc_sh.at[pl.ds(zbase + r * _C, _C)])
    _rem = _RPT - (_RPT // _C) * _C
    pltpu.sync_copy(rowss[0].at[pl.ds(0, _rem)],
                    acc_sh.at[pl.ds(zbase + (_RPT // _C) * _C, _rem)])
    plsc.subcore_barrier()

    def _issue(k, b):
        for i in range(_C // 16):
            wv16 = widx_v[pl.ds(k * _C + i * 16, 16)]
            s16 = wv16 // _N
            d16 = wv16 - s16 * _N
            sl = pl.ds(i * 16, 16)
            srcs[b][sl] = s16
            dsts[b][sl] = d16
            wps[b][sl] = ((s16 >> 3) * (79 * 1024) + ((d16 >> 7) << 10)
                          + ((s16 & 7) << 7) + (d16 & 127))
        pltpu.async_copy(wflat_hbm.at[wps[b]], wvs[b], gw[b])
        pltpu.async_copy(t_hbm.at[srcs[b]], rowss[b], gt[b])

    def _wait_gathers(k, b):
        pltpu.make_async_copy(wflat_hbm.at[wps[b]], wvs[b], gw[b]).wait()
        pltpu.make_async_copy(t_hbm.at[srcs[b]], rowss[b], gt[b]).wait()

    def _scale(b):
        def _srow(e4, cc):
            for v in range(4):
                e = e4 * 4 + v
                eidx = jnp.full((16,), e, jnp.int32)
                wsc = plsc.load_gather(wvs[b], [eidx])
                for j in range(_D // 16):
                    sl = pl.ds(j * 16, 16)
                    rowss[b][e, sl] = rowss[b][e, sl] * wsc
            return cc

        lax.fori_loop(0, _C // 4, _srow, 0)

    def _scatter(k, b):
        pltpu.async_copy(rowss[b], acc_sh.at[dsts[b]], sc[b], add=True)

    def _wait_scatter(k, b):
        pltpu.make_async_copy(rowss[b], acc_sh.at[dsts[b]], sc[b]).wait()

    _issue(0, 0)

    def _group(i, carry):
        for u in range(_NB):
            k = i * _NB + u
            b = u
            b1 = (u + 1) % _NB

            @pl.when(k <= _NCHUNK - 1)
            def _body():
                @pl.when(jnp.logical_and(k >= 2, k <= _NCHUNK - 2))
                def _free():
                    _wait_scatter(k - 2, b1)

                @pl.when(k <= _NCHUNK - 2)
                def _prefetch():
                    _issue(k + 1, b1)

                _wait_gathers(k, b)
                _scale(b)
                _scatter(k, b)

        return carry

    lax.fori_loop(0, (_NCHUNK + _NB - 1) // _NB, _group, 0)
    for kk in range(_NCHUNK - 3, _NCHUNK):
        _wait_scatter(kk, kk % _NB)

    plsc.subcore_barrier()

    wb = s * _WBR
    pltpu.sync_copy(acc_sh.at[pl.ds(wb, _WBR)],
                    out_hbm.at[c, pl.ds(wb, _WBR)])

    @pl.when(s == _NS - 1)
    def _tail():
        pltpu.sync_copy(acc_sh.at[pl.ds(_NS * _WBR, _N - _NS * _WBR)],
                        out_hbm.at[c, pl.ds(_NS * _WBR, _N - _NS * _WBR)])


def kernel(values, edge_index, w):
    widx = edge_index[0] * _N + edge_index[1]
    wpad = jnp.pad(w, ((0, 0), (0, 112)))
    wflat = (wpad.reshape(_N // 8, 8, 79, 128)
             .transpose(0, 2, 1, 3)
             .reshape(_N // 8 * 79 * 8 * 128))

    t = pl.pallas_call(
        _tanh_body,
        grid=(_N // _TC_BR,),
        in_specs=[pl.BlockSpec((_TC_BR, _D), lambda i: (i, 0))],
        out_specs=pl.BlockSpec((_TC_BR, _D), lambda i: (i, 0)),
        out_shape=jax.ShapeDtypeStruct((_N, _D), jnp.float32),
    )(values)

    partials = _sc_scatter(t, widx, wflat)

    out = pl.pallas_call(
        _add_body,
        grid=(_N // _TC_BR,),
        in_specs=[
            pl.BlockSpec((1, _TC_BR, _D), lambda i: (0, i, 0)),
            pl.BlockSpec((1, _TC_BR, _D), lambda i: (1, i, 0)),
        ],
        out_specs=pl.BlockSpec((_TC_BR, _D), lambda i: (i, 0)),
        out_shape=jax.ShapeDtypeStruct((_N, _D), jnp.float32),
    )(partials, partials)
    return out

# --- scband reference (transcript-rebuilt; emitter-appended) ---
"""Pipeline reference for scband-pc-graph-zwol-pyg-22943715295622 (READ-ONLY COPY).

The authoritative reference and input builder live on the scoring server;
editing this copy changes nothing except your own understanding.
"""

import jax, jax.numpy as jnp
import numpy as np

N = 10000
E = 320000
D = 128

def setup_inputs(seed: int = 0) -> dict:
    key = jax.random.key(seed)
    k1, k2, k3 = jax.random.split(key, 3)
    values = jax.random.normal(k1, (N, D), dtype=jnp.float32)
    edge_index = jax.random.randint(k2, (2, E), 0, N, dtype=jnp.int32)
    # learned parameter: dense adjacency-style weight matrix, init N(0, 0.05)
    w = 0.05 * jax.random.normal(k3, (N, N), dtype=jnp.float32)
    return {"values": values, "edge_index": edge_index, "w": w}

def reference(values, edge_index, w):
    # PC_graph_zwol_PYG.get_prediction: PredictionMessagePassing with aggr='add', f=tanh
    src = edge_index[0]
    dst = edge_index[1]
    # w_expanded = w[edge_index[0], edge_index[1]].unsqueeze(1)
    w_e = w[src, dst][:, None]
    # message: x_j = values[src]; msg = w * f(x_j)
    msg = w_e * jnp.tanh(values[src])
    # aggregate: scatter-add messages to destination nodes
    prediction = jax.ops.segment_sum(msg, dst, num_segments=N)
    return prediction

if __name__ == "__main__":
    import jax
    _d = setup_inputs()
    print(jax.jit(kernel)(*tuple(_d.values())))

</pallas_src>

<mosaic_0001>
#map = affine_map<(d0, d1) -> (0, 0)>
#map1 = affine_map<(d0, d1) -> (0)>
#map2 = affine_map<(d0, d1) -> (0, 0, 0)>
module attributes {stable_mosaic.version = 14 : i64} {
  func.func @_sc_scatter(%arg0: i32, %arg1: i32, %arg2: memref<10000x128xf32, #tpu.memory_space<hbm>>, %arg3: memref<320000xi32, #tpu.memory_space<hbm>>, %arg4: memref<101120000xf32, #tpu.memory_space<hbm>>, %arg5: memref<2x10000x128xf32, #tpu.memory_space<hbm>>, %arg6: memref<10000xi32, #tpu.memory_space<vmem>>, %arg7: memref<80xi32, #tpu.memory_space<vmem>>, %arg8: memref<80xi32, #tpu.memory_space<vmem>>, %arg9: memref<80xi32, #tpu.memory_space<vmem>>, %arg10: memref<80xi32, #tpu.memory_space<vmem>>, %arg11: memref<80xi32, #tpu.memory_space<vmem>>, %arg12: memref<80xi32, #tpu.memory_space<vmem>>, %arg13: memref<80xi32, #tpu.memory_space<vmem>>, %arg14: memref<80xi32, #tpu.memory_space<vmem>>, %arg15: memref<80xi32, #tpu.memory_space<vmem>>, %arg16: memref<80xf32, #tpu.memory_space<vmem>>, %arg17: memref<80xf32, #tpu.memory_space<vmem>>, %arg18: memref<80xf32, #tpu.memory_space<vmem>>, %arg19: memref<80x128xf32, #tpu.memory_space<vmem>>, %arg20: memref<80x128xf32, #tpu.memory_space<vmem>>, %arg21: memref<80x128xf32, #tpu.memory_space<vmem>>, %arg22: memref<10000x128xf32, #tpu.memory_space<vmem_shared>>, %arg23: memref<!tpu.dma_semaphore, #tpu.memory_space<semaphore_mem>>, %arg24: memref<!tpu.dma_semaphore, #tpu.memory_space<semaphore_mem>>, %arg25: memref<!tpu.dma_semaphore, #tpu.memory_space<semaphore_mem>>, %arg26: memref<!tpu.dma_semaphore, #tpu.memory_space<semaphore_mem>>, %arg27: memref<!tpu.dma_semaphore, #tpu.memory_space<semaphore_mem>>, %arg28: memref<!tpu.dma_semaphore, #tpu.memory_space<semaphore_mem>>, %arg29: memref<!tpu.dma_semaphore, #tpu.memory_space<semaphore_mem>>, %arg30: memref<!tpu.dma_semaphore, #tpu.memory_space<semaphore_mem>>, %arg31: memref<!tpu.dma_semaphore, #tpu.memory_space<semaphore_mem>>) attributes {dimension_semantics = [#tpu.dimension_semantics<core_parallel>, #tpu.dimension_semantics<subcore_parallel>], iteration_bounds = array<i64: 2, 16>, scalar_prefetch = 0 : i64, scratch_operands = 26 : i64, tpu.core_type = #tpu.core_type<sc_vector_subcore>, window_params = [{transform_indices = #map}, {transform_indices = #map1}, {transform_indices = #map1}, {transform_indices = #map2}]} {
    %mul3A = arith.constant 16 : i32
    %mul3A_0 = arith.muli %arg0, %mul3A : i32
    %add3A = arith.addi %mul3A_0, %arg1 : i32
    %mul3A_1 = arith.constant 10000 : i32
    %mul3A_2 = arith.muli %add3A, %mul3A_1 : i32
    "tpu.region"() ({
      %run_scoped3A = tpu.sem_alloc : memref<!tpu.dma_semaphore, #tpu.memory_space<semaphore_mem>>
      %dma_start3A_372 = tpu.memref_slice %arg3[%mul3A_2] : memref<320000xi32, #tpu.memory_space<hbm>> -> memref<10000xi32, #tpu.memory_space<hbm>>
      %dma_start3A_373 = tpu.memref_slice %arg3[%mul3A_2] : memref<320000xi32, #tpu.memory_space<hbm>> -> memref<10000xi32, #tpu.memory_space<hbm>>
      tpu.enqueue_dma source(%dma_start3A_373 : memref<10000xi32, #tpu.memory_space<hbm>>) target(%arg6 : memref<10000xi32, #tpu.memory_space<vmem>>) target_semaphore(%run_scoped3A : memref<!tpu.dma_semaphore, #tpu.memory_space<semaphore_mem>>)
      %dma_wait3A_374 = tpu.memref_slice %arg3[%mul3A_2] : memref<320000xi32, #tpu.memory_space<hbm>> -> memref<10000xi32, #tpu.memory_space<hbm>>
      %dma_wait3A_375 = tpu.memref_slice %arg3[%mul3A_2] : memref<320000xi32, #tpu.memory_space<hbm>> -> memref<10000xi32, #tpu.memory_space<hbm>>
      tpu.wait_dma2 semaphore(%run_scoped3A : memref<!tpu.dma_semaphore, #tpu.memory_space<semaphore_mem>>) src(%dma_wait3A_375 : memref<10000xi32, #tpu.memory_space<hbm>>) dst(%arg6 : memref<10000xi32, #tpu.memory_space<vmem>>)
      tpu.yield
    }) : () -> ()
    %scan3A = arith.constant 0 : i32
    %scan3A_3 = arith.constant 0 : i32
    %scan3A_4 = arith.constant 80 : i32
    %scan3A_5 = arith.addi %scan3A_3, %scan3A_4 : i32
    %scan3A_6 = arith.constant 1 : i32
    scf.for %scan3A_372 = %scan3A_3 to %scan3A_5 step %scan3A_6  : i32 {
      %broadcast_in_dim3A = arith.constant 0.000000e+00 : f32
      %broadcast_in_dim3A_373 = vector.broadcast %broadcast_in_dim3A : f32 to vector<16xf32>
      %swap3A_374 = arith.index_cast %scan3A_372 : i32 to index
      %swap3A_375 = arith.constant 0 : index
      %swap3A_376 = tpu.vector_load %arg19[%swap3A_374, %swap3A_375] {strides = array<i32>} : memref<80x128xf32, #tpu.memory_space<vmem>>, vector<16xf32>,
      tpu.vector_store %arg19[%swap3A_374, %swap3A_375], %broadcast_in_dim3A_373 {strides = array<i32>} : memref<80x128xf32, #tpu.memory_space<vmem>>, vector<16xf32>,
      %swap3A_377 = arith.index_cast %scan3A_372 : i32 to index
      %swap3A_378 = arith.constant 16 : index
      %swap3A_379 = tpu.vector_load %arg19[%swap3A_377, %swap3A_378] {strides = array<i32>} : memref<80x128xf32, #tpu.memory_space<vmem>>, vector<16xf32>,
      tpu.vector_store %arg19[%swap3A_377, %swap3A_378], %broadcast_in_dim3A_373 {strides = array<i32>} : memref<80x128xf32, #tpu.memory_space<vmem>>, vector<16xf32>,
      %swap3A_380 = arith.index_cast %scan3A_372 : i32 to index
      %swap3A_381 = arith.constant 32 : index
      %swap3A_382 = tpu.vector_load %arg19[%swap3A_380, %swap3A_381] {strides = array<i32>} : memref<80x128xf32, #tpu.memory_space<vmem>>, vector<16xf32>,
      tpu.vector_store %arg19[%swap3A_380, %swap3A_381], %broadcast_in_dim3A_373 {strides = array<i32>} : memref<80x128xf32, #tpu.memory_space<vmem>>, vector<16xf32>,
      %swap3A_383 = arith.index_cast %scan3A_372 : i32 to index
      %swap3A_384 = arith.constant 48 : index
      %swap3A_385 = tpu.vector_load %arg19[%swap3A_383, %swap3A_384] {strides = array<i32>} : memref<80x128xf32, #tpu.memory_space<vmem>>, vector<16xf32>,
      tpu.vector_store %arg19[%swap3A_383, %swap3A_384], %broadcast_in_dim3A_373 {strides = array<i32>} : memref<80x128xf32, #tpu.memory_space<vmem>>, vector<16xf32>,
      %swap3A_386 = arith.index_cast %scan3A_372 : i32 to index
      %swap3A_387 = arith.constant 64 : index
      %swap3A_388 = tpu.vector_load %arg19[%swap3A_386, %swap3A_387] {strides = array<i32>} : memref<80x128xf32, #tpu.memory_space<vmem>>, vector<16xf32>,
      tpu.vector_store %arg19[%swap3A_386, %swap3A_387], %broadcast_in_dim3A_373 {strides = array<i32>} : memref<80x128xf32, #tpu.memory_space<vmem>>, vector<16xf32>,
      %swap3A_389 = arith.index_cast %scan3A_372 : i32 to index
      %swap3A_390 = arith.constant 80 : index
      %swap3A_391 = tpu.vector_load %arg19[%swap3A_389, %swap3A_390] {strides = array<i32>} : memref<80x128xf32, #tpu.memory_space<vmem>>, vector<16xf32>,
      tpu.vector_store %arg19[%swap3A_389, %swap3A_390], %broadcast_in_dim3A_373 {strides = array<i32>} : memref<80x128xf32, #tpu.memory_space<vmem>>, vector<16xf32>,
      %swap3A_392 = arith.index_cast %scan3A_372 : i32 to index
      %swap3A_393 = arith.constant 96 : index
      %swap3A_394 = tpu.vector_load %arg19[%swap3A_392, %swap3A_393] {strides = array<i32>} : memref<80x128xf32, #tpu.memory_space<vmem>>, vector<16xf32>,
      tpu.vector_store %arg19[%swap3A_392, %swap3A_393], %broadcast_in_dim3A_373 {strides = array<i32>} : memref<80x128xf32, #tpu.memory_space<vmem>>, vector<16xf32>,
      %swap3A_395 = arith.index_cast %scan3A_372 : i32 to index
      %swap3A_396 = arith.constant 112 : index
      %swap3A_397 = tpu.vector_load %arg19[%swap3A_395, %swap3A_396] {strides = array<i32>} : memref<80x128xf32, #tpu.memory_space<vmem>>, vector<16xf32>,
      tpu.vector_store %arg19[%swap3A_395, %swap3A_396], %broadcast_in_dim3A_373 {strides = array<i32>} : memref<80x128xf32, #tpu.memory_space<vmem>>, vector<16xf32>,
    }
    %scan3A_7 = arith.constant 80 : i32
    %mul3A_8 = arith.constant 625 : i32
    %mul3A_9 = arith.muli %arg1, %mul3A_8 : i32
    %add3A_10 = arith.constant 0 : i32
    %add3A_11 = arith.addi %mul3A_9, %add3A_10 : i32
    "tpu.region"() ({
      %run_scoped3A = tpu.sem_alloc : memref<!tpu.dma_semaphore, #tpu.memory_space<semaphore_mem>>
      %dma_start3A_372 = arith.constant 0 : i32
      %dma_start3A_373 = tpu.memref_slice %arg22[%add3A_11, %dma_start3A_372] : memref<10000x128xf32, #tpu.memory_space<vmem_shared>> -> memref<80x128xf32, #tpu.memory_space<vmem_shared>>
      %dma_start3A_374 = arith.constant 0 : i32
      %dma_start3A_375 = tpu.memref_slice %arg22[%add3A_11, %dma_start3A_374] : memref<10000x128xf32, #tpu.memory_space<vmem_shared>> -> memref<80x128xf32, #tpu.memory_space<vmem_shared>>
      tpu.enqueue_dma source(%arg19 : memref<80x128xf32, #tpu.memory_space<vmem>>) target(%dma_start3A_375 : memref<80x128xf32, #tpu.memory_space<vmem_shared>>) target_semaphore(%run_scoped3A : memref<!tpu.dma_semaphore, #tpu.memory_space<semaphore_mem>>)
      %dma_wait3A_376 = arith.constant 0 : i32
      %dma_wait3A_377 = tpu.memref_slice %arg22[%add3A_11, %dma_wait3A_376] : memref<10000x128xf32, #tpu.memory_space<vmem_shared>> -> memref<80x128xf32, #tpu.memory_space<vmem_shared>>
      %dma_wait3A_378 = arith.constant 0 : i32
      %dma_wait3A_379 = tpu.memref_slice %arg22[%add3A_11, %dma_wait3A_378] : memref<10000x128xf32, #tpu.memory_space<vmem_shared>> -> memref<80x128xf32, #tpu.memory_space<vmem_shared>>
      tpu.wait_dma2 semaphore(%run_scoped3A : memref<!tpu.dma_semaphore, #tpu.memory_space<semaphore_mem>>) src(%arg19 : memref<80x128xf32, #tpu.memory_space<vmem>>) dst(%dma_wait3A_379 : memref<80x128xf32, #tpu.memory_space<vmem_shared>>)
      tpu.yield
    }) : () -> ()
    %add3A_12 = arith.constant 80 : i32
    %add3A_13 = arith.addi %mul3A_9, %add3A_12 : i32
    "tpu.region"() ({
      %run_scoped3A = tpu.sem_alloc : memref<!tpu.dma_semaphore, #tpu.memory_space<semaphore_mem>>
      %dma_start3A_372 = arith.constant 0 : i32
      %dma_start3A_373 = tpu.memref_slice %arg22[%add3A_13, %dma_start3A_372] : memref<10000x128xf32, #tpu.memory_space<vmem_shared>> -> memref<80x128xf32, #tpu.memory_space<vmem_shared>>
      %dma_start3A_374 = arith.constant 0 : i32
      %dma_start3A_375 = tpu.memref_slice %arg22[%add3A_13, %dma_start3A_374] : memref<10000x128xf32, #tpu.memory_space<vmem_shared>> -> memref<80x128xf32, #tpu.memory_space<vmem_shared>>
      tpu.enqueue_dma source(%arg19 : memref<80x128xf32, #tpu.memory_space<vmem>>) target(%dma_start3A_375 : memref<80x128xf32, #tpu.memory_space<vmem_shared>>) target_semaphore(%run_scoped3A : memref<!tpu.dma_semaphore, #tpu.memory_space<semaphore_mem>>)
      %dma_wait3A_376 = arith.constant 0 : i32
      %dma_wait3A_377 = tpu.memref_slice %arg22[%add3A_13, %dma_wait3A_376] : memref<10000x128xf32, #tpu.memory_space<vmem_shared>> -> memref<80x128xf32, #tpu.memory_space<vmem_shared>>
      %dma_wait3A_378 = arith.constant 0 : i32
      %dma_wait3A_379 = tpu.memref_slice %arg22[%add3A_13, %dma_wait3A_378] : memref<10000x128xf32, #tpu.memory_space<vmem_shared>> -> memref<80x128xf32, #tpu.memory_space<vmem_shared>>
      tpu.wait_dma2 semaphore(%run_scoped3A : memref<!tpu.dma_semaphore, #tpu.memory_space<semaphore_mem>>) src(%arg19 : memref<80x128xf32, #tpu.memory_space<vmem>>) dst(%dma_wait3A_379 : memref<80x128xf32, #tpu.memory_space<vmem_shared>>)
      tpu.yield
    }) : () -> ()
    %add3A_14 = arith.constant 160 : i32
    %add3A_15 = arith.addi %mul3A_9, %add3A_14 : i32
    "tpu.region"() ({
      %run_scoped3A = tpu.sem_alloc : memref<!tpu.dma_semaphore, #tpu.memory_space<semaphore_mem>>
      %dma_start3A_372 = arith.constant 0 : i32
      %dma_start3A_373 = tpu.memref_slice %arg22[%add3A_15, %dma_start3A_372] : memref<10000x128xf32, #tpu.memory_space<vmem_shared>> -> memref<80x128xf32, #tpu.memory_space<vmem_shared>>
      %dma_start3A_374 = arith.constant 0 : i32
      %dma_start3A_375 = tpu.memref_slice %arg22[%add3A_15, %dma_start3A_374] : memref<10000x128xf32, #tpu.memory_space<vmem_shared>> -> memref<80x128xf32, #tpu.memory_space<vmem_shared>>
      tpu.enqueue_dma source(%arg19 : memref<80x128xf32, #tpu.memory_space<vmem>>) target(%dma_start3A_375 : memref<80x128xf32, #tpu.memory_space<vmem_shared>>) target_semaphore(%run_scoped3A : memref<!tpu.dma_semaphore, #tpu.memory_space<semaphore_mem>>)
      %dma_wait3A_376 = arith.constant 0 : i32
      %dma_wait3A_377 = tpu.memref_slice %arg22[%add3A_15, %dma_wait3A_376] : memref<10000x128xf32, #tpu.memory_space<vmem_shared>> -> memref<80x128xf32, #tpu.memory_space<vmem_shared>>
      %dma_wait3A_378 = arith.constant 0 : i32
      %dma_wait3A_379 = tpu.memref_slice %arg22[%add3A_15, %dma_wait3A_378] : memref<10000x128xf32, #tpu.memory_space<vmem_shared>> -> memref<80x128xf32, #tpu.memory_space<vmem_shared>>
      tpu.wait_dma2 semaphore(%run_scoped3A : memref<!tpu.dma_semaphore, #tpu.memory_space<semaphore_mem>>) src(%arg19 : memref<80x128xf32, #tpu.memory_space<vmem>>) dst(%dma_wait3A_379 : memref<80x128xf32, #tpu.memory_space<vmem_shared>>)
      tpu.yield
    }) : () -> ()
    %add3A_16 = arith.constant 240 : i32
    %add3A_17 = arith.addi %mul3A_9, %add3A_16 : i32
    "tpu.region"() ({
      %run_scoped3A = tpu.sem_alloc : memref<!tpu.dma_semaphore, #tpu.memory_space<semaphore_mem>>
      %dma_start3A_372 = arith.constant 0 : i32
      %dma_start3A_373 = tpu.memref_slice %arg22[%add3A_17, %dma_start3A_372] : memref<10000x128xf32, #tpu.memory_space<vmem_shared>> -> memref<80x128xf32, #tpu.memory_space<vmem_shared>>
      %dma_start3A_374 = arith.constant 0 : i32
      %dma_start3A_375 = tpu.memref_slice %arg22[%add3A_17, %dma_start3A_374] : memref<10000x128xf32, #tpu.memory_space<vmem_shared>> -> memref<80x128xf32, #tpu.memory_space<vmem_shared>>
      tpu.enqueue_dma source(%arg19 : memref<80x128xf32, #tpu.memory_space<vmem>>) target(%dma_start3A_375 : memref<80x128xf32, #tpu.memory_space<vmem_shared>>) target_semaphore(%run_scoped3A : memref<!tpu.dma_semaphore, #tpu.memory_space<semaphore_mem>>)
      %dma_wait3A_376 = arith.constant 0 : i32
      %dma_wait3A_377 = tpu.memref_slice %arg22[%add3A_17, %dma_wait3A_376] : memref<10000x128xf32, #tpu.memory_space<vmem_shared>> -> memref<80x128xf32, #tpu.memory_space<vmem_shared>>
      %dma_wait3A_378 = arith.constant 0 : i32
      %dma_wait3A_379 = tpu.memref_slice %arg22[%add3A_17, %dma_wait3A_378] : memref<10000x128xf32, #tpu.memory_space<vmem_shared>> -> memref<80x128xf32, #tpu.memory_space<vmem_shared>>
      tpu.wait_dma2 semaphore(%run_scoped3A : memref<!tpu.dma_semaphore, #tpu.memory_space<semaphore_mem>>) src(%arg19 : memref<80x128xf32, #tpu.memory_space<vmem>>) dst(%dma_wait3A_379 : memref<80x128xf32, #tpu.memory_space<vmem_shared>>)
      tpu.yield
    }) : () -> ()
    %add3A_18 = arith.constant 320 : i32
    %add3A_19 = arith.addi %mul3A_9, %add3A_18 : i32
    "tpu.region"() ({
      %run_scoped3A = tpu.sem_alloc : memref<!tpu.dma_semaphore, #tpu.memory_space<semaphore_mem>>
      %dma_start3A_372 = arith.constant 0 : i32
      %dma_start3A_373 = tpu.memref_slice %arg22[%add3A_19, %dma_start3A_372] : memref<10000x128xf32, #tpu.memory_space<vmem_shared>> -> memref<80x128xf32, #tpu.memory_space<vmem_shared>>
      %dma_start3A_374 = arith.constant 0 : i32
      %dma_start3A_375 = tpu.memref_slice %arg22[%add3A_19, %dma_start3A_374] : memref<10000x128xf32, #tpu.memory_space<vmem_shared>> -> memref<80x128xf32, #tpu.memory_space<vmem_shared>>
      tpu.enqueue_dma source(%arg19 : memref<80x128xf32, #tpu.memory_space<vmem>>) target(%dma_start3A_375 : memref<80x128xf32, #tpu.memory_space<vmem_shared>>) target_semaphore(%run_scoped3A : memref<!tpu.dma_semaphore, #tpu.memory_space<semaphore_mem>>)
      %dma_wait3A_376 = arith.constant 0 : i32
      %dma_wait3A_377 = tpu.memref_slice %arg22[%add3A_19, %dma_wait3A_376] : memref<10000x128xf32, #tpu.memory_space<vmem_shared>> -> memref<80x128xf32, #tpu.memory_space<vmem_shared>>
      %dma_wait3A_378 = arith.constant 0 : i32
      %dma_wait3A_379 = tpu.memref_slice %arg22[%add3A_19, %dma_wait3A_378] : memref<10000x128xf32, #tpu.memory_space<vmem_shared>> -> memref<80x128xf32, #tpu.memory_space<vmem_shared>>
      tpu.wait_dma2 semaphore(%run_scoped3A : memref<!tpu.dma_semaphore, #tpu.memory_space<semaphore_mem>>) src(%arg19 : memref<80x128xf32, #tpu.memory_space<vmem>>) dst(%dma_wait3A_379 : memref<80x128xf32, #tpu.memory_space<vmem_shared>>)
      tpu.yield
    }) : () -> ()
    %add3A_20 = arith.constant 400 : i32
    %add3A_21 = arith.addi %mul3A_9, %add3A_20 : i32
    "tpu.region"() ({
      %run_scoped3A = tpu.sem_alloc : memref<!tpu.dma_semaphore, #tpu.memory_space<semaphore_mem>>
      %dma_start3A_372 = arith.constant 0 : i32
      %dma_start3A_373 = tpu.memref_slice %arg22[%add3A_21, %dma_start3A_372] : memref<10000x128xf32, #tpu.memory_space<vmem_shared>> -> memref<80x128xf32, #tpu.memory_space<vmem_shared>>
      %dma_start3A_374 = arith.constant 0 : i32
      %dma_start3A_375 = tpu.memref_slice %arg22[%add3A_21, %dma_start3A_374] : memref<10000x128xf32, #tpu.memory_space<vmem_shared>> -> memref<80x128xf32, #tpu.memory_space<vmem_shared>>
      tpu.enqueue_dma source(%arg19 : memref<80x128xf32, #tpu.memory_space<vmem>>) target(%dma_start3A_375 : memref<80x128xf32, #tpu.memory_space<vmem_shared>>) target_semaphore(%run_scoped3A : memref<!tpu.dma_semaphore, #tpu.memory_space<semaphore_mem>>)
      %dma_wait3A_376 = arith.constant 0 : i32
      %dma_wait3A_377 = tpu.memref_slice %arg22[%add3A_21, %dma_wait3A_376] : memref<10000x128xf32, #tpu.memory_space<vmem_shared>> -> memref<80x128xf32, #tpu.memory_space<vmem_shared>>
      %dma_wait3A_378 = arith.constant 0 : i32
      %dma_wait3A_379 = tpu.memref_slice %arg22[%add3A_21, %dma_wait3A_378] : memref<10000x128xf32, #tpu.memory_space<vmem_shared>> -> memref<80x128xf32, #tpu.memory_space<vmem_shared>>
      tpu.wait_dma2 semaphore(%run_scoped3A : memref<!tpu.dma_semaphore, #tpu.memory_space<semaphore_mem>>) src(%arg19 : memref<80x128xf32, #tpu.memory_space<vmem>>) dst(%dma_wait3A_379 : memref<80x128xf32, #tpu.memory_space<vmem_shared>>)
      tpu.yield
    }) : () -> ()
    %add3A_22 = arith.constant 480 : i32
    %add3A_23 = arith.addi %mul3A_9, %add3A_22 : i32
    "tpu.region"() ({
      %run_scoped3A = tpu.sem_alloc : memref<!tpu.dma_semaphore, #tpu.memory_space<semaphore_mem>>
      %dma_start3A_372 = arith.constant 0 : i32
      %dma_start3A_373 = tpu.memref_slice %arg22[%add3A_23, %dma_start3A_372] : memref<10000x128xf32, #tpu.memory_space<vmem_shared>> -> memref<80x128xf32, #tpu.memory_space<vmem_shared>>
      %dma_start3A_374 = arith.constant 0 : i32
      %dma_start3A_375 = tpu.memref_slice %arg22[%add3A_23, %dma_start3A_374] : memref<10000x128xf32, #tpu.memory_space<vmem_shared>> -> memref<80x128xf32, #tpu.memory_space<vmem_shared>>
      tpu.enqueue_dma source(%arg19 : memref<80x128xf32, #tpu.memory_space<vmem>>) target(%dma_start3A_375 : memref<80x128xf32, #tpu.memory_space<vmem_shared>>) target_semaphore(%run_scoped3A : memref<!tpu.dma_semaphore, #tpu.memory_space<semaphore_mem>>)
      %dma_wait3A_376 = arith.constant 0 : i32
      %dma_wait3A_377 = tpu.memref_slice %arg22[%add3A_23, %dma_wait3A_376] : memref<10000x128xf32, #tpu.memory_space<vmem_shared>> -> memref<80x128xf32, #tpu.memory_space<vmem_shared>>
      %dma_wait3A_378 = arith.constant 0 : i32
      %dma_wait3A_379 = tpu.memref_slice %arg22[%add3A_23, %dma_wait3A_378] : memref<10000x128xf32, #tpu.memory_space<vmem_shared>> -> memref<80x128xf32, #tpu.memory_space<vmem_shared>>
      tpu.wait_dma2 semaphore(%run_scoped3A : memref<!tpu.dma_semaphore, #tpu.memory_space<semaphore_mem>>) src(%arg19 : memref<80x128xf32, #tpu.memory_space<vmem>>) dst(%dma_wait3A_379 : memref<80x128xf32, #tpu.memory_space<vmem_shared>>)
      tpu.yield
    }) : () -> ()
    %add3A_24 = arith.constant 560 : i32
    %add3A_25 = arith.addi %mul3A_9, %add3A_24 : i32
    "tpu.region"() ({
      %run_scoped3A = tpu.sem_alloc : memref<!tpu.dma_semaphore, #tpu.memory_space<semaphore_mem>>
      %dma_start3A_372 = arith.constant 0 : i32
      %dma_start3A_373 = arith.constant 0 : i32
      %dma_start3A_374 = tpu.memref_slice %arg19[%dma_start3A_372, %dma_start3A_373] : memref<80x128xf32, #tpu.memory_space<vmem>> -> memref<65x128xf32, #tpu.memory_space<vmem>>
      %dma_start3A_375 = arith.constant 0 : i32
      %dma_start3A_376 = tpu.memref_slice %arg22[%add3A_25, %dma_start3A_375] : memref<10000x128xf32, #tpu.memory_space<vmem_shared>> -> memref<65x128xf32, #tpu.memory_space<vmem_shared>>
      %dma_start3A_377 = arith.constant 0 : i32
      %dma_start3A_378 = tpu.memref_slice %arg22[%add3A_25, %dma_start3A_377] : memref<10000x128xf32, #tpu.memory_space<vmem_shared>> -> memref<65x128xf32, #tpu.memory_space<vmem_shared>>
      %dma_start3A_379 = arith.constant 0 : i32
      %dma_start3A_380 = arith.constant 0 : i32
      %dma_start3A_381 = tpu.memref_slice %arg19[%dma_start3A_379, %dma_start3A_380] : memref<80x128xf32, #tpu.memory_space<vmem>> -> memref<65x128xf32, #tpu.memory_space<vmem>>
      tpu.enqueue_dma source(%dma_start3A_381 : memref<65x128xf32, #tpu.memory_space<vmem>>) target(%dma_start3A_378 : memref<65x128xf32, #tpu.memory_space<vmem_shared>>) target_semaphore(%run_scoped3A : memref<!tpu.dma_semaphore, #tpu.memory_space<semaphore_mem>>)
      %dma_wait3A_382 = arith.constant 0 : i32
      %dma_wait3A_383 = arith.constant 0 : i32
      %dma_wait3A_384 = tpu.memref_slice %arg19[%dma_wait3A_382, %dma_wait3A_383] : memref<80x128xf32, #tpu.memory_space<vmem>> -> memref<65x128xf32, #tpu.memory_space<vmem>>
      %dma_wait3A_385 = arith.constant 0 : i32
      %dma_wait3A_386 = tpu.memref_slice %arg22[%add3A_25, %dma_wait3A_385] : memref<10000x128xf32, #tpu.memory_space<vmem_shared>> -> memref<65x128xf32, #tpu.memory_space<vmem_shared>>
      %dma_wait3A_387 = arith.constant 0 : i32
      %dma_wait3A_388 = tpu.memref_slice %arg22[%add3A_25, %dma_wait3A_387] : memref<10000x128xf32, #tpu.memory_space<vmem_shared>> -> memref<65x128xf32, #tpu.memory_space<vmem_shared>>
      %dma_wait3A_389 = arith.constant 0 : i32
      %dma_wait3A_390 = arith.constant 0 : i32
      %dma_wait3A_391 = tpu.memref_slice %arg19[%dma_wait3A_389, %dma_wait3A_390] : memref<80x128xf32, #tpu.memory_space<vmem>> -> memref<65x128xf32, #tpu.memory_space<vmem>>
      tpu.wait_dma2 semaphore(%run_scoped3A : memref<!tpu.dma_semaphore, #tpu.memory_space<semaphore_mem>>) src(%dma_wait3A_391 : memref<65x128xf32, #tpu.memory_space<vmem>>) dst(%dma_wait3A_388 : memref<65x128xf32, #tpu.memory_space<vmem_shared>>)
      tpu.yield
    }) : () -> ()
    %barrier3A = arith.constant 0 : index
    tpu.barrier barrier_id(%barrier3A)
    %get3A = arith.constant 0 : index
    %get3A_26 = tpu.vector_load %arg6[%get3A] {strides = array<i32>} : memref<10000xi32, #tpu.memory_space<vmem>>, vector<16xi32>,
    %jit3A = arith.constant 10000 : i32
    %div3A = vector.broadcast %jit3A : i32 to vector<16xi32>
    %div3A_27 = arith.divsi %get3A_26, %div3A : vector<16xi32>
    %sign3A = arith.constant 0 : i32
    %sign3A_28 = vector.broadcast %sign3A : i32 to vector<16xi32>
    %sign3A_29 = arith.cmpi sgt, %get3A_26, %sign3A_28 : vector<16xi32>
    %sign3A_30 = arith.extui %sign3A_29 : vector<16xi1> to vector<16xi32>
    %sign3A_31 = arith.constant 0 : i32
    %sign3A_32 = vector.broadcast %sign3A_31 : i32 to vector<16xi32>
    %sign3A_33 = arith.cmpi slt, %get3A_26, %sign3A_32 : vector<16xi32>
    %sign3A_34 = arith.extui %sign3A_33 : vector<16xi1> to vector<16xi32>
    %sign3A_35 = arith.subi %sign3A_30, %sign3A_34 : vector<16xi32>
    %sign3A_36 = arith.constant 0 : i32
    %sign3A_37 = arith.cmpi sgt, %jit3A, %sign3A_36 : i32
    %sign3A_38 = arith.extui %sign3A_37 : i1 to i32
    %sign3A_39 = arith.constant 0 : i32
    %sign3A_40 = arith.cmpi slt, %jit3A, %sign3A_39 : i32
    %sign3A_41 = arith.extui %sign3A_40 : i1 to i32
    %sign3A_42 = arith.subi %sign3A_38, %sign3A_41 : i32
    %ne3A = vector.broadcast %sign3A_42 : i32 to vector<16xi32>
    %ne3A_43 = arith.cmpi ne, %sign3A_35, %ne3A : vector<16xi32>
    %rem3A = vector.broadcast %jit3A : i32 to vector<16xi32>
    %rem3A_44 = arith.remsi %get3A_26, %rem3A : vector<16xi32>
    %ne3A_45 = arith.constant 0 : i32
    %ne3A_46 = vector.broadcast %ne3A_45 : i32 to vector<16xi32>
    %ne3A_47 = arith.cmpi ne, %rem3A_44, %ne3A_46 : vector<16xi32>
    %and3A = arith.andi %ne3A_43, %ne3A_47 : vector<16xi1>
    %sub3A = arith.constant 1 : i32
    %sub3A_48 = vector.broadcast %sub3A : i32 to vector<16xi32>
    %sub3A_49 = arith.subi %div3A_27, %sub3A_48 : vector<16xi32>
    %select_n3A = arith.select %and3A, %sub3A_49, %div3A_27 : vector<16xi1>, vector<16xi32>
    %mul3A_50 = arith.constant 10000 : i32
    %mul3A_51 = vector.broadcast %mul3A_50 : i32 to vector<16xi32>
    %mul3A_52 = arith.muli %select_n3A, %mul3A_51 : vector<16xi32>
    %sub3A_53 = arith.subi %get3A_26, %mul3A_52 : vector<16xi32>
    %swap3A = arith.constant 0 : index
    %swap3A_54 = tpu.vector_load %arg7[%swap3A] {strides = array<i32>} : memref<80xi32, #tpu.memory_space<vmem>>, vector<16xi32>,
    tpu.vector_store %arg7[%swap3A], %select_n3A {strides = array<i32>} : memref<80xi32, #tpu.memory_space<vmem>>, vector<16xi32>,
    %swap3A_55 = arith.constant 0 : index
    %swap3A_56 = tpu.vector_load %arg10[%swap3A_55] {strides = array<i32>} : memref<80xi32, #tpu.memory_space<vmem>>, vector<16xi32>,
    tpu.vector_store %arg10[%swap3A_55], %sub3A_53 {strides = array<i32>} : memref<80xi32, #tpu.memory_space<vmem>>, vector<16xi32>,
    %shift_right_arithmetic3A = arith.constant 3 : i32
    %shift_right_arithmetic3A_57 = vector.broadcast %shift_right_arithmetic3A : i32 to vector<16xi32>
    %shift_right_arithmetic3A_58 = arith.shrsi %select_n3A, %shift_right_arithmetic3A_57 : vector<16xi32>
    %mul3A_59 = arith.constant 80896 : i32
    %mul3A_60 = vector.broadcast %mul3A_59 : i32 to vector<16xi32>
    %mul3A_61 = arith.muli %shift_right_arithmetic3A_58, %mul3A_60 : vector<16xi32>
    %shift_right_arithmetic3A_62 = arith.constant 7 : i32
    %shift_right_arithmetic3A_63 = vector.broadcast %shift_right_arithmetic3A_62 : i32 to vector<16xi32>
    %shift_right_arithmetic3A_64 = arith.shrsi %sub3A_53, %shift_right_arithmetic3A_63 : vector<16xi32>
    %shift_left3A = arith.constant 10 : i32
    %shift_left3A_65 = vector.broadcast %shift_left3A : i32 to vector<16xi32>
    %shift_left3A_66 = arith.shli %shift_right_arithmetic3A_64, %shift_left3A_65 : vector<16xi32>
    %add3A_67 = arith.addi %mul3A_61, %shift_left3A_66 : vector<16xi32>
    %and3A_68 = arith.constant 7 : i32
    %and3A_69 = vector.broadcast %and3A_68 : i32 to vector<16xi32>
    %and3A_70 = arith.andi %select_n3A, %and3A_69 : vector<16xi32>
    %shift_left3A_71 = arith.constant 7 : i32
    %shift_left3A_72 = vector.broadcast %shift_left3A_71 : i32 to vector<16xi32>
    %shift_left3A_73 = arith.shli %and3A_70, %shift_left3A_72 : vector<16xi32>
    %add3A_74 = arith.addi %add3A_67, %shift_left3A_73 : vector<16xi32>
    %and3A_75 = arith.constant 127 : i32
    %and3A_76 = vector.broadcast %and3A_75 : i32 to vector<16xi32>
    %and3A_77 = arith.andi %sub3A_53, %and3A_76 : vector<16xi32>
    %add3A_78 = arith.addi %add3A_74, %and3A_77 : vector<16xi32>
    %swap3A_79 = arith.constant 0 : index
    %swap3A_80 = tpu.vector_load %arg13[%swap3A_79] {strides = array<i32>} : memref<80xi32, #tpu.memory_space<vmem>>, vector<16xi32>,
    tpu.vector_store %arg13[%swap3A_79], %add3A_78 {strides = array<i32>} : memref<80xi32, #tpu.memory_space<vmem>>, vector<16xi32>,
    %get3A_81 = arith.constant 16 : index
    %get3A_82 = tpu.vector_load %arg6[%get3A_81] {strides = array<i32>} : memref<10000xi32, #tpu.memory_space<vmem>>, vector<16xi32>,
    %jit3A_83 = arith.constant 10000 : i32
    %div3A_84 = vector.broadcast %jit3A_83 : i32 to vector<16xi32>
    %div3A_85 = arith.divsi %get3A_82, %div3A_84 : vector<16xi32>
    %sign3A_86 = arith.constant 0 : i32
    %sign3A_87 = vector.broadcast %sign3A_86 : i32 to vector<16xi32>
    %sign3A_88 = arith.cmpi sgt, %get3A_82, %sign3A_87 : vector<16xi32>
    %sign3A_89 = arith.extui %sign3A_88 : vector<16xi1> to vector<16xi32>
    %sign3A_90 = arith.constant 0 : i32
    %sign3A_91 = vector.broadcast %sign3A_90 : i32 to vector<16xi32>
    %sign3A_92 = arith.cmpi slt, %get3A_82, %sign3A_91 : vector<16xi32>
    %sign3A_93 = arith.extui %sign3A_92 : vector<16xi1> to vector<16xi32>
    %sign3A_94 = arith.subi %sign3A_89, %sign3A_93 : vector<16xi32>
    %sign3A_95 = arith.constant 0 : i32
    %sign3A_96 = arith.cmpi sgt, %jit3A_83, %sign3A_95 : i32
    %sign3A_97 = arith.extui %sign3A_96 : i1 to i32
    %sign3A_98 = arith.constant 0 : i32
    %sign3A_99 = arith.cmpi slt, %jit3A_83, %sign3A_98 : i32
    %sign3A_100 = arith.extui %sign3A_99 : i1 to i32
    %sign3A_101 = arith.subi %sign3A_97, %sign3A_100 : i32
    %ne3A_102 = vector.broadcast %sign3A_101 : i32 to vector<16xi32>
    %ne3A_103 = arith.cmpi ne, %sign3A_94, %ne3A_102 : vector<16xi32>
    %rem3A_104 = vector.broadcast %jit3A_83 : i32 to vector<16xi32>
    %rem3A_105 = arith.remsi %get3A_82, %rem3A_104 : vector<16xi32>
    %ne3A_106 = arith.constant 0 : i32
    %ne3A_107 = vector.broadcast %ne3A_106 : i32 to vector<16xi32>
    %ne3A_108 = arith.cmpi ne, %rem3A_105, %ne3A_107 : vector<16xi32>
    %and3A_109 = arith.andi %ne3A_103, %ne3A_108 : vector<16xi1>
    %sub3A_110 = arith.constant 1 : i32
    %sub3A_111 = vector.broadcast %sub3A_110 : i32 to vector<16xi32>
    %sub3A_112 = arith.subi %div3A_85, %sub3A_111 : vector<16xi32>
    %select_n3A_113 = arith.select %and3A_109, %sub3A_112, %div3A_85 : vector<16xi1>, vector<16xi32>
    %mul3A_114 = arith.constant 10000 : i32
    %mul3A_115 = vector.broadcast %mul3A_114 : i32 to vector<16xi32>
    %mul3A_116 = arith.muli %select_n3A_113, %mul3A_115 : vector<16xi32>
    %sub3A_117 = arith.subi %get3A_82, %mul3A_116 : vector<16xi32>
    %swap3A_118 = arith.constant 16 : index
    %swap3A_119 = tpu.vector_load %arg7[%swap3A_118] {strides = array<i32>} : memref<80xi32, #tpu.memory_space<vmem>>, vector<16xi32>,
    tpu.vector_store %arg7[%swap3A_118], %select_n3A_113 {strides = array<i32>} : memref<80xi32, #tpu.memory_space<vmem>>, vector<16xi32>,
    %swap3A_120 = arith.constant 16 : index
    %swap3A_121 = tpu.vector_load %arg10[%swap3A_120] {strides = array<i32>} : memref<80xi32, #tpu.memory_space<vmem>>, vector<16xi32>,
    tpu.vector_store %arg10[%swap3A_120], %sub3A_117 {strides = array<i32>} : memref<80xi32, #tpu.memory_space<vmem>>, vector<16xi32>,
    %shift_right_arithmetic3A_122 = arith.constant 3 : i32
    %shift_right_arithmetic3A_123 = vector.broadcast %shift_right_arithmetic3A_122 : i32 to vector<16xi32>
    %shift_right_arithmetic3A_124 = arith.shrsi %select_n3A_113, %shift_right_arithmetic3A_123 : vector<16xi32>
    %mul3A_125 = arith.constant 80896 : i32
    %mul3A_126 = vector.broadcast %mul3A_125 : i32 to vector<16xi32>
    %mul3A_127 = arith.muli %shift_right_arithmetic3A_124, %mul3A_126 : vector<16xi32>
    %shift_right_arithmetic3A_128 = arith.constant 7 : i32
    %shift_right_arithmetic3A_129 = vector.broadcast %shift_right_arithmetic3A_128 : i32 to vector<16xi32>
    %shift_right_arithmetic3A_130 = arith.shrsi %sub3A_117, %shift_right_arithmetic3A_129 : vector<16xi32>
    %shift_left3A_131 = arith.constant 10 : i32
    %shift_left3A_132 = vector.broadcast %shift_left3A_131 : i32 to vector<16xi32>
    %shift_left3A_133 = arith.shli %shift_right_arithmetic3A_130, %shift_left3A_132 : vector<16xi32>
    %add3A_134 = arith.addi %mul3A_127, %shift_left3A_133 : vector<16xi32>
    %and3A_135 = arith.constant 7 : i32
    %and3A_136 = vector.broadcast %and3A_135 : i32 to vector<16xi32>
    %and3A_137 = arith.andi %select_n3A_113, %and3A_136 : vector<16xi32>
    %shift_left3A_138 = arith.constant 7 : i32
    %shift_left3A_139 = vector.broadcast %shift_left3A_138 : i32 to vector<16xi32>
    %shift_left3A_140 = arith.shli %and3A_137, %shift_left3A_139 : vector<16xi32>
    %add3A_141 = arith.addi %add3A_134, %shift_left3A_140 : vector<16xi32>
    %and3A_142 = arith.constant 127 : i32
    %and3A_143 = vector.broadcast %and3A_142 : i32 to vector<16xi32>
    %and3A_144 = arith.andi %sub3A_117, %and3A_143 : vector<16xi32>
    %add3A_145 = arith.addi %add3A_141, %and3A_144 : vector<16xi32>
    %swap3A_146 = arith.constant 16 : index
    %swap3A_147 = tpu.vector_load %arg13[%swap3A_146] {strides = array<i32>} : memref<80xi32, #tpu.memory_space<vmem>>, vector<16xi32>,
    tpu.vector_store %arg13[%swap3A_146], %add3A_145 {strides = array<i32>} : memref<80xi32, #tpu.memory_space<vmem>>, vector<16xi32>,
    %get3A_148 = arith.constant 32 : index
    %get3A_149 = tpu.vector_load %arg6[%get3A_148] {strides = array<i32>} : memref<10000xi32, #tpu.memory_space<vmem>>, vector<16xi32>,
    %jit3A_150 = arith.constant 10000 : i32
    %div3A_151 = vector.broadcast %jit3A_150 : i32 to vector<16xi32>
    %div3A_152 = arith.divsi %get3A_149, %div3A_151 : vector<16xi32>
    %sign3A_153 = arith.constant 0 : i32
    %sign3A_154 = vector.broadcast %sign3A_153 : i32 to vector<16xi32>
    %sign3A_155 = arith.cmpi sgt, %get3A_149, %sign3A_154 : vector<16xi32>
    %sign3A_156 = arith.extui %sign3A_155 : vector<16xi1> to vector<16xi32>
    %sign3A_157 = arith.constant 0 : i32
    %sign3A_158 = vector.broadcast %sign3A_157 : i32 to vector<16xi32>
    %sign3A_159 = arith.cmpi slt, %get3A_149, %sign3A_158 : vector<16xi32>
    %sign3A_160 = arith.extui %sign3A_159 : vector<16xi1> to vector<16xi32>
    %sign3A_161 = arith.subi %sign3A_156, %sign3A_160 : vector<16xi32>
    %sign3A_162 = arith.constant 0 : i32
    %sign3A_163 = arith.cmpi sgt, %jit3A_150, %sign3A_162 : i32
    %sign3A_164 = arith.extui %sign3A_163 : i1 to i32
    %sign3A_165 = arith.constant 0 : i32
    %sign3A_166 = arith.cmpi slt, %jit3A_150, %sign3A_165 : i32
    %sign3A_167 = arith.extui %sign3A_166 : i1 to i32
    %sign3A_168 = arith.subi %sign3A_164, %sign3A_167 : i32
    %ne3A_169 = vector.broadcast %sign3A_168 : i32 to vector<16xi32>
    %ne3A_170 = arith.cmpi ne, %sign3A_161, %ne3A_169 : vector<16xi32>
    %rem3A_171 = vector.broadcast %jit3A_150 : i32 to vector<16xi32>
    %rem3A_172 = arith.remsi %get3A_149, %rem3A_171 : vector<16xi32>
    %ne3A_173 = arith.constant 0 : i32
    %ne3A_174 = vector.broadcast %ne3A_173 : i32 to vector<16xi32>
    %ne3A_175 = arith.cmpi ne, %rem3A_172, %ne3A_174 : vector<16xi32>
    %and3A_176 = arith.andi %ne3A_170, %ne3A_175 : vector<16xi1>
    %sub3A_177 = arith.constant 1 : i32
    %sub3A_178 = vector.broadcast %sub3A_177 : i32 to vector<16xi32>
    %sub3A_179 = arith.subi %div3A_152, %sub3A_178 : vector<16xi32>
    %select_n3A_180 = arith.select %and3A_176, %sub3A_179, %div3A_152 : vector<16xi1>, vector<16xi32>
    %mul3A_181 = arith.constant 10000 : i32
    %mul3A_182 = vector.broadcast %mul3A_181 : i32 to vector<16xi32>
    %mul3A_183 = arith.muli %select_n3A_180, %mul3A_182 : vector<16xi32>
    %sub3A_184 = arith.subi %get3A_149, %mul3A_183 : vector<16xi32>
    %swap3A_185 = arith.constant 32 : index
    %swap3A_186 = tpu.vector_load %arg7[%swap3A_185] {strides = array<i32>} : memref<80xi32, #tpu.memory_space<vmem>>, vector<16xi32>,
    tpu.vector_store %arg7[%swap3A_185], %select_n3A_180 {strides = array<i32>} : memref<80xi32, #tpu.memory_space<vmem>>, vector<16xi32>,
    %swap3A_187 = arith.constant 32 : index
    %swap3A_188 = tpu.vector_load %arg10[%swap3A_187] {strides = array<i32>} : memref<80xi32, #tpu.memory_space<vmem>>, vector<16xi32>,
    tpu.vector_store %arg10[%swap3A_187], %sub3A_184 {strides = array<i32>} : memref<80xi32, #tpu.memory_space<vmem>>, vector<16xi32>,
    %shift_right_arithmetic3A_189 = arith.constant 3 : i32
    %shift_right_arithmetic3A_190 = vector.broadcast %shift_right_arithmetic3A_189 : i32 to vector<16xi32>
    %shift_right_arithmetic3A_191 = arith.shrsi %select_n3A_180, %shift_right_arithmetic3A_190 : vector<16xi32>
    %mul3A_192 = arith.constant 80896 : i32
    %mul3A_193 = vector.broadcast %mul3A_192 : i32 to vector<16xi32>
    %mul3A_194 = arith.muli %shift_right_arithmetic3A_191, %mul3A_193 : vector<16xi32>
    %shift_right_arithmetic3A_195 = arith.constant 7 : i32
    %shift_right_arithmetic3A_196 = vector.broadcast %shift_right_arithmetic3A_195 : i32 to vector<16xi32>
    %shift_right_arithmetic3A_197 = arith.shrsi %sub3A_184, %shift_right_arithmetic3A_196 : vector<16xi32>
    %shift_left3A_198 = arith.constant 10 : i32
    %shift_left3A_199 = vector.broadcast %shift_left3A_198 : i32 to vector<16xi32>
    %shift_left3A_200 = arith.shli %shift_right_arithmetic3A_197, %shift_left3A_199 : vector<16xi32>
    %add3A_201 = arith.addi %mul3A_194, %shift_left3A_200 : vector<16xi32>
    %and3A_202 = arith.constant 7 : i32
    %and3A_203 = vector.broadcast %and3A_202 : i32 to vector<16xi32>
    %and3A_204 = arith.andi %select_n3A_180, %and3A_203 : vector<16xi32>
    %shift_left3A_205 = arith.constant 7 : i32
    %shift_left3A_206 = vector.broadcast %shift_left3A_205 : i32 to vector<16xi32>
    %shift_left3A_207 = arith.shli %and3A_204, %shift_left3A_206 : vector<16xi32>
    %add3A_208 = arith.addi %add3A_201, %shift_left3A_207 : vector<16xi32>
    %and3A_209 = arith.constant 127 : i32
    %and3A_210 = vector.broadcast %and3A_209 : i32 to vector<16xi32>
    %and3A_211 = arith.andi %sub3A_184, %and3A_210 : vector<16xi32>
    %add3A_212 = arith.addi %add3A_208, %and3A_211 : vector<16xi32>
    %swap3A_213 = arith.constant 32 : index
    %swap3A_214 = tpu.vector_load %arg13[%swap3A_213] {strides = array<i32>} : memref<80xi32, #tpu.memory_space<vmem>>, vector<16xi32>,
    tpu.vector_store %arg13[%swap3A_213], %add3A_212 {strides = array<i32>} : memref<80xi32, #tpu.memory_space<vmem>>, vector<16xi32>,
    %get3A_215 = arith.constant 48 : index
    %get3A_216 = tpu.vector_load %arg6[%get3A_215] {strides = array<i32>} : memref<10000xi32, #tpu.memory_space<vmem>>, vector<16xi32>,
    %jit3A_217 = arith.constant 10000 : i32
    %div3A_218 = vector.broadcast %jit3A_217 : i32 to vector<16xi32>
    %div3A_219 = arith.divsi %get3A_216, %div3A_218 : vector<16xi32>
    %sign3A_220 = arith.constant 0 : i32
    %sign3A_221 = vector.broadcast %sign3A_220 : i32 to vector<16xi32>
    %sign3A_222 = arith.cmpi sgt, %get3A_216, %sign3A_221 : vector<16xi32>
    %sign3A_223 = arith.extui %sign3A_222 : vector<16xi1> to vector<16xi32>
    %sign3A_224 = arith.constant 0 : i32
    %sign3A_225 = vector.broadcast %sign3A_224 : i32 to vector<16xi32>
    %sign3A_226 = arith.cmpi slt, %get3A_216, %sign3A_225 : vector<16xi32>
    %sign3A_227 = arith.extui %sign3A_226 : vector<16xi1> to vector<16xi32>
    %sign3A_228 = arith.subi %sign3A_223, %sign3A_227 : vector<16xi32>
    %sign3A_229 = arith.constant 0 : i32
    %sign3A_230 = arith.cmpi sgt, %jit3A_217, %sign3A_229 : i32
    %sign3A_231 = arith.extui %sign3A_230 : i1 to i32
    %sign3A_232 = arith.constant 0 : i32
    %sign3A_233 = arith.cmpi slt, %jit3A_217, %sign3A_232 : i32
    %sign3A_234 = arith.extui %sign3A_233 : i1 to i32
    %sign3A_235 = arith.subi %sign3A_231, %sign3A_234 : i32
    %ne3A_236 = vector.broadcast %sign3A_235 : i32 to vector<16xi32>
    %ne3A_237 = arith.cmpi ne, %sign3A_228, %ne3A_236 : vector<16xi32>
    %rem3A_238 = vector.broadcast %jit3A_217 : i32 to vector<16xi32>
    %rem3A_239 = arith.remsi %get3A_216, %rem3A_238 : vector<16xi32>
    %ne3A_240 = arith.constant 0 : i32
    %ne3A_241 = vector.broadcast %ne3A_240 : i32 to vector<16xi32>
    %ne3A_242 = arith.cmpi ne, %rem3A_239, %ne3A_241 : vector<16xi32>
    %and3A_243 = arith.andi %ne3A_237, %ne3A_242 : vector<16xi1>
    %sub3A_244 = arith.constant 1 : i32
    %sub3A_245 = vector.broadcast %sub3A_244 : i32 to vector<16xi32>
    %sub3A_246 = arith.subi %div3A_219, %sub3A_245 : vector<16xi32>
    %select_n3A_247 = arith.select %and3A_243, %sub3A_246, %div3A_219 : vector<16xi1>, vector<16xi32>
    %mul3A_248 = arith.constant 10000 : i32
    %mul3A_249 = vector.broadcast %mul3A_248 : i32 to vector<16xi32>
    %mul3A_250 = arith.muli %select_n3A_247, %mul3A_249 : vector<16xi32>
    %sub3A_251 = arith.subi %get3A_216, %mul3A_250 : vector<16xi32>
    %swap3A_252 = arith.constant 48 : index
    %swap3A_253 = tpu.vector_load %arg7[%swap3A_252] {strides = array<i32>} : memref<80xi32, #tpu.memory_space<vmem>>, vector<16xi32>,
    tpu.vector_store %arg7[%swap3A_252], %select_n3A_247 {strides = array<i32>} : memref<80xi32, #tpu.memory_space<vmem>>, vector<16xi32>,
    %swap3A_254 = arith.constant 48 : index
    %swap3A_255 = tpu.vector_load %arg10[%swap3A_254] {strides = array<i32>} : memref<80xi32, #tpu.memory_space<vmem>>, vector<16xi32>,
    tpu.vector_store %arg10[%swap3A_254], %sub3A_251 {strides = array<i32>} : memref<80xi32, #tpu.memory_space<vmem>>, vector<16xi32>,
    %shift_right_arithmetic3A_256 = arith.constant 3 : i32
    %shift_right_arithmetic3A_257 = vector.broadcast %shift_right_arithmetic3A_256 : i32 to vector<16xi32>
    %shift_right_arithmetic3A_258 = arith.shrsi %select_n3A_247, %shift_right_arithmetic3A_257 : vector<16xi32>
    %mul3A_259 = arith.constant 80896 : i32
    %mul3A_260 = vector.broadcast %mul3A_259 : i32 to vector<16xi32>
    %mul3A_261 = arith.muli %shift_right_arithmetic3A_258, %mul3A_260 : vector<16xi32>
    %shift_right_arithmetic3A_262 = arith.constant 7 : i32
    %shift_right_arithmetic3A_263 = vector.broadcast %shift_right_arithmetic3A_262 : i32 to vector<16xi32>
    %shift_right_arithmetic3A_264 = arith.shrsi %sub3A_251, %shift_right_arithmetic3A_263 : vector<16xi32>
    %shift_left3A_265 = arith.constant 10 : i32
    %shift_left3A_266 = vector.broadcast %shift_left3A_265 : i32 to vector<16xi32>
    %shift_left3A_267 = arith.shli %shift_right_arithmetic3A_264, %shift_left3A_266 : vector<16xi32>
    %add3A_268 = arith.addi %mul3A_261, %shift_left3A_267 : vector<16xi32>
    %and3A_269 = arith.constant 7 : i32
    %and3A_270 = vector.broadcast %and3A_269 : i32 to vector<16xi32>
    %and3A_271 = arith.andi %select_n3A_247, %and3A_270 : vector<16xi32>
    %shift_left3A_272 = arith.constant 7 : i32
    %shift_left3A_273 = vector.broadcast %shift_left3A_272 : i32 to vector<16xi32>
    %shift_left3A_274 = arith.shli %and3A_271, %shift_left3A_273 : vector<16xi32>
    %add3A_275 = arith.addi %add3A_268, %shift_left3A_274 : vector<16xi32>
    %and3A_276 = arith.constant 127 : i32
    %and3A_277 = vector.broadcast %and3A_276 : i32 to vector<16xi32>
    %and3A_278 = arith.andi %sub3A_251, %and3A_277 : vector<16xi32>
    %add3A_279 = arith.addi %add3A_275, %and3A_278 : vector<16xi32>
    %swap3A_280 = arith.constant 48 : index
    %swap3A_281 = tpu.vector_load %arg13[%swap3A_280] {strides = array<i32>} : memref<80xi32, #tpu.memory_space<vmem>>, vector<16xi32>,
    tpu.vector_store %arg13[%swap3A_280], %add3A_279 {strides = array<i32>} : memref<80xi32, #tpu.memory_space<vmem>>, vector<16xi32>,
    %get3A_282 = arith.constant 64 : index
    %get3A_283 = tpu.vector_load %arg6[%get3A_282] {strides = array<i32>} : memref<10000xi32, #tpu.memory_space<vmem>>, vector<16xi32>,
    %jit3A_284 = arith.constant 10000 : i32
    %div3A_285 = vector.broadcast %jit3A_284 : i32 to vector<16xi32>
    %div3A_286 = arith.divsi %get3A_283, %div3A_285 : vector<16xi32>
    %sign3A_287 = arith.constant 0 : i32
    %sign3A_288 = vector.broadcast %sign3A_287 : i32 to vector<16xi32>
    %sign3A_289 = arith.cmpi sgt, %get3A_283, %sign3A_288 : vector<16xi32>
    %sign3A_290 = arith.extui %sign3A_289 : vector<16xi1> to vector<16xi32>
    %sign3A_291 = arith.constant 0 : i32
    %sign3A_292 = vector.broadcast %sign3A_291 : i32 to vector<16xi32>
    %sign3A_293 = arith.cmpi slt, %get3A_283, %sign3A_292 : vector<16xi32>
    %sign3A_294 = arith.extui %sign3A_293 : vector<16xi1> to vector<16xi32>
    %sign3A_295 = arith.subi %sign3A_290, %sign3A_294 : vector<16xi32>
    %sign3A_296 = arith.constant 0 : i32
    %sign3A_297 = arith.cmpi sgt, %jit3A_284, %sign3A_296 : i32
    %sign3A_298 = arith.extui %sign3A_297 : i1 to i32
    %sign3A_299 = arith.constant 0 : i32
    %sign3A_300 = arith.cmpi slt, %jit3A_284, %sign3A_299 : i32
    %sign3A_301 = arith.extui %sign3A_300 : i1 to i32
    %sign3A_302 = arith.subi %sign3A_298, %sign3A_301 : i32
    %ne3A_303 = vector.broadcast %sign3A_302 : i32 to vector<16xi32>
    %ne3A_304 = arith.cmpi ne, %sign3A_295, %ne3A_303 : vector<16xi32>
    %rem3A_305 = vector.broadcast %jit3A_284 : i32 to vector<16xi32>
    %rem3A_306 = arith.remsi %get3A_283, %rem3A_305 : vector<16xi32>
    %ne3A_307 = arith.constant 0 : i32
    %ne3A_308 = vector.broadcast %ne3A_307 : i32 to vector<16xi32>
    %ne3A_309 = arith.cmpi ne, %rem3A_306, %ne3A_308 : vector<16xi32>
    %and3A_310 = arith.andi %ne3A_304, %ne3A_309 : vector<16xi1>
    %sub3A_311 = arith.constant 1 : i32
    %sub3A_312 = vector.broadcast %sub3A_311 : i32 to vector<16xi32>
    %sub3A_313 = arith.subi %div3A_286, %sub3A_312 : vector<16xi32>
    %select_n3A_314 = arith.select %and3A_310, %sub3A_313, %div3A_286 : vector<16xi1>, vector<16xi32>
    %mul3A_315 = arith.constant 10000 : i32
    %mul3A_316 = vector.broadcast %mul3A_315 : i32 to vector<16xi32>
    %mul3A_317 = arith.muli %select_n3A_314, %mul3A_316 : vector<16xi32>
    %sub3A_318 = arith.subi %get3A_283, %mul3A_317 : vector<16xi32>
    %swap3A_319 = arith.constant 64 : index
    %swap3A_320 = tpu.vector_load %arg7[%swap3A_319] {strides = array<i32>} : memref<80xi32, #tpu.memory_space<vmem>>, vector<16xi32>,
    tpu.vector_store %arg7[%swap3A_319], %select_n3A_314 {strides = array<i32>} : memref<80xi32, #tpu.memory_space<vmem>>, vector<16xi32>,
    %swap3A_321 = arith.constant 64 : index
    %swap3A_322 = tpu.vector_load %arg10[%swap3A_321] {strides = array<i32>} : memref<80xi32, #tpu.memory_space<vmem>>, vector<16xi32>,
    tpu.vector_store %arg10[%swap3A_321], %sub3A_318 {strides = array<i32>} : memref<80xi32, #tpu.memory_space<vmem>>, vector<16xi32>,
    %shift_right_arithmetic3A_323 = arith.constant 3 : i32
    %shift_right_arithmetic3A_324 = vector.broadcast %shift_right_arithmetic3A_323 : i32 to vector<16xi32>
    %shift_right_arithmetic3A_325 = arith.shrsi %select_n3A_314, %shift_right_arithmetic3A_324 : vector<16xi32>
    %mul3A_326 = arith.constant 80896 : i32
    %mul3A_327 = vector.broadcast %mul3A_326 : i32 to vector<16xi32>
    %mul3A_328 = arith.muli %shift_right_arithmetic3A_325, %mul3A_327 : vector<16xi32>
    %shift_right_arithmetic3A_329 = arith.constant 7 : i32
    %shift_right_arithmetic3A_330 = vector.broadcast %shift_right_arithmetic3A_329 : i32 to vector<16xi32>
    %shift_right_arithmetic3A_331 = arith.shrsi %sub3A_318, %shift_right_arithmetic3A_330 : vector<16xi32>
    %shift_left3A_332 = arith.constant 10 : i32
    %shift_left3A_333 = vector.broadcast %shift_left3A_332 : i32 to vector<16xi32>
    %shift_left3A_334 = arith.shli %shift_right_arithmetic3A_331, %shift_left3A_333 : vector<16xi32>
    %add3A_335 = arith.addi %mul3A_328, %shift_left3A_334 : vector<16xi32>
    %and3A_336 = arith.constant 7 : i32
    %and3A_337 = vector.broadcast %and3A_336 : i32 to vector<16xi32>
    %and3A_338 = arith.andi %select_n3A_314, %and3A_337 : vector<16xi32>
    %shift_left3A_339 = arith.constant 7 : i32
    %shift_left3A_340 = vector.broadcast %shift_left3A_339 : i32 to vector<16xi32>
    %shift_left3A_341 = arith.shli %and3A_338, %shift_left3A_340 : vector<16xi32>
    %add3A_342 = arith.addi %add3A_335, %shift_left3A_341 : vector<16xi32>
    %and3A_343 = arith.constant 127 : i32
    %and3A_344 = vector.broadcast %and3A_343 : i32 to vector<16xi32>
    %and3A_345 = arith.andi %sub3A_318, %and3A_344 : vector<16xi32>
    %add3A_346 = arith.addi %add3A_342, %and3A_345 : vector<16xi32>
    %swap3A_347 = arith.constant 64 : index
    %swap3A_348 = tpu.vector_load %arg13[%swap3A_347] {strides = array<i32>} : memref<80xi32, #tpu.memory_space<vmem>>, vector<16xi32>,
    tpu.vector_store %arg13[%swap3A_347], %add3A_346 {strides = array<i32>} : memref<80xi32, #tpu.memory_space<vmem>>, vector<16xi32>,
    %dma_start3A = arith.constant 0 : i32
    %dma_start3A_349 = tpu.memref_slice %arg4[%dma_start3A] : memref<101120000xf32, #tpu.memory_space<hbm>> -> memref<101120000xf32, #tpu.memory_space<hbm>>
    tpu.enqueue_indirect_dma source(%dma_start3A_349 : memref<101120000xf32, #tpu.memory_space<hbm>>) target(%arg16 : memref<80xf32, #tpu.memory_space<vmem>>) offsets(%arg13 : memref<80xi32, #tpu.memory_space<vmem>>) semaphore(%arg23 : memref<!tpu.dma_semaphore, #tpu.memory_space<semaphore_mem>>)
    %dma_start3A_350 = arith.constant 0 : i32
    %dma_start3A_351 = arith.constant 0 : i32
    %dma_start3A_352 = tpu.memref_slice %arg2[%dma_start3A_350, %dma_start3A_351] : memref<10000x128xf32, #tpu.memory_space<hbm>> -> memref<10000x128xf32, #tpu.memory_space<hbm>>
    tpu.enqueue_indirect_dma source(%dma_start3A_352 : memref<10000x128xf32, #tpu.memory_space<hbm>>) target(%arg19 : memref<80x128xf32, #tpu.memory_space<vmem>>) offsets(%arg7 : memref<80xi32, #tpu.memory_space<vmem>>) semaphore(%arg26 : memref<!tpu.dma_semaphore, #tpu.memory_space<semaphore_mem>>)
    %scan3A_353 = arith.constant 0 : i32
    %scan3A_354 = arith.constant 0 : i32
    %scan3A_355 = arith.constant 42 : i32
    %scan3A_356 = arith.addi %scan3A_354, %scan3A_355 : i32
    %scan3A_357 = arith.constant 1 : i32
    scf.for %scan3A_372 = %scan3A_354 to %scan3A_356 step %scan3A_357  : i32 {
      %mul3A_373 = arith.constant 3 : i32
      %mul3A_374 = arith.muli %scan3A_372, %mul3A_373 : i32
      %add3A_375 = arith.constant 0 : i32
      %add3A_376 = arith.addi %mul3A_374, %add3A_375 : i32
      %le3A = arith.constant 124 : i32
      %le3A_377 = arith.cmpi sle, %add3A_376, %le3A : i32
      %convert_element_type3A_378 = arith.extui %le3A_377 : i1 to i32
      %cond3A_379 = arith.constant 0 : i32
      %cond3A_380 = arith.cmpi ne, %convert_element_type3A_378, %cond3A_379 : i32
      scf.if %cond3A_380 {
        %ge3A = arith.constant 2 : i32
        %ge3A_399 = arith.cmpi sge, %add3A_376, %ge3A : i32
        %le3A_400 = arith.constant 123 : i32
        %le3A_401 = arith.cmpi sle, %add3A_376, %le3A_400 : i32
        %and3A_402 = arith.andi %ge3A_399, %le3A_401 : i1
        %convert_element_type3A_403 = arith.extui %and3A_402 : i1 to i32
        %cond3A_404 = arith.constant 0 : i32
        %cond3A_405 = arith.cmpi ne, %convert_element_type3A_403, %cond3A_404 : i32
        scf.if %cond3A_405 {
          %sub3A_425 = arith.constant 2 : i32
          %sub3A_426 = arith.subi %add3A_376, %sub3A_425 : i32
          %dma_wait3A_427 = arith.constant 0 : i32
          %dma_wait3A_428 = arith.constant 0 : i32
          %dma_wait3A_429 = tpu.memref_slice %arg22[%dma_wait3A_427, %dma_wait3A_428] : memref<10000x128xf32, #tpu.memory_space<vmem_shared>> -> memref<10000x128xf32, #tpu.memory_space<vmem_shared>>
          tpu.wait_indirect_dma semaphore(%arg30 : memref<!tpu.dma_semaphore, #tpu.memory_space<semaphore_mem>>) src(%arg20 : memref<80x128xf32, #tpu.memory_space<vmem>>) dst(%dma_wait3A_429 : memref<10000x128xf32, #tpu.memory_space<vmem_shared>>)
        } else {
        }
        %le3A_406 = arith.constant 123 : i32
        %le3A_407 = arith.cmpi sle, %add3A_376, %le3A_406 : i32
        %convert_element_type3A_408 = arith.extui %le3A_407 : i1 to i32
        %cond3A_409 = arith.constant 0 : i32
        %cond3A_410 = arith.cmpi ne, %convert_element_type3A_408, %cond3A_409 : i32
        scf.if %cond3A_410 {
          %add3A_425 = arith.constant 1 : i32
          %add3A_426 = arith.addi %add3A_376, %add3A_425 : i32
          %mul3A_427 = arith.constant 80 : i32
          %mul3A_428 = arith.muli %add3A_426, %mul3A_427 : i32
          %add3A_429 = arith.constant 0 : i32
          %add3A_430 = arith.addi %mul3A_428, %add3A_429 : i32
          %get3A_431 = arith.index_cast %add3A_430 : i32 to index
          %get3A_432 = tpu.vector_load %arg6[%get3A_431] {strides = array<i32>} : memref<10000xi32, #tpu.memory_space<vmem>>, vector<16xi32>,
          %jit3A_433 = arith.constant 10000 : i32
          %div3A_434 = vector.broadcast %jit3A_433 : i32 to vector<16xi32>
          %div3A_435 = arith.divsi %get3A_432, %div3A_434 : vector<16xi32>
          %sign3A_436 = arith.constant 0 : i32
          %sign3A_437 = vector.broadcast %sign3A_436 : i32 to vector<16xi32>
          %sign3A_438 = arith.cmpi sgt, %get3A_432, %sign3A_437 : vector<16xi32>
          %sign3A_439 = arith.extui %sign3A_438 : vector<16xi1> to vector<16xi32>
          %sign3A_440 = arith.constant 0 : i32
          %sign3A_441 = vector.broadcast %sign3A_440 : i32 to vector<16xi32>
          %sign3A_442 = arith.cmpi slt, %get3A_432, %sign3A_441 : vector<16xi32>
          %sign3A_443 = arith.extui %sign3A_442 : vector<16xi1> to vector<16xi32>
          %sign3A_444 = arith.subi %sign3A_439, %sign3A_443 : vector<16xi32>
          %sign3A_445 = arith.constant 0 : i32
          %sign3A_446 = arith.cmpi sgt, %jit3A_433, %sign3A_445 : i32
          %sign3A_447 = arith.extui %sign3A_446 : i1 to i32
          %sign3A_448 = arith.constant 0 : i32
          %sign3A_449 = arith.cmpi slt, %jit3A_433, %sign3A_448 : i32
          %sign3A_450 = arith.extui %sign3A_449 : i1 to i32
          %sign3A_451 = arith.subi %sign3A_447, %sign3A_450 : i32
          %ne3A_452 = vector.broadcast %sign3A_451 : i32 to vector<16xi32>
          %ne3A_453 = arith.cmpi ne, %sign3A_444, %ne3A_452 : vector<16xi32>
          %rem3A_454 = vector.broadcast %jit3A_433 : i32 to vector<16xi32>
          %rem3A_455 = arith.remsi %get3A_432, %rem3A_454 : vector<16xi32>
          %ne3A_456 = arith.constant 0 : i32
          %ne3A_457 = vector.broadcast %ne3A_456 : i32 to vector<16xi32>
          %ne3A_458 = arith.cmpi ne, %rem3A_455, %ne3A_457 : vector<16xi32>
          %and3A_459 = arith.andi %ne3A_453, %ne3A_458 : vector<16xi1>
          %sub3A_460 = arith.constant 1 : i32
          %sub3A_461 = vector.broadcast %sub3A_460 : i32 to vector<16xi32>
          %sub3A_462 = arith.subi %div3A_435, %sub3A_461 : vector<16xi32>
          %select_n3A_463 = arith.select %and3A_459, %sub3A_462, %div3A_435 : vector<16xi1>, vector<16xi32>
          %mul3A_464 = arith.constant 10000 : i32
          %mul3A_465 = vector.broadcast %mul3A_464 : i32 to vector<16xi32>
          %mul3A_466 = arith.muli %select_n3A_463, %mul3A_465 : vector<16xi32>
          %sub3A_467 = arith.subi %get3A_432, %mul3A_466 : vector<16xi32>
          %swap3A_468 = arith.constant 0 : index
          %swap3A_469 = tpu.vector_load %arg8[%swap3A_468] {strides = array<i32>} : memref<80xi32, #tpu.memory_space<vmem>>, vector<16xi32>,
          tpu.vector_store %arg8[%swap3A_468], %select_n3A_463 {strides = array<i32>} : memref<80xi32, #tpu.memory_space<vmem>>, vector<16xi32>,
          %swap3A_470 = arith.constant 0 : index
          %swap3A_471 = tpu.vector_load %arg11[%swap3A_470] {strides = array<i32>} : memref<80xi32, #tpu.memory_space<vmem>>, vector<16xi32>,
          tpu.vector_store %arg11[%swap3A_470], %sub3A_467 {strides = array<i32>} : memref<80xi32, #tpu.memory_space<vmem>>, vector<16xi32>,
          %shift_right_arithmetic3A_472 = arith.constant 3 : i32
          %shift_right_arithmetic3A_473 = vector.broadcast %shift_right_arithmetic3A_472 : i32 to vector<16xi32>
          %shift_right_arithmetic3A_474 = arith.shrsi %select_n3A_463, %shift_right_arithmetic3A_473 : vector<16xi32>
          %mul3A_475 = arith.constant 80896 : i32
          %mul3A_476 = vector.broadcast %mul3A_475 : i32 to vector<16xi32>
          %mul3A_477 = arith.muli %shift_right_arithmetic3A_474, %mul3A_476 : vector<16xi32>
          %shift_right_arithmetic3A_478 = arith.constant 7 : i32
          %shift_right_arithmetic3A_479 = vector.broadcast %shift_right_arithmetic3A_478 : i32 to vector<16xi32>
          %shift_right_arithmetic3A_480 = arith.shrsi %sub3A_467, %shift_right_arithmetic3A_479 : vector<16xi32>
          %shift_left3A_481 = arith.constant 10 : i32
          %shift_left3A_482 = vector.broadcast %shift_left3A_481 : i32 to vector<16xi32>
          %shift_left3A_483 = arith.shli %shift_right_arithmetic3A_480, %shift_left3A_482 : vector<16xi32>
          %add3A_484 = arith.addi %mul3A_477, %shift_left3A_483 : vector<16xi32>
          %and3A_485 = arith.constant 7 : i32
          %and3A_486 = vector.broadcast %and3A_485 : i32 to vector<16xi32>
          %and3A_487 = arith.andi %select_n3A_463, %and3A_486 : vector<16xi32>
          %shift_left3A_488 = arith.constant 7 : i32
          %shift_left3A_489 = vector.broadcast %shift_left3A_488 : i32 to vector<16xi32>
          %shift_left3A_490 = arith.shli %and3A_487, %shift_left3A_489 : vector<16xi32>
          %add3A_491 = arith.addi %add3A_484, %shift_left3A_490 : vector<16xi32>
          %and3A_492 = arith.constant 127 : i32
          %and3A_493 = vector.broadcast %and3A_492 : i32 to vector<16xi32>
          %and3A_494 = arith.andi %sub3A_467, %and3A_493 : vector<16xi32>
          %add3A_495 = arith.addi %add3A_491, %and3A_494 : vector<16xi32>
          %swap3A_496 = arith.constant 0 : index
          %swap3A_497 = tpu.vector_load %arg14[%swap3A_496] {strides = array<i32>} : memref<80xi32, #tpu.memory_space<vmem>>, vector<16xi32>,
          tpu.vector_store %arg14[%swap3A_496], %add3A_495 {strides = array<i32>} : memref<80xi32, #tpu.memory_space<vmem>>, vector<16xi32>,
          %mul3A_498 = arith.constant 80 : i32
          %mul3A_499 = arith.muli %add3A_426, %mul3A_498 : i32
          %add3A_500 = arith.constant 16 : i32
          %add3A_501 = arith.addi %mul3A_499, %add3A_500 : i32
          %get3A_502 = arith.index_cast %add3A_501 : i32 to index
          %get3A_503 = tpu.vector_load %arg6[%get3A_502] {strides = array<i32>} : memref<10000xi32, #tpu.memory_space<vmem>>, vector<16xi32>,
          %jit3A_504 = arith.constant 10000 : i32
          %div3A_505 = vector.broadcast %jit3A_504 : i32 to vector<16xi32>
          %div3A_506 = arith.divsi %get3A_503, %div3A_505 : vector<16xi32>
          %sign3A_507 = arith.constant 0 : i32
          %sign3A_508 = vector.broadcast %sign3A_507 : i32 to vector<16xi32>
          %sign3A_509 = arith.cmpi sgt, %get3A_503, %sign3A_508 : vector<16xi32>
          %sign3A_510 = arith.extui %sign3A_509 : vector<16xi1> to vector<16xi32>
          %sign3A_511 = arith.constant 0 : i32
          %sign3A_512 = vector.broadcast %sign3A_511 : i32 to vector<16xi32>
          %sign3A_513 = arith.cmpi slt, %get3A_503, %sign3A_512 : vector<16xi32>
          %sign3A_514 = arith.extui %sign3A_513 : vector<16xi1> to vector<16xi32>
          %sign3A_515 = arith.subi %sign3A_510, %sign3A_514 : vector<16xi32>
          %sign3A_516 = arith.constant 0 : i32
          %sign3A_517 = arith.cmpi sgt, %jit3A_504, %sign3A_516 : i32
          %sign3A_518 = arith.extui %sign3A_517 : i1 to i32
          %sign3A_519 = arith.constant 0 : i32
          %sign3A_520 = arith.cmpi slt, %jit3A_504, %sign3A_519 : i32
          %sign3A_521 = arith.extui %sign3A_520 : i1 to i32
          %sign3A_522 = arith.subi %sign3A_518, %sign3A_521 : i32
          %ne3A_523 = vector.broadcast %sign3A_522 : i32 to vector<16xi32>
          %ne3A_524 = arith.cmpi ne, %sign3A_515, %ne3A_523 : vector<16xi32>
          %rem3A_525 = vector.broadcast %jit3A_504 : i32 to vector<16xi32>
          %rem3A_526 = arith.remsi %get3A_503, %rem3A_525 : vector<16xi32>
          %ne3A_527 = arith.constant 0 : i32
          %ne3A_528 = vector.broadcast %ne3A_527 : i32 to vector<16xi32>
          %ne3A_529 = arith.cmpi ne, %rem3A_526, %ne3A_528 : vector<16xi32>
          %and3A_530 = arith.andi %ne3A_524, %ne3A_529 : vector<16xi1>
          %sub3A_531 = arith.constant 1 : i32
          %sub3A_532 = vector.broadcast %sub3A_531 : i32 to vector<16xi32>
          %sub3A_533 = arith.subi %div3A_506, %sub3A_532 : vector<16xi32>
          %select_n3A_534 = arith.select %and3A_530, %sub3A_533, %div3A_506 : vector<16xi1>, vector<16xi32>
          %mul3A_535 = arith.constant 10000 : i32
          %mul3A_536 = vector.broadcast %mul3A_535 : i32 to vector<16xi32>
          %mul3A_537 = arith.muli %select_n3A_534, %mul3A_536 : vector<16xi32>
          %sub3A_538 = arith.subi %get3A_503, %mul3A_537 : vector<16xi32>
          %swap3A_539 = arith.constant 16 : index
          %swap3A_540 = tpu.vector_load %arg8[%swap3A_539] {strides = array<i32>} : memref<80xi32, #tpu.memory_space<vmem>>, vector<16xi32>,
          tpu.vector_store %arg8[%swap3A_539], %select_n3A_534 {strides = array<i32>} : memref<80xi32, #tpu.memory_space<vmem>>, vector<16xi32>,
          %swap3A_541 = arith.constant 16 : index
          %swap3A_542 = tpu.vector_load %arg11[%swap3A_541] {strides = array<i32>} : memref<80xi32, #tpu.memory_space<vmem>>, vector<16xi32>,
          tpu.vector_store %arg11[%swap3A_541], %sub3A_538 {strides = array<i32>} : memref<80xi32, #tpu.memory_space<vmem>>, vector<16xi32>,
          %shift_right_arithmetic3A_543 = arith.constant 3 : i32
          %shift_right_arithmetic3A_544 = vector.broadcast %shift_right_arithmetic3A_543 : i32 to vector<16xi32>
          %shift_right_arithmetic3A_545 = arith.shrsi %select_n3A_534, %shift_right_arithmetic3A_544 : vector<16xi32>
          %mul3A_546 = arith.constant 80896 : i32
          %mul3A_547 = vector.broadcast %mul3A_546 : i32 to vector<16xi32>
          %mul3A_548 = arith.muli %shift_right_arithmetic3A_545, %mul3A_547 : vector<16xi32>
          %shift_right_arithmetic3A_549 = arith.constant 7 : i32
          %shift_right_arithmetic3A_550 = vector.broadcast %shift_right_arithmetic3A_549 : i32 to vector<16xi32>
          %shift_right_arithmetic3A_551 = arith.shrsi %sub3A_538, %shift_right_arithmetic3A_550 : vector<16xi32>
          %shift_left3A_552 = arith.constant 10 : i32
          %shift_left3A_553 = vector.broadcast %shift_left3A_552 : i32 to vector<16xi32>
          %shift_left3A_554 = arith.shli %shift_right_arithmetic3A_551, %shift_left3A_553 : vector<16xi32>
          %add3A_555 = arith.addi %mul3A_548, %shift_left3A_554 : vector<16xi32>
          %and3A_556 = arith.constant 7 : i32
          %and3A_557 = vector.broadcast %and3A_556 : i32 to vector<16xi32>
          %and3A_558 = arith.andi %select_n3A_534, %and3A_557 : vector<16xi32>
          %shift_left3A_559 = arith.constant 7 : i32
          %shift_left3A_560 = vector.broadcast %shift_left3A_559 : i32 to vector<16xi32>
          %shift_left3A_561 = arith.shli %and3A_558, %shift_left3A_560 : vector<16xi32>
          %add3A_562 = arith.addi %add3A_555, %shift_left3A_561 : vector<16xi32>
          %and3A_563 = arith.constant 127 : i32
          %and3A_564 = vector.broadcast %and3A_563 : i32 to vector<16xi32>
          %and3A_565 = arith.andi %sub3A_538, %and3A_564 : vector<16xi32>
          %add3A_566 = arith.addi %add3A_562, %and3A_565 : vector<16xi32>
          %swap3A_567 = arith.constant 16 : index
          %swap3A_568 = tpu.vector_load %arg14[%swap3A_567] {strides = array<i32>} : memref<80xi32, #tpu.memory_space<vmem>>, vector<16xi32>,
          tpu.vector_store %arg14[%swap3A_567], %add3A_566 {strides = array<i32>} : memref<80xi32, #tpu.memory_space<vmem>>, vector<16xi32>,
          %mul3A_569 = arith.constant 80 : i32
          %mul3A_570 = arith.muli %add3A_426, %mul3A_569 : i32
          %add3A_571 = arith.constant 32 : i32
          %add3A_572 = arith.addi %mul3A_570, %add3A_571 : i32
          %get3A_573 = arith.index_cast %add3A_572 : i32 to index
          %get3A_574 = tpu.vector_load %arg6[%get3A_573] {strides = array<i32>} : memref<10000xi32, #tpu.memory_space<vmem>>, vector<16xi32>,
          %jit3A_575 = arith.constant 10000 : i32
          %div3A_576 = vector.broadcast %jit3A_575 : i32 to vector<16xi32>
          %div3A_577 = arith.divsi %get3A_574, %div3A_576 : vector<16xi32>
          %sign3A_578 = arith.constant 0 : i32
          %sign3A_579 = vector.broadcast %sign3A_578 : i32 to vector<16xi32>
          %sign3A_580 = arith.cmpi sgt, %get3A_574, %sign3A_579 : vector<16xi32>
          %sign3A_581 = arith.extui %sign3A_580 : vector<16xi1> to vector<16xi32>
          %sign3A_582 = arith.constant 0 : i32
          %sign3A_583 = vector.broadcast %sign3A_582 : i32 to vector<16xi32>
          %sign3A_584 = arith.cmpi slt, %get3A_574, %sign3A_583 : vector<16xi32>
          %sign3A_585 = arith.extui %sign3A_584 : vector<16xi1> to vector<16xi32>
          %sign3A_586 = arith.subi %sign3A_581, %sign3A_585 : vector<16xi32>
          %sign3A_587 = arith.constant 0 : i32
          %sign3A_588 = arith.cmpi sgt, %jit3A_575, %sign3A_587 : i32
          %sign3A_589 = arith.extui %sign3A_588 : i1 to i32
          %sign3A_590 = arith.constant 0 : i32
          %sign3A_591 = arith.cmpi slt, %jit3A_575, %sign3A_590 : i32
          %sign3A_592 = arith.extui %sign3A_591 : i1 to i32
          %sign3A_593 = arith.subi %sign3A_589, %sign3A_592 : i32
          %ne3A_594 = vector.broadcast %sign3A_593 : i32 to vector<16xi32>
          %ne3A_595 = arith.cmpi ne, %sign3A_586, %ne3A_594 : vector<16xi32>
          %rem3A_596 = vector.broadcast %jit3A_575 : i32 to vector<16xi32>
          %rem3A_597 = arith.remsi %get3A_574, %rem3A_596 : vector<16xi32>
          %ne3A_598 = arith.constant 0 : i32
          %ne3A_599 = vector.broadcast %ne3A_598 : i32 to vector<16xi32>
          %ne3A_600 = arith.cmpi ne, %rem3A_597, %ne3A_599 : vector<16xi32>
          %and3A_601 = arith.andi %ne3A_595, %ne3A_600 : vector<16xi1>
          %sub3A_602 = arith.constant 1 : i32
          %sub3A_603 = vector.broadcast %sub3A_602 : i32 to vector<16xi32>
          %sub3A_604 = arith.subi %div3A_577, %sub3A_603 : vector<16xi32>
          %select_n3A_605 = arith.select %and3A_601, %sub3A_604, %div3A_577 : vector<16xi1>, vector<16xi32>
          %mul3A_606 = arith.constant 10000 : i32
          %mul3A_607 = vector.broadcast %mul3A_606 : i32 to vector<16xi32>
          %mul3A_608 = arith.muli %select_n3A_605, %mul3A_607 : vector<16xi32>
          %sub3A_609 = arith.subi %get3A_574, %mul3A_608 : vector<16xi32>
          %swap3A_610 = arith.constant 32 : index
          %swap3A_611 = tpu.vector_load %arg8[%swap3A_610] {strides = array<i32>} : memref<80xi32, #tpu.memory_space<vmem>>, vector<16xi32>,
          tpu.vector_store %arg8[%swap3A_610], %select_n3A_605 {strides = array<i32>} : memref<80xi32, #tpu.memory_space<vmem>>, vector<16xi32>,
          %swap3A_612 = arith.constant 32 : index
          %swap3A_613 = tpu.vector_load %arg11[%swap3A_612] {strides = array<i32>} : memref<80xi32, #tpu.memory_space<vmem>>, vector<16xi32>,
          tpu.vector_store %arg11[%swap3A_612], %sub3A_609 {strides = array<i32>} : memref<80xi32, #tpu.memory_space<vmem>>, vector<16xi32>,
          %shift_right_arithmetic3A_614 = arith.constant 3 : i32
          %shift_right_arithmetic3A_615 = vector.broadcast %shift_right_arithmetic3A_614 : i32 to vector<16xi32>
          %shift_right_arithmetic3A_616 = arith.shrsi %select_n3A_605, %shift_right_arithmetic3A_615 : vector<16xi32>
          %mul3A_617 = arith.constant 80896 : i32
          %mul3A_618 = vector.broadcast %mul3A_617 : i32 to vector<16xi32>
          %mul3A_619 = arith.muli %shift_right_arithmetic3A_616, %mul3A_618 : vector<16xi32>
          %shift_right_arithmetic3A_620 = arith.constant 7 : i32
          %shift_right_arithmetic3A_621 = vector.broadcast %shift_right_arithmetic3A_620 : i32 to vector<16xi32>
          %shift_right_arithmetic3A_622 = arith.shrsi %sub3A_609, %shift_right_arithmetic3A_621 : vector<16xi32>
          %shift_left3A_623 = arith.constant 10 : i32
          %shift_left3A_624 = vector.broadcast %shift_left3A_623 : i32 to vector<16xi32>
          %shift_left3A_625 = arith.shli %shift_right_arithmetic3A_622, %shift_left3A_624 : vector<16xi32>
          %add3A_626 = arith.addi %mul3A_619, %shift_left3A_625 : vector<16xi32>
          %and3A_627 = arith.constant 7 : i32
          %and3A_628 = vector.broadcast %and3A_627 : i32 to vector<16xi32>
          %and3A_629 = arith.andi %select_n3A_605, %and3A_628 : vector<16xi32>
          %shift_left3A_630 = arith.constant 7 : i32
          %shift_left3A_631 = vector.broadcast %shift_left3A_630 : i32 to vector<16xi32>
          %shift_left3A_632 = arith.shli %and3A_629, %shift_left3A_631 : vector<16xi32>
          %add3A_633 = arith.addi %add3A_626, %shift_left3A_632 : vector<16xi32>
          %and3A_634 = arith.constant 127 : i32
          %and3A_635 = vector.broadcast %and3A_634 : i32 to vector<16xi32>
          %and3A_636 = arith.andi %sub3A_609, %and3A_635 : vector<16xi32>
          %add3A_637 = arith.addi %add3A_633, %and3A_636 : vector<16xi32>
          %swap3A_638 = arith.constant 32 : index
          %swap3A_639 = tpu.vector_load %arg14[%swap3A_638] {strides = array<i32>} : memref<80xi32, #tpu.memory_space<vmem>>, vector<16xi32>,
          tpu.vector_store %arg14[%swap3A_638], %add3A_637 {strides = array<i32>} : memref<80xi32, #tpu.memory_space<vmem>>, vector<16xi32>,
          %mul3A_640 = arith.constant 80 : i32
          %mul3A_641 = arith.muli %add3A_426, %mul3A_640 : i32
          %add3A_642 = arith.constant 48 : i32
          %add3A_643 = arith.addi %mul3A_641, %add3A_642 : i32
          %get3A_644 = arith.index_cast %add3A_643 : i32 to index
          %get3A_645 = tpu.vector_load %arg6[%get3A_644] {strides = array<i32>} : memref<10000xi32, #tpu.memory_space<vmem>>, vector<16xi32>,
          %jit3A_646 = arith.constant 10000 : i32
          %div3A_647 = vector.broadcast %jit3A_646 : i32 to vector<16xi32>
          %div3A_648 = arith.divsi %get3A_645, %div3A_647 : vector<16xi32>
          %sign3A_649 = arith.constant 0 : i32
          %sign3A_650 = vector.broadcast %sign3A_649 : i32 to vector<16xi32>
          %sign3A_651 = arith.cmpi sgt, %get3A_645, %sign3A_650 : vector<16xi32>
          %sign3A_652 = arith.extui %sign3A_651 : vector<16xi1> to vector<16xi32>
          %sign3A_653 = arith.constant 0 : i32
          %sign3A_654 = vector.broadcast %sign3A_653 : i32 to vector<16xi32>
          %sign3A_655 = arith.cmpi slt, %get3A_645, %sign3A_654 : vector<16xi32>
          %sign3A_656 = arith.extui %sign3A_655 : vector<16xi1> to vector<16xi32>
          %sign3A_657 = arith.subi %sign3A_652, %sign3A_656 : vector<16xi32>
          %sign3A_658 = arith.constant 0 : i32
          %sign3A_659 = arith.cmpi sgt, %jit3A_646, %sign3A_658 : i32
          %sign3A_660 = arith.extui %sign3A_659 : i1 to i32
          %sign3A_661 = arith.constant 0 : i32
          %sign3A_662 = arith.cmpi slt, %jit3A_646, %sign3A_661 : i32
          %sign3A_663 = arith.extui %sign3A_662 : i1 to i32
          %sign3A_664 = arith.subi %sign3A_660, %sign3A_663 : i32
          %ne3A_665 = vector.broadcast %sign3A_664 : i32 to vector<16xi32>
          %ne3A_666 = arith.cmpi ne, %sign3A_657, %ne3A_665 : vector<16xi32>
          %rem3A_667 = vector.broadcast %jit3A_646 : i32 to vector<16xi32>
          %rem3A_668 = arith.remsi %get3A_645, %rem3A_667 : vector<16xi32>
          %ne3A_669 = arith.constant 0 : i32
          %ne3A_670 = vector.broadcast %ne3A_669 : i32 to vector<16xi32>
          %ne3A_671 = arith.cmpi ne, %rem3A_668, %ne3A_670 : vector<16xi32>
          %and3A_672 = arith.andi %ne3A_666, %ne3A_671 : vector<16xi1>
          %sub3A_673 = arith.constant 1 : i32
          %sub3A_674 = vector.broadcast %sub3A_673 : i32 to vector<16xi32>
          %sub3A_675 = arith.subi %div3A_648, %sub3A_674 : vector<16xi32>
          %select_n3A_676 = arith.select %and3A_672, %sub3A_675, %div3A_648 : vector<16xi1>, vector<16xi32>
          %mul3A_677 = arith.constant 10000 : i32
          %mul3A_678 = vector.broadcast %mul3A_677 : i32 to vector<16xi32>
          %mul3A_679 = arith.muli %select_n3A_676, %mul3A_678 : vector<16xi32>
          %sub3A_680 = arith.subi %get3A_645, %mul3A_679 : vector<16xi32>
          %swap3A_681 = arith.constant 48 : index
          %swap3A_682 = tpu.vector_load %arg8[%swap3A_681] {strides = array<i32>} : memref<80xi32, #tpu.memory_space<vmem>>, vector<16xi32>,
          tpu.vector_store %arg8[%swap3A_681], %select_n3A_676 {strides = array<i32>} : memref<80xi32, #tpu.memory_space<vmem>>, vector<16xi32>,
          %swap3A_683 = arith.constant 48 : index
          %swap3A_684 = tpu.vector_load %arg11[%swap3A_683] {strides = array<i32>} : memref<80xi32, #tpu.memory_space<vmem>>, vector<16xi32>,
          tpu.vector_store %arg11[%swap3A_683], %sub3A_680 {strides = array<i32>} : memref<80xi32, #tpu.memory_space<vmem>>, vector<16xi32>,
          %shift_right_arithmetic3A_685 = arith.constant 3 : i32
          %shift_right_arithmetic3A_686 = vector.broadcast %shift_right_arithmetic3A_685 : i32 to vector<16xi32>
          %shift_right_arithmetic3A_687 = arith.shrsi %select_n3A_676, %shift_right_arithmetic3A_686 : vector<16xi32>
          %mul3A_688 = arith.constant 80896 : i32
          %mul3A_689 = vector.broadcast %mul3A_688 : i32 to vector<16xi32>
          %mul3A_690 = arith.muli %shift_right_arithmetic3A_687, %mul3A_689 : vector<16xi32>
          %shift_right_arithmetic3A_691 = arith.constant 7 : i32
          %shift_right_arithmetic3A_692 = vector.broadcast %shift_right_arithmetic3A_691 : i32 to vector<16xi32>
          %shift_right_arithmetic3A_693 = arith.shrsi %sub3A_680, %shift_right_arithmetic3A_692 : vector<16xi32>
          %shift_left3A_694 = arith.constant 10 : i32
          %shift_left3A_695 = vector.broadcast %shift_left3A_694 : i32 to vector<16xi32>
          %shift_left3A_696 = arith.shli %shift_right_arithmetic3A_693, %shift_left3A_695 : vector<16xi32>
          %add3A_697 = arith.addi %mul3A_690, %shift_left3A_696 : vector<16xi32>
          %and3A_698 = arith.constant 7 : i32
          %and3A_699 = vector.broadcast %and3A_698 : i32 to vector<16xi32>
          %and3A_700 = arith.andi %select_n3A_676, %and3A_699 : vector<16xi32>
          %shift_left3A_701 = arith.constant 7 : i32
          %shift_left3A_702 = vector.broadcast %shift_left3A_701 : i32 to vector<16xi32>
          %shift_left3A_703 = arith.shli %and3A_700, %shift_left3A_702 : vector<16xi32>
          %add3A_704 = arith.addi %add3A_697, %shift_left3A_703 : vector<16xi32>
          %and3A_705 = arith.constant 127 : i32
          %and3A_706 = vector.broadcast %and3A_705 : i32 to vector<16xi32>
          %and3A_707 = arith.andi %sub3A_680, %and3A_706 : vector<16xi32>
          %add3A_708 = arith.addi %add3A_704, %and3A_707 : vector<16xi32>
          %swap3A_709 = arith.constant 48 : index
          %swap3A_710 = tpu.vector_load %arg14[%swap3A_709] {strides = array<i32>} : memref<80xi32, #tpu.memory_space<vmem>>, vector<16xi32>,
          tpu.vector_store %arg14[%swap3A_709], %add3A_708 {strides = array<i32>} : memref<80xi32, #tpu.memory_space<vmem>>, vector<16xi32>,
          %mul3A_711 = arith.constant 80 : i32
          %mul3A_712 = arith.muli %add3A_426, %mul3A_711 : i32
          %add3A_713 = arith.constant 64 : i32
          %add3A_714 = arith.addi %mul3A_712, %add3A_713 : i32
          %get3A_715 = arith.index_cast %add3A_714 : i32 to index
          %get3A_716 = tpu.vector_load %arg6[%get3A_715] {strides = array<i32>} : memref<10000xi32, #tpu.memory_space<vmem>>, vector<16xi32>,
          %jit3A_717 = arith.constant 10000 : i32
          %div3A_718 = vector.broadcast %jit3A_717 : i32 to vector<16xi32>
          %div3A_719 = arith.divsi %get3A_716, %div3A_718 : vector<16xi32>
          %sign3A_720 = arith.constant 0 : i32
          %sign3A_721 = vector.broadcast %sign3A_720 : i32 to vector<16xi32>
          %sign3A_722 = arith.cmpi sgt, %get3A_716, %sign3A_721 : vector<16xi32>
          %sign3A_723 = arith.extui %sign3A_722 : vector<16xi1> to vector<16xi32>
          %sign3A_724 = arith.constant 0 : i32
          %sign3A_725 = vector.broadcast %sign3A_724 : i32 to vector<16xi32>
          %sign3A_726 = arith.cmpi slt, %get3A_716, %sign3A_725 : vector<16xi32>
          %sign3A_727 = arith.extui %sign3A_726 : vector<16xi1> to vector<16xi32>
          %sign3A_728 = arith.subi %sign3A_723, %sign3A_727 : vector<16xi32>
          %sign3A_729 = arith.constant 0 : i32
          %sign3A_730 = arith.cmpi sgt, %jit3A_717, %sign3A_729 : i32
          %sign3A_731 = arith.extui %sign3A_730 : i1 to i32
          %sign3A_732 = arith.constant 0 : i32
          %sign3A_733 = arith.cmpi slt, %jit3A_717, %sign3A_732 : i32
          %sign3A_734 = arith.extui %sign3A_733 : i1 to i32
          %sign3A_735 = arith.subi %sign3A_731, %sign3A_734 : i32
          %ne3A_736 = vector.broadcast %sign3A_735 : i32 to vector<16xi32>
          %ne3A_737 = arith.cmpi ne, %sign3A_728, %ne3A_736 : vector<16xi32>
          %rem3A_738 = vector.broadcast %jit3A_717 : i32 to vector<16xi32>
          %rem3A_739 = arith.remsi %get3A_716, %rem3A_738 : vector<16xi32>
          %ne3A_740 = arith.constant 0 : i32
          %ne3A_741 = vector.broadcast %ne3A_740 : i32 to vector<16xi32>
          %ne3A_742 = arith.cmpi ne, %rem3A_739, %ne3A_741 : vector<16xi32>
          %and3A_743 = arith.andi %ne3A_737, %ne3A_742 : vector<16xi1>
          %sub3A_744 = arith.constant 1 : i32
          %sub3A_745 = vector.broadcast %sub3A_744 : i32 to vector<16xi32>
          %sub3A_746 = arith.subi %div3A_719, %sub3A_745 : vector<16xi32>
          %select_n3A_747 = arith.select %and3A_743, %sub3A_746, %div3A_719 : vector<16xi1>, vector<16xi32>
          %mul3A_748 = arith.constant 10000 : i32
          %mul3A_749 = vector.broadcast %mul3A_748 : i32 to vector<16xi32>
          %mul3A_750 = arith.muli %select_n3A_747, %mul3A_749 : vector<16xi32>
          %sub3A_751 = arith.subi %get3A_716, %mul3A_750 : vector<16xi32>
          %swap3A_752 = arith.constant 64 : index
          %swap3A_753 = tpu.vector_load %arg8[%swap3A_752] {strides = array<i32>} : memref<80xi32, #tpu.memory_space<vmem>>, vector<16xi32>,
          tpu.vector_store %arg8[%swap3A_752], %select_n3A_747 {strides = array<i32>} : memref<80xi32, #tpu.memory_space<vmem>>, vector<16xi32>,
          %swap3A_754 = arith.constant 64 : index
          %swap3A_755 = tpu.vector_load %arg11[%swap3A_754] {strides = array<i32>} : memref<80xi32, #tpu.memory_space<vmem>>, vector<16xi32>,
          tpu.vector_store %arg11[%swap3A_754], %sub3A_751 {strides = array<i32>} : memref<80xi32, #tpu.memory_space<vmem>>, vector<16xi32>,
          %shift_right_arithmetic3A_756 = arith.constant 3 : i32
          %shift_right_arithmetic3A_757 = vector.broadcast %shift_right_arithmetic3A_756 : i32 to vector<16xi32>
          %shift_right_arithmetic3A_758 = arith.shrsi %select_n3A_747, %shift_right_arithmetic3A_757 : vector<16xi32>
          %mul3A_759 = arith.constant 80896 : i32
          %mul3A_760 = vector.broadcast %mul3A_759 : i32 to vector<16xi32>
          %mul3A_761 = arith.muli %shift_right_arithmetic3A_758, %mul3A_760 : vector<16xi32>
          %shift_right_arithmetic3A_762 = arith.constant 7 : i32
          %shift_right_arithmetic3A_763 = vector.broadcast %shift_right_arithmetic3A_762 : i32 to vector<16xi32>
          %shift_right_arithmetic3A_764 = arith.shrsi %sub3A_751, %shift_right_arithmetic3A_763 : vector<16xi32>
          %shift_left3A_765 = arith.constant 10 : i32
          %shift_left3A_766 = vector.broadcast %shift_left3A_765 : i32 to vector<16xi32>
          %shift_left3A_767 = arith.shli %shift_right_arithmetic3A_764, %shift_left3A_766 : vector<16xi32>
          %add3A_768 = arith.addi %mul3A_761, %shift_left3A_767 : vector<16xi32>
          %and3A_769 = arith.constant 7 : i32
          %and3A_770 = vector.broadcast %and3A_769 : i32 to vector<16xi32>
          %and3A_771 = arith.andi %select_n3A_747, %and3A_770 : vector<16xi32>
          %shift_left3A_772 = arith.constant 7 : i32
          %shift_left3A_773 = vector.broadcast %shift_left3A_772 : i32 to vector<16xi32>
          %shift_left3A_774 = arith.shli %and3A_771, %shift_left3A_773 : vector<16xi32>
          %add3A_775 = arith.addi %add3A_768, %shift_left3A_774 : vector<16xi32>
          %and3A_776 = arith.constant 127 : i32
          %and3A_777 = vector.broadcast %and3A_776 : i32 to vector<16xi32>
          %and3A_778 = arith.andi %sub3A_751, %and3A_777 : vector<16xi32>
          %add3A_779 = arith.addi %add3A_775, %and3A_778 : vector<16xi32>
          %swap3A_780 = arith.constant 64 : index
          %swap3A_781 = tpu.vector_load %arg14[%swap3A_780] {strides = array<i32>} : memref<80xi32, #tpu.memory_space<vmem>>, vector<16xi32>,
          tpu.vector_store %arg14[%swap3A_780], %add3A_779 {strides = array<i32>} : memref<80xi32, #tpu.memory_space<vmem>>, vector<16xi32>,
          %dma_start3A_782 = arith.constant 0 : i32
          %dma_start3A_783 = tpu.memref_slice %arg4[%dma_start3A_782] : memref<101120000xf32, #tpu.memory_space<hbm>> -> memref<101120000xf32, #tpu.memory_space<hbm>>
          tpu.enqueue_indirect_dma source(%dma_start3A_783 : memref<101120000xf32, #tpu.memory_space<hbm>>) target(%arg17 : memref<80xf32, #tpu.memory_space<vmem>>) offsets(%arg14 : memref<80xi32, #tpu.memory_space<vmem>>) semaphore(%arg24 : memref<!tpu.dma_semaphore, #tpu.memory_space<semaphore_mem>>)
          %dma_start3A_784 = arith.constant 0 : i32
          %dma_start3A_785 = arith.constant 0 : i32
          %dma_start3A_786 = tpu.memref_slice %arg2[%dma_start3A_784, %dma_start3A_785] : memref<10000x128xf32, #tpu.memory_space<hbm>> -> memref<10000x128xf32, #tpu.memory_space<hbm>>
          tpu.enqueue_indirect_dma source(%dma_start3A_786 : memref<10000x128xf32, #tpu.memory_space<hbm>>) target(%arg20 : memref<80x128xf32, #tpu.memory_space<vmem>>) offsets(%arg8 : memref<80xi32, #tpu.memory_space<vmem>>) semaphore(%arg27 : memref<!tpu.dma_semaphore, #tpu.memory_space<semaphore_mem>>)
        } else {
        }
        %dma_wait3A_411 = arith.constant 0 : i32
        %dma_wait3A_412 = tpu.memref_slice %arg4[%dma_wait3A_411] : memref<101120000xf32, #tpu.memory_space<hbm>> -> memref<101120000xf32, #tpu.memory_space<hbm>>
        tpu.wait_indirect_dma semaphore(%arg23 : memref<!tpu.dma_semaphore, #tpu.memory_space<semaphore_mem>>) src(%dma_wait3A_412 : memref<101120000xf32, #tpu.memory_space<hbm>>) dst(%arg16 : memref<80xf32, #tpu.memory_space<vmem>>)
        %dma_wait3A_413 = arith.constant 0 : i32
        %dma_wait3A_414 = arith.constant 0 : i32
        %dma_wait3A_415 = tpu.memref_slice %arg2[%dma_wait3A_413, %dma_wait3A_414] : memref<10000x128xf32, #tpu.memory_space<hbm>> -> memref<10000x128xf32, #tpu.memory_space<hbm>>
        tpu.wait_indirect_dma semaphore(%arg26 : memref<!tpu.dma_semaphore, #tpu.memory_space<semaphore_mem>>) src(%dma_wait3A_415 : memref<10000x128xf32, #tpu.memory_space<hbm>>) dst(%arg19 : memref<80x128xf32, #tpu.memory_space<vmem>>)
        %scan3A_416 = arith.constant 0 : i32
        %scan3A_417 = arith.constant 0 : i32
        %scan3A_418 = arith.constant 20 : i32
        %scan3A_419 = arith.addi %scan3A_417, %scan3A_418 : i32
        %scan3A_420 = arith.constant 1 : i32
        scf.for %scan3A_425 = %scan3A_417 to %scan3A_419 step %scan3A_420  : i32 {
          %mul3A_426 = arith.constant 4 : i32
          %mul3A_427 = arith.muli %scan3A_425, %mul3A_426 : i32
          %add3A_428 = arith.constant 0 : i32
          %add3A_429 = arith.addi %mul3A_427, %add3A_428 : i32
          %broadcast_in_dim3A = vector.broadcast %add3A_429 : i32 to vector<16xi32>
          %gather3A = tpu.vector_load_idx %arg16[%broadcast_in_dim3A] : memref<80xf32, #tpu.memory_space<vmem>>[vector<16xi32>], vector<16xf32>,
          %get3A_430 = arith.index_cast %add3A_429 : i32 to index
          %get3A_431 = arith.constant 0 : index
          %get3A_432 = tpu.vector_load %arg19[%get3A_430, %get3A_431] {strides = array<i32>} : memref<80x128xf32, #tpu.memory_space<vmem>>, vector<16xf32>,
          %mul3A_433 = arith.mulf %get3A_432, %gather3A : vector<16xf32>
          %swap3A_434 = arith.index_cast %add3A_429 : i32 to index
          %swap3A_435 = arith.constant 0 : index
          %swap3A_436 = tpu.vector_load %arg19[%swap3A_434, %swap3A_435] {strides = array<i32>} : memref<80x128xf32, #tpu.memory_space<vmem>>, vector<16xf32>,
          tpu.vector_store %arg19[%swap3A_434, %swap3A_435], %mul3A_433 {strides = array<i32>} : memref<80x128xf32, #tpu.memory_space<vmem>>, vector<16xf32>,
          %get3A_437 = arith.index_cast %add3A_429 : i32 to index
          %get3A_438 = arith.constant 16 : index
          %get3A_439 = tpu.vector_load %arg19[%get3A_437, %get3A_438] {strides = array<i32>} : memref<80x128xf32, #tpu.memory_space<vmem>>, vector<16xf32>,
          %mul3A_440 = arith.mulf %get3A_439, %gather3A : vector<16xf32>
          %swap3A_441 = arith.index_cast %add3A_429 : i32 to index
          %swap3A_442 = arith.constant 16 : index
          %swap3A_443 = tpu.vector_load %arg19[%swap3A_441, %swap3A_442] {strides = array<i32>} : memref<80x128xf32, #tpu.memory_space<vmem>>, vector<16xf32>,
          tpu.vector_store %arg19[%swap3A_441, %swap3A_442], %mul3A_440 {strides = array<i32>} : memref<80x128xf32, #tpu.memory_space<vmem>>, vector<16xf32>,
          %get3A_444 = arith.index_cast %add3A_429 : i32 to index
          %get3A_445 = arith.constant 32 : index
          %get3A_446 = tpu.vector_load %arg19[%get3A_444, %get3A_445] {strides = array<i32>} : memref<80x128xf32, #tpu.memory_space<vmem>>, vector<16xf32>,
          %mul3A_447 = arith.mulf %get3A_446, %gather3A : vector<16xf32>
          %swap3A_448 = arith.index_cast %add3A_429 : i32 to index
          %swap3A_449 = arith.constant 32 : index
          %swap3A_450 = tpu.vector_load %arg19[%swap3A_448, %swap3A_449] {strides = array<i32>} : memref<80x128xf32, #tpu.memory_space<vmem>>, vector<16xf32>,
          tpu.vector_store %arg19[%swap3A_448, %swap3A_449], %mul3A_447 {strides = array<i32>} : memref<80x128xf32, #tpu.memory_space<vmem>>, vector<16xf32>,
          %get3A_451 = arith.index_cast %add3A_429 : i32 to index
          %get3A_452 = arith.constant 48 : index
          %get3A_453 = tpu.vector_load %arg19[%get3A_451, %get3A_452] {strides = array<i32>} : memref<80x128xf32, #tpu.memory_space<vmem>>, vector<16xf32>,
          %mul3A_454 = arith.mulf %get3A_453, %gather3A : vector<16xf32>
          %swap3A_455 = arith.index_cast %add3A_429 : i32 to index
          %swap3A_456 = arith.constant 48 : index
          %swap3A_457 = tpu.vector_load %arg19[%swap3A_455, %swap3A_456] {strides = array<i32>} : memref<80x128xf32, #tpu.memory_space<vmem>>, vector<16xf32>,
          tpu.vector_store %arg19[%swap3A_455, %swap3A_456], %mul3A_454 {strides = array<i32>} : memref<80x128xf32, #tpu.memory_space<vmem>>, vector<16xf32>,
          %get3A_458 = arith.index_cast %add3A_429 : i32 to index
          %get3A_459 = arith.constant 64 : index
          %get3A_460 = tpu.vector_load %arg19[%get3A_458, %get3A_459] {strides = array<i32>} : memref<80x128xf32, #tpu.memory_space<vmem>>, vector<16xf32>,
          %mul3A_461 = arith.mulf %get3A_460, %gather3A : vector<16xf32>
          %swap3A_462 = arith.index_cast %add3A_429 : i32 to index
          %swap3A_463 = arith.constant 64 : index
          %swap3A_464 = tpu.vector_load %arg19[%swap3A_462, %swap3A_463] {strides = array<i32>} : memref<80x128xf32, #tpu.memory_space<vmem>>, vector<16xf32>,
          tpu.vector_store %arg19[%swap3A_462, %swap3A_463], %mul3A_461 {strides = array<i32>} : memref<80x128xf32, #tpu.memory_space<vmem>>, vector<16xf32>,
          %get3A_465 = arith.index_cast %add3A_429 : i32 to index
          %get3A_466 = arith.constant 80 : index
          %get3A_467 = tpu.vector_load %arg19[%get3A_465, %get3A_466] {strides = array<i32>} : memref<80x128xf32, #tpu.memory_space<vmem>>, vector<16xf32>,
          %mul3A_468 = arith.mulf %get3A_467, %gather3A : vector<16xf32>
          %swap3A_469 = arith.index_cast %add3A_429 : i32 to index
          %swap3A_470 = arith.constant 80 : index
          %swap3A_471 = tpu.vector_load %arg19[%swap3A_469, %swap3A_470] {strides = array<i32>} : memref<80x128xf32, #tpu.memory_space<vmem>>, vector<16xf32>,
          tpu.vector_store %arg19[%swap3A_469, %swap3A_470], %mul3A_468 {strides = array<i32>} : memref<80x128xf32, #tpu.memory_space<vmem>>, vector<16xf32>,
          %get3A_472 = arith.index_cast %add3A_429 : i32 to index
          %get3A_473 = arith.constant 96 : index
          %get3A_474 = tpu.vector_load %arg19[%get3A_472, %get3A_473] {strides = array<i32>} : memref<80x128xf32, #tpu.memory_space<vmem>>, vector<16xf32>,
          %mul3A_475 = arith.mulf %get3A_474, %gather3A : vector<16xf32>
          %swap3A_476 = arith.index_cast %add3A_429 : i32 to index
          %swap3A_477 = arith.constant 96 : index
          %swap3A_478 = tpu.vector_load %arg19[%swap3A_476, %swap3A_477] {strides = array<i32>} : memref<80x128xf32, #tpu.memory_space<vmem>>, vector<16xf32>,
          tpu.vector_store %arg19[%swap3A_476, %swap3A_477], %mul3A_475 {strides = array<i32>} : memref<80x128xf32, #tpu.memory_space<vmem>>, vector<16xf32>,
          %get3A_479 = arith.index_cast %add3A_429 : i32 to index
          %get3A_480 = arith.constant 112 : index
          %get3A_481 = tpu.vector_load %arg19[%get3A_479, %get3A_480] {strides = array<i32>} : memref<80x128xf32, #tpu.memory_space<vmem>>, vector<16xf32>,
          %mul3A_482 = arith.mulf %get3A_481, %gather3A : vector<16xf32>
          %swap3A_483 = arith.index_cast %add3A_429 : i32 to index
          %swap3A_484 = arith.constant 112 : index
          %swap3A_485 = tpu.vector_load %arg19[%swap3A_483, %swap3A_484] {strides = array<i32>} : memref<80x128xf32, #tpu.memory_space<vmem>>, vector<16xf32>,
          tpu.vector_store %arg19[%swap3A_483, %swap3A_484], %mul3A_482 {strides = array<i32>} : memref<80x128xf32, #tpu.memory_space<vmem>>, vector<16xf32>,
          %mul3A_486 = arith.constant 4 : i32
          %mul3A_487 = arith.muli %scan3A_425, %mul3A_486 : i32
          %add3A_488 = arith.constant 1 : i32
          %add3A_489 = arith.addi %mul3A_487, %add3A_488 : i32
          %broadcast_in_dim3A_490 = vector.broadcast %add3A_489 : i32 to vector<16xi32>
          %gather3A_491 = tpu.vector_load_idx %arg16[%broadcast_in_dim3A_490] : memref<80xf32, #tpu.memory_space<vmem>>[vector<16xi32>], vector<16xf32>,
          %get3A_492 = arith.index_cast %add3A_489 : i32 to index
          %get3A_493 = arith.constant 0 : index
          %get3A_494 = tpu.vector_load %arg19[%get3A_492, %get3A_493] {strides = array<i32>} : memref<80x128xf32, #tpu.memory_space<vmem>>, vector<16xf32>,
          %mul3A_495 = arith.mulf %get3A_494, %gather3A_491 : vector<16xf32>
          %swap3A_496 = arith.index_cast %add3A_489 : i32 to index
          %swap3A_497 = arith.constant 0 : index
          %swap3A_498 = tpu.vector_load %arg19[%swap3A_496, %swap3A_497] {strides = array<i32>} : memref<80x128xf32, #tpu.memory_space<vmem>>, vector<16xf32>,
          tpu.vector_store %arg19[%swap3A_496, %swap3A_497], %mul3A_495 {strides = array<i32>} : memref<80x128xf32, #tpu.memory_space<vmem>>, vector<16xf32>,
          %get3A_499 = arith.index_cast %add3A_489 : i32 to index
          %get3A_500 = arith.constant 16 : index
          %get3A_501 = tpu.vector_load %arg19[%get3A_499, %get3A_500] {strides = array<i32>} : memref<80x128xf32, #tpu.memory_space<vmem>>, vector<16xf32>,
          %mul3A_502 = arith.mulf %get3A_501, %gather3A_491 : vector<16xf32>
          %swap3A_503 = arith.index_cast %add3A_489 : i32 to index
          %swap3A_504 = arith.constant 16 : index
          %swap3A_505 = tpu.vector_load %arg19[%swap3A_503, %swap3A_504] {strides = array<i32>} : memref<80x128xf32, #tpu.memory_space<vmem>>, vector<16xf32>,
          tpu.vector_store %arg19[%swap3A_503, %swap3A_504], %mul3A_502 {strides = array<i32>} : memref<80x128xf32, #tpu.memory_space<vmem>>, vector<16xf32>,
          %get3A_506 = arith.index_cast %add3A_489 : i32 to index
          %get3A_507 = arith.constant 32 : index
          %get3A_508 = tpu.vector_load %arg19[%get3A_506, %get3A_507] {strides = array<i32>} : memref<80x128xf32, #tpu.memory_space<vmem>>, vector<16xf32>,
          %mul3A_509 = arith.mulf %get3A_508, %gather3A_491 : vector<16xf32>
          %swap3A_510 = arith.index_cast %add3A_489 : i32 to index
          %swap3A_511 = arith.constant 32 : index
          %swap3A_512 = tpu.vector_load %arg19[%swap3A_510, %swap3A_511] {strides = array<i32>} : memref<80x128xf32, #tpu.memory_space<vmem>>, vector<16xf32>,
          tpu.vector_store %arg19[%swap3A_510, %swap3A_511], %mul3A_509 {strides = array<i32>} : memref<80x128xf32, #tpu.memory_space<vmem>>, vector<16xf32>,
          %get3A_513 = arith.index_cast %add3A_489 : i32 to index
          %get3A_514 = arith.constant 48 : index
          %get3A_515 = tpu.vector_load %arg19[%get3A_513, %get3A_514] {strides = array<i32>} : memref<80x128xf32, #tpu.memory_space<vmem>>, vector<16xf32>,
          %mul3A_516 = arith.mulf %get3A_515, %gather3A_491 : vector<16xf32>
          %swap3A_517 = arith.index_cast %add3A_489 : i32 to index
          %swap3A_518 = arith.constant 48 : index
          %swap3A_519 = tpu.vector_load %arg19[%swap3A_517, %swap3A_518] {strides = array<i32>} : memref<80x128xf32, #tpu.memory_space<vmem>>, vector<16xf32>,
          tpu.vector_store %arg19[%swap3A_517, %swap3A_518], %mul3A_516 {strides = array<i32>} : memref<80x128xf32, #tpu.memory_space<vmem>>, vector<16xf32>,
          %get3A_520 = arith.index_cast %add3A_489 : i32 to index
          %get3A_521 = arith.constant 64 : index
          %get3A_522 = tpu.vector_load %arg19[%get3A_520, %get3A_521] {strides = array<i32>} : memref<80x128xf32, #tpu.memory_space<vmem>>, vector<16xf32>,
          %mul3A_523 = arith.mulf %get3A_522, %gather3A_491 : vector<16xf32>
          %swap3A_524 = arith.index_cast %add3A_489 : i32 to index
          %swap3A_525 = arith.constant 64 : index
          %swap3A_526 = tpu.vector_load %arg19[%swap3A_524, %swap3A_525] {strides = array<i32>} : memref<80x128xf32, #tpu.memory_space<vmem>>, vector<16xf32>,
          tpu.vector_store %arg19[%swap3A_524, %swap3A_525], %mul3A_523 {strides = array<i32>} : memref<80x128xf32, #tpu.memory_space<vmem>>, vector<16xf32>,
          %get3A_527 = arith.index_cast %add3A_489 : i32 to index
          %get3A_528 = arith.constant 80 : index
          %get3A_529 = tpu.vector_load %arg19[%get3A_527, %get3A_528] {strides = array<i32>} : memref<80x128xf32, #tpu.memory_space<vmem>>, vector<16xf32>,
          %mul3A_530 = arith.mulf %get3A_529, %gather3A_491 : vector<16xf32>
          %swap3A_531 = arith.index_cast %add3A_489 : i32 to index
          %swap3A_532 = arith.constant 80 : index
          %swap3A_533 = tpu.vector_load %arg19[%swap3A_531, %swap3A_532] {strides = array<i32>} : memref<80x128xf32, #tpu.memory_space<vmem>>, vector<16xf32>,
          tpu.vector_store %arg19[%swap3A_531, %swap3A_532], %mul3A_530 {strides = array<i32>} : memref<80x128xf32, #tpu.memory_space<vmem>>, vector<16xf32>,
          %get3A_534 = arith.index_cast %add3A_489 : i32 to index
          %get3A_535 = arith.constant 96 : index
          %get3A_536 = tpu.vector_load %arg19[%get3A_534, %get3A_535] {strides = array<i32>} : memref<80x128xf32, #tpu.memory_space<vmem>>, vector<16xf32>,
          %mul3A_537 = arith.mulf %get3A_536, %gather3A_491 : vector<16xf32>
          %swap3A_538 = arith.index_cast %add3A_489 : i32 to index
          %swap3A_539 = arith.constant 96 : index
          %swap3A_540 = tpu.vector_load %arg19[%swap3A_538, %swap3A_539] {strides = array<i32>} : memref<80x128xf32, #tpu.memory_space<vmem>>, vector<16xf32>,
          tpu.vector_store %arg19[%swap3A_538, %swap3A_539], %mul3A_537 {strides = array<i32>} : memref<80x128xf32, #tpu.memory_space<vmem>>, vector<16xf32>,
          %get3A_541 = arith.index_cast %add3A_489 : i32 to index
          %get3A_542 = arith.constant 112 : index
          %get3A_543 = tpu.vector_load %arg19[%get3A_541, %get3A_542] {strides = array<i32>} : memref<80x128xf32, #tpu.memory_space<vmem>>, vector<16xf32>,
          %mul3A_544 = arith.mulf %get3A_543, %gather3A_491 : vector<16xf32>
          %swap3A_545 = arith.index_cast %add3A_489 : i32 to index
          %swap3A_546 = arith.constant 112 : index
          %swap3A_547 = tpu.vector_load %arg19[%swap3A_545, %swap3A_546] {strides = array<i32>} : memref<80x128xf32, #tpu.memory_space<vmem>>, vector<16xf32>,
          tpu.vector_store %arg19[%swap3A_545, %swap3A_546], %mul3A_544 {strides = array<i32>} : memref<80x128xf32, #tpu.memory_space<vmem>>, vector<16xf32>,
          %mul3A_548 = arith.constant 4 : i32
          %mul3A_549 = arith.muli %scan3A_425, %mul3A_548 : i32
          %add3A_550 = arith.constant 2 : i32
          %add3A_551 = arith.addi %mul3A_549, %add3A_550 : i32
          %broadcast_in_dim3A_552 = vector.broadcast %add3A_551 : i32 to vector<16xi32>
          %gather3A_553 = tpu.vector_load_idx %arg16[%broadcast_in_dim3A_552] : memref<80xf32, #tpu.memory_space<vmem>>[vector<16xi32>], vector<16xf32>,
          %get3A_554 = arith.index_cast %add3A_551 : i32 to index
          %get3A_555 = arith.constant 0 : index
          %get3A_556 = tpu.vector_load %arg19[%get3A_554, %get3A_555] {strides = array<i32>} : memref<80x128xf32, #tpu.memory_space<vmem>>, vector<16xf32>,
          %mul3A_557 = arith.mulf %get3A_556, %gather3A_553 : vector<16xf32>
          %swap3A_558 = arith.index_cast %add3A_551 : i32 to index
          %swap3A_559 = arith.constant 0 : index
          %swap3A_560 = tpu.vector_load %arg19[%swap3A_558, %swap3A_559] {strides = array<i32>} : memref<80x128xf32, #tpu.memory_space<vmem>>, vector<16xf32>,
          tpu.vector_store %arg19[%swap3A_558, %swap3A_559], %mul3A_557 {strides = array<i32>} : memref<80x128xf32, #tpu.memory_space<vmem>>, vector<16xf32>,
          %get3A_561 = arith.index_cast %add3A_551 : i32 to index
          %get3A_562 = arith.constant 16 : index
          %get3A_563 = tpu.vector_load %arg19[%get3A_561, %get3A_562] {strides = array<i32>} : memref<80x128xf32, #tpu.memory_space<vmem>>, vector<16xf32>,
          %mul3A_564 = arith.mulf %get3A_563, %gather3A_553 : vector<16xf32>
          %swap3A_565 = arith.index_cast %add3A_551 : i32 to index
          %swap3A_566 = arith.constant 16 : index
          %swap3A_567 = tpu.vector_load %arg19[%swap3A_565, %swap3A_566] {strides = array<i32>} : memref<80x128xf32, #tpu.memory_space<vmem>>, vector<16xf32>,
          tpu.vector_store %arg19[%swap3A_565, %swap3A_566], %mul3A_564 {strides = array<i32>} : memref<80x128xf32, #tpu.memory_space<vmem>>, vector<16xf32>,
          %get3A_568 = arith.index_cast %add3A_551 : i32 to index
          %get3A_569 = arith.constant 32 : index
          %get3A_570 = tpu.vector_load %arg19[%get3A_568, %get3A_569] {strides = array<i32>} : memref<80x128xf32, #tpu.memory_space<vmem>>, vector<16xf32>,
          %mul3A_571 = arith.mulf %get3A_570, %gather3A_553 : vector<16xf32>
          %swap3A_572 = arith.index_cast %add3A_551 : i32 to index
          %swap3A_573 = arith.constant 32 : index
          %swap3A_574 = tpu.vector_load %arg19[%swap3A_572, %swap3A_573] {strides = array<i32>} : memref<80x128xf32, #tpu.memory_space<vmem>>, vector<16xf32>,
          tpu.vector_store %arg19[%swap3A_572, %swap3A_573], %mul3A_571 {strides = array<i32>} : memref<80x128xf32, #tpu.memory_space<vmem>>, vector<16xf32>,
          %get3A_575 = arith.index_cast %add3A_551 : i32 to index
          %get3A_576 = arith.constant 48 : index
          %get3A_577 = tpu.vector_load %arg19[%get3A_575, %get3A_576] {strides = array<i32>} : memref<80x128xf32, #tpu.memory_space<vmem>>, vector<16xf32>,
          %mul3A_578 = arith.mulf %get3A_577, %gather3A_553 : vector<16xf32>
          %swap3A_579 = arith.index_cast %add3A_551 : i32 to index
          %swap3A_580 = arith.constant 48 : index
          %swap3A_581 = tpu.vector_load %arg19[%swap3A_579, %swap3A_580] {strides = array<i32>} : memref<80x128xf32, #tpu.memory_space<vmem>>, vector<16xf32>,
          tpu.vector_store %arg19[%swap3A_579, %swap3A_580], %mul3A_578 {strides = array<i32>} : memref<80x128xf32, #tpu.memory_space<vmem>>, vector<16xf32>,
          %get3A_582 = arith.index_cast %add3A_551 : i32 to index
          %get3A_583 = arith.constant 64 : index
          %get3A_584 = tpu.vector_load %arg19[%get3A_582, %get3A_583] {strides = array<i32>} : memref<80x128xf32, #tpu.memory_space<vmem>>, vector<16xf32>,
          %mul3A_585 = arith.mulf %get3A_584, %gather3A_553 : vector<16xf32>
          %swap3A_586 = arith.index_cast %add3A_551 : i32 to index
          %swap3A_587 = arith.constant 64 : index
          %swap3A_588 = tpu.vector_load %arg19[%swap3A_586, %swap3A_587] {strides = array<i32>} : memref<80x128xf32, #tpu.memory_space<vmem>>, vector<16xf32>,
          tpu.vector_store %arg19[%swap3A_586, %swap3A_587], %mul3A_585 {strides = array<i32>} : memref<80x128xf32, #tpu.memory_space<vmem>>, vector<16xf32>,
          %get3A_589 = arith.index_cast %add3A_551 : i32 to index
          %get3A_590 = arith.constant 80 : index
          %get3A_591 = tpu.vector_load %arg19[%get3A_589, %get3A_590] {strides = array<i32>} : memref<80x128xf32, #tpu.memory_space<vmem>>, vector<16xf32>,
          %mul3A_592 = arith.mulf %get3A_591, %gather3A_553 : vector<16xf32>
          %swap3A_593 = arith.index_cast %add3A_551 : i32 to index
          %swap3A_594 = arith.constant 80 : index
          %swap3A_595 = tpu.vector_load %arg19[%swap3A_593, %swap3A_594] {strides = array<i32>} : memref<80x128xf32, #tpu.memory_space<vmem>>, vector<16xf32>,
          tpu.vector_store %arg19[%swap3A_593, %swap3A_594], %mul3A_592 {strides = array<i32>} : memref<80x128xf32, #tpu.memory_space<vmem>>, vector<16xf32>,
          %get3A_596 = arith.index_cast %add3A_551 : i32 to index
          %get3A_597 = arith.constant 96 : index
          %get3A_598 = tpu.vector_load %arg19[%get3A_596, %get3A_597] {strides = array<i32>} : memref<80x128xf32, #tpu.memory_space<vmem>>, vector<16xf32>,
          %mul3A_599 = arith.mulf %get3A_598, %gather3A_553 : vector<16xf32>
          %swap3A_600 = arith.index_cast %add3A_551 : i32 to index
          %swap3A_601 = arith.constant 96 : index
          %swap3A_602 = tpu.vector_load %arg19[%swap3A_600, %swap3A_601] {strides = array<i32>} : memref<80x128xf32, #tpu.memory_space<vmem>>, vector<16xf32>,
          tpu.vector_store %arg19[%swap3A_600, %swap3A_601], %mul3A_599 {strides = array<i32>} : memref<80x128xf32, #tpu.memory_space<vmem>>, vector<16xf32>,
          %get3A_603 = arith.index_cast %add3A_551 : i32 to index
          %get3A_604 = arith.constant 112 : index
          %get3A_605 = tpu.vector_load %arg19[%get3A_603, %get3A_604] {strides = array<i32>} : memref<80x128xf32, #tpu.memory_space<vmem>>, vector<16xf32>,
          %mul3A_606 = arith.mulf %get3A_605, %gather3A_553 : vector<16xf32>
          %swap3A_607 = arith.index_cast %add3A_551 : i32 to index
          %swap3A_608 = arith.constant 112 : index
          %swap3A_609 = tpu.vector_load %arg19[%swap3A_607, %swap3A_608] {strides = array<i32>} : memref<80x128xf32, #tpu.memory_space<vmem>>, vector<16xf32>,
          tpu.vector_store %arg19[%swap3A_607, %swap3A_608], %mul3A_606 {strides = array<i32>} : memref<80x128xf32, #tpu.memory_space<vmem>>, vector<16xf32>,
          %mul3A_610 = arith.constant 4 : i32
          %mul3A_611 = arith.muli %scan3A_425, %mul3A_610 : i32
          %add3A_612 = arith.constant 3 : i32
          %add3A_613 = arith.addi %mul3A_611, %add3A_612 : i32
          %broadcast_in_dim3A_614 = vector.broadcast %add3A_613 : i32 to vector<16xi32>
          %gather3A_615 = tpu.vector_load_idx %arg16[%broadcast_in_dim3A_614] : memref<80xf32, #tpu.memory_space<vmem>>[vector<16xi32>], vector<16xf32>,
          %get3A_616 = arith.index_cast %add3A_613 : i32 to index
          %get3A_617 = arith.constant 0 : index
          %get3A_618 = tpu.vector_load %arg19[%get3A_616, %get3A_617] {strides = array<i32>} : memref<80x128xf32, #tpu.memory_space<vmem>>, vector<16xf32>,
          %mul3A_619 = arith.mulf %get3A_618, %gather3A_615 : vector<16xf32>
          %swap3A_620 = arith.index_cast %add3A_613 : i32 to index
          %swap3A_621 = arith.constant 0 : index
          %swap3A_622 = tpu.vector_load %arg19[%swap3A_620, %swap3A_621] {strides = array<i32>} : memref<80x128xf32, #tpu.memory_space<vmem>>, vector<16xf32>,
          tpu.vector_store %arg19[%swap3A_620, %swap3A_621], %mul3A_619 {strides = array<i32>} : memref<80x128xf32, #tpu.memory_space<vmem>>, vector<16xf32>,
          %get3A_623 = arith.index_cast %add3A_613 : i32 to index
          %get3A_624 = arith.constant 16 : index
          %get3A_625 = tpu.vector_load %arg19[%get3A_623, %get3A_624] {strides = array<i32>} : memref<80x128xf32, #tpu.memory_space<vmem>>, vector<16xf32>,
          %mul3A_626 = arith.mulf %get3A_625, %gather3A_615 : vector<16xf32>
          %swap3A_627 = arith.index_cast %add3A_613 : i32 to index
          %swap3A_628 = arith.constant 16 : index
          %swap3A_629 = tpu.vector_load %arg19[%swap3A_627, %swap3A_628] {strides = array<i32>} : memref<80x128xf32, #tpu.memory_space<vmem>>, vector<16xf32>,
          tpu.vector_store %arg19[%swap3A_627, %swap3A_628], %mul3A_626 {strides = array<i32>} : memref<80x128xf32, #tpu.memory_space<vmem>>, vector<16xf32>,
          %get3A_630 = arith.index_cast %add3A_613 : i32 to index
          %get3A_631 = arith.constant 32 : index
          %get3A_632 = tpu.vector_load %arg19[%get3A_630, %get3A_631] {strides = array<i32>} : memref<80x128xf32, #tpu.memory_space<vmem>>, vector<16xf32>,
          %mul3A_633 = arith.mulf %get3A_632, %gather3A_615 : vector<16xf32>
          %swap3A_634 = arith.index_cast %add3A_613 : i32 to index
          %swap3A_635 = arith.constant 32 : index
          %swap3A_636 = tpu.vector_load %arg19[%swap3A_634, %swap3A_635] {strides = array<i32>} : memref<80x128xf32, #tpu.memory_space<vmem>>, vector<16xf32>,
          tpu.vector_store %arg19[%swap3A_634, %swap3A_635], %mul3A_633 {strides = array<i32>} : memref<80x128xf32, #tpu.memory_space<vmem>>, vector<16xf32>,
          %get3A_637 = arith.index_cast %add3A_613 : i32 to index
          %get3A_638 = arith.constant 48 : index
          %get3A_639 = tpu.vector_load %arg19[%get3A_637, %get3A_638] {strides = array<i32>} : memref<80x128xf32, #tpu.memory_space<vmem>>, vector<16xf32>,
          %mul3A_640 = arith.mulf %get3A_639, %gather3A_615 : vector<16xf32>
          %swap3A_641 = arith.index_cast %add3A_613 : i32 to index
          %swap3A_642 = arith.constant 48 : index
          %swap3A_643 = tpu.vector_load %arg19[%swap3A_641, %swap3A_642] {strides = array<i32>} : memref<80x128xf32, #tpu.memory_space<vmem>>, vector<16xf32>,
          tpu.vector_store %arg19[%swap3A_641, %swap3A_642], %mul3A_640 {strides = array<i32>} : memref<80x128xf32, #tpu.memory_space<vmem>>, vector<16xf32>,
          %get3A_644 = arith.index_cast %add3A_613 : i32 to index
          %get3A_645 = arith.constant 64 : index
          %get3A_646 = tpu.vector_load %arg19[%get3A_644, %get3A_645] {strides = array<i32>} : memref<80x128xf32, #tpu.memory_space<vmem>>, vector<16xf32>,
          %mul3A_647 = arith.mulf %get3A_646, %gather3A_615 : vector<16xf32>
          %swap3A_648 = arith.index_cast %add3A_613 : i32 to index
          %swap3A_649 = arith.constant 64 : index
          %swap3A_650 = tpu.vector_load %arg19[%swap3A_648, %swap3A_649] {strides = array<i32>} : memref<80x128xf32, #tpu.memory_space<vmem>>, vector<16xf32>,
          tpu.vector_store %arg19[%swap3A_648, %swap3A_649], %mul3A_647 {strides = array<i32>} : memref<80x128xf32, #tpu.memory_space<vmem>>, vector<16xf32>,
          %get3A_651 = arith.index_cast %add3A_613 : i32 to index
          %get3A_652 = arith.constant 80 : index
          %get3A_653 = tpu.vector_load %arg19[%get3A_651, %get3A_652] {strides = array<i32>} : memref<80x128xf32, #tpu.memory_space<vmem>>, vector<16xf32>,
          %mul3A_654 = arith.mulf %get3A_653, %gather3A_615 : vector<16xf32>
          %swap3A_655 = arith.index_cast %add3A_613 : i32 to index
          %swap3A_656 = arith.constant 80 : index
          %swap3A_657 = tpu.vector_load %arg19[%swap3A_655, %swap3A_656] {strides = array<i32>} : memref<80x128xf32, #tpu.memory_space<vmem>>, vector<16xf32>,
          tpu.vector_store %arg19[%swap3A_655, %swap3A_656], %mul3A_654 {strides = array<i32>} : memref<80x128xf32, #tpu.memory_space<vmem>>, vector<16xf32>,
          %get3A_658 = arith.index_cast %add3A_613 : i32 to index
          %get3A_659 = arith.constant 96 : index
          %get3A_660 = tpu.vector_load %arg19[%get3A_658, %get3A_659] {strides = array<i32>} : memref<80x128xf32, #tpu.memory_space<vmem>>, vector<16xf32>,
          %mul3A_661 = arith.mulf %get3A_660, %gather3A_615 : vector<16xf32>
          %swap3A_662 = arith.index_cast %add3A_613 : i32 to index
          %swap3A_663 = arith.constant 96 : index
          %swap3A_664 = tpu.vector_load %arg19[%swap3A_662, %swap3A_663] {strides = array<i32>} : memref<80x128xf32, #tpu.memory_space<vmem>>, vector<16xf32>,
          tpu.vector_store %arg19[%swap3A_662, %swap3A_663], %mul3A_661 {strides = array<i32>} : memref<80x128xf32, #tpu.memory_space<vmem>>, vector<16xf32>,
          %get3A_665 = arith.index_cast %add3A_613 : i32 to index
          %get3A_666 = arith.constant 112 : index
          %get3A_667 = tpu.vector_load %arg19[%get3A_665, %get3A_666] {strides = array<i32>} : memref<80x128xf32, #tpu.memory_space<vmem>>, vector<16xf32>,
          %mul3A_668 = arith.mulf %get3A_667, %gather3A_615 : vector<16xf32>
          %swap3A_669 = arith.index_cast %add3A_613 : i32 to index
          %swap3A_670 = arith.constant 112 : index
          %swap3A_671 = tpu.vector_load %arg19[%swap3A_669, %swap3A_670] {strides = array<i32>} : memref<80x128xf32, #tpu.memory_space<vmem>>, vector<16xf32>,
          tpu.vector_store %arg19[%swap3A_669, %swap3A_670], %mul3A_668 {strides = array<i32>} : memref<80x128xf32, #tpu.memory_space<vmem>>, vector<16xf32>,
        }
        %scan3A_421 = arith.constant 20 : i32
        %dma_start3A_422 = arith.constant 0 : i32
        %dma_start3A_423 = arith.constant 0 : i32
        %dma_start3A_424 = tpu.memref_slice %arg22[%dma_start3A_422, %dma_start3A_423] : memref<10000x128xf32, #tpu.memory_space<vmem_shared>> -> memref<10000x128xf32, #tpu.memory_space<vmem_shared>>
        tpu.enqueue_indirect_dma source(%arg19 : memref<80x128xf32, #tpu.memory_space<vmem>>) target(%dma_start3A_424 : memref<10000x128xf32, #tpu.memory_space<vmem_shared>>) offsets(%arg10 : memref<80xi32, #tpu.memory_space<vmem>>) semaphore(%arg29 : memref<!tpu.dma_semaphore, #tpu.memory_space<semaphore_mem>>) {add = true}
      } else {
      }
      %mul3A_381 = arith.constant 3 : i32
      %mul3A_382 = arith.muli %scan3A_372, %mul3A_381 : i32
      %add3A_383 = arith.constant 1 : i32
      %add3A_384 = arith.addi %mul3A_382, %add3A_383 : i32
      %le3A_385 = arith.constant 124 : i32
      %le3A_386 = arith.cmpi sle, %add3A_384, %le3A_385 : i32
      %convert_element_type3A_387 = arith.extui %le3A_386 : i1 to i32
      %cond3A_388 = arith.constant 0 : i32
      %cond3A_389 = arith.cmpi ne, %convert_element_type3A_387, %cond3A_388 : i32
      scf.if %cond3A_389 {
        %ge3A = arith.constant 2 : i32
        %ge3A_399 = arith.cmpi sge, %add3A_384, %ge3A : i32
        %le3A_400 = arith.constant 123 : i32
        %le3A_401 = arith.cmpi sle, %add3A_384, %le3A_400 : i32
        %and3A_402 = arith.andi %ge3A_399, %le3A_401 : i1
        %convert_element_type3A_403 = arith.extui %and3A_402 : i1 to i32
        %cond3A_404 = arith.constant 0 : i32
        %cond3A_405 = arith.cmpi ne, %convert_element_type3A_403, %cond3A_404 : i32
        scf.if %cond3A_405 {
          %sub3A_425 = arith.constant 2 : i32
          %sub3A_426 = arith.subi %add3A_384, %sub3A_425 : i32
          %dma_wait3A_427 = arith.constant 0 : i32
          %dma_wait3A_428 = arith.constant 0 : i32
          %dma_wait3A_429 = tpu.memref_slice %arg22[%dma_wait3A_427, %dma_wait3A_428] : memref<10000x128xf32, #tpu.memory_space<vmem_shared>> -> memref<10000x128xf32, #tpu.memory_space<vmem_shared>>
          tpu.wait_indirect_dma semaphore(%arg31 : memref<!tpu.dma_semaphore, #tpu.memory_space<semaphore_mem>>) src(%arg21 : memref<80x128xf32, #tpu.memory_space<vmem>>) dst(%dma_wait3A_429 : memref<10000x128xf32, #tpu.memory_space<vmem_shared>>)
        } else {
        }
        %le3A_406 = arith.constant 123 : i32
        %le3A_407 = arith.cmpi sle, %add3A_384, %le3A_406 : i32
        %convert_element_type3A_408 = arith.extui %le3A_407 : i1 to i32
        %cond3A_409 = arith.constant 0 : i32
        %cond3A_410 = arith.cmpi ne, %convert_element_type3A_408, %cond3A_409 : i32
        scf.if %cond3A_410 {
          %add3A_425 = arith.constant 1 : i32
          %add3A_426 = arith.addi %add3A_384, %add3A_425 : i32
          %mul3A_427 = arith.constant 80 : i32
          %mul3A_428 = arith.muli %add3A_426, %mul3A_427 : i32
          %add3A_429 = arith.constant 0 : i32
          %add3A_430 = arith.addi %mul3A_428, %add3A_429 : i32
          %get3A_431 = arith.index_cast %add3A_430 : i32 to index
          %get3A_432 = tpu.vector_load %arg6[%get3A_431] {strides = array<i32>} : memref<10000xi32, #tpu.memory_space<vmem>>, vector<16xi32>,
          %jit3A_433 = arith.constant 10000 : i32
          %div3A_434 = vector.broadcast %jit3A_433 : i32 to vector<16xi32>
          %div3A_435 = arith.divsi %get3A_432, %div3A_434 : vector<16xi32>
          %sign3A_436 = arith.constant 0 : i32
          %sign3A_437 = vector.broadcast %sign3A_436 : i32 to vector<16xi32>
          %sign3A_438 = arith.cmpi sgt, %get3A_432, %sign3A_437 : vector<16xi32>
          %sign3A_439 = arith.extui %sign3A_438 : vector<16xi1> to vector<16xi32>
          %sign3A_440 = arith.constant 0 : i32
          %sign3A_441 = vector.broadcast %sign3A_440 : i32 to vector<16xi32>
          %sign3A_442 = arith.cmpi slt, %get3A_432, %sign3A_441 : vector<16xi32>
          %sign3A_443 = arith.extui %sign3A_442 : vector<16xi1> to vector<16xi32>
          %sign3A_444 = arith.subi %sign3A_439, %sign3A_443 : vector<16xi32>
          %sign3A_445 = arith.constant 0 : i32
          %sign3A_446 = arith.cmpi sgt, %jit3A_433, %sign3A_445 : i32
          %sign3A_447 = arith.extui %sign3A_446 : i1 to i32
          %sign3A_448 = arith.constant 0 : i32
          %sign3A_449 = arith.cmpi slt, %jit3A_433, %sign3A_448 : i32
          %sign3A_450 = arith.extui %sign3A_449 : i1 to i32
          %sign3A_451 = arith.subi %sign3A_447, %sign3A_450 : i32
          %ne3A_452 = vector.broadcast %sign3A_451 : i32 to vector<16xi32>
          %ne3A_453 = arith.cmpi ne, %sign3A_444, %ne3A_452 : vector<16xi32>
          %rem3A_454 = vector.broadcast %jit3A_433 : i32 to vector<16xi32>
          %rem3A_455 = arith.remsi %get3A_432, %rem3A_454 : vector<16xi32>
          %ne3A_456 = arith.constant 0 : i32
          %ne3A_457 = vector.broadcast %ne3A_456 : i32 to vector<16xi32>
          %ne3A_458 = arith.cmpi ne, %rem3A_455, %ne3A_457 : vector<16xi32>
          %and3A_459 = arith.andi %ne3A_453, %ne3A_458 : vector<16xi1>
          %sub3A_460 = arith.constant 1 : i32
          %sub3A_461 = vector.broadcast %sub3A_460 : i32 to vector<16xi32>
          %sub3A_462 = arith.subi %div3A_435, %sub3A_461 : vector<16xi32>
          %select_n3A_463 = arith.select %and3A_459, %sub3A_462, %div3A_435 : vector<16xi1>, vector<16xi32>
          %mul3A_464 = arith.constant 10000 : i32
          %mul3A_465 = vector.broadcast %mul3A_464 : i32 to vector<16xi32>
          %mul3A_466 = arith.muli %select_n3A_463, %mul3A_465 : vector<16xi32>
          %sub3A_467 = arith.subi %get3A_432, %mul3A_466 : vector<16xi32>
          %swap3A_468 = arith.constant 0 : index
          %swap3A_469 = tpu.vector_load %arg9[%swap3A_468] {strides = array<i32>} : memref<80xi32, #tpu.memory_space<vmem>>, vector<16xi32>,
          tpu.vector_store %arg9[%swap3A_468], %select_n3A_463 {strides = array<i32>} : memref<80xi32, #tpu.memory_space<vmem>>, vector<16xi32>,
          %swap3A_470 = arith.constant 0 : index
          %swap3A_471 = tpu.vector_load %arg12[%swap3A_470] {strides = array<i32>} : memref<80xi32, #tpu.memory_space<vmem>>, vector<16xi32>,
          tpu.vector_store %arg12[%swap3A_470], %sub3A_467 {strides = array<i32>} : memref<80xi32, #tpu.memory_space<vmem>>, vector<16xi32>,
          %shift_right_arithmetic3A_472 = arith.constant 3 : i32
          %shift_right_arithmetic3A_473 = vector.broadcast %shift_right_arithmetic3A_472 : i32 to vector<16xi32>
          %shift_right_arithmetic3A_474 = arith.shrsi %select_n3A_463, %shift_right_arithmetic3A_473 : vector<16xi32>
          %mul3A_475 = arith.constant 80896 : i32
          %mul3A_476 = vector.broadcast %mul3A_475 : i32 to vector<16xi32>
          %mul3A_477 = arith.muli %shift_right_arithmetic3A_474, %mul3A_476 : vector<16xi32>
          %shift_right_arithmetic3A_478 = arith.constant 7 : i32
          %shift_right_arithmetic3A_479 = vector.broadcast %shift_right_arithmetic3A_478 : i32 to vector<16xi32>
          %shift_right_arithmetic3A_480 = arith.shrsi %sub3A_467, %shift_right_arithmetic3A_479 : vector<16xi32>
          %shift_left3A_481 = arith.constant 10 : i32
          %shift_left3A_482 = vector.broadcast %shift_left3A_481 : i32 to vector<16xi32>
          %shift_left3A_483 = arith.shli %shift_right_arithmetic3A_480, %shift_left3A_482 : vector<16xi32>
          %add3A_484 = arith.addi %mul3A_477, %shift_left3A_483 : vector<16xi32>
          %and3A_485 = arith.constant 7 : i32
          %and3A_486 = vector.broadcast %and3A_485 : i32 to vector<16xi32>
          %and3A_487 = arith.andi %select_n3A_463, %and3A_486 : vector<16xi32>
          %shift_left3A_488 = arith.constant 7 : i32
          %shift_left3A_489 = vector.broadcast %shift_left3A_488 : i32 to vector<16xi32>
          %shift_left3A_490 = arith.shli %and3A_487, %shift_left3A_489 : vector<16xi32>
          %add3A_491 = arith.addi %add3A_484, %shift_left3A_490 : vector<16xi32>
          %and3A_492 = arith.constant 127 : i32
          %and3A_493 = vector.broadcast %and3A_492 : i32 to vector<16xi32>
          %and3A_494 = arith.andi %sub3A_467, %and3A_493 : vector<16xi32>
          %add3A_495 = arith.addi %add3A_491, %and3A_494 : vector<16xi32>
          %swap3A_496 = arith.constant 0 : index
          %swap3A_497 = tpu.vector_load %arg15[%swap3A_496] {strides = array<i32>} : memref<80xi32, #tpu.memory_space<vmem>>, vector<16xi32>,
          tpu.vector_store %arg15[%swap3A_496], %add3A_495 {strides = array<i32>} : memref<80xi32, #tpu.memory_space<vmem>>, vector<16xi32>,
          %mul3A_498 = arith.constant 80 : i32
          %mul3A_499 = arith.muli %add3A_426, %mul3A_498 : i32
          %add3A_500 = arith.constant 16 : i32
          %add3A_501 = arith.addi %mul3A_499, %add3A_500 : i32
          %get3A_502 = arith.index_cast %add3A_501 : i32 to index
          %get3A_503 = tpu.vector_load %arg6[%get3A_502] {strides = array<i32>} : memref<10000xi32, #tpu.memory_space<vmem>>, vector<16xi32>,
          %jit3A_504 = arith.constant 10000 : i32
          %div3A_505 = vector.broadcast %jit3A_504 : i32 to vector<16xi32>
          %div3A_506 = arith.divsi %get3A_503, %div3A_505 : vector<16xi32>
          %sign3A_507 = arith.constant 0 : i32
          %sign3A_508 = vector.broadcast %sign3A_507 : i32 to vector<16xi32>
          %sign3A_509 = arith.cmpi sgt, %get3A_503, %sign3A_508 : vector<16xi32>
          %sign3A_510 = arith.extui %sign3A_509 : vector<16xi1> to vector<16xi32>
          %sign3A_511 = arith.constant 0 : i32
          %sign3A_512 = vector.broadcast %sign3A_511 : i32 to vector<16xi32>
          %sign3A_513 = arith.cmpi slt, %get3A_503, %sign3A_512 : vector<16xi32>
          %sign3A_514 = arith.extui %sign3A_513 : vector<16xi1> to vector<16xi32>
          %sign3A_515 = arith.subi %sign3A_510, %sign3A_514 : vector<16xi32>
          %sign3A_516 = arith.constant 0 : i32
          %sign3A_517 = arith.cmpi sgt, %jit3A_504, %sign3A_516 : i32
          %sign3A_518 = arith.extui %sign3A_517 : i1 to i32
          %sign3A_519 = arith.constant 0 : i32
          %sign3A_520 = arith.cmpi slt, %jit3A_504, %sign3A_519 : i32
          %sign3A_521 = arith.extui %sign3A_520 : i1 to i32
          %sign3A_522 = arith.subi %sign3A_518, %sign3A_521 : i32
          %ne3A_523 = vector.broadcast %sign3A_522 : i32 to vector<16xi32>
          %ne3A_524 = arith.cmpi ne, %sign3A_515, %ne3A_523 : vector<16xi32>
          %rem3A_525 = vector.broadcast %jit3A_504 : i32 to vector<16xi32>
          %rem3A_526 = arith.remsi %get3A_503, %rem3A_525 : vector<16xi32>
          %ne3A_527 = arith.constant 0 : i32
          %ne3A_528 = vector.broadcast %ne3A_527 : i32 to vector<16xi32>
          %ne3A_529 = arith.cmpi ne, %rem3A_526, %ne3A_528 : vector<16xi32>
          %and3A_530 = arith.andi %ne3A_524, %ne3A_529 : vector<16xi1>
          %sub3A_531 = arith.constant 1 : i32
          %sub3A_532 = vector.broadcast %sub3A_531 : i32 to vector<16xi32>
          %sub3A_533 = arith.subi %div3A_506, %sub3A_532 : vector<16xi32>
          %select_n3A_534 = arith.select %and3A_530, %sub3A_533, %div3A_506 : vector<16xi1>, vector<16xi32>
          %mul3A_535 = arith.constant 10000 : i32
          %mul3A_536 = vector.broadcast %mul3A_535 : i32 to vector<16xi32>
          %mul3A_537 = arith.muli %select_n3A_534, %mul3A_536 : vector<16xi32>
          %sub3A_538 = arith.subi %get3A_503, %mul3A_537 : vector<16xi32>
          %swap3A_539 = arith.constant 16 : index
          %swap3A_540 = tpu.vector_load %arg9[%swap3A_539] {strides = array<i32>} : memref<80xi32, #tpu.memory_space<vmem>>, vector<16xi32>,
          tpu.vector_store %arg9[%swap3A_539], %select_n3A_534 {strides = array<i32>} : memref<80xi32, #tpu.memory_space<vmem>>, vector<16xi32>,
          %swap3A_541 = arith.constant 16 : index
          %swap3A_542 = tpu.vector_load %arg12[%swap3A_541] {strides = array<i32>} : memref<80xi32, #tpu.memory_space<vmem>>, vector<16xi32>,
          tpu.vector_store %arg12[%swap3A_541], %sub3A_538 {strides = array<i32>} : memref<80xi32, #tpu.memory_space<vmem>>, vector<16xi32>,
          %shift_right_arithmetic3A_543 = arith.constant 3 : i32
          %shift_right_arithmetic3A_544 = vector.broadcast %shift_right_arithmetic3A_543 : i32 to vector<16xi32>
          %shift_right_arithmetic3A_545 = arith.shrsi %select_n3A_534, %shift_right_arithmetic3A_544 : vector<16xi32>
          %mul3A_546 = arith.constant 80896 : i32
          %mul3A_547 = vector.broadcast %mul3A_546 : i32 to vector<16xi32>
          %mul3A_548 = arith.muli %shift_right_arithmetic3A_545, %mul3A_547 : vector<16xi32>
          %shift_right_arithmetic3A_549 = arith.constant 7 : i32
          %shift_right_arithmetic3A_550 = vector.broadcast %shift_right_arithmetic3A_549 : i32 to vector<16xi32>
          %shift_right_arithmetic3A_551 = arith.shrsi %sub3A_538, %shift_right_arithmetic3A_550 : vector<16xi32>
          %shift_left3A_552 = arith.constant 10 : i32
          %shift_left3A_553 = vector.broadcast %shift_left3A_552 : i32 to vector<16xi32>
          %shift_left3A_554 = arith.shli %shift_right_arithmetic3A_551, %shift_left3A_553 : vector<16xi32>
          %add3A_555 = arith.addi %mul3A_548, %shift_left3A_554 : vector<16xi32>
          %and3A_556 = arith.constant 7 : i32
          %and3A_557 = vector.broadcast %and3A_556 : i32 to vector<16xi32>
          %and3A_558 = arith.andi %select_n3A_534, %and3A_557 : vector<16xi32>
          %shift_left3A_559 = arith.constant 7 : i32
          %shift_left3A_560 = vector.broadcast %shift_left3A_559 : i32 to vector<16xi32>
          %shift_left3A_561 = arith.shli %and3A_558, %shift_left3A_560 : vector<16xi32>
          %add3A_562 = arith.addi %add3A_555, %shift_left3A_561 : vector<16xi32>
          %and3A_563 = arith.constant 127 : i32
          %and3A_564 = vector.broadcast %and3A_563 : i32 to vector<16xi32>
          %and3A_565 = arith.andi %sub3A_538, %and3A_564 : vector<16xi32>
          %add3A_566 = arith.addi %add3A_562, %and3A_565 : vector<16xi32>
          %swap3A_567 = arith.constant 16 : index
          %swap3A_568 = tpu.vector_load %arg15[%swap3A_567] {strides = array<i32>} : memref<80xi32, #tpu.memory_space<vmem>>, vector<16xi32>,
          tpu.vector_store %arg15[%swap3A_567], %add3A_566 {strides = array<i32>} : memref<80xi32, #tpu.memory_space<vmem>>, vector<16xi32>,
          %mul3A_569 = arith.constant 80 : i32
          %mul3A_570 = arith.muli %add3A_426, %mul3A_569 : i32
          %add3A_571 = arith.constant 32 : i32
          %add3A_572 = arith.addi %mul3A_570, %add3A_571 : i32
          %get3A_573 = arith.index_cast %add3A_572 : i32 to index
          %get3A_574 = tpu.vector_load %arg6[%get3A_573] {strides = array<i32>} : memref<10000xi32, #tpu.memory_space<vmem>>, vector<16xi32>,
          %jit3A_575 = arith.constant 10000 : i32
          %div3A_576 = vector.broadcast %jit3A_575 : i32 to vector<16xi32>
          %div3A_577 = arith.divsi %get3A_574, %div3A_576 : vector<16xi32>
          %sign3A_578 = arith.constant 0 : i32
          %sign3A_579 = vector.broadcast %sign3A_578 : i32 to vector<16xi32>
          %sign3A_580 = arith.cmpi sgt, %get3A_574, %sign3A_579 : vector<16xi32>
          %sign3A_581 = arith.extui %sign3A_580 : vector<16xi1> to vector<16xi32>
          %sign3A_582 = arith.constant 0 : i32
          %sign3A_583 = vector.broadcast %sign3A_582 : i32 to vector<16xi32>
          %sign3A_584 = arith.cmpi slt, %get3A_574, %sign3A_583 : vector<16xi32>
          %sign3A_585 = arith.extui %sign3A_584 : vector<16xi1> to vector<16xi32>
          %sign3A_586 = arith.subi %sign3A_581, %sign3A_585 : vector<16xi32>
          %sign3A_587 = arith.constant 0 : i32
          %sign3A_588 = arith.cmpi sgt, %jit3A_575, %sign3A_587 : i32
          %sign3A_589 = arith.extui %sign3A_588 : i1 to i32
          %sign3A_590 = arith.constant 0 : i32
          %sign3A_591 = arith.cmpi slt, %jit3A_575, %sign3A_590 : i32
          %sign3A_592 = arith.extui %sign3A_591 : i1 to i32
          %sign3A_593 = arith.subi %sign3A_589, %sign3A_592 : i32
          %ne3A_594 = vector.broadcast %sign3A_593 : i32 to vector<16xi32>
          %ne3A_595 = arith.cmpi ne, %sign3A_586, %ne3A_594 : vector<16xi32>
          %rem3A_596 = vector.broadcast %jit3A_575 : i32 to vector<16xi32>
          %rem3A_597 = arith.remsi %get3A_574, %rem3A_596 : vector<16xi32>
          %ne3A_598 = arith.constant 0 : i32
          %ne3A_599 = vector.broadcast %ne3A_598 : i32 to vector<16xi32>
          %ne3A_600 = arith.cmpi ne, %rem3A_597, %ne3A_599 : vector<16xi32>
          %and3A_601 = arith.andi %ne3A_595, %ne3A_600 : vector<16xi1>
          %sub3A_602 = arith.constant 1 : i32
          %sub3A_603 = vector.broadcast %sub3A_602 : i32 to vector<16xi32>
          %sub3A_604 = arith.subi %div3A_577, %sub3A_603 : vector<16xi32>
          %select_n3A_605 = arith.select %and3A_601, %sub3A_604, %div3A_577 : vector<16xi1>, vector<16xi32>
          %mul3A_606 = arith.constant 10000 : i32
          %mul3A_607 = vector.broadcast %mul3A_606 : i32 to vector<16xi32>
          %mul3A_608 = arith.muli %select_n3A_605, %mul3A_607 : vector<16xi32>
          %sub3A_609 = arith.subi %get3A_574, %mul3A_608 : vector<16xi32>
          %swap3A_610 = arith.constant 32 : index
          %swap3A_611 = tpu.vector_load %arg9[%swap3A_610] {strides = array<i32>} : memref<80xi32, #tpu.memory_space<vmem>>, vector<16xi32>,
          tpu.vector_store %arg9[%swap3A_610], %select_n3A_605 {strides = array<i32>} : memref<80xi32, #tpu.memory_space<vmem>>, vector<16xi32>,
          %swap3A_612 = arith.constant 32 : index
          %swap3A_613 = tpu.vector_load %arg12[%swap3A_612] {strides = array<i32>} : memref<80xi32, #tpu.memory_space<vmem>>, vector<16xi32>,
          tpu.vector_store %arg12[%swap3A_612], %sub3A_609 {strides = array<i32>} : memref<80xi32, #tpu.memory_space<vmem>>, vector<16xi32>,
          %shift_right_arithmetic3A_614 = arith.constant 3 : i32
          %shift_right_arithmetic3A_615 = vector.broadcast %shift_right_arithmetic3A_614 : i32 to vector<16xi32>
          %shift_right_arithmetic3A_616 = arith.shrsi %select_n3A_605, %shift_right_arithmetic3A_615 : vector<16xi32>
          %mul3A_617 = arith.constant 80896 : i32
          %mul3A_618 = vector.broadcast %mul3A_617 : i32 to vector<16xi32>
          %mul3A_619 = arith.muli %shift_right_arithmetic3A_616, %mul3A_618 : vector<16xi32>
          %shift_right_arithmetic3A_620 = arith.constant 7 : i32
          %shift_right_arithmetic3A_621 = vector.broadcast %shift_right_arithmetic3A_620 : i32 to vector<16xi32>
          %shift_right_arithmetic3A_622 = arith.shrsi %sub3A_609, %shift_right_arithmetic3A_621 : vector<16xi32>
          %shift_left3A_623 = arith.constant 10 : i32
          %shift_left3A_624 = vector.broadcast %shift_left3A_623 : i32 to vector<16xi32>
          %shift_left3A_625 = arith.shli %shift_right_arithmetic3A_622, %shift_left3A_624 : vector<16xi32>
          %add3A_626 = arith.addi %mul3A_619, %shift_left3A_625 : vector<16xi32>
          %and3A_627 = arith.constant 7 : i32
          %and3A_628 = vector.broadcast %and3A_627 : i32 to vector<16xi32>
          %and3A_629 = arith.andi %select_n3A_605, %and3A_628 : vector<16xi32>
          %shift_left3A_630 = arith.constant 7 : i32
          %shift_left3A_631 = vector.broadcast %shift_left3A_630 : i32 to vector<16xi32>
          %shift_left3A_632 = arith.shli %and3A_629, %shift_left3A_631 : vector<16xi32>
          %add3A_633 = arith.addi %add3A_626, %shift_left3A_632 : vector<16xi32>
          %and3A_634 = arith.constant 127 : i32
          %and3A_635 = vector.broadcast %and3A_634 : i32 to vector<16xi32>
          %and3A_636 = arith.andi %sub3A_609, %and3A_635 : vector<16xi32>
          %add3A_637 = arith.addi %add3A_633, %and3A_636 : vector<16xi32>
          %swap3A_638 = arith.constant 32 : index
          %swap3A_639 = tpu.vector_load %arg15[%swap3A_638] {strides = array<i32>} : memref<80xi32, #tpu.memory_space<vmem>>, vector<16xi32>,
          tpu.vector_store %arg15[%swap3A_638], %add3A_637 {strides = array<i32>} : memref<80xi32, #tpu.memory_space<vmem>>, vector<16xi32>,
          %mul3A_640 = arith.constant 80 : i32
          %mul3A_641 = arith.muli %add3A_426, %mul3A_640 : i32
          %add3A_642 = arith.constant 48 : i32
          %add3A_643 = arith.addi %mul3A_641, %add3A_642 : i32
          %get3A_644 = arith.index_cast %add3A_643 : i32 to index
          %get3A_645 = tpu.vector_load %arg6[%get3A_644] {strides = array<i32>} : memref<10000xi32, #tpu.memory_space<vmem>>, vector<16xi32>,
          %jit3A_646 = arith.constant 10000 : i32
          %div3A_647 = vector.broadcast %jit3A_646 : i32 to vector<16xi32>
          %div3A_648 = arith.divsi %get3A_645, %div3A_647 : vector<16xi32>
          %sign3A_649 = arith.constant 0 : i32
          %sign3A_650 = vector.broadcast %sign3A_649 : i32 to vector<16xi32>
          %sign3A_651 = arith.cmpi sgt, %get3A_645, %sign3A_650 : vector<16xi32>
          %sign3A_652 = arith.extui %sign3A_651 : vector<16xi1> to vector<16xi32>
          %sign3A_653 = arith.constant 0 : i32
          %sign3A_654 = vector.broadcast %sign3A_653 : i32 to vector<16xi32>
          %sign3A_655 = arith.cmpi slt, %get3A_645, %sign3A_654 : vector<16xi32>
          %sign3A_656 = arith.extui %sign3A_655 : vector<16xi1> to vector<16xi32>
          %sign3A_657 = arith.subi %sign3A_652, %sign3A_656 : vector<16xi32>
          %sign3A_658 = arith.constant 0 : i32
          %sign3A_659 = arith.cmpi sgt, %jit3A_646, %sign3A_658 : i32
          %sign3A_660 = arith.extui %sign3A_659 : i1 to i32
          %sign3A_661 = arith.constant 0 : i32
          %sign3A_662 = arith.cmpi slt, %jit3A_646, %sign3A_661 : i32
          %sign3A_663 = arith.extui %sign3A_662 : i1 to i32
          %sign3A_664 = arith.subi %sign3A_660, %sign3A_663 : i32
          %ne3A_665 = vector.broadcast %sign3A_664 : i32 to vector<16xi32>
          %ne3A_666 = arith.cmpi ne, %sign3A_657, %ne3A_665 : vector<16xi32>
          %rem3A_667 = vector.broadcast %jit3A_646 : i32 to vector<16xi32>
          %rem3A_668 = arith.remsi %get3A_645, %rem3A_667 : vector<16xi32>
          %ne3A_669 = arith.constant 0 : i32
          %ne3A_670 = vector.broadcast %ne3A_669 : i32 to vector<16xi32>
          %ne3A_671 = arith.cmpi ne, %rem3A_668, %ne3A_670 : vector<16xi32>
          %and3A_672 = arith.andi %ne3A_666, %ne3A_671 : vector<16xi1>
          %sub3A_673 = arith.constant 1 : i32
          %sub3A_674 = vector.broadcast %sub3A_673 : i32 to vector<16xi32>
          %sub3A_675 = arith.subi %div3A_648, %sub3A_674 : vector<16xi32>
          %select_n3A_676 = arith.select %and3A_672, %sub3A_675, %div3A_648 : vector<16xi1>, vector<16xi32>
          %mul3A_677 = arith.constant 10000 : i32
          %mul3A_678 = vector.broadcast %mul3A_677 : i32 to vector<16xi32>
          %mul3A_679 = arith.muli %select_n3A_676, %mul3A_678 : vector<16xi32>
          %sub3A_680 = arith.subi %get3A_645, %mul3A_679 : vector<16xi32>
          %swap3A_681 = arith.constant 48 : index
          %swap3A_682 = tpu.vector_load %arg9[%swap3A_681] {strides = array<i32>} : memref<80xi32, #tpu.memory_space<vmem>>, vector<16xi32>,
          tpu.vector_store %arg9[%swap3A_681], %select_n3A_676 {strides = array<i32>} : memref<80xi32, #tpu.memory_space<vmem>>, vector<16xi32>,
          %swap3A_683 = arith.constant 48 : index
          %swap3A_684 = tpu.vector_load %arg12[%swap3A_683] {strides = array<i32>} : memref<80xi32, #tpu.memory_space<vmem>>, vector<16xi32>,
          tpu.vector_store %arg12[%swap3A_683], %sub3A_680 {strides = array<i32>} : memref<80xi32, #tpu.memory_space<vmem>>, vector<16xi32>,
          %shift_right_arithmetic3A_685 = arith.constant 3 : i32
          %shift_right_arithmetic3A_686 = vector.broadcast %shift_right_arithmetic3A_685 : i32 to vector<16xi32>
          %shift_right_arithmetic3A_687 = arith.shrsi %select_n3A_676, %shift_right_arithmetic3A_686 : vector<16xi32>
          %mul3A_688 = arith.constant 80896 : i32
          %mul3A_689 = vector.broadcast %mul3A_688 : i32 to vector<16xi32>
          %mul3A_690 = arith.muli %shift_right_arithmetic3A_687, %mul3A_689 : vector<16xi32>
          %shift_right_arithmetic3A_691 = arith.constant 7 : i32
          %shift_right_arithmetic3A_692 = vector.broadcast %shift_right_arithmetic3A_691 : i32 to vector<16xi32>
          %shift_right_arithmetic3A_693 = arith.shrsi %sub3A_680, %shift_right_arithmetic3A_692 : vector<16xi32>
          %shift_left3A_694 = arith.constant 10 : i32
          %shift_left3A_695 = vector.broadcast %shift_left3A_694 : i32 to vector<16xi32>
          %shift_left3A_696 = arith.shli %shift_right_arithmetic3A_693, %shift_left3A_695 : vector<16xi32>
          %add3A_697 = arith.addi %mul3A_690, %shift_left3A_696 : vector<16xi32>
          %and3A_698 = arith.constant 7 : i32
          %and3A_699 = vector.broadcast %and3A_698 : i32 to vector<16xi32>
          %and3A_700 = arith.andi %select_n3A_676, %and3A_699 : vector<16xi32>
          %shift_left3A_701 = arith.constant 7 : i32
          %shift_left3A_702 = vector.broadcast %shift_left3A_701 : i32 to vector<16xi32>
          %shift_left3A_703 = arith.shli %and3A_700, %shift_left3A_702 : vector<16xi32>
          %add3A_704 = arith.addi %add3A_697, %shift_left3A_703 : vector<16xi32>
          %and3A_705 = arith.constant 127 : i32
          %and3A_706 = vector.broadcast %and3A_705 : i32 to vector<16xi32>
          %and3A_707 = arith.andi %sub3A_680, %and3A_706 : vector<16xi32>
          %add3A_708 = arith.addi %add3A_704, %and3A_707 : vector<16xi32>
          %swap3A_709 = arith.constant 48 : index
          %swap3A_710 = tpu.vector_load %arg15[%swap3A_709] {strides = array<i32>} : memref<80xi32, #tpu.memory_space<vmem>>, vector<16xi32>,
          tpu.vector_store %arg15[%swap3A_709], %add3A_708 {strides = array<i32>} : memref<80xi32, #tpu.memory_space<vmem>>, vector<16xi32>,
          %mul3A_711 = arith.constant 80 : i32
          %mul3A_712 = arith.muli %add3A_426, %mul3A_711 : i32
          %add3A_713 = arith.constant 64 : i32
          %add3A_714 = arith.addi %mul3A_712, %add3A_713 : i32
          %get3A_715 = arith.index_cast %add3A_714 : i32 to index
          %get3A_716 = tpu.vector_load %arg6[%get3A_715] {strides = array<i32>} : memref<10000xi32, #tpu.memory_space<vmem>>, vector<16xi32>,
          %jit3A_717 = arith.constant 10000 : i32
          %div3A_718 = vector.broadcast %jit3A_717 : i32 to vector<16xi32>
          %div3A_719 = arith.divsi %get3A_716, %div3A_718 : vector<16xi32>
          %sign3A_720 = arith.constant 0 : i32
          %sign3A_721 = vector.broadcast %sign3A_720 : i32 to vector<16xi32>
          %sign3A_722 = arith.cmpi sgt, %get3A_716, %sign3A_721 : vector<16xi32>
          %sign3A_723 = arith.extui %sign3A_722 : vector<16xi1> to vector<16xi32>
          %sign3A_724 = arith.constant 0 : i32
          %sign3A_725 = vector.broadcast %sign3A_724 : i32 to vector<16xi32>
          %sign3A_726 = arith.cmpi slt, %get3A_716, %sign3A_725 : vector<16xi32>
          %sign3A_727 = arith.extui %sign3A_726 : vector<16xi1> to vector<16xi32>
          %sign3A_728 = arith.subi %sign3A_723, %sign3A_727 : vector<16xi32>
          %sign3A_729 = arith.constant 0 : i32
          %sign3A_730 = arith.cmpi sgt, %jit3A_717, %sign3A_729 : i32
          %sign3A_731 = arith.extui %sign3A_730 : i1 to i32
          %sign3A_732 = arith.constant 0 : i32
          %sign3A_733 = arith.cmpi slt, %jit3A_717, %sign3A_732 : i32
          %sign3A_734 = arith.extui %sign3A_733 : i1 to i32
          %sign3A_735 = arith.subi %sign3A_731, %sign3A_734 : i32
          %ne3A_736 = vector.broadcast %sign3A_735 : i32 to vector<16xi32>
          %ne3A_737 = arith.cmpi ne, %sign3A_728, %ne3A_736 : vector<16xi32>
          %rem3A_738 = vector.broadcast %jit3A_717 : i32 to vector<16xi32>
          %rem3A_739 = arith.remsi %get3A_716, %rem3A_738 : vector<16xi32>
          %ne3A_740 = arith.constant 0 : i32
          %ne3A_741 = vector.broadcast %ne3A_740 : i32 to vector<16xi32>
          %ne3A_742 = arith.cmpi ne, %rem3A_739, %ne3A_741 : vector<16xi32>
          %and3A_743 = arith.andi %ne3A_737, %ne3A_742 : vector<16xi1>
          %sub3A_744 = arith.constant 1 : i32
          %sub3A_745 = vector.broadcast %sub3A_744 : i32 to vector<16xi32>
          %sub3A_746 = arith.subi %div3A_719, %sub3A_745 : vector<16xi32>
          %select_n3A_747 = arith.select %and3A_743, %sub3A_746, %div3A_719 : vector<16xi1>, vector<16xi32>
          %mul3A_748 = arith.constant 10000 : i32
          %mul3A_749 = vector.broadcast %mul3A_748 : i32 to vector<16xi32>
          %mul3A_750 = arith.muli %select_n3A_747, %mul3A_749 : vector<16xi32>
          %sub3A_751 = arith.subi %get3A_716, %mul3A_750 : vector<16xi32>
          %swap3A_752 = arith.constant 64 : index
          %swap3A_753 = tpu.vector_load %arg9[%swap3A_752] {strides = array<i32>} : memref<80xi32, #tpu.memory_space<vmem>>, vector<16xi32>,
          tpu.vector_store %arg9[%swap3A_752], %select_n3A_747 {strides = array<i32>} : memref<80xi32, #tpu.memory_space<vmem>>, vector<16xi32>,
          %swap3A_754 = arith.constant 64 : index
          %swap3A_755 = tpu.vector_load %arg12[%swap3A_754] {strides = array<i32>} : memref<80xi32, #tpu.memory_space<vmem>>, vector<16xi32>,
          tpu.vector_store %arg12[%swap3A_754], %sub3A_751 {strides = array<i32>} : memref<80xi32, #tpu.memory_space<vmem>>, vector<16xi32>,
          %shift_right_arithmetic3A_756 = arith.constant 3 : i32
          %shift_right_arithmetic3A_757 = vector.broadcast %shift_right_arithmetic3A_756 : i32 to vector<16xi32>
          %shift_right_arithmetic3A_758 = arith.shrsi %select_n3A_747, %shift_right_arithmetic3A_757 : vector<16xi32>
          %mul3A_759 = arith.constant 80896 : i32
          %mul3A_760 = vector.broadcast %mul3A_759 : i32 to vector<16xi32>
          %mul3A_761 = arith.muli %shift_right_arithmetic3A_758, %mul3A_760 : vector<16xi32>
          %shift_right_arithmetic3A_762 = arith.constant 7 : i32
          %shift_right_arithmetic3A_763 = vector.broadcast %shift_right_arithmetic3A_762 : i32 to vector<16xi32>
          %shift_right_arithmetic3A_764 = arith.shrsi %sub3A_751, %shift_right_arithmetic3A_763 : vector<16xi32>
          %shift_left3A_765 = arith.constant 10 : i32
          %shift_left3A_766 = vector.broadcast %shift_left3A_765 : i32 to vector<16xi32>
          %shift_left3A_767 = arith.shli %shift_right_arithmetic3A_764, %shift_left3A_766 : vector<16xi32>
          %add3A_768 = arith.addi %mul3A_761, %shift_left3A_767 : vector<16xi32>
          %and3A_769 = arith.constant 7 : i32
          %and3A_770 = vector.broadcast %and3A_769 : i32 to vector<16xi32>
          %and3A_771 = arith.andi %select_n3A_747, %and3A_770 : vector<16xi32>
          %shift_left3A_772 = arith.constant 7 : i32
          %shift_left3A_773 = vector.broadcast %shift_left3A_772 : i32 to vector<16xi32>
          %shift_left3A_774 = arith.shli %and3A_771, %shift_left3A_773 : vector<16xi32>
          %add3A_775 = arith.addi %add3A_768, %shift_left3A_774 : vector<16xi32>
          %and3A_776 = arith.constant 127 : i32
          %and3A_777 = vector.broadcast %and3A_776 : i32 to vector<16xi32>
          %and3A_778 = arith.andi %sub3A_751, %and3A_777 : vector<16xi32>
          %add3A_779 = arith.addi %add3A_775, %and3A_778 : vector<16xi32>
          %swap3A_780 = arith.constant 64 : index
          %swap3A_781 = tpu.vector_load %arg15[%swap3A_780] {strides = array<i32>} : memref<80xi32, #tpu.memory_space<vmem>>, vector<16xi32>,
          tpu.vector_store %arg15[%swap3A_780], %add3A_779 {strides = array<i32>} : memref<80xi32, #tpu.memory_space<vmem>>, vector<16xi32>,
          %dma_start3A_782 = arith.constant 0 : i32
          %dma_start3A_783 = tpu.memref_slice %arg4[%dma_start3A_782] : memref<101120000xf32, #tpu.memory_space<hbm>> -> memref<101120000xf32, #tpu.memory_space<hbm>>
          tpu.enqueue_indirect_dma source(%dma_start3A_783 : memref<101120000xf32, #tpu.memory_space<hbm>>) target(%arg18 : memref<80xf32, #tpu.memory_space<vmem>>) offsets(%arg15 : memref<80xi32, #tpu.memory_space<vmem>>) semaphore(%arg25 : memref<!tpu.dma_semaphore, #tpu.memory_space<semaphore_mem>>)
          %dma_start3A_784 = arith.constant 0 : i32
          %dma_start3A_785 = arith.constant 0 : i32
          %dma_start3A_786 = tpu.memref_slice %arg2[%dma_start3A_784, %dma_start3A_785] : memref<10000x128xf32, #tpu.memory_space<hbm>> -> memref<10000x128xf32, #tpu.memory_space<hbm>>
          tpu.enqueue_indirect_dma source(%dma_start3A_786 : memref<10000x128xf32, #tpu.memory_space<hbm>>) target(%arg21 : memref<80x128xf32, #tpu.memory_space<vmem>>) offsets(%arg9 : memref<80xi32, #tpu.memory_space<vmem>>) semaphore(%arg28 : memref<!tpu.dma_semaphore, #tpu.memory_space<semaphore_mem>>)
        } else {
        }
        %dma_wait3A_411 = arith.constant 0 : i32
        %dma_wait3A_412 = tpu.memref_slice %arg4[%dma_wait3A_411] : memref<101120000xf32, #tpu.memory_space<hbm>> -> memref<101120000xf32, #tpu.memory_space<hbm>>
        tpu.wait_indirect_dma semaphore(%arg24 : memref<!tpu.dma_semaphore, #tpu.memory_space<semaphore_mem>>) src(%dma_wait3A_412 : memref<101120000xf32, #tpu.memory_space<hbm>>) dst(%arg17 : memref<80xf32, #tpu.memory_space<vmem>>)
        %dma_wait3A_413 = arith.constant 0 : i32
        %dma_wait3A_414 = arith.constant 0 : i32
        %dma_wait3A_415 = tpu.memref_slice %arg2[%dma_wait3A_413, %dma_wait3A_414] : memref<10000x128xf32, #tpu.memory_space<hbm>> -> memref<10000x128xf32, #tpu.memory_space<hbm>>
        tpu.wait_indirect_dma semaphore(%arg27 : memref<!tpu.dma_semaphore, #tpu.memory_space<semaphore_mem>>) src(%dma_wait3A_415 : memref<10000x128xf32, #tpu.memory_space<hbm>>) dst(%arg20 : memref<80x128xf32, #tpu.memory_space<vmem>>)
        %scan3A_416 = arith.constant 0 : i32
        %scan3A_417 = arith.constant 0 : i32
        %scan3A_418 = arith.constant 20 : i32
        %scan3A_419 = arith.addi %scan3A_417, %scan3A_418 : i32
        %scan3A_420 = arith.constant 1 : i32
        scf.for %scan3A_425 = %scan3A_417 to %scan3A_419 step %scan3A_420  : i32 {
          %mul3A_426 = arith.constant 4 : i32
          %mul3A_427 = arith.muli %scan3A_425, %mul3A_426 : i32
          %add3A_428 = arith.constant 0 : i32
          %add3A_429 = arith.addi %mul3A_427, %add3A_428 : i32
          %broadcast_in_dim3A = vector.broadcast %add3A_429 : i32 to vector<16xi32>
          %gather3A = tpu.vector_load_idx %arg17[%broadcast_in_dim3A] : memref<80xf32, #tpu.memory_space<vmem>>[vector<16xi32>], vector<16xf32>,
          %get3A_430 = arith.index_cast %add3A_429 : i32 to index
          %get3A_431 = arith.constant 0 : index
          %get3A_432 = tpu.vector_load %arg20[%get3A_430, %get3A_431] {strides = array<i32>} : memref<80x128xf32, #tpu.memory_space<vmem>>, vector<16xf32>,
          %mul3A_433 = arith.mulf %get3A_432, %gather3A : vector<16xf32>
          %swap3A_434 = arith.index_cast %add3A_429 : i32 to index
          %swap3A_435 = arith.constant 0 : index
          %swap3A_436 = tpu.vector_load %arg20[%swap3A_434, %swap3A_435] {strides = array<i32>} : memref<80x128xf32, #tpu.memory_space<vmem>>, vector<16xf32>,
          tpu.vector_store %arg20[%swap3A_434, %swap3A_435], %mul3A_433 {strides = array<i32>} : memref<80x128xf32, #tpu.memory_space<vmem>>, vector<16xf32>,
          %get3A_437 = arith.index_cast %add3A_429 : i32 to index
          %get3A_438 = arith.constant 16 : index
          %get3A_439 = tpu.vector_load %arg20[%get3A_437, %get3A_438] {strides = array<i32>} : memref<80x128xf32, #tpu.memory_space<vmem>>, vector<16xf32>,
          %mul3A_440 = arith.mulf %get3A_439, %gather3A : vector<16xf32>
          %swap3A_441 = arith.index_cast %add3A_429 : i32 to index
          %swap3A_442 = arith.constant 16 : index
          %swap3A_443 = tpu.vector_load %arg20[%swap3A_441, %swap3A_442] {strides = array<i32>} : memref<80x128xf32, #tpu.memory_space<vmem>>, vector<16xf32>,
          tpu.vector_store %arg20[%swap3A_441, %swap3A_442], %mul3A_440 {strides = array<i32>} : memref<80x128xf32, #tpu.memory_space<vmem>>, vector<16xf32>,
          %get3A_444 = arith.index_cast %add3A_429 : i32 to index
          %get3A_445 = arith.constant 32 : index
          %get3A_446 = tpu.vector_load %arg20[%get3A_444, %get3A_445] {strides = array<i32>} : memref<80x128xf32, #tpu.memory_space<vmem>>, vector<16xf32>,
          %mul3A_447 = arith.mulf %get3A_446, %gather3A : vector<16xf32>
          %swap3A_448 = arith.index_cast %add3A_429 : i32 to index
          %swap3A_449 = arith.constant 32 : index
          %swap3A_450 = tpu.vector_load %arg20[%swap3A_448, %swap3A_449] {strides = array<i32>} : memref<80x128xf32, #tpu.memory_space<vmem>>, vector<16xf32>,
          tpu.vector_store %arg20[%swap3A_448, %swap3A_449], %mul3A_447 {strides = array<i32>} : memref<80x128xf32, #tpu.memory_space<vmem>>, vector<16xf32>,
          %get3A_451 = arith.index_cast %add3A_429 : i32 to index
          %get3A_452 = arith.constant 48 : index
          %get3A_453 = tpu.vector_load %arg20[%get3A_451, %get3A_452] {strides = array<i32>} : memref<80x128xf32, #tpu.memory_space<vmem>>, vector<16xf32>,
          %mul3A_454 = arith.mulf %get3A_453, %gather3A : vector<16xf32>
          %swap3A_455 = arith.index_cast %add3A_429 : i32 to index
          %swap3A_456 = arith.constant 48 : index
          %swap3A_457 = tpu.vector_load %arg20[%swap3A_455, %swap3A_456] {strides = array<i32>} : memref<80x128xf32, #tpu.memory_space<vmem>>, vector<16xf32>,
          tpu.vector_store %arg20[%swap3A_455, %swap3A_456], %mul3A_454 {strides = array<i32>} : memref<80x128xf32, #tpu.memory_space<vmem>>, vector<16xf32>,
          %get3A_458 = arith.index_cast %add3A_429 : i32 to index
          %get3A_459 = arith.constant 64 : index
          %get3A_460 = tpu.vector_load %arg20[%get3A_458, %get3A_459] {strides = array<i32>} : memref<80x128xf32, #tpu.memory_space<vmem>>, vector<16xf32>,
          %mul3A_461 = arith.mulf %get3A_460, %gather3A : vector<16xf32>
          %swap3A_462 = arith.index_cast %add3A_429 : i32 to index
          %swap3A_463 = arith.constant 64 : index
          %swap3A_464 = tpu.vector_load %arg20[%swap3A_462, %swap3A_463] {strides = array<i32>} : memref<80x128xf32, #tpu.memory_space<vmem>>, vector<16xf32>,
          tpu.vector_store %arg20[%swap3A_462, %swap3A_463], %mul3A_461 {strides = array<i32>} : memref<80x128xf32, #tpu.memory_space<vmem>>, vector<16xf32>,
          %get3A_465 = arith.index_cast %add3A_429 : i32 to index
          %get3A_466 = arith.constant 80 : index
          %get3A_467 = tpu.vector_load %arg20[%get3A_465, %get3A_466] {strides = array<i32>} : memref<80x128xf32, #tpu.memory_space<vmem>>, vector<16xf32>,
          %mul3A_468 = arith.mulf %get3A_467, %gather3A : vector<16xf32>
          %swap3A_469 = arith.index_cast %add3A_429 : i32 to index
          %swap3A_470 = arith.constant 80 : index
          %swap3A_471 = tpu.vector_load %arg20[%swap3A_469, %swap3A_470] {strides = array<i32>} : memref<80x128xf32, #tpu.memory_space<vmem>>, vector<16xf32>,
          tpu.vector_store %arg20[%swap3A_469, %swap3A_470], %mul3A_468 {strides = array<i32>} : memref<80x128xf32, #tpu.memory_space<vmem>>, vector<16xf32>,
          %get3A_472 = arith.index_cast %add3A_429 : i32 to index
          %get3A_473 = arith.constant 96 : index
          %get3A_474 = tpu.vector_load %arg20[%get3A_472, %get3A_473] {strides = array<i32>} : memref<80x128xf32, #tpu.memory_space<vmem>>, vector<16xf32>,
          %mul3A_475 = arith.mulf %get3A_474, %gather3A : vector<16xf32>
          %swap3A_476 = arith.index_cast %add3A_429 : i32 to index
          %swap3A_477 = arith.constant 96 : index
          %swap3A_478 = tpu.vector_load %arg20[%swap3A_476, %swap3A_477] {strides = array<i32>} : memref<80x128xf32, #tpu.memory_space<vmem>>, vector<16xf32>,
          tpu.vector_store %arg20[%swap3A_476, %swap3A_477], %mul3A_475 {strides = array<i32>} : memref<80x128xf32, #tpu.memory_space<vmem>>, vector<16xf32>,
          %get3A_479 = arith.index_cast %add3A_429 : i32 to index
          %get3A_480 = arith.constant 112 : index
          %get3A_481 = tpu.vector_load %arg20[%get3A_479, %get3A_480] {strides = array<i32>} : memref<80x128xf32, #tpu.memory_space<vmem>>, vector<16xf32>,
          %mul3A_482 = arith.mulf %get3A_481, %gather3A : vector<16xf32>
          %swap3A_483 = arith.index_cast %add3A_429 : i32 to index
          %swap3A_484 = arith.constant 112 : index
          %swap3A_485 = tpu.vector_load %arg20[%swap3A_483, %swap3A_484] {strides = array<i32>} : memref<80x128xf32, #tpu.memory_space<vmem>>, vector<16xf32>,
          tpu.vector_store %arg20[%swap3A_483, %swap3A_484], %mul3A_482 {strides = array<i32>} : memref<80x128xf32, #tpu.memory_space<vmem>>, vector<16xf32>,
          %mul3A_486 = arith.constant 4 : i32
          %mul3A_487 = arith.muli %scan3A_425, %mul3A_486 : i32
          %add3A_488 = arith.constant 1 : i32
          %add3A_489 = arith.addi %mul3A_487, %add3A_488 : i32
          %broadcast_in_dim3A_490 = vector.broadcast %add3A_489 : i32 to vector<16xi32>
          %gather3A_491 = tpu.vector_load_idx %arg17[%broadcast_in_dim3A_490] : memref<80xf32, #tpu.memory_space<vmem>>[vector<16xi32>], vector<16xf32>,
          %get3A_492 = arith.index_cast %add3A_489 : i32 to index
          %get3A_493 = arith.constant 0 : index
          %get3A_494 = tpu.vector_load %arg20[%get3A_492, %get3A_493] {strides = array<i32>} : memref<80x128xf32, #tpu.memory_space<vmem>>, vector<16xf32>,
          %mul3A_495 = arith.mulf %get3A_494, %gather3A_491 : vector<16xf32>
          %swap3A_496 = arith.index_cast %add3A_489 : i32 to index
          %swap3A_497 = arith.constant 0 : index
          %swap3A_498 = tpu.vector_load %arg20[%swap3A_496, %swap3A_497] {strides = array<i32>} : memref<80x128xf32, #tpu.memory_space<vmem>>, vector<16xf32>,
          tpu.vector_store %arg20[%swap3A_496, %swap3A_497], %mul3A_495 {strides = array<i32>} : memref<80x128xf32, #tpu.memory_space<vmem>>, vector<16xf32>,
          %get3A_499 = arith.index_cast %add3A_489 : i32 to index
          %get3A_500 = arith.constant 16 : index
          %get3A_501 = tpu.vector_load %arg20[%get3A_499, %get3A_500] {strides = array<i32>} : memref<80x128xf32, #tpu.memory_space<vmem>>, vector<16xf32>,
          %mul3A_502 = arith.mulf %get3A_501, %gather3A_491 : vector<16xf32>
          %swap3A_503 = arith.index_cast %add3A_489 : i32 to index
          %swap3A_504 = arith.constant 16 : index
          %swap3A_505 = tpu.vector_load %arg20[%swap3A_503, %swap3A_504] {strides = array<i32>} : memref<80x128xf32, #tpu.memory_space<vmem>>, vector<16xf32>,
          tpu.vector_store %arg20[%swap3A_503, %swap3A_504], %mul3A_502 {strides = array<i32>} : memref<80x128xf32, #tpu.memory_space<vmem>>, vector<16xf32>,
          %get3A_506 = arith.index_cast %add3A_489 : i32 to index
          %get3A_507 = arith.constant 32 : index
          %get3A_508 = tpu.vector_load %arg20[%get3A_506, %get3A_507] {strides = array<i32>} : memref<80x128xf32, #tpu.memory_space<vmem>>, vector<16xf32>,
          %mul3A_509 = arith.mulf %get3A_508, %gather3A_491 : vector<16xf32>
          %swap3A_510 = arith.index_cast %add3A_489 : i32 to index
          %swap3A_511 = arith.constant 32 : index
          %swap3A_512 = tpu.vector_load %arg20[%swap3A_510, %swap3A_511] {strides = array<i32>} : memref<80x128xf32, #tpu.memory_space<vmem>>, vector<16xf32>,
          tpu.vector_store %arg20[%swap3A_510, %swap3A_511], %mul3A_509 {strides = array<i32>} : memref<80x128xf32, #tpu.memory_space<vmem>>, vector<16xf32>,
          %get3A_513 = arith.index_cast %add3A_489 : i32 to index
          %get3A_514 = arith.constant 48 : index
          %get3A_515 = tpu.vector_load %arg20[%get3A_513, %get3A_514] {strides = array<i32>} : memref<80x128xf32, #tpu.memory_space<vmem>>, vector<16xf32>,
          %mul3A_516 = arith.mulf %get3A_515, %gather3A_491 : vector<16xf32>
          %swap3A_517 = arith.index_cast %add3A_489 : i32 to index
          %swap3A_518 = arith.constant 48 : index
          %swap3A_519 = tpu.vector_load %arg20[%swap3A_517, %swap3A_518] {strides = array<i32>} : memref<80x128xf32, #tpu.memory_space<vmem>>, vector<16xf32>,
          tpu.vector_store %arg20[%swap3A_517, %swap3A_518], %mul3A_516 {strides = array<i32>} : memref<80x128xf32, #tpu.memory_space<vmem>>, vector<16xf32>,
          %get3A_520 = arith.index_cast %add3A_489 : i32 to index
          %get3A_521 = arith.constant 64 : index
          %get3A_522 = tpu.vector_load %arg20[%get3A_520, %get3A_521] {strides = array<i32>} : memref<80x128xf32, #tpu.memory_space<vmem>>, vector<16xf32>,
          %mul3A_523 = arith.mulf %get3A_522, %gather3A_491 : vector<16xf32>
          %swap3A_524 = arith.index_cast %add3A_489 : i32 to index
          %swap3A_525 = arith.constant 64 : index
          %swap3A_526 = tpu.vector_load %arg20[%swap3A_524, %swap3A_525] {strides = array<i32>} : memref<80x128xf32, #tpu.memory_space<vmem>>, vector<16xf32>,
          tpu.vector_store %arg20[%swap3A_524, %swap3A_525], %mul3A_523 {strides = array<i32>} : memref<80x128xf32, #tpu.memory_space<vmem>>, vector<16xf32>,
          %get3A_527 = arith.index_cast %add3A_489 : i32 to index
          %get3A_528 = arith.constant 80 : index
          %get3A_529 = tpu.vector_load %arg20[%get3A_527, %get3A_528] {strides = array<i32>} : memref<80x128xf32, #tpu.memory_space<vmem>>, vector<16xf32>,
          %mul3A_530 = arith.mulf %get3A_529, %gather3A_491 : vector<16xf32>
          %swap3A_531 = arith.index_cast %add3A_489 : i32 to index
          %swap3A_532 = arith.constant 80 : index
          %swap3A_533 = tpu.vector_load %arg20[%swap3A_531, %swap3A_532] {strides = array<i32>} : memref<80x128xf32, #tpu.memory_space<vmem>>, vector<16xf32>,
          tpu.vector_store %arg20[%swap3A_531, %swap3A_532], %mul3A_530 {strides = array<i32>} : memref<80x128xf32, #tpu.memory_space<vmem>>, vector<16xf32>,
          %get3A_534 = arith.index_cast %add3A_489 : i32 to index
          %get3A_535 = arith.constant 96 : index
          %get3A_536 = tpu.vector_load %arg20[%get3A_534, %get3A_535] {strides = array<i32>} : memref<80x128xf32, #tpu.memory_space<vmem>>, vector<16xf32>,
          %mul3A_537 = arith.mulf %get3A_536, %gather3A_491 : vector<16xf32>
          %swap3A_538 = arith.index_cast %add3A_489 : i32 to index
          %swap3A_539 = arith.constant 96 : index
          %swap3A_540 = tpu.vector_load %arg20[%swap3A_538, %swap3A_539] {strides = array<i32>} : memref<80x128xf32, #tpu.memory_space<vmem>>, vector<16xf32>,
          tpu.vector_store %arg20[%swap3A_538, %swap3A_539], %mul3A_537 {strides = array<i32>} : memref<80x128xf32, #tpu.memory_space<vmem>>, vector<16xf32>,
          %get3A_541 = arith.index_cast %add3A_489 : i32 to index
          %get3A_542 = arith.constant 112 : index
          %get3A_543 = tpu.vector_load %arg20[%get3A_541, %get3A_542] {strides = array<i32>} : memref<80x128xf32, #tpu.memory_space<vmem>>, vector<16xf32>,
          %mul3A_544 = arith.mulf %get3A_543, %gather3A_491 : vector<16xf32>
          %swap3A_545 = arith.index_cast %add3A_489 : i32 to index
          %swap3A_546 = arith.constant 112 : index
          %swap3A_547 = tpu.vector_load %arg20[%swap3A_545, %swap3A_546] {strides = array<i32>} : memref<80x128xf32, #tpu.memory_space<vmem>>, vector<16xf32>,
          tpu.vector_store %arg20[%swap3A_545, %swap3A_546], %mul3A_544 {strides = array<i32>} : memref<80x128xf32, #tpu.memory_space<vmem>>, vector<16xf32>,
          %mul3A_548 = arith.constant 4 : i32
          %mul3A_549 = arith.muli %scan3A_425, %mul3A_548 : i32
          %add3A_550 = arith.constant 2 : i32
          %add3A_551 = arith.addi %mul3A_549, %add3A_550 : i32
          %broadcast_in_dim3A_552 = vector.broadcast %add3A_551 : i32 to vector<16xi32>
          %gather3A_553 = tpu.vector_load_idx %arg17[%broadcast_in_dim3A_552] : memref<80xf32, #tpu.memory_space<vmem>>[vector<16xi32>], vector<16xf32>,
          %get3A_554 = arith.index_cast %add3A_551 : i32 to index
          %get3A_555 = arith.constant 0 : index
          %get3A_556 = tpu.vector_load %arg20[%get3A_554, %get3A_555] {strides = array<i32>} : memref<80x128xf32, #tpu.memory_space<vmem>>, vector<16xf32>,
          %mul3A_557 = arith.mulf %get3A_556, %gather3A_553 : vector<16xf32>
          %swap3A_558 = arith.index_cast %add3A_551 : i32 to index
          %swap3A_559 = arith.constant 0 : index
          %swap3A_560 = tpu.vector_load %arg20[%swap3A_558, %swap3A_559] {strides = array<i32>} : memref<80x128xf32, #tpu.memory_space<vmem>>, vector<16xf32>,
          tpu.vector_store %arg20[%swap3A_558, %swap3A_559], %mul3A_557 {strides = array<i32>} : memref<80x128xf32, #tpu.memory_space<vmem>>, vector<16xf32>,
          %get3A_561 = arith.index_cast %add3A_551 : i32 to index
          %get3A_562 = arith.constant 16 : index
          %get3A_563 = tpu.vector_load %arg20[%get3A_561, %get3A_562] {strides = array<i32>} : memref<80x128xf32, #tpu.memory_space<vmem>>, vector<16xf32>,
          %mul3A_564 = arith.mulf %get3A_563, %gather3A_553 : vector<16xf32>
          %swap3A_565 = arith.index_cast %add3A_551 : i32 to index
          %swap3A_566 = arith.constant 16 : index
          %swap3A_567 = tpu.vector_load %arg20[%swap3A_565, %swap3A_566] {strides = array<i32>} : memref<80x128xf32, #tpu.memory_space<vmem>>, vector<16xf32>,
          tpu.vector_store %arg20[%swap3A_565, %swap3A_566], %mul3A_564 {strides = array<i32>} : memref<80x128xf32, #tpu.memory_space<vmem>>, vector<16xf32>,
          %get3A_568 = arith.index_cast %add3A_551 : i32 to index
          %get3A_569 = arith.constant 32 : index
          %get3A_570 = tpu.vector_load %arg20[%get3A_568, %get3A_569] {strides = array<i32>} : memref<80x128xf32, #tpu.memory_space<vmem>>, vector<16xf32>,
          %mul3A_571 = arith.mulf %get3A_570, %gather3A_553 : vector<16xf32>
          %swap3A_572 = arith.index_cast %add3A_551 : i32 to index
          %swap3A_573 = arith.constant 32 : index
          %swap3A_574 = tpu.vector_load %arg20[%swap3A_572, %swap3A_573] {strides = array<i32>} : memref<80x128xf32, #tpu.memory_space<vmem>>, vector<16xf32>,
          tpu.vector_store %arg20[%swap3A_572, %swap3A_573], %mul3A_571 {strides = array<i32>} : memref<80x128xf32, #tpu.memory_space<vmem>>, vector<16xf32>,
          %get3A_575 = arith.index_cast %add3A_551 : i32 to index
          %get3A_576 = arith.constant 48 : index
          %get3A_577 = tpu.vector_load %arg20[%get3A_575, %get3A_576] {strides = array<i32>} : memref<80x128xf32, #tpu.memory_space<vmem>>, vector<16xf32>,
          %mul3A_578 = arith.mulf %get3A_577, %gather3A_553 : vector<16xf32>
          %swap3A_579 = arith.index_cast %add3A_551 : i32 to index
          %swap3A_580 = arith.constant 48 : index
          %swap3A_581 = tpu.vector_load %arg20[%swap3A_579, %swap3A_580] {strides = array<i32>} : memref<80x128xf32, #tpu.memory_space<vmem>>, vector<16xf32>,
          tpu.vector_store %arg20[%swap3A_579, %swap3A_580], %mul3A_578 {strides = array<i32>} : memref<80x128xf32, #tpu.memory_space<vmem>>, vector<16xf32>,
          %get3A_582 = arith.index_cast %add3A_551 : i32 to index
          %get3A_583 = arith.constant 64 : index
          %get3A_584 = tpu.vector_load %arg20[%get3A_582, %get3A_583] {strides = array<i32>} : memref<80x128xf32, #tpu.memory_space<vmem>>, vector<16xf32>,
          %mul3A_585 = arith.mulf %get3A_584, %gather3A_553 : vector<16xf32>
          %swap3A_586 = arith.index_cast %add3A_551 : i32 to index
          %swap3A_587 = arith.constant 64 : index
          %swap3A_588 = tpu.vector_load %arg20[%swap3A_586, %swap3A_587] {strides = array<i32>} : memref<80x128xf32, #tpu.memory_space<vmem>>, vector<16xf32>,
          tpu.vector_store %arg20[%swap3A_586, %swap3A_587], %mul3A_585 {strides = array<i32>} : memref<80x128xf32, #tpu.memory_space<vmem>>, vector<16xf32>,
          %get3A_589 = arith.index_cast %add3A_551 : i32 to index
          %get3A_590 = arith.constant 80 : index
          %get3A_591 = tpu.vector_load %arg20[%get3A_589, %get3A_590] {strides = array<i32>} : memref<80x128xf32, #tpu.memory_space<vmem>>, vector<16xf32>,
          %mul3A_592 = arith.mulf %get3A_591, %gather3A_553 : vector<16xf32>
          %swap3A_593 = arith.index_cast %add3A_551 : i32 to index
          %swap3A_594 = arith.constant 80 : index
          %swap3A_595 = tpu.vector_load %arg20[%swap3A_593, %swap3A_594] {strides = array<i32>} : memref<80x128xf32, #tpu.memory_space<vmem>>, vector<16xf32>,
          tpu.vector_store %arg20[%swap3A_593, %swap3A_594], %mul3A_592 {strides = array<i32>} : memref<80x128xf32, #tpu.memory_space<vmem>>, vector<16xf32>,
          %get3A_596 = arith.index_cast %add3A_551 : i32 to index
          %get3A_597 = arith.constant 96 : index
          %get3A_598 = tpu.vector_load %arg20[%get3A_596, %get3A_597] {strides = array<i32>} : memref<80x128xf32, #tpu.memory_space<vmem>>, vector<16xf32>,
          %mul3A_599 = arith.mulf %get3A_598, %gather3A_553 : vector<16xf32>
          %swap3A_600 = arith.index_cast %add3A_551 : i32 to index
          %swap3A_601 = arith.constant 96 : index
          %swap3A_602 = tpu.vector_load %arg20[%swap3A_600, %swap3A_601] {strides = array<i32>} : memref<80x128xf32, #tpu.memory_space<vmem>>, vector<16xf32>,
          tpu.vector_store %arg20[%swap3A_600, %swap3A_601], %mul3A_599 {strides = array<i32>} : memref<80x128xf32, #tpu.memory_space<vmem>>, vector<16xf32>,
          %get3A_603 = arith.index_cast %add3A_551 : i32 to index
          %get3A_604 = arith.constant 112 : index
          %get3A_605 = tpu.vector_load %arg20[%get3A_603, %get3A_604] {strides = array<i32>} : memref<80x128xf32, #tpu.memory_space<vmem>>, vector<16xf32>,
          %mul3A_606 = arith.mulf %get3A_605, %gather3A_553 : vector<16xf32>
          %swap3A_607 = arith.index_cast %add3A_551 : i32 to index
          %swap3A_608 = arith.constant 112 : index
          %swap3A_609 = tpu.vector_load %arg20[%swap3A_607, %swap3A_608] {strides = array<i32>} : memref<80x128xf32, #tpu.memory_space<vmem>>, vector<16xf32>,
          tpu.vector_store %arg20[%swap3A_607, %swap3A_608], %mul3A_606 {strides = array<i32>} : memref<80x128xf32, #tpu.memory_space<vmem>>, vector<16xf32>,
          %mul3A_610 = arith.constant 4 : i32
          %mul3A_611 = arith.muli %scan3A_425, %mul3A_610 : i32
          %add3A_612 = arith.constant 3 : i32
          %add3A_613 = arith.addi %mul3A_611, %add3A_612 : i32
          %broadcast_in_dim3A_614 = vector.broadcast %add3A_613 : i32 to vector<16xi32>
          %gather3A_615 = tpu.vector_load_idx %arg17[%broadcast_in_dim3A_614] : memref<80xf32, #tpu.memory_space<vmem>>[vector<16xi32>], vector<16xf32>,
          %get3A_616 = arith.index_cast %add3A_613 : i32 to index
          %get3A_617 = arith.constant 0 : index
          %get3A_618 = tpu.vector_load %arg20[%get3A_616, %get3A_617] {strides = array<i32>} : memref<80x128xf32, #tpu.memory_space<vmem>>, vector<16xf32>,
          %mul3A_619 = arith.mulf %get3A_618, %gather3A_615 : vector<16xf32>
          %swap3A_620 = arith.index_cast %add3A_613 : i32 to index
          %swap3A_621 = arith.constant 0 : index
          %swap3A_622 = tpu.vector_load %arg20[%swap3A_620, %swap3A_621] {strides = array<i32>} : memref<80x128xf32, #tpu.memory_space<vmem>>, vector<16xf32>,
          tpu.vector_store %arg20[%swap3A_620, %swap3A_621], %mul3A_619 {strides = array<i32>} : memref<80x128xf32, #tpu.memory_space<vmem>>, vector<16xf32>,
          %get3A_623 = arith.index_cast %add3A_613 : i32 to index
          %get3A_624 = arith.constant 16 : index
          %get3A_625 = tpu.vector_load %arg20[%get3A_623, %get3A_624] {strides = array<i32>} : memref<80x128xf32, #tpu.memory_space<vmem>>, vector<16xf32>,
          %mul3A_626 = arith.mulf %get3A_625, %gather3A_615 : vector<16xf32>
          %swap3A_627 = arith.index_cast %add3A_613 : i32 to index
          %swap3A_628 = arith.constant 16 : index
          %swap3A_629 = tpu.vector_load %arg20[%swap3A_627, %swap3A_628] {strides = array<i32>} : memref<80x128xf32, #tpu.memory_space<vmem>>, vector<16xf32>,
          tpu.vector_store %arg20[%swap3A_627, %swap3A_628], %mul3A_626 {strides = array<i32>} : memref<80x128xf32, #tpu.memory_space<vmem>>, vector<16xf32>,
          %get3A_630 = arith.index_cast %add3A_613 : i32 to index
          %get3A_631 = arith.constant 32 : index
          %get3A_632 = tpu.vector_load %arg20[%get3A_630, %get3A_631] {strides = array<i32>} : memref<80x128xf32, #tpu.memory_space<vmem>>, vector<16xf32>,
          %mul3A_633 = arith.mulf %get3A_632, %gather3A_615 : vector<16xf32>
          %swap3A_634 = arith.index_cast %add3A_613 : i32 to index
          %swap3A_635 = arith.constant 32 : index
          %swap3A_636 = tpu.vector_load %arg20[%swap3A_634, %swap3A_635] {strides = array<i32>} : memref<80x128xf32, #tpu.memory_space<vmem>>, vector<16xf32>,
          tpu.vector_store %arg20[%swap3A_634, %swap3A_635], %mul3A_633 {strides = array<i32>} : memref<80x128xf32, #tpu.memory_space<vmem>>, vector<16xf32>,
          %get3A_637 = arith.index_cast %add3A_613 : i32 to index
          %get3A_638 = arith.constant 48 : index
          %get3A_639 = tpu.vector_load %arg20[%get3A_637, %get3A_638] {strides = array<i32>} : memref<80x128xf32, #tpu.memory_space<vmem>>, vector<16xf32>,
          %mul3A_640 = arith.mulf %get3A_639, %gather3A_615 : vector<16xf32>
          %swap3A_641 = arith.index_cast %add3A_613 : i32 to index
          %swap3A_642 = arith.constant 48 : index
          %swap3A_643 = tpu.vector_load %arg20[%swap3A_641, %swap3A_642] {strides = array<i32>} : memref<80x128xf32, #tpu.memory_space<vmem>>, vector<16xf32>,
          tpu.vector_store %arg20[%swap3A_641, %swap3A_642], %mul3A_640 {strides = array<i32>} : memref<80x128xf32, #tpu.memory_space<vmem>>, vector<16xf32>,
          %get3A_644 = arith.index_cast %add3A_613 : i32 to index
          %get3A_645 = arith.constant 64 : index
          %get3A_646 = tpu.vector_load %arg20[%get3A_644, %get3A_645] {strides = array<i32>} : memref<80x128xf32, #tpu.memory_space<vmem>>, vector<16xf32>,
          %mul3A_647 = arith.mulf %get3A_646, %gather3A_615 : vector<16xf32>
          %swap3A_648 = arith.index_cast %add3A_613 : i32 to index
          %swap3A_649 = arith.constant 64 : index
          %swap3A_650 = tpu.vector_load %arg20[%swap3A_648, %swap3A_649] {strides = array<i32>} : memref<80x128xf32, #tpu.memory_space<vmem>>, vector<16xf32>,
          tpu.vector_store %arg20[%swap3A_648, %swap3A_649], %mul3A_647 {strides = array<i32>} : memref<80x128xf32, #tpu.memory_space<vmem>>, vector<16xf32>,
          %get3A_651 = arith.index_cast %add3A_613 : i32 to index
          %get3A_652 = arith.constant 80 : index
          %get3A_653 = tpu.vector_load %arg20[%get3A_651, %get3A_652] {strides = array<i32>} : memref<80x128xf32, #tpu.memory_space<vmem>>, vector<16xf32>,
          %mul3A_654 = arith.mulf %get3A_653, %gather3A_615 : vector<16xf32>
          %swap3A_655 = arith.index_cast %add3A_613 : i32 to index
          %swap3A_656 = arith.constant 80 : index
          %swap3A_657 = tpu.vector_load %arg20[%swap3A_655, %swap3A_656] {strides = array<i32>} : memref<80x128xf32, #tpu.memory_space<vmem>>, vector<16xf32>,
          tpu.vector_store %arg20[%swap3A_655, %swap3A_656], %mul3A_654 {strides = array<i32>} : memref<80x128xf32, #tpu.memory_space<vmem>>, vector<16xf32>,
          %get3A_658 = arith.index_cast %add3A_613 : i32 to index
          %get3A_659 = arith.constant 96 : index
          %get3A_660 = tpu.vector_load %arg20[%get3A_658, %get3A_659] {strides = array<i32>} : memref<80x128xf32, #tpu.memory_space<vmem>>, vector<16xf32>,
          %mul3A_661 = arith.mulf %get3A_660, %gather3A_615 : vector<16xf32>
          %swap3A_662 = arith.index_cast %add3A_613 : i32 to index
          %swap3A_663 = arith.constant 96 : index
          %swap3A_664 = tpu.vector_load %arg20[%swap3A_662, %swap3A_663] {strides = array<i32>} : memref<80x128xf32, #tpu.memory_space<vmem>>, vector<16xf32>,
          tpu.vector_store %arg20[%swap3A_662, %swap3A_663], %mul3A_661 {strides = array<i32>} : memref<80x128xf32, #tpu.memory_space<vmem>>, vector<16xf32>,
          %get3A_665 = arith.index_cast %add3A_613 : i32 to index
          %get3A_666 = arith.constant 112 : index
          %get3A_667 = tpu.vector_load %arg20[%get3A_665, %get3A_666] {strides = array<i32>} : memref<80x128xf32, #tpu.memory_space<vmem>>, vector<16xf32>,
          %mul3A_668 = arith.mulf %get3A_667, %gather3A_615 : vector<16xf32>
          %swap3A_669 = arith.index_cast %add3A_613 : i32 to index
          %swap3A_670 = arith.constant 112 : index
          %swap3A_671 = tpu.vector_load %arg20[%swap3A_669, %swap3A_670] {strides = array<i32>} : memref<80x128xf32, #tpu.memory_space<vmem>>, vector<16xf32>,
          tpu.vector_store %arg20[%swap3A_669, %swap3A_670], %mul3A_668 {strides = array<i32>} : memref<80x128xf32, #tpu.memory_space<vmem>>, vector<16xf32>,
        }
        %scan3A_421 = arith.constant 20 : i32
        %dma_start3A_422 = arith.constant 0 : i32
        %dma_start3A_423 = arith.constant 0 : i32
        %dma_start3A_424 = tpu.memref_slice %arg22[%dma_start3A_422, %dma_start3A_423] : memref<10000x128xf32, #tpu.memory_space<vmem_shared>> -> memref<10000x128xf32, #tpu.memory_space<vmem_shared>>
        tpu.enqueue_indirect_dma source(%arg20 : memref<80x128xf32, #tpu.memory_space<vmem>>) target(%dma_start3A_424 : memref<10000x128xf32, #tpu.memory_space<vmem_shared>>) offsets(%arg11 : memref<80xi32, #tpu.memory_space<vmem>>) semaphore(%arg30 : memref<!tpu.dma_semaphore, #tpu.memory_space<semaphore_mem>>) {add = true}
      } else {
      }
      %mul3A_390 = arith.constant 3 : i32
      %mul3A_391 = arith.muli %scan3A_372, %mul3A_390 : i32
      %add3A_392 = arith.constant 2 : i32
      %add3A_393 = arith.addi %mul3A_391, %add3A_392 : i32
      %le3A_394 = arith.constant 124 : i32
      %le3A_395 = arith.cmpi sle, %add3A_393, %le3A_394 : i32
      %convert_element_type3A_396 = arith.extui %le3A_395 : i1 to i32
      %cond3A_397 = arith.constant 0 : i32
      %cond3A_398 = arith.cmpi ne, %convert_element_type3A_396, %cond3A_397 : i32
      scf.if %cond3A_398 {
        %ge3A = arith.constant 2 : i32
        %ge3A_399 = arith.cmpi sge, %add3A_393, %ge3A : i32
        %le3A_400 = arith.constant 123 : i32
        %le3A_401 = arith.cmpi sle, %add3A_393, %le3A_400 : i32
        %and3A_402 = arith.andi %ge3A_399, %le3A_401 : i1
        %convert_element_type3A_403 = arith.extui %and3A_402 : i1 to i32
        %cond3A_404 = arith.constant 0 : i32
        %cond3A_405 = arith.cmpi ne, %convert_element_type3A_403, %cond3A_404 : i32
        scf.if %cond3A_405 {
          %sub3A_425 = arith.constant 2 : i32
          %sub3A_426 = arith.subi %add3A_393, %sub3A_425 : i32
          %dma_wait3A_427 = arith.constant 0 : i32
          %dma_wait3A_428 = arith.constant 0 : i32
          %dma_wait3A_429 = tpu.memref_slice %arg22[%dma_wait3A_427, %dma_wait3A_428] : memref<10000x128xf32, #tpu.memory_space<vmem_shared>> -> memref<10000x128xf32, #tpu.memory_space<vmem_shared>>
          tpu.wait_indirect_dma semaphore(%arg29 : memref<!tpu.dma_semaphore, #tpu.memory_space<semaphore_mem>>) src(%arg19 : memref<80x128xf32, #tpu.memory_space<vmem>>) dst(%dma_wait3A_429 : memref<10000x128xf32, #tpu.memory_space<vmem_shared>>)
        } else {
        }
        %le3A_406 = arith.constant 123 : i32
        %le3A_407 = arith.cmpi sle, %add3A_393, %le3A_406 : i32
        %convert_element_type3A_408 = arith.extui %le3A_407 : i1 to i32
        %cond3A_409 = arith.constant 0 : i32
        %cond3A_410 = arith.cmpi ne, %convert_element_type3A_408, %cond3A_409 : i32
        scf.if %cond3A_410 {
          %add3A_425 = arith.constant 1 : i32
          %add3A_426 = arith.addi %add3A_393, %add3A_425 : i32
          %mul3A_427 = arith.constant 80 : i32
          %mul3A_428 = arith.muli %add3A_426, %mul3A_427 : i32
          %add3A_429 = arith.constant 0 : i32
          %add3A_430 = arith.addi %mul3A_428, %add3A_429 : i32
          %get3A_431 = arith.index_cast %add3A_430 : i32 to index
          %get3A_432 = tpu.vector_load %arg6[%get3A_431] {strides = array<i32>} : memref<10000xi32, #tpu.memory_space<vmem>>, vector<16xi32>,
          %jit3A_433 = arith.constant 10000 : i32
          %div3A_434 = vector.broadcast %jit3A_433 : i32 to vector<16xi32>
          %div3A_435 = arith.divsi %get3A_432, %div3A_434 : vector<16xi32>
          %sign3A_436 = arith.constant 0 : i32
          %sign3A_437 = vector.broadcast %sign3A_436 : i32 to vector<16xi32>
          %sign3A_438 = arith.cmpi sgt, %get3A_432, %sign3A_437 : vector<16xi32>
          %sign3A_439 = arith.extui %sign3A_438 : vector<16xi1> to vector<16xi32>
          %sign3A_440 = arith.constant 0 : i32
          %sign3A_441 = vector.broadcast %sign3A_440 : i32 to vector<16xi32>
          %sign3A_442 = arith.cmpi slt, %get3A_432, %sign3A_441 : vector<16xi32>
          %sign3A_443 = arith.extui %sign3A_442 : vector<16xi1> to vector<16xi32>
          %sign3A_444 = arith.subi %sign3A_439, %sign3A_443 : vector<16xi32>
          %sign3A_445 = arith.constant 0 : i32
          %sign3A_446 = arith.cmpi sgt, %jit3A_433, %sign3A_445 : i32
          %sign3A_447 = arith.extui %sign3A_446 : i1 to i32
          %sign3A_448 = arith.constant 0 : i32
          %sign3A_449 = arith.cmpi slt, %jit3A_433, %sign3A_448 : i32
          %sign3A_450 = arith.extui %sign3A_449 : i1 to i32
          %sign3A_451 = arith.subi %sign3A_447, %sign3A_450 : i32
          %ne3A_452 = vector.broadcast %sign3A_451 : i32 to vector<16xi32>
          %ne3A_453 = arith.cmpi ne, %sign3A_444, %ne3A_452 : vector<16xi32>
          %rem3A_454 = vector.broadcast %jit3A_433 : i32 to vector<16xi32>
          %rem3A_455 = arith.remsi %get3A_432, %rem3A_454 : vector<16xi32>
          %ne3A_456 = arith.constant 0 : i32
          %ne3A_457 = vector.broadcast %ne3A_456 : i32 to vector<16xi32>
          %ne3A_458 = arith.cmpi ne, %rem3A_455, %ne3A_457 : vector<16xi32>
          %and3A_459 = arith.andi %ne3A_453, %ne3A_458 : vector<16xi1>
          %sub3A_460 = arith.constant 1 : i32
          %sub3A_461 = vector.broadcast %sub3A_460 : i32 to vector<16xi32>
          %sub3A_462 = arith.subi %div3A_435, %sub3A_461 : vector<16xi32>
          %select_n3A_463 = arith.select %and3A_459, %sub3A_462, %div3A_435 : vector<16xi1>, vector<16xi32>
          %mul3A_464 = arith.constant 10000 : i32
          %mul3A_465 = vector.broadcast %mul3A_464 : i32 to vector<16xi32>
          %mul3A_466 = arith.muli %select_n3A_463, %mul3A_465 : vector<16xi32>
          %sub3A_467 = arith.subi %get3A_432, %mul3A_466 : vector<16xi32>
          %swap3A_468 = arith.constant 0 : index
          %swap3A_469 = tpu.vector_load %arg7[%swap3A_468] {strides = array<i32>} : memref<80xi32, #tpu.memory_space<vmem>>, vector<16xi32>,
          tpu.vector_store %arg7[%swap3A_468], %select_n3A_463 {strides = array<i32>} : memref<80xi32, #tpu.memory_space<vmem>>, vector<16xi32>,
          %swap3A_470 = arith.constant 0 : index
          %swap3A_471 = tpu.vector_load %arg10[%swap3A_470] {strides = array<i32>} : memref<80xi32, #tpu.memory_space<vmem>>, vector<16xi32>,
          tpu.vector_store %arg10[%swap3A_470], %sub3A_467 {strides = array<i32>} : memref<80xi32, #tpu.memory_space<vmem>>, vector<16xi32>,
          %shift_right_arithmetic3A_472 = arith.constant 3 : i32
          %shift_right_arithmetic3A_473 = vector.broadcast %shift_right_arithmetic3A_472 : i32 to vector<16xi32>
          %shift_right_arithmetic3A_474 = arith.shrsi %select_n3A_463, %shift_right_arithmetic3A_473 : vector<16xi32>
          %mul3A_475 = arith.constant 80896 : i32
          %mul3A_476 = vector.broadcast %mul3A_475 : i32 to vector<16xi32>
          %mul3A_477 = arith.muli %shift_right_arithmetic3A_474, %mul3A_476 : vector<16xi32>
          %shift_right_arithmetic3A_478 = arith.constant 7 : i32
          %shift_right_arithmetic3A_479 = vector.broadcast %shift_right_arithmetic3A_478 : i32 to vector<16xi32>
          %shift_right_arithmetic3A_480 = arith.shrsi %sub3A_467, %shift_right_arithmetic3A_479 : vector<16xi32>
          %shift_left3A_481 = arith.constant 10 : i32
          %shift_left3A_482 = vector.broadcast %shift_left3A_481 : i32 to vector<16xi32>
          %shift_left3A_483 = arith.shli %shift_right_arithmetic3A_480, %shift_left3A_482 : vector<16xi32>
          %add3A_484 = arith.addi %mul3A_477, %shift_left3A_483 : vector<16xi32>
          %and3A_485 = arith.constant 7 : i32
          %and3A_486 = vector.broadcast %and3A_485 : i32 to vector<16xi32>
          %and3A_487 = arith.andi %select_n3A_463, %and3A_486 : vector<16xi32>
          %shift_left3A_488 = arith.constant 7 : i32
          %shift_left3A_489 = vector.broadcast %shift_left3A_488 : i32 to vector<16xi32>
          %shift_left3A_490 = arith.shli %and3A_487, %shift_left3A_489 : vector<16xi32>
          %add3A_491 = arith.addi %add3A_484, %shift_left3A_490 : vector<16xi32>
          %and3A_492 = arith.constant 127 : i32
          %and3A_493 = vector.broadcast %and3A_492 : i32 to vector<16xi32>
          %and3A_494 = arith.andi %sub3A_467, %and3A_493 : vector<16xi32>
          %add3A_495 = arith.addi %add3A_491, %and3A_494 : vector<16xi32>
          %swap3A_496 = arith.constant 0 : index
          %swap3A_497 = tpu.vector_load %arg13[%swap3A_496] {strides = array<i32>} : memref<80xi32, #tpu.memory_space<vmem>>, vector<16xi32>,
          tpu.vector_store %arg13[%swap3A_496], %add3A_495 {strides = array<i32>} : memref<80xi32, #tpu.memory_space<vmem>>, vector<16xi32>,
          %mul3A_498 = arith.constant 80 : i32
          %mul3A_499 = arith.muli %add3A_426, %mul3A_498 : i32
          %add3A_500 = arith.constant 16 : i32
          %add3A_501 = arith.addi %mul3A_499, %add3A_500 : i32
          %get3A_502 = arith.index_cast %add3A_501 : i32 to index
          %get3A_503 = tpu.vector_load %arg6[%get3A_502] {strides = array<i32>} : memref<10000xi32, #tpu.memory_space<vmem>>, vector<16xi32>,
          %jit3A_504 = arith.constant 10000 : i32
          %div3A_505 = vector.broadcast %jit3A_504 : i32 to vector<16xi32>
          %div3A_506 = arith.divsi %get3A_503, %div3A_505 : vector<16xi32>
          %sign3A_507 = arith.constant 0 : i32
          %sign3A_508 = vector.broadcast %sign3A_507 : i32 to vector<16xi32>
          %sign3A_509 = arith.cmpi sgt, %get3A_503, %sign3A_508 : vector<16xi32>
          %sign3A_510 = arith.extui %sign3A_509 : vector<16xi1> to vector<16xi32>
          %sign3A_511 = arith.constant 0 : i32
          %sign3A_512 = vector.broadcast %sign3A_511 : i32 to vector<16xi32>
          %sign3A_513 = arith.cmpi slt, %get3A_503, %sign3A_512 : vector<16xi32>
          %sign3A_514 = arith.extui %sign3A_513 : vector<16xi1> to vector<16xi32>
          %sign3A_515 = arith.subi %sign3A_510, %sign3A_514 : vector<16xi32>
          %sign3A_516 = arith.constant 0 : i32
          %sign3A_517 = arith.cmpi sgt, %jit3A_504, %sign3A_516 : i32
          %sign3A_518 = arith.extui %sign3A_517 : i1 to i32
          %sign3A_519 = arith.constant 0 : i32
          %sign3A_520 = arith.cmpi slt, %jit3A_504, %sign3A_519 : i32
          %sign3A_521 = arith.extui %sign3A_520 : i1 to i32
          %sign3A_522 = arith.subi %sign3A_518, %sign3A_521 : i32
          %ne3A_523 = vector.broadcast %sign3A_522 : i32 to vector<16xi32>
          %ne3A_524 = arith.cmpi ne, %sign3A_515, %ne3A_523 : vector<16xi32>
          %rem3A_525 = vector.broadcast %jit3A_504 : i32 to vector<16xi32>
          %rem3A_526 = arith.remsi %get3A_503, %rem3A_525 : vector<16xi32>
          %ne3A_527 = arith.constant 0 : i32
          %ne3A_528 = vector.broadcast %ne3A_527 : i32 to vector<16xi32>
          %ne3A_529 = arith.cmpi ne, %rem3A_526, %ne3A_528 : vector<16xi32>
          %and3A_530 = arith.andi %ne3A_524, %ne3A_529 : vector<16xi1>
          %sub3A_531 = arith.constant 1 : i32
          %sub3A_532 = vector.broadcast %sub3A_531 : i32 to vector<16xi32>
          %sub3A_533 = arith.subi %div3A_506, %sub3A_532 : vector<16xi32>
          %select_n3A_534 = arith.select %and3A_530, %sub3A_533, %div3A_506 : vector<16xi1>, vector<16xi32>
          %mul3A_535 = arith.constant 10000 : i32
          %mul3A_536 = vector.broadcast %mul3A_535 : i32 to vector<16xi32>
          %mul3A_537 = arith.muli %select_n3A_534, %mul3A_536 : vector<16xi32>
          %sub3A_538 = arith.subi %get3A_503, %mul3A_537 : vector<16xi32>
          %swap3A_539 = arith.constant 16 : index
          %swap3A_540 = tpu.vector_load %arg7[%swap3A_539] {strides = array<i32>} : memref<80xi32, #tpu.memory_space<vmem>>, vector<16xi32>,
          tpu.vector_store %arg7[%swap3A_539], %select_n3A_534 {strides = array<i32>} : memref<80xi32, #tpu.memory_space<vmem>>, vector<16xi32>,
          %swap3A_541 = arith.constant 16 : index
          %swap3A_542 = tpu.vector_load %arg10[%swap3A_541] {strides = array<i32>} : memref<80xi32, #tpu.memory_space<vmem>>, vector<16xi32>,
          tpu.vector_store %arg10[%swap3A_541], %sub3A_538 {strides = array<i32>} : memref<80xi32, #tpu.memory_space<vmem>>, vector<16xi32>,
          %shift_right_arithmetic3A_543 = arith.constant 3 : i32
          %shift_right_arithmetic3A_544 = vector.broadcast %shift_right_arithmetic3A_543 : i32 to vector<16xi32>
          %shift_right_arithmetic3A_545 = arith.shrsi %select_n3A_534, %shift_right_arithmetic3A_544 : vector<16xi32>
          %mul3A_546 = arith.constant 80896 : i32
          %mul3A_547 = vector.broadcast %mul3A_546 : i32 to vector<16xi32>
          %mul3A_548 = arith.muli %shift_right_arithmetic3A_545, %mul3A_547 : vector<16xi32>
          %shift_right_arithmetic3A_549 = arith.constant 7 : i32
          %shift_right_arithmetic3A_550 = vector.broadcast %shift_right_arithmetic3A_549 : i32 to vector<16xi32>
          %shift_right_arithmetic3A_551 = arith.shrsi %sub3A_538, %shift_right_arithmetic3A_550 : vector<16xi32>
          %shift_left3A_552 = arith.constant 10 : i32
          %shift_left3A_553 = vector.broadcast %shift_left3A_552 : i32 to vector<16xi32>
          %shift_left3A_554 = arith.shli %shift_right_arithmetic3A_551, %shift_left3A_553 : vector<16xi32>
          %add3A_555 = arith.addi %mul3A_548, %shift_left3A_554 : vector<16xi32>
          %and3A_556 = arith.constant 7 : i32
          %and3A_557 = vector.broadcast %and3A_556 : i32 to vector<16xi32>
          %and3A_558 = arith.andi %select_n3A_534, %and3A_557 : vector<16xi32>
          %shift_left3A_559 = arith.constant 7 : i32
          %shift_left3A_560 = vector.broadcast %shift_left3A_559 : i32 to vector<16xi32>
          %shift_left3A_561 = arith.shli %and3A_558, %shift_left3A_560 : vector<16xi32>
          %add3A_562 = arith.addi %add3A_555, %shift_left3A_561 : vector<16xi32>
          %and3A_563 = arith.constant 127 : i32
          %and3A_564 = vector.broadcast %and3A_563 : i32 to vector<16xi32>
          %and3A_565 = arith.andi %sub3A_538, %and3A_564 : vector<16xi32>
          %add3A_566 = arith.addi %add3A_562, %and3A_565 : vector<16xi32>
          %swap3A_567 = arith.constant 16 : index
          %swap3A_568 = tpu.vector_load %arg13[%swap3A_567] {strides = array<i32>} : memref<80xi32, #tpu.memory_space<vmem>>, vector<16xi32>,
          tpu.vector_store %arg13[%swap3A_567], %add3A_566 {strides = array<i32>} : memref<80xi32, #tpu.memory_space<vmem>>, vector<16xi32>,
          %mul3A_569 = arith.constant 80 : i32
          %mul3A_570 = arith.muli %add3A_426, %mul3A_569 : i32
          %add3A_571 = arith.constant 32 : i32
          %add3A_572 = arith.addi %mul3A_570, %add3A_571 : i32
          %get3A_573 = arith.index_cast %add3A_572 : i32 to index
          %get3A_574 = tpu.vector_load %arg6[%get3A_573] {strides = array<i32>} : memref<10000xi32, #tpu.memory_space<vmem>>, vector<16xi32>,
          %jit3A_575 = arith.constant 10000 : i32
          %div3A_576 = vector.broadcast %jit3A_575 : i32 to vector<16xi32>
          %div3A_577 = arith.divsi %get3A_574, %div3A_576 : vector<16xi32>
          %sign3A_578 = arith.constant 0 : i32
          %sign3A_579 = vector.broadcast %sign3A_578 : i32 to vector<16xi32>
          %sign3A_580 = arith.cmpi sgt, %get3A_574, %sign3A_579 : vector<16xi32>
          %sign3A_581 = arith.extui %sign3A_580 : vector<16xi1> to vector<16xi32>
          %sign3A_582 = arith.constant 0 : i32
          %sign3A_583 = vector.broadcast %sign3A_582 : i32 to vector<16xi32>
          %sign3A_584 = arith.cmpi slt, %get3A_574, %sign3A_583 : vector<16xi32>
          %sign3A_585 = arith.extui %sign3A_584 : vector<16xi1> to vector<16xi32>
          %sign3A_586 = arith.subi %sign3A_581, %sign3A_585 : vector<16xi32>
          %sign3A_587 = arith.constant 0 : i32
          %sign3A_588 = arith.cmpi sgt, %jit3A_575, %sign3A_587 : i32
          %sign3A_589 = arith.extui %sign3A_588 : i1 to i32
          %sign3A_590 = arith.constant 0 : i32
          %sign3A_591 = arith.cmpi slt, %jit3A_575, %sign3A_590 : i32
          %sign3A_592 = arith.extui %sign3A_591 : i1 to i32
          %sign3A_593 = arith.subi %sign3A_589, %sign3A_592 : i32
          %ne3A_594 = vector.broadcast %sign3A_593 : i32 to vector<16xi32>
          %ne3A_595 = arith.cmpi ne, %sign3A_586, %ne3A_594 : vector<16xi32>
          %rem3A_596 = vector.broadcast %jit3A_575 : i32 to vector<16xi32>
          %rem3A_597 = arith.remsi %get3A_574, %rem3A_596 : vector<16xi32>
          %ne3A_598 = arith.constant 0 : i32
          %ne3A_599 = vector.broadcast %ne3A_598 : i32 to vector<16xi32>
          %ne3A_600 = arith.cmpi ne, %rem3A_597, %ne3A_599 : vector<16xi32>
          %and3A_601 = arith.andi %ne3A_595, %ne3A_600 : vector<16xi1>
          %sub3A_602 = arith.constant 1 : i32
          %sub3A_603 = vector.broadcast %sub3A_602 : i32 to vector<16xi32>
          %sub3A_604 = arith.subi %div3A_577, %sub3A_603 : vector<16xi32>
          %select_n3A_605 = arith.select %and3A_601, %sub3A_604, %div3A_577 : vector<16xi1>, vector<16xi32>
          %mul3A_606 = arith.constant 10000 : i32
          %mul3A_607 = vector.broadcast %mul3A_606 : i32 to vector<16xi32>
          %mul3A_608 = arith.muli %select_n3A_605, %mul3A_607 : vector<16xi32>
          %sub3A_609 = arith.subi %get3A_574, %mul3A_608 : vector<16xi32>
          %swap3A_610 = arith.constant 32 : index
          %swap3A_611 = tpu.vector_load %arg7[%swap3A_610] {strides = array<i32>} : memref<80xi32, #tpu.memory_space<vmem>>, vector<16xi32>,
          tpu.vector_store %arg7[%swap3A_610], %select_n3A_605 {strides = array<i32>} : memref<80xi32, #tpu.memory_space<vmem>>, vector<16xi32>,
          %swap3A_612 = arith.constant 32 : index
          %swap3A_613 = tpu.vector_load %arg10[%swap3A_612] {strides = array<i32>} : memref<80xi32, #tpu.memory_space<vmem>>, vector<16xi32>,
          tpu.vector_store %arg10[%swap3A_612], %sub3A_609 {strides = array<i32>} : memref<80xi32, #tpu.memory_space<vmem>>, vector<16xi32>,
          %shift_right_arithmetic3A_614 = arith.constant 3 : i32
          %shift_right_arithmetic3A_615 = vector.broadcast %shift_right_arithmetic3A_614 : i32 to vector<16xi32>
          %shift_right_arithmetic3A_616 = arith.shrsi %select_n3A_605, %shift_right_arithmetic3A_615 : vector<16xi32>
          %mul3A_617 = arith.constant 80896 : i32
          %mul3A_618 = vector.broadcast %mul3A_617 : i32 to vector<16xi32>
          %mul3A_619 = arith.muli %shift_right_arithmetic3A_616, %mul3A_618 : vector<16xi32>
          %shift_right_arithmetic3A_620 = arith.constant 7 : i32
          %shift_right_arithmetic3A_621 = vector.broadcast %shift_right_arithmetic3A_620 : i32 to vector<16xi32>
          %shift_right_arithmetic3A_622 = arith.shrsi %sub3A_609, %shift_right_arithmetic3A_621 : vector<16xi32>
          %shift_left3A_623 = arith.constant 10 : i32
          %shift_left3A_624 = vector.broadcast %shift_left3A_623 : i32 to vector<16xi32>
          %shift_left3A_625 = arith.shli %shift_right_arithmetic3A_622, %shift_left3A_624 : vector<16xi32>
          %add3A_626 = arith.addi %mul3A_619, %shift_left3A_625 : vector<16xi32>
          %and3A_627 = arith.constant 7 : i32
          %and3A_628 = vector.broadcast %and3A_627 : i32 to vector<16xi32>
          %and3A_629 = arith.andi %select_n3A_605, %and3A_628 : vector<16xi32>
          %shift_left3A_630 = arith.constant 7 : i32
          %shift_left3A_631 = vector.broadcast %shift_left3A_630 : i32 to vector<16xi32>
          %shift_left3A_632 = arith.shli %and3A_629, %shift_left3A_631 : vector<16xi32>
          %add3A_633 = arith.addi %add3A_626, %shift_left3A_632 : vector<16xi32>
          %and3A_634 = arith.constant 127 : i32
          %and3A_635 = vector.broadcast %and3A_634 : i32 to vector<16xi32>
          %and3A_636 = arith.andi %sub3A_609, %and3A_635 : vector<16xi32>
          %add3A_637 = arith.addi %add3A_633, %and3A_636 : vector<16xi32>
          %swap3A_638 = arith.constant 32 : index
          %swap3A_639 = tpu.vector_load %arg13[%swap3A_638] {strides = array<i32>} : memref<80xi32, #tpu.memory_space<vmem>>, vector<16xi32>,
          tpu.vector_store %arg13[%swap3A_638], %add3A_637 {strides = array<i32>} : memref<80xi32, #tpu.memory_space<vmem>>, vector<16xi32>,
          %mul3A_640 = arith.constant 80 : i32
          %mul3A_641 = arith.muli %add3A_426, %mul3A_640 : i32
          %add3A_642 = arith.constant 48 : i32
          %add3A_643 = arith.addi %mul3A_641, %add3A_642 : i32
          %get3A_644 = arith.index_cast %add3A_643 : i32 to index
          %get3A_645 = tpu.vector_load %arg6[%get3A_644] {strides = array<i32>} : memref<10000xi32, #tpu.memory_space<vmem>>, vector<16xi32>,
          %jit3A_646 = arith.constant 10000 : i32
          %div3A_647 = vector.broadcast %jit3A_646 : i32 to vector<16xi32>
          %div3A_648 = arith.divsi %get3A_645, %div3A_647 : vector<16xi32>
          %sign3A_649 = arith.constant 0 : i32
          %sign3A_650 = vector.broadcast %sign3A_649 : i32 to vector<16xi32>
          %sign3A_651 = arith.cmpi sgt, %get3A_645, %sign3A_650 : vector<16xi32>
          %sign3A_652 = arith.extui %sign3A_651 : vector<16xi1> to vector<16xi32>
          %sign3A_653 = arith.constant 0 : i32
          %sign3A_654 = vector.broadcast %sign3A_653 : i32 to vector<16xi32>
          %sign3A_655 = arith.cmpi slt, %get3A_645, %sign3A_654 : vector<16xi32>
          %sign3A_656 = arith.extui %sign3A_655 : vector<16xi1> to vector<16xi32>
          %sign3A_657 = arith.subi %sign3A_652, %sign3A_656 : vector<16xi32>
          %sign3A_658 = arith.constant 0 : i32
          %sign3A_659 = arith.cmpi sgt, %jit3A_646, %sign3A_658 : i32
          %sign3A_660 = arith.extui %sign3A_659 : i1 to i32
          %sign3A_661 = arith.constant 0 : i32
          %sign3A_662 = arith.cmpi slt, %jit3A_646, %sign3A_661 : i32
          %sign3A_663 = arith.extui %sign3A_662 : i1 to i32
          %sign3A_664 = arith.subi %sign3A_660, %sign3A_663 : i32
          %ne3A_665 = vector.broadcast %sign3A_664 : i32 to vector<16xi32>
          %ne3A_666 = arith.cmpi ne, %sign3A_657, %ne3A_665 : vector<16xi32>
          %rem3A_667 = vector.broadcast %jit3A_646 : i32 to vector<16xi32>
          %rem3A_668 = arith.remsi %get3A_645, %rem3A_667 : vector<16xi32>
          %ne3A_669 = arith.constant 0 : i32
          %ne3A_670 = vector.broadcast %ne3A_669 : i32 to vector<16xi32>
          %ne3A_671 = arith.cmpi ne, %rem3A_668, %ne3A_670 : vector<16xi32>
          %and3A_672 = arith.andi %ne3A_666, %ne3A_671 : vector<16xi1>
          %sub3A_673 = arith.constant 1 : i32
          %sub3A_674 = vector.broadcast %sub3A_673 : i32 to vector<16xi32>
          %sub3A_675 = arith.subi %div3A_648, %sub3A_674 : vector<16xi32>
          %select_n3A_676 = arith.select %and3A_672, %sub3A_675, %div3A_648 : vector<16xi1>, vector<16xi32>
          %mul3A_677 = arith.constant 10000 : i32
          %mul3A_678 = vector.broadcast %mul3A_677 : i32 to vector<16xi32>
          %mul3A_679 = arith.muli %select_n3A_676, %mul3A_678 : vector<16xi32>
          %sub3A_680 = arith.subi %get3A_645, %mul3A_679 : vector<16xi32>
          %swap3A_681 = arith.constant 48 : index
          %swap3A_682 = tpu.vector_load %arg7[%swap3A_681] {strides = array<i32>} : memref<80xi32, #tpu.memory_space<vmem>>, vector<16xi32>,
          tpu.vector_store %arg7[%swap3A_681], %select_n3A_676 {strides = array<i32>} : memref<80xi32, #tpu.memory_space<vmem>>, vector<16xi32>,
          %swap3A_683 = arith.constant 48 : index
          %swap3A_684 = tpu.vector_load %arg10[%swap3A_683] {strides = array<i32>} : memref<80xi32, #tpu.memory_space<vmem>>, vector<16xi32>,
          tpu.vector_store %arg10[%swap3A_683], %sub3A_680 {strides = array<i32>} : memref<80xi32, #tpu.memory_space<vmem>>, vector<16xi32>,
          %shift_right_arithmetic3A_685 = arith.constant 3 : i32
          %shift_right_arithmetic3A_686 = vector.broadcast %shift_right_arithmetic3A_685 : i32 to vector<16xi32>
          %shift_right_arithmetic3A_687 = arith.shrsi %select_n3A_676, %shift_right_arithmetic3A_686 : vector<16xi32>
          %mul3A_688 = arith.constant 80896 : i32
          %mul3A_689 = vector.broadcast %mul3A_688 : i32 to vector<16xi32>
          %mul3A_690 = arith.muli %shift_right_arithmetic3A_687, %mul3A_689 : vector<16xi32>
          %shift_right_arithmetic3A_691 = arith.constant 7 : i32
          %shift_right_arithmetic3A_692 = vector.broadcast %shift_right_arithmetic3A_691 : i32 to vector<16xi32>
          %shift_right_arithmetic3A_693 = arith.shrsi %sub3A_680, %shift_right_arithmetic3A_692 : vector<16xi32>
          %shift_left3A_694 = arith.constant 10 : i32
          %shift_left3A_695 = vector.broadcast %shift_left3A_694 : i32 to vector<16xi32>
          %shift_left3A_696 = arith.shli %shift_right_arithmetic3A_693, %shift_left3A_695 : vector<16xi32>
          %add3A_697 = arith.addi %mul3A_690, %shift_left3A_696 : vector<16xi32>
          %and3A_698 = arith.constant 7 : i32
          %and3A_699 = vector.broadcast %and3A_698 : i32 to vector<16xi32>
          %and3A_700 = arith.andi %select_n3A_676, %and3A_699 : vector<16xi32>
          %shift_left3A_701 = arith.constant 7 : i32
          %shift_left3A_702 = vector.broadcast %shift_left3A_701 : i32 to vector<16xi32>
          %shift_left3A_703 = arith.shli %and3A_700, %shift_left3A_702 : vector<16xi32>
          %add3A_704 = arith.addi %add3A_697, %shift_left3A_703 : vector<16xi32>
          %and3A_705 = arith.constant 127 : i32
          %and3A_706 = vector.broadcast %and3A_705 : i32 to vector<16xi32>
          %and3A_707 = arith.andi %sub3A_680, %and3A_706 : vector<16xi32>
          %add3A_708 = arith.addi %add3A_704, %and3A_707 : vector<16xi32>
          %swap3A_709 = arith.constant 48 : index
          %swap3A_710 = tpu.vector_load %arg13[%swap3A_709] {strides = array<i32>} : memref<80xi32, #tpu.memory_space<vmem>>, vector<16xi32>,
          tpu.vector_store %arg13[%swap3A_709], %add3A_708 {strides = array<i32>} : memref<80xi32, #tpu.memory_space<vmem>>, vector<16xi32>,
          %mul3A_711 = arith.constant 80 : i32
          %mul3A_712 = arith.muli %add3A_426, %mul3A_711 : i32
          %add3A_713 = arith.constant 64 : i32
          %add3A_714 = arith.addi %mul3A_712, %add3A_713 : i32
          %get3A_715 = arith.index_cast %add3A_714 : i32 to index
          %get3A_716 = tpu.vector_load %arg6[%get3A_715] {strides = array<i32>} : memref<10000xi32, #tpu.memory_space<vmem>>, vector<16xi32>,
          %jit3A_717 = arith.constant 10000 : i32
          %div3A_718 = vector.broadcast %jit3A_717 : i32 to vector<16xi32>
          %div3A_719 = arith.divsi %get3A_716, %div3A_718 : vector<16xi32>
          %sign3A_720 = arith.constant 0 : i32
          %sign3A_721 = vector.broadcast %sign3A_720 : i32 to vector<16xi32>
          %sign3A_722 = arith.cmpi sgt, %get3A_716, %sign3A_721 : vector<16xi32>
          %sign3A_723 = arith.extui %sign3A_722 : vector<16xi1> to vector<16xi32>
          %sign3A_724 = arith.constant 0 : i32
          %sign3A_725 = vector.broadcast %sign3A_724 : i32 to vector<16xi32>
          %sign3A_726 = arith.cmpi slt, %get3A_716, %sign3A_725 : vector<16xi32>
          %sign3A_727 = arith.extui %sign3A_726 : vector<16xi1> to vector<16xi32>
          %sign3A_728 = arith.subi %sign3A_723, %sign3A_727 : vector<16xi32>
          %sign3A_729 = arith.constant 0 : i32
          %sign3A_730 = arith.cmpi sgt, %jit3A_717, %sign3A_729 : i32
          %sign3A_731 = arith.extui %sign3A_730 : i1 to i32
          %sign3A_732 = arith.constant 0 : i32
          %sign3A_733 = arith.cmpi slt, %jit3A_717, %sign3A_732 : i32
          %sign3A_734 = arith.extui %sign3A_733 : i1 to i32
          %sign3A_735 = arith.subi %sign3A_731, %sign3A_734 : i32
          %ne3A_736 = vector.broadcast %sign3A_735 : i32 to vector<16xi32>
          %ne3A_737 = arith.cmpi ne, %sign3A_728, %ne3A_736 : vector<16xi32>
          %rem3A_738 = vector.broadcast %jit3A_717 : i32 to vector<16xi32>
          %rem3A_739 = arith.remsi %get3A_716, %rem3A_738 : vector<16xi32>
          %ne3A_740 = arith.constant 0 : i32
          %ne3A_741 = vector.broadcast %ne3A_740 : i32 to vector<16xi32>
          %ne3A_742 = arith.cmpi ne, %rem3A_739, %ne3A_741 : vector<16xi32>
          %and3A_743 = arith.andi %ne3A_737, %ne3A_742 : vector<16xi1>
          %sub3A_744 = arith.constant 1 : i32
          %sub3A_745 = vector.broadcast %sub3A_744 : i32 to vector<16xi32>
          %sub3A_746 = arith.subi %div3A_719, %sub3A_745 : vector<16xi32>
          %select_n3A_747 = arith.select %and3A_743, %sub3A_746, %div3A_719 : vector<16xi1>, vector<16xi32>
          %mul3A_748 = arith.constant 10000 : i32
          %mul3A_749 = vector.broadcast %mul3A_748 : i32 to vector<16xi32>
          %mul3A_750 = arith.muli %select_n3A_747, %mul3A_749 : vector<16xi32>
          %sub3A_751 = arith.subi %get3A_716, %mul3A_750 : vector<16xi32>
          %swap3A_752 = arith.constant 64 : index
          %swap3A_753 = tpu.vector_load %arg7[%swap3A_752] {strides = array<i32>} : memref<80xi32, #tpu.memory_space<vmem>>, vector<16xi32>,
          tpu.vector_store %arg7[%swap3A_752], %select_n3A_747 {strides = array<i32>} : memref<80xi32, #tpu.memory_space<vmem>>, vector<16xi32>,
          %swap3A_754 = arith.constant 64 : index
          %swap3A_755 = tpu.vector_load %arg10[%swap3A_754] {strides = array<i32>} : memref<80xi32, #tpu.memory_space<vmem>>, vector<16xi32>,
          tpu.vector_store %arg10[%swap3A_754], %sub3A_751 {strides = array<i32>} : memref<80xi32, #tpu.memory_space<vmem>>, vector<16xi32>,
          %shift_right_arithmetic3A_756 = arith.constant 3 : i32
          %shift_right_arithmetic3A_757 = vector.broadcast %shift_right_arithmetic3A_756 : i32 to vector<16xi32>
          %shift_right_arithmetic3A_758 = arith.shrsi %select_n3A_747, %shift_right_arithmetic3A_757 : vector<16xi32>
          %mul3A_759 = arith.constant 80896 : i32
          %mul3A_760 = vector.broadcast %mul3A_759 : i32 to vector<16xi32>
          %mul3A_761 = arith.muli %shift_right_arithmetic3A_758, %mul3A_760 : vector<16xi32>
          %shift_right_arithmetic3A_762 = arith.constant 7 : i32
          %shift_right_arithmetic3A_763 = vector.broadcast %shift_right_arithmetic3A_762 : i32 to vector<16xi32>
          %shift_right_arithmetic3A_764 = arith.shrsi %sub3A_751, %shift_right_arithmetic3A_763 : vector<16xi32>
          %shift_left3A_765 = arith.constant 10 : i32
          %shift_left3A_766 = vector.broadcast %shift_left3A_765 : i32 to vector<16xi32>
          %shift_left3A_767 = arith.shli %shift_right_arithmetic3A_764, %shift_left3A_766 : vector<16xi32>
          %add3A_768 = arith.addi %mul3A_761, %shift_left3A_767 : vector<16xi32>
          %and3A_769 = arith.constant 7 : i32
          %and3A_770 = vector.broadcast %and3A_769 : i32 to vector<16xi32>
          %and3A_771 = arith.andi %select_n3A_747, %and3A_770 : vector<16xi32>
          %shift_left3A_772 = arith.constant 7 : i32
          %shift_left3A_773 = vector.broadcast %shift_left3A_772 : i32 to vector<16xi32>
          %shift_left3A_774 = arith.shli %and3A_771, %shift_left3A_773 : vector<16xi32>
          %add3A_775 = arith.addi %add3A_768, %shift_left3A_774 : vector<16xi32>
          %and3A_776 = arith.constant 127 : i32
          %and3A_777 = vector.broadcast %and3A_776 : i32 to vector<16xi32>
          %and3A_778 = arith.andi %sub3A_751, %and3A_777 : vector<16xi32>
          %add3A_779 = arith.addi %add3A_775, %and3A_778 : vector<16xi32>
          %swap3A_780 = arith.constant 64 : index
          %swap3A_781 = tpu.vector_load %arg13[%swap3A_780] {strides = array<i32>} : memref<80xi32, #tpu.memory_space<vmem>>, vector<16xi32>,
          tpu.vector_store %arg13[%swap3A_780], %add3A_779 {strides = array<i32>} : memref<80xi32, #tpu.memory_space<vmem>>, vector<16xi32>,
          %dma_start3A_782 = arith.constant 0 : i32
          %dma_start3A_783 = tpu.memref_slice %arg4[%dma_start3A_782] : memref<101120000xf32, #tpu.memory_space<hbm>> -> memref<101120000xf32, #tpu.memory_space<hbm>>
          tpu.enqueue_indirect_dma source(%dma_start3A_783 : memref<101120000xf32, #tpu.memory_space<hbm>>) target(%arg16 : memref<80xf32, #tpu.memory_space<vmem>>) offsets(%arg13 : memref<80xi32, #tpu.memory_space<vmem>>) semaphore(%arg23 : memref<!tpu.dma_semaphore, #tpu.memory_space<semaphore_mem>>)
          %dma_start3A_784 = arith.constant 0 : i32
          %dma_start3A_785 = arith.constant 0 : i32
          %dma_start3A_786 = tpu.memref_slice %arg2[%dma_start3A_784, %dma_start3A_785] : memref<10000x128xf32, #tpu.memory_space<hbm>> -> memref<10000x128xf32, #tpu.memory_space<hbm>>
          tpu.enqueue_indirect_dma source(%dma_start3A_786 : memref<10000x128xf32, #tpu.memory_space<hbm>>) target(%arg19 : memref<80x128xf32, #tpu.memory_space<vmem>>) offsets(%arg7 : memref<80xi32, #tpu.memory_space<vmem>>) semaphore(%arg26 : memref<!tpu.dma_semaphore, #tpu.memory_space<semaphore_mem>>)
        } else {
        }
        %dma_wait3A_411 = arith.constant 0 : i32
        %dma_wait3A_412 = tpu.memref_slice %arg4[%dma_wait3A_411] : memref<101120000xf32, #tpu.memory_space<hbm>> -> memref<101120000xf32, #tpu.memory_space<hbm>>
        tpu.wait_indirect_dma semaphore(%arg25 : memref<!tpu.dma_semaphore, #tpu.memory_space<semaphore_mem>>) src(%dma_wait3A_412 : memref<101120000xf32, #tpu.memory_space<hbm>>) dst(%arg18 : memref<80xf32, #tpu.memory_space<vmem>>)
        %dma_wait3A_413 = arith.constant 0 : i32
        %dma_wait3A_414 = arith.constant 0 : i32
        %dma_wait3A_415 = tpu.memref_slice %arg2[%dma_wait3A_413, %dma_wait3A_414] : memref<10000x128xf32, #tpu.memory_space<hbm>> -> memref<10000x128xf32, #tpu.memory_space<hbm>>
        tpu.wait_indirect_dma semaphore(%arg28 : memref<!tpu.dma_semaphore, #tpu.memory_space<semaphore_mem>>) src(%dma_wait3A_415 : memref<10000x128xf32, #tpu.memory_space<hbm>>) dst(%arg21 : memref<80x128xf32, #tpu.memory_space<vmem>>)
        %scan3A_416 = arith.constant 0 : i32
        %scan3A_417 = arith.constant 0 : i32
        %scan3A_418 = arith.constant 20 : i32
        %scan3A_419 = arith.addi %scan3A_417, %scan3A_418 : i32
        %scan3A_420 = arith.constant 1 : i32
        scf.for %scan3A_425 = %scan3A_417 to %scan3A_419 step %scan3A_420  : i32 {
          %mul3A_426 = arith.constant 4 : i32
          %mul3A_427 = arith.muli %scan3A_425, %mul3A_426 : i32
          %add3A_428 = arith.constant 0 : i32
          %add3A_429 = arith.addi %mul3A_427, %add3A_428 : i32
          %broadcast_in_dim3A = vector.broadcast %add3A_429 : i32 to vector<16xi32>
          %gather3A = tpu.vector_load_idx %arg18[%broadcast_in_dim3A] : memref<80xf32, #tpu.memory_space<vmem>>[vector<16xi32>], vector<16xf32>,
          %get3A_430 = arith.index_cast %add3A_429 : i32 to index
          %get3A_431 = arith.constant 0 : index
          %get3A_432 = tpu.vector_load %arg21[%get3A_430, %get3A_431] {strides = array<i32>} : memref<80x128xf32, #tpu.memory_space<vmem>>, vector<16xf32>,
          %mul3A_433 = arith.mulf %get3A_432, %gather3A : vector<16xf32>
          %swap3A_434 = arith.index_cast %add3A_429 : i32 to index
          %swap3A_435 = arith.constant 0 : index
          %swap3A_436 = tpu.vector_load %arg21[%swap3A_434, %swap3A_435] {strides = array<i32>} : memref<80x128xf32, #tpu.memory_space<vmem>>, vector<16xf32>,
          tpu.vector_store %arg21[%swap3A_434, %swap3A_435], %mul3A_433 {strides = array<i32>} : memref<80x128xf32, #tpu.memory_space<vmem>>, vector<16xf32>,
          %get3A_437 = arith.index_cast %add3A_429 : i32 to index
          %get3A_438 = arith.constant 16 : index
          %get3A_439 = tpu.vector_load %arg21[%get3A_437, %get3A_438] {strides = array<i32>} : memref<80x128xf32, #tpu.memory_space<vmem>>, vector<16xf32>,
          %mul3A_440 = arith.mulf %get3A_439, %gather3A : vector<16xf32>
          %swap3A_441 = arith.index_cast %add3A_429 : i32 to index
          %swap3A_442 = arith.constant 16 : index
          %swap3A_443 = tpu.vector_load %arg21[%swap3A_441, %swap3A_442] {strides = array<i32>} : memref<80x128xf32, #tpu.memory_space<vmem>>, vector<16xf32>,
          tpu.vector_store %arg21[%swap3A_441, %swap3A_442], %mul3A_440 {strides = array<i32>} : memref<80x128xf32, #tpu.memory_space<vmem>>, vector<16xf32>,
          %get3A_444 = arith.index_cast %add3A_429 : i32 to index
          %get3A_445 = arith.constant 32 : index
          %get3A_446 = tpu.vector_load %arg21[%get3A_444, %get3A_445] {strides = array<i32>} : memref<80x128xf32, #tpu.memory_space<vmem>>, vector<16xf32>,
          %mul3A_447 = arith.mulf %get3A_446, %gather3A : vector<16xf32>
          %swap3A_448 = arith.index_cast %add3A_429 : i32 to index
          %swap3A_449 = arith.constant 32 : index
          %swap3A_450 = tpu.vector_load %arg21[%swap3A_448, %swap3A_449] {strides = array<i32>} : memref<80x128xf32, #tpu.memory_space<vmem>>, vector<16xf32>,
          tpu.vector_store %arg21[%swap3A_448, %swap3A_449], %mul3A_447 {strides = array<i32>} : memref<80x128xf32, #tpu.memory_space<vmem>>, vector<16xf32>,
          %get3A_451 = arith.index_cast %add3A_429 : i32 to index
          %get3A_452 = arith.constant 48 : index
          %get3A_453 = tpu.vector_load %arg21[%get3A_451, %get3A_452] {strides = array<i32>} : memref<80x128xf32, #tpu.memory_space<vmem>>, vector<16xf32>,
          %mul3A_454 = arith.mulf %get3A_453, %gather3A : vector<16xf32>
          %swap3A_455 = arith.index_cast %add3A_429 : i32 to index
          %swap3A_456 = arith.constant 48 : index
          %swap3A_457 = tpu.vector_load %arg21[%swap3A_455, %swap3A_456] {strides = array<i32>} : memref<80x128xf32, #tpu.memory_space<vmem>>, vector<16xf32>,
          tpu.vector_store %arg21[%swap3A_455, %swap3A_456], %mul3A_454 {strides = array<i32>} : memref<80x128xf32, #tpu.memory_space<vmem>>, vector<16xf32>,
          %get3A_458 = arith.index_cast %add3A_429 : i32 to index
          %get3A_459 = arith.constant 64 : index
          %get3A_460 = tpu.vector_load %arg21[%get3A_458, %get3A_459] {strides = array<i32>} : memref<80x128xf32, #tpu.memory_space<vmem>>, vector<16xf32>,
          %mul3A_461 = arith.mulf %get3A_460, %gather3A : vector<16xf32>
          %swap3A_462 = arith.index_cast %add3A_429 : i32 to index
          %swap3A_463 = arith.constant 64 : index
          %swap3A_464 = tpu.vector_load %arg21[%swap3A_462, %swap3A_463] {strides = array<i32>} : memref<80x128xf32, #tpu.memory_space<vmem>>, vector<16xf32>,
          tpu.vector_store %arg21[%swap3A_462, %swap3A_463], %mul3A_461 {strides = array<i32>} : memref<80x128xf32, #tpu.memory_space<vmem>>, vector<16xf32>,
          %get3A_465 = arith.index_cast %add3A_429 : i32 to index
          %get3A_466 = arith.constant 80 : index
          %get3A_467 = tpu.vector_load %arg21[%get3A_465, %get3A_466] {strides = array<i32>} : memref<80x128xf32, #tpu.memory_space<vmem>>, vector<16xf32>,
          %mul3A_468 = arith.mulf %get3A_467, %gather3A : vector<16xf32>
          %swap3A_469 = arith.index_cast %add3A_429 : i32 to index
          %swap3A_470 = arith.constant 80 : index
          %swap3A_471 = tpu.vector_load %arg21[%swap3A_469, %swap3A_470] {strides = array<i32>} : memref<80x128xf32, #tpu.memory_space<vmem>>, vector<16xf32>,
          tpu.vector_store %arg21[%swap3A_469, %swap3A_470], %mul3A_468 {strides = array<i32>} : memref<80x128xf32, #tpu.memory_space<vmem>>, vector<16xf32>,
          %get3A_472 = arith.index_cast %add3A_429 : i32 to index
          %get3A_473 = arith.constant 96 : index
          %get3A_474 = tpu.vector_load %arg21[%get3A_472, %get3A_473] {strides = array<i32>} : memref<80x128xf32, #tpu.memory_space<vmem>>, vector<16xf32>,
          %mul3A_475 = arith.mulf %get3A_474, %gather3A : vector<16xf32>
          %swap3A_476 = arith.index_cast %add3A_429 : i32 to index
          %swap3A_477 = arith.constant 96 : index
          %swap3A_478 = tpu.vector_load %arg21[%swap3A_476, %swap3A_477] {strides = array<i32>} : memref<80x128xf32, #tpu.memory_space<vmem>>, vector<16xf32>,
          tpu.vector_store %arg21[%swap3A_476, %swap3A_477], %mul3A_475 {strides = array<i32>} : memref<80x128xf32, #tpu.memory_space<vmem>>, vector<16xf32>,
          %get3A_479 = arith.index_cast %add3A_429 : i32 to index
          %get3A_480 = arith.constant 112 : index
          %get3A_481 = tpu.vector_load %arg21[%get3A_479, %get3A_480] {strides = array<i32>} : memref<80x128xf32, #tpu.memory_space<vmem>>, vector<16xf32>,
          %mul3A_482 = arith.mulf %get3A_481, %gather3A : vector<16xf32>
          %swap3A_483 = arith.index_cast %add3A_429 : i32 to index
          %swap3A_484 = arith.constant 112 : index
          %swap3A_485 = tpu.vector_load %arg21[%swap3A_483, %swap3A_484] {strides = array<i32>} : memref<80x128xf32, #tpu.memory_space<vmem>>, vector<16xf32>,
          tpu.vector_store %arg21[%swap3A_483, %swap3A_484], %mul3A_482 {strides = array<i32>} : memref<80x128xf32, #tpu.memory_space<vmem>>, vector<16xf32>,
          %mul3A_486 = arith.constant 4 : i32
          %mul3A_487 = arith.muli %scan3A_425, %mul3A_486 : i32
          %add3A_488 = arith.constant 1 : i32
          %add3A_489 = arith.addi %mul3A_487, %add3A_488 : i32
          %broadcast_in_dim3A_490 = vector.broadcast %add3A_489 : i32 to vector<16xi32>
          %gather3A_491 = tpu.vector_load_idx %arg18[%broadcast_in_dim3A_490] : memref<80xf32, #tpu.memory_space<vmem>>[vector<16xi32>], vector<16xf32>,
          %get3A_492 = arith.index_cast %add3A_489 : i32 to index
          %get3A_493 = arith.constant 0 : index
          %get3A_494 = tpu.vector_load %arg21[%get3A_492, %get3A_493] {strides = array<i32>} : memref<80x128xf32, #tpu.memory_space<vmem>>, vector<16xf32>,
          %mul3A_495 = arith.mulf %get3A_494, %gather3A_491 : vector<16xf32>
          %swap3A_496 = arith.index_cast %add3A_489 : i32 to index
          %swap3A_497 = arith.constant 0 : index
          %swap3A_498 = tpu.vector_load %arg21[%swap3A_496, %swap3A_497] {strides = array<i32>} : memref<80x128xf32, #tpu.memory_space<vmem>>, vector<16xf32>,
          tpu.vector_store %arg21[%swap3A_496, %swap3A_497], %mul3A_495 {strides = array<i32>} : memref<80x128xf32, #tpu.memory_space<vmem>>, vector<16xf32>,
          %get3A_499 = arith.index_cast %add3A_489 : i32 to index
          %get3A_500 = arith.constant 16 : index
          %get3A_501 = tpu.vector_load %arg21[%get3A_499, %get3A_500] {strides = array<i32>} : memref<80x128xf32, #tpu.memory_space<vmem>>, vector<16xf32>,
          %mul3A_502 = arith.mulf %get3A_501, %gather3A_491 : vector<16xf32>
          %swap3A_503 = arith.index_cast %add3A_489 : i32 to index
          %swap3A_504 = arith.constant 16 : index
          %swap3A_505 = tpu.vector_load %arg21[%swap3A_503, %swap3A_504] {strides = array<i32>} : memref<80x128xf32, #tpu.memory_space<vmem>>, vector<16xf32>,
          tpu.vector_store %arg21[%swap3A_503, %swap3A_504], %mul3A_502 {strides = array<i32>} : memref<80x128xf32, #tpu.memory_space<vmem>>, vector<16xf32>,
          %get3A_506 = arith.index_cast %add3A_489 : i32 to index
          %get3A_507 = arith.constant 32 : index
          %get3A_508 = tpu.vector_load %arg21[%get3A_506, %get3A_507] {strides = array<i32>} : memref<80x128xf32, #tpu.memory_space<vmem>>, vector<16xf32>,
          %mul3A_509 = arith.mulf %get3A_508, %gather3A_491 : vector<16xf32>
          %swap3A_510 = arith.index_cast %add3A_489 : i32 to index
          %swap3A_511 = arith.constant 32 : index
          %swap3A_512 = tpu.vector_load %arg21[%swap3A_510, %swap3A_511] {strides = array<i32>} : memref<80x128xf32, #tpu.memory_space<vmem>>, vector<16xf32>,
          tpu.vector_store %arg21[%swap3A_510, %swap3A_511], %mul3A_509 {strides = array<i32>} : memref<80x128xf32, #tpu.memory_space<vmem>>, vector<16xf32>,
          %get3A_513 = arith.index_cast %add3A_489 : i32 to index
          %get3A_514 = arith.constant 48 : index
          %get3A_515 = tpu.vector_load %arg21[%get3A_513, %get3A_514] {strides = array<i32>} : memref<80x128xf32, #tpu.memory_space<vmem>>, vector<16xf32>,
          %mul3A_516 = arith.mulf %get3A_515, %gather3A_491 : vector<16xf32>
          %swap3A_517 = arith.index_cast %add3A_489 : i32 to index
          %swap3A_518 = arith.constant 48 : index
          %swap3A_519 = tpu.vector_load %arg21[%swap3A_517, %swap3A_518] {strides = array<i32>} : memref<80x128xf32, #tpu.memory_space<vmem>>, vector<16xf32>,
          tpu.vector_store %arg21[%swap3A_517, %swap3A_518], %mul3A_516 {strides = array<i32>} : memref<80x128xf32, #tpu.memory_space<vmem>>, vector<16xf32>,
          %get3A_520 = arith.index_cast %add3A_489 : i32 to index
          %get3A_521 = arith.constant 64 : index
          %get3A_522 = tpu.vector_load %arg21[%get3A_520, %get3A_521] {strides = array<i32>} : memref<80x128xf32, #tpu.memory_space<vmem>>, vector<16xf32>,
          %mul3A_523 = arith.mulf %get3A_522, %gather3A_491 : vector<16xf32>
          %swap3A_524 = arith.index_cast %add3A_489 : i32 to index
          %swap3A_525 = arith.constant 64 : index
          %swap3A_526 = tpu.vector_load %arg21[%swap3A_524, %swap3A_525] {strides = array<i32>} : memref<80x128xf32, #tpu.memory_space<vmem>>, vector<16xf32>,
          tpu.vector_store %arg21[%swap3A_524, %swap3A_525], %mul3A_523 {strides = array<i32>} : memref<80x128xf32, #tpu.memory_space<vmem>>, vector<16xf32>,
          %get3A_527 = arith.index_cast %add3A_489 : i32 to index
          %get3A_528 = arith.constant 80 : index
          %get3A_529 = tpu.vector_load %arg21[%get3A_527, %get3A_528] {strides = array<i32>} : memref<80x128xf32, #tpu.memory_space<vmem>>, vector<16xf32>,
          %mul3A_530 = arith.mulf %get3A_529, %gather3A_491 : vector<16xf32>
          %swap3A_531 = arith.index_cast %add3A_489 : i32 to index
          %swap3A_532 = arith.constant 80 : index
          %swap3A_533 = tpu.vector_load %arg21[%swap3A_531, %swap3A_532] {strides = array<i32>} : memref<80x128xf32, #tpu.memory_space<vmem>>, vector<16xf32>,
          tpu.vector_store %arg21[%swap3A_531, %swap3A_532], %mul3A_530 {strides = array<i32>} : memref<80x128xf32, #tpu.memory_space<vmem>>, vector<16xf32>,
          %get3A_534 = arith.index_cast %add3A_489 : i32 to index
          %get3A_535 = arith.constant 96 : index
          %get3A_536 = tpu.vector_load %arg21[%get3A_534, %get3A_535] {strides = array<i32>} : memref<80x128xf32, #tpu.memory_space<vmem>>, vector<16xf32>,
          %mul3A_537 = arith.mulf %get3A_536, %gather3A_491 : vector<16xf32>
          %swap3A_538 = arith.index_cast %add3A_489 : i32 to index
          %swap3A_539 = arith.constant 96 : index
          %swap3A_540 = tpu.vector_load %arg21[%swap3A_538, %swap3A_539] {strides = array<i32>} : memref<80x128xf32, #tpu.memory_space<vmem>>, vector<16xf32>,
          tpu.vector_store %arg21[%swap3A_538, %swap3A_539], %mul3A_537 {strides = array<i32>} : memref<80x128xf32, #tpu.memory_space<vmem>>, vector<16xf32>,
          %get3A_541 = arith.index_cast %add3A_489 : i32 to index
          %get3A_542 = arith.constant 112 : index
          %get3A_543 = tpu.vector_load %arg21[%get3A_541, %get3A_542] {strides = array<i32>} : memref<80x128xf32, #tpu.memory_space<vmem>>, vector<16xf32>,
          %mul3A_544 = arith.mulf %get3A_543, %gather3A_491 : vector<16xf32>
          %swap3A_545 = arith.index_cast %add3A_489 : i32 to index
          %swap3A_546 = arith.constant 112 : index
          %swap3A_547 = tpu.vector_load %arg21[%swap3A_545, %swap3A_546] {strides = array<i32>} : memref<80x128xf32, #tpu.memory_space<vmem>>, vector<16xf32>,
          tpu.vector_store %arg21[%swap3A_545, %swap3A_546], %mul3A_544 {strides = array<i32>} : memref<80x128xf32, #tpu.memory_space<vmem>>, vector<16xf32>,
          %mul3A_548 = arith.constant 4 : i32
          %mul3A_549 = arith.muli %scan3A_425, %mul3A_548 : i32
          %add3A_550 = arith.constant 2 : i32
          %add3A_551 = arith.addi %mul3A_549, %add3A_550 : i32
          %broadcast_in_dim3A_552 = vector.broadcast %add3A_551 : i32 to vector<16xi32>
          %gather3A_553 = tpu.vector_load_idx %arg18[%broadcast_in_dim3A_552] : memref<80xf32, #tpu.memory_space<vmem>>[vector<16xi32>], vector<16xf32>,
          %get3A_554 = arith.index_cast %add3A_551 : i32 to index
          %get3A_555 = arith.constant 0 : index
          %get3A_556 = tpu.vector_load %arg21[%get3A_554, %get3A_555] {strides = array<i32>} : memref<80x128xf32, #tpu.memory_space<vmem>>, vector<16xf32>,
          %mul3A_557 = arith.mulf %get3A_556, %gather3A_553 : vector<16xf32>
          %swap3A_558 = arith.index_cast %add3A_551 : i32 to index
          %swap3A_559 = arith.constant 0 : index
          %swap3A_560 = tpu.vector_load %arg21[%swap3A_558, %swap3A_559] {strides = array<i32>} : memref<80x128xf32, #tpu.memory_space<vmem>>, vector<16xf32>,
          tpu.vector_store %arg21[%swap3A_558, %swap3A_559], %mul3A_557 {strides = array<i32>} : memref<80x128xf32, #tpu.memory_space<vmem>>, vector<16xf32>,
          %get3A_561 = arith.index_cast %add3A_551 : i32 to index
          %get3A_562 = arith.constant 16 : index
          %get3A_563 = tpu.vector_load %arg21[%get3A_561, %get3A_562] {strides = array<i32>} : memref<80x128xf32, #tpu.memory_space<vmem>>, vector<16xf32>,
          %mul3A_564 = arith.mulf %get3A_563, %gather3A_553 : vector<16xf32>
          %swap3A_565 = arith.index_cast %add3A_551 : i32 to index
          %swap3A_566 = arith.constant 16 : index
          %swap3A_567 = tpu.vector_load %arg21[%swap3A_565, %swap3A_566] {strides = array<i32>} : memref<80x128xf32, #tpu.memory_space<vmem>>, vector<16xf32>,
          tpu.vector_store %arg21[%swap3A_565, %swap3A_566], %mul3A_564 {strides = array<i32>} : memref<80x128xf32, #tpu.memory_space<vmem>>, vector<16xf32>,
          %get3A_568 = arith.index_cast %add3A_551 : i32 to index
          %get3A_569 = arith.constant 32 : index
          %get3A_570 = tpu.vector_load %arg21[%get3A_568, %get3A_569] {strides = array<i32>} : memref<80x128xf32, #tpu.memory_space<vmem>>, vector<16xf32>,
          %mul3A_571 = arith.mulf %get3A_570, %gather3A_553 : vector<16xf32>
          %swap3A_572 = arith.index_cast %add3A_551 : i32 to index
          %swap3A_573 = arith.constant 32 : index
          %swap3A_574 = tpu.vector_load %arg21[%swap3A_572, %swap3A_573] {strides = array<i32>} : memref<80x128xf32, #tpu.memory_space<vmem>>, vector<16xf32>,
          tpu.vector_store %arg21[%swap3A_572, %swap3A_573], %mul3A_571 {strides = array<i32>} : memref<80x128xf32, #tpu.memory_space<vmem>>, vector<16xf32>,
          %get3A_575 = arith.index_cast %add3A_551 : i32 to index
          %get3A_576 = arith.constant 48 : index
          %get3A_577 = tpu.vector_load %arg21[%get3A_575, %get3A_576] {strides = array<i32>} : memref<80x128xf32, #tpu.memory_space<vmem>>, vector<16xf32>,
          %mul3A_578 = arith.mulf %get3A_577, %gather3A_553 : vector<16xf32>
          %swap3A_579 = arith.index_cast %add3A_551 : i32 to index
          %swap3A_580 = arith.constant 48 : index
          %swap3A_581 = tpu.vector_load %arg21[%swap3A_579, %swap3A_580] {strides = array<i32>} : memref<80x128xf32, #tpu.memory_space<vmem>>, vector<16xf32>,
          tpu.vector_store %arg21[%swap3A_579, %swap3A_580], %mul3A_578 {strides = array<i32>} : memref<80x128xf32, #tpu.memory_space<vmem>>, vector<16xf32>,
          %get3A_582 = arith.index_cast %add3A_551 : i32 to index
          %get3A_583 = arith.constant 64 : index
          %get3A_584 = tpu.vector_load %arg21[%get3A_582, %get3A_583] {strides = array<i32>} : memref<80x128xf32, #tpu.memory_space<vmem>>, vector<16xf32>,
          %mul3A_585 = arith.mulf %get3A_584, %gather3A_553 : vector<16xf32>
          %swap3A_586 = arith.index_cast %add3A_551 : i32 to index
          %swap3A_587 = arith.constant 64 : index
          %swap3A_588 = tpu.vector_load %arg21[%swap3A_586, %swap3A_587] {strides = array<i32>} : memref<80x128xf32, #tpu.memory_space<vmem>>, vector<16xf32>,
          tpu.vector_store %arg21[%swap3A_586, %swap3A_587], %mul3A_585 {strides = array<i32>} : memref<80x128xf32, #tpu.memory_space<vmem>>, vector<16xf32>,
          %get3A_589 = arith.index_cast %add3A_551 : i32 to index
          %get3A_590 = arith.constant 80 : index
          %get3A_591 = tpu.vector_load %arg21[%get3A_589, %get3A_590] {strides = array<i32>} : memref<80x128xf32, #tpu.memory_space<vmem>>, vector<16xf32>,
          %mul3A_592 = arith.mulf %get3A_591, %gather3A_553 : vector<16xf32>
          %swap3A_593 = arith.index_cast %add3A_551 : i32 to index
          %swap3A_594 = arith.constant 80 : index
          %swap3A_595 = tpu.vector_load %arg21[%swap3A_593, %swap3A_594] {strides = array<i32>} : memref<80x128xf32, #tpu.memory_space<vmem>>, vector<16xf32>,
          tpu.vector_store %arg21[%swap3A_593, %swap3A_594], %mul3A_592 {strides = array<i32>} : memref<80x128xf32, #tpu.memory_space<vmem>>, vector<16xf32>,
          %get3A_596 = arith.index_cast %add3A_551 : i32 to index
          %get3A_597 = arith.constant 96 : index
          %get3A_598 = tpu.vector_load %arg21[%get3A_596, %get3A_597] {strides = array<i32>} : memref<80x128xf32, #tpu.memory_space<vmem>>, vector<16xf32>,
          %mul3A_599 = arith.mulf %get3A_598, %gather3A_553 : vector<16xf32>
          %swap3A_600 = arith.index_cast %add3A_551 : i32 to index
          %swap3A_601 = arith.constant 96 : index
          %swap3A_602 = tpu.vector_load %arg21[%swap3A_600, %swap3A_601] {strides = array<i32>} : memref<80x128xf32, #tpu.memory_space<vmem>>, vector<16xf32>,
          tpu.vector_store %arg21[%swap3A_600, %swap3A_601], %mul3A_599 {strides = array<i32>} : memref<80x128xf32, #tpu.memory_space<vmem>>, vector<16xf32>,
          %get3A_603 = arith.index_cast %add3A_551 : i32 to index
          %get3A_604 = arith.constant 112 : index
          %get3A_605 = tpu.vector_load %arg21[%get3A_603, %get3A_604] {strides = array<i32>} : memref<80x128xf32, #tpu.memory_space<vmem>>, vector<16xf32>,
          %mul3A_606 = arith.mulf %get3A_605, %gather3A_553 : vector<16xf32>
          %swap3A_607 = arith.index_cast %add3A_551 : i32 to index
          %swap3A_608 = arith.constant 112 : index
          %swap3A_609 = tpu.vector_load %arg21[%swap3A_607, %swap3A_608] {strides = array<i32>} : memref<80x128xf32, #tpu.memory_space<vmem>>, vector<16xf32>,
          tpu.vector_store %arg21[%swap3A_607, %swap3A_608], %mul3A_606 {strides = array<i32>} : memref<80x128xf32, #tpu.memory_space<vmem>>, vector<16xf32>,
          %mul3A_610 = arith.constant 4 : i32
          %mul3A_611 = arith.muli %scan3A_425, %mul3A_610 : i32
          %add3A_612 = arith.constant 3 : i32
          %add3A_613 = arith.addi %mul3A_611, %add3A_612 : i32
          %broadcast_in_dim3A_614 = vector.broadcast %add3A_613 : i32 to vector<16xi32>
          %gather3A_615 = tpu.vector_load_idx %arg18[%broadcast_in_dim3A_614] : memref<80xf32, #tpu.memory_space<vmem>>[vector<16xi32>], vector<16xf32>,
          %get3A_616 = arith.index_cast %add3A_613 : i32 to index
          %get3A_617 = arith.constant 0 : index
          %get3A_618 = tpu.vector_load %arg21[%get3A_616, %get3A_617] {strides = array<i32>} : memref<80x128xf32, #tpu.memory_space<vmem>>, vector<16xf32>,
          %mul3A_619 = arith.mulf %get3A_618, %gather3A_615 : vector<16xf32>
          %swap3A_620 = arith.index_cast %add3A_613 : i32 to index
          %swap3A_621 = arith.constant 0 : index
          %swap3A_622 = tpu.vector_load %arg21[%swap3A_620, %swap3A_621] {strides = array<i32>} : memref<80x128xf32, #tpu.memory_space<vmem>>, vector<16xf32>,
          tpu.vector_store %arg21[%swap3A_620, %swap3A_621], %mul3A_619 {strides = array<i32>} : memref<80x128xf32, #tpu.memory_space<vmem>>, vector<16xf32>,
          %get3A_623 = arith.index_cast %add3A_613 : i32 to index
          %get3A_624 = arith.constant 16 : index
          %get3A_625 = tpu.vector_load %arg21[%get3A_623, %get3A_624] {strides = array<i32>} : memref<80x128xf32, #tpu.memory_space<vmem>>, vector<16xf32>,
          %mul3A_626 = arith.mulf %get3A_625, %gather3A_615 : vector<16xf32>
          %swap3A_627 = arith.index_cast %add3A_613 : i32 to index
          %swap3A_628 = arith.constant 16 : index
          %swap3A_629 = tpu.vector_load %arg21[%swap3A_627, %swap3A_628] {strides = array<i32>} : memref<80x128xf32, #tpu.memory_space<vmem>>, vector<16xf32>,
          tpu.vector_store %arg21[%swap3A_627, %swap3A_628], %mul3A_626 {strides = array<i32>} : memref<80x128xf32, #tpu.memory_space<vmem>>, vector<16xf32>,
          %get3A_630 = arith.index_cast %add3A_613 : i32 to index
          %get3A_631 = arith.constant 32 : index
          %get3A_632 = tpu.vector_load %arg21[%get3A_630, %get3A_631] {strides = array<i32>} : memref<80x128xf32, #tpu.memory_space<vmem>>, vector<16xf32>,
          %mul3A_633 = arith.mulf %get3A_632, %gather3A_615 : vector<16xf32>
          %swap3A_634 = arith.index_cast %add3A_613 : i32 to index
          %swap3A_635 = arith.constant 32 : index
          %swap3A_636 = tpu.vector_load %arg21[%swap3A_634, %swap3A_635] {strides = array<i32>} : memref<80x128xf32, #tpu.memory_space<vmem>>, vector<16xf32>,
          tpu.vector_store %arg21[%swap3A_634, %swap3A_635], %mul3A_633 {strides = array<i32>} : memref<80x128xf32, #tpu.memory_space<vmem>>, vector<16xf32>,
          %get3A_637 = arith.index_cast %add3A_613 : i32 to index
          %get3A_638 = arith.constant 48 : index
          %get3A_639 = tpu.vector_load %arg21[%get3A_637, %get3A_638] {strides = array<i32>} : memref<80x128xf32, #tpu.memory_space<vmem>>, vector<16xf32>,
          %mul3A_640 = arith.mulf %get3A_639, %gather3A_615 : vector<16xf32>
          %swap3A_641 = arith.index_cast %add3A_613 : i32 to index
          %swap3A_642 = arith.constant 48 : index
          %swap3A_643 = tpu.vector_load %arg21[%swap3A_641, %swap3A_642] {strides = array<i32>} : memref<80x128xf32, #tpu.memory_space<vmem>>, vector<16xf32>,
          tpu.vector_store %arg21[%swap3A_641, %swap3A_642], %mul3A_640 {strides = array<i32>} : memref<80x128xf32, #tpu.memory_space<vmem>>, vector<16xf32>,
          %get3A_644 = arith.index_cast %add3A_613 : i32 to index
          %get3A_645 = arith.constant 64 : index
          %get3A_646 = tpu.vector_load %arg21[%get3A_644, %get3A_645] {strides = array<i32>} : memref<80x128xf32, #tpu.memory_space<vmem>>, vector<16xf32>,
          %mul3A_647 = arith.mulf %get3A_646, %gather3A_615 : vector<16xf32>
          %swap3A_648 = arith.index_cast %add3A_613 : i32 to index
          %swap3A_649 = arith.constant 64 : index
          %swap3A_650 = tpu.vector_load %arg21[%swap3A_648, %swap3A_649] {strides = array<i32>} : memref<80x128xf32, #tpu.memory_space<vmem>>, vector<16xf32>,
          tpu.vector_store %arg21[%swap3A_648, %swap3A_649], %mul3A_647 {strides = array<i32>} : memref<80x128xf32, #tpu.memory_space<vmem>>, vector<16xf32>,
          %get3A_651 = arith.index_cast %add3A_613 : i32 to index
          %get3A_652 = arith.constant 80 : index
          %get3A_653 = tpu.vector_load %arg21[%get3A_651, %get3A_652] {strides = array<i32>} : memref<80x128xf32, #tpu.memory_space<vmem>>, vector<16xf32>,
          %mul3A_654 = arith.mulf %get3A_653, %gather3A_615 : vector<16xf32>
          %swap3A_655 = arith.index_cast %add3A_613 : i32 to index
          %swap3A_656 = arith.constant 80 : index
          %swap3A_657 = tpu.vector_load %arg21[%swap3A_655, %swap3A_656] {strides = array<i32>} : memref<80x128xf32, #tpu.memory_space<vmem>>, vector<16xf32>,
          tpu.vector_store %arg21[%swap3A_655, %swap3A_656], %mul3A_654 {strides = array<i32>} : memref<80x128xf32, #tpu.memory_space<vmem>>, vector<16xf32>,
          %get3A_658 = arith.index_cast %add3A_613 : i32 to index
          %get3A_659 = arith.constant 96 : index
          %get3A_660 = tpu.vector_load %arg21[%get3A_658, %get3A_659] {strides = array<i32>} : memref<80x128xf32, #tpu.memory_space<vmem>>, vector<16xf32>,
          %mul3A_661 = arith.mulf %get3A_660, %gather3A_615 : vector<16xf32>
          %swap3A_662 = arith.index_cast %add3A_613 : i32 to index
          %swap3A_663 = arith.constant 96 : index
          %swap3A_664 = tpu.vector_load %arg21[%swap3A_662, %swap3A_663] {strides = array<i32>} : memref<80x128xf32, #tpu.memory_space<vmem>>, vector<16xf32>,
          tpu.vector_store %arg21[%swap3A_662, %swap3A_663], %mul3A_661 {strides = array<i32>} : memref<80x128xf32, #tpu.memory_space<vmem>>, vector<16xf32>,
          %get3A_665 = arith.index_cast %add3A_613 : i32 to index
          %get3A_666 = arith.constant 112 : index
          %get3A_667 = tpu.vector_load %arg21[%get3A_665, %get3A_666] {strides = array<i32>} : memref<80x128xf32, #tpu.memory_space<vmem>>, vector<16xf32>,
          %mul3A_668 = arith.mulf %get3A_667, %gather3A_615 : vector<16xf32>
          %swap3A_669 = arith.index_cast %add3A_613 : i32 to index
          %swap3A_670 = arith.constant 112 : index
          %swap3A_671 = tpu.vector_load %arg21[%swap3A_669, %swap3A_670] {strides = array<i32>} : memref<80x128xf32, #tpu.memory_space<vmem>>, vector<16xf32>,
          tpu.vector_store %arg21[%swap3A_669, %swap3A_670], %mul3A_668 {strides = array<i32>} : memref<80x128xf32, #tpu.memory_space<vmem>>, vector<16xf32>,
        }
        %scan3A_421 = arith.constant 20 : i32
        %dma_start3A_422 = arith.constant 0 : i32
        %dma_start3A_423 = arith.constant 0 : i32
        %dma_start3A_424 = tpu.memref_slice %arg22[%dma_start3A_422, %dma_start3A_423] : memref<10000x128xf32, #tpu.memory_space<vmem_shared>> -> memref<10000x128xf32, #tpu.memory_space<vmem_shared>>
        tpu.enqueue_indirect_dma source(%arg21 : memref<80x128xf32, #tpu.memory_space<vmem>>) target(%dma_start3A_424 : memref<10000x128xf32, #tpu.memory_space<vmem_shared>>) offsets(%arg12 : memref<80xi32, #tpu.memory_space<vmem>>) semaphore(%arg31 : memref<!tpu.dma_semaphore, #tpu.memory_space<semaphore_mem>>) {add = true}
      } else {
      }
    }
    %scan3A_358 = arith.constant 42 : i32
    %dma_wait3A = arith.constant 0 : i32
    %dma_wait3A_359 = arith.constant 0 : i32
    %dma_wait3A_360 = tpu.memref_slice %arg22[%dma_wait3A, %dma_wait3A_359] : memref<10000x128xf32, #tpu.memory_space<vmem_shared>> -> memref<10000x128xf32, #tpu.memory_space<vmem_shared>>
    tpu.wait_indirect_dma semaphore(%arg31 : memref<!tpu.dma_semaphore, #tpu.memory_space<semaphore_mem>>) src(%arg21 : memref<80x128xf32, #tpu.memory_space<vmem>>) dst(%dma_wait3A_360 : memref<10000x128xf32, #tpu.memory_space<vmem_shared>>)
    %dma_wait3A_361 = arith.constant 0 : i32
    %dma_wait3A_362 = arith.constant 0 : i32
    %dma_wait3A_363 = tpu.memref_slice %arg22[%dma_wait3A_361, %dma_wait3A_362] : memref<10000x128xf32, #tpu.memory_space<vmem_shared>> -> memref<10000x128xf32, #tpu.memory_space<vmem_shared>>
    tpu.wait_indirect_dma semaphore(%arg29 : memref<!tpu.dma_semaphore, #tpu.memory_space<semaphore_mem>>) src(%arg19 : memref<80x128xf32, #tpu.memory_space<vmem>>) dst(%dma_wait3A_363 : memref<10000x128xf32, #tpu.memory_space<vmem_shared>>)
    %dma_wait3A_364 = arith.constant 0 : i32
    %dma_wait3A_365 = arith.constant 0 : i32
    %dma_wait3A_366 = tpu.memref_slice %arg22[%dma_wait3A_364, %dma_wait3A_365] : memref<10000x128xf32, #tpu.memory_space<vmem_shared>> -> memref<10000x128xf32, #tpu.memory_space<vmem_shared>>
    tpu.wait_indirect_dma semaphore(%arg30 : memref<!tpu.dma_semaphore, #tpu.memory_space<semaphore_mem>>) src(%arg20 : memref<80x128xf32, #tpu.memory_space<vmem>>) dst(%dma_wait3A_366 : memref<10000x128xf32, #tpu.memory_space<vmem_shared>>)
    %barrier3A_367 = arith.constant 0 : index
    tpu.barrier barrier_id(%barrier3A_367)
    %mul3A_368 = arith.constant 624 : i32
    %mul3A_369 = arith.muli %arg1, %mul3A_368 : i32
    "tpu.region"() ({
      %run_scoped3A = tpu.sem_alloc : memref<!tpu.dma_semaphore, #tpu.memory_space<semaphore_mem>>
      %dma_start3A_372 = arith.constant 0 : i32
      %dma_start3A_373 = tpu.memref_slice %arg5[%arg0, %mul3A_369, %dma_start3A_372] : memref<2x10000x128xf32, #tpu.memory_space<hbm>> -> memref<1x624x128xf32, #tpu.memory_space<hbm>>
      %dma_start3A_374 = tpu.memref_squeeze %dma_start3A_373 : memref<1x624x128xf32, #tpu.memory_space<hbm>> -> memref<624x128xf32, #tpu.memory_space<hbm>>
      %dma_start3A_375 = arith.constant 0 : i32
      %dma_start3A_376 = tpu.memref_slice %arg22[%mul3A_369, %dma_start3A_375] : memref<10000x128xf32, #tpu.memory_space<vmem_shared>> -> memref<624x128xf32, #tpu.memory_space<vmem_shared>>
      tpu.enqueue_dma source(%dma_start3A_376 : memref<624x128xf32, #tpu.memory_space<vmem_shared>>) target(%dma_start3A_374 : memref<624x128xf32, #tpu.memory_space<hbm>>) target_semaphore(%run_scoped3A : memref<!tpu.dma_semaphore, #tpu.memory_space<semaphore_mem>>)
      %dma_wait3A_377 = arith.constant 0 : i32
      %dma_wait3A_378 = tpu.memref_slice %arg5[%arg0, %mul3A_369, %dma_wait3A_377] : memref<2x10000x128xf32, #tpu.memory_space<hbm>> -> memref<1x624x128xf32, #tpu.memory_space<hbm>>
      %dma_wait3A_379 = tpu.memref_squeeze %dma_wait3A_378 : memref<1x624x128xf32, #tpu.memory_space<hbm>> -> memref<624x128xf32, #tpu.memory_space<hbm>>
      %dma_wait3A_380 = arith.constant 0 : i32
      %dma_wait3A_381 = tpu.memref_slice %arg22[%mul3A_369, %dma_wait3A_380] : memref<10000x128xf32, #tpu.memory_space<vmem_shared>> -> memref<624x128xf32, #tpu.memory_space<vmem_shared>>
      tpu.wait_dma2 semaphore(%run_scoped3A : memref<!tpu.dma_semaphore, #tpu.memory_space<semaphore_mem>>) src(%dma_wait3A_381 : memref<624x128xf32, #tpu.memory_space<vmem_shared>>) dst(%dma_wait3A_379 : memref<624x128xf32, #tpu.memory_space<hbm>>)
      tpu.yield
    }) : () -> ()
    %eq3A = arith.constant 15 : i32
    %eq3A_370 = arith.cmpi eq, %arg1, %eq3A : i32
    %convert_element_type3A = arith.extui %eq3A_370 : i1 to i32
    %cond3A = arith.constant 0 : i32
    %cond3A_371 = arith.cmpi ne, %convert_element_type3A, %cond3A : i32
    scf.if %cond3A_371 {
      "tpu.region"() ({
        %run_scoped3A = tpu.sem_alloc : memref<!tpu.dma_semaphore, #tpu.memory_space<semaphore_mem>>
        %dma_start3A_372 = arith.constant 9984 : i32
        %dma_start3A_373 = arith.constant 0 : i32
        %dma_start3A_374 = tpu.memref_slice %arg5[%arg0, %dma_start3A_372, %dma_start3A_373] : memref<2x10000x128xf32, #tpu.memory_space<hbm>> -> memref<1x16x128xf32, #tpu.memory_space<hbm>>
        %dma_start3A_375 = tpu.memref_squeeze %dma_start3A_374 : memref<1x16x128xf32, #tpu.memory_space<hbm>> -> memref<16x128xf32, #tpu.memory_space<hbm>>
        %dma_start3A_376 = arith.constant 9984 : i32
        %dma_start3A_377 = arith.constant 0 : i32
        %dma_start3A_378 = tpu.memref_slice %arg22[%dma_start3A_376, %dma_start3A_377] : memref<10000x128xf32, #tpu.memory_space<vmem_shared>> -> memref<16x128xf32, #tpu.memory_space<vmem_shared>>
        tpu.enqueue_dma source(%dma_start3A_378 : memref<16x128xf32, #tpu.memory_space<vmem_shared>>) target(%dma_start3A_375 : memref<16x128xf32, #tpu.memory_space<hbm>>) target_semaphore(%run_scoped3A : memref<!tpu.dma_semaphore, #tpu.memory_space<semaphore_mem>>)
        %dma_wait3A_379 = arith.constant 9984 : i32
        %dma_wait3A_380 = arith.constant 0 : i32
        %dma_wait3A_381 = tpu.memref_slice %arg5[%arg0, %dma_wait3A_379, %dma_wait3A_380] : memref<2x10000x128xf32, #tpu.memory_space<hbm>> -> memref<1x16x128xf32, #tpu.memory_space<hbm>>
        %dma_wait3A_382 = tpu.memref_squeeze %dma_wait3A_381 : memref<1x16x128xf32, #tpu.memory_space<hbm>> -> memref<16x128xf32, #tpu.memory_space<hbm>>
        %dma_wait3A_383 = arith.constant 9984 : i32
        %dma_wait3A_384 = arith.constant 0 : i32
        %dma_wait3A_385 = tpu.memref_slice %arg22[%dma_wait3A_383, %dma_wait3A_384] : memref<10000x128xf32, #tpu.memory_space<vmem_shared>> -> memref<16x128xf32, #tpu.memory_space<vmem_shared>>
        tpu.wait_dma2 semaphore(%run_scoped3A : memref<!tpu.dma_semaphore, #tpu.memory_space<semaphore_mem>>) src(%dma_wait3A_385 : memref<16x128xf32, #tpu.memory_space<vmem_shared>>) dst(%dma_wait3A_382 : memref<16x128xf32, #tpu.memory_space<hbm>>)
        tpu.yield
      }) : () -> ()
    } else {
    }
    return
  }
}

module attributes {stable_mosaic.version = 14 : i64} {
  func.func @_add_body(%arg0: i32, %arg1: memref<1x1000x128xf32, #tpu.memory_space<vmem>>, %arg2: memref<1x1000x128xf32, #tpu.memory_space<vmem>>, %arg3: memref<1000x128xf32, #tpu.memory_space<vmem>>) attributes {dimension_semantics = [#tpu.dimension_semantics<arbitrary>], iteration_bounds = array<i64: 10>, scalar_prefetch = 0 : i64, scratch_operands = 0 : i64, tpu.core_type = #tpu.core_type<tc>, window_params = [{transform_indices = @transform_0, window_bounds = array<i64: 1, 1000, 128>}, {transform_indices = @transform_1, window_bounds = array<i64: 1, 1000, 128>}, {transform_indices = @transform_2, window_bounds = array<i64: 1000, 128>}]} {
    %get3A = arith.constant 0 : index
    %get3A_0 = arith.constant 0 : index
    %get3A_1 = arith.constant 0 : index
    %get3A_2 = vector.load %arg1[%get3A, %get3A_0, %get3A_1] : memref<1x1000x128xf32, #tpu.memory_space<vmem>>, vector<1x1000x128xf32>
    %get3A_3 = vector.shape_cast %get3A_2 : vector<1x1000x128xf32> to vector<1000x128xf32>
    %get3A_4 = arith.constant 0 : index
    %get3A_5 = arith.constant 0 : index
    %get3A_6 = arith.constant 0 : index
    %get3A_7 = vector.load %arg2[%get3A_4, %get3A_5, %get3A_6] : memref<1x1000x128xf32, #tpu.memory_space<vmem>>, vector<1x1000x128xf32>
    %get3A_8 = vector.shape_cast %get3A_7 : vector<1x1000x128xf32> to vector<1000x128xf32>
    %add3A = arith.addf %get3A_3, %get3A_8 : vector<1000x128xf32>
    %swap3A = arith.constant 0 : index
    %swap3A_9 = arith.constant 0 : index
    %swap3A_10 = vector.load %arg3[%swap3A, %swap3A_9] : memref<1000x128xf32, #tpu.memory_space<vmem>>, vector<1000x128xf32>
    tpu.vector_store %arg3[%swap3A, %swap3A_9], %add3A {strides = array<i32>} : memref<1000x128xf32, #tpu.memory_space<vmem>>, vector<1000x128xf32>,
    return
  }
  func.func @transform_0(%arg0: i32) -> (i32, i32, i32) {
    %c0_i32 = arith.constant 0 : i32
    %c0_i32_0 = arith.constant 0 : i32
    %c0_i32_1 = arith.constant 0 : i32
    return %c0_i32, %arg0, %c0_i32_0 : i32, i32, i32
  }
  func.func @transform_1(%arg0: i32) -> (i32, i32, i32) {
    %c1_i32 = arith.constant 1 : i32
    %c0_i32 = arith.constant 0 : i32
    %c0_i32_0 = arith.constant 0 : i32
    return %c1_i32, %arg0, %c0_i32 : i32, i32, i32
  }
  func.func @transform_2(%arg0: i32) -> (i32, i32) {
    %c0_i32 = arith.constant 0 : i32
    %c0_i32_0 = arith.constant 0 : i32
    return %arg0, %c0_i32 : i32, i32
  }
}

module attributes {stable_mosaic.version = 14 : i64} {
  func.func @_tanh_body(%arg0: i32, %arg1: memref<1000x128xf32, #tpu.memory_space<vmem>>, %arg2: memref<1000x128xf32, #tpu.memory_space<vmem>>) attributes {dimension_semantics = [#tpu.dimension_semantics<arbitrary>], iteration_bounds = array<i64: 10>, scalar_prefetch = 0 : i64, scratch_operands = 0 : i64, tpu.core_type = #tpu.core_type<tc>, window_params = [{transform_indices = @transform_0, window_bounds = array<i64: 1000, 128>}, {transform_indices = @transform_1, window_bounds = array<i64: 1000, 128>}]} {
    %get3A = arith.constant 0 : index
    %get3A_0 = arith.constant 0 : index
    %get3A_1 = vector.load %arg1[%get3A, %get3A_0] : memref<1000x128xf32, #tpu.memory_space<vmem>>, vector<1000x128xf32>
    %tanh3A = math.tanh %get3A_1 : vector<1000x128xf32>
    %swap3A = arith.constant 0 : index
    %swap3A_2 = arith.constant 0 : index
    %swap3A_3 = vector.load %arg2[%swap3A, %swap3A_2] : memref<1000x128xf32, #tpu.memory_space<vmem>>, vector<1000x128xf32>
    tpu.vector_store %arg2[%swap3A, %swap3A_2], %tanh3A {strides = array<i32>} : memref<1000x128xf32, #tpu.memory_space<vmem>>, vector<1000x128xf32>,
    return
  }
  func.func @transform_0(%arg0: i32) -> (i32, i32) {
    %c0_i32 = arith.constant 0 : i32
    %c0_i32_0 = arith.constant 0 : i32
    return %arg0, %c0_i32 : i32, i32
  }
  func.func @transform_1(%arg0: i32) -> (i32, i32) {
    %c0_i32 = arith.constant 0 : i32
    %c0_i32_0 = arith.constant 0 : i32
    return %arg0, %c0_i32 : i32, i32
  }
}

</mosaic_0001>

<sc_bundles>
// kernel: kernel.5.cloned.1.call-start
scs
__scs_entry_jumppad:
0x0: {  	(pc) =	sbr.rel $0x88, $3  }
0x1: {  	(tag) =	ssettag $0x0;
	lr =	simm.s32 $0x1  }
0x2: {  	[smem:$0x3F9E] =	sst lr;
	_ =	strace $0xD0000000  }
0x3: {  	_ = 	snop  }
0x4: {  	_ = 	snop  }
0x5: {  	_ = 	snop  }
0x6: {  	_ = 	snop  }
0x7: {  	_ = 	snop  }
__scs_overlays_trampoline_lowered:
0x8: {  	[smem:$0x3FAD] =	sst s0  }
0x9: {  	[smem:$0x3FAE] =	sst s1  }
0xa: {  	[smem:$0x3FAF] =	sst s2  }
0xb: {  	[smem:$0x3FB0] =	sst s3  }
0xc: {  	[smem:$0x3FB1] =	sst s4  }
0xd: {  	[smem:$0x3FB2] =	sst s5  }
0xe: {  	[smem:$0x3FB3] =	sst s6  }
0xf: {  	[smem:$0x3FB4] =	sst s7  }
0x10: {  	[smem:$0x3FB5] =	sst s8  }
0x11: {  	[smem:$0x3FB6] =	sst s9;
	s0 =	simm.s32 @!p0 $0x0  }
0x12: {  	s1 =	sld [smem:$0x3F9C];
	s0 =	simm.s32 @p0 $0x1  }
0x13: {  	[smem:$0x3FB7] =	sst s0;
	s0 =	simm.s32 @!p1 $0x0  }
0x14: {  	s2 =	sld [smem:$0x3F9B];
	s0 =	simm.s32 @p1 $0x1  }
0x15: {  	[smem:$0x3FB8] =	sst s0;
	s0 =	simm.s32 @!p2 $0x0  }
0x16: {  	s3 =	sld [smem:$0x3FDB];
	s0 =	simm.s32 @p2 $0x1  }
0x17: {  	s4 =	simm.s32 $0x1BF5;
	[smem:$0x3FBA] =	sst s0  }
0x18: {  	s0 =	sld [smem:$0x3F9D];
	_ =	swait.ge [sflag:s4], $0x0  }
0x19: {  	s7 =	sld [smem:$0x3F9E]  }
0x1a: {  	s8 =	sadd.s32 $0xFFFFE003, lr  }
0x1b: {  	s9 =	sadd.s32 $0xFFFFFEF7, lr;
	s5 =	simm.s32 $0xFFFFFFFF;
	p2 =	slt.u32 s8, $0xFFFFF086  }
0x1c: {  	p1 =	slt.u32 s9, $0xF7A;
	s5 =	simm.s32 @!p2 $0x0  }
0x1d: {  	s5 =	simm.s32 @p1 $0x1;
	p0 =	seq.s32 s7, s2  }
0x1e: {  	s7 =	smul.u32 @!p0 $0xF7A, s2;
	p2 =	seq.s32 @!p0 s5, $0x0  }
0x1f: {  	s9 =	smul.u32 $0xF7A, s1;
	s8 =	simm.s32 @!p0 $0x1BF5;
	p2 =	por !p2, p0  }
0x20: {  	[sflag:s8] =	ssyncset.s32 @!p0 $0xFFFFF086;
	s6 =	sadd.s32 @!p0 s3, s7;
	s7 =	simm.s32 @!p0 $0x108  }
0x21: {  	s3 =	sadd.s32 s3, s9;
	s6 =	sadd.s32 @!p0 $0x88, s6;
	s7 =	simm.s32 @p2 $0x1082  }
0x22: {  	[simem:s7], [sflag:s8] =	dma.local @!p0 [hbm:s6], $0xF7A  }
0x23: {  	s9 =	sor.u32 $0xD0000000, s2;
	s6 =	simm.s32 $0x108;
	_ =	swait.ge @!p0 [sflag:s8], $0x0  }
0x24: {  	s3 =	sadd.s32 $0x88, s3;
	s6 =	simm.s32 @!p1 $0x1082;
	[sflag:s4] =	ssyncset.s32 $0xFFFFF086  }
0x25: {  	[simem:s6], [sflag:s4] =	dma.local [hbm:s3], $0xF7A  }
0x26: {  	[smem:$0x3F9E] =	sst s1;
	(tag) =	ssettag s2;
	_ =	strace s9  }
0x27: {  	s1 =	sld [smem:$0x3FAE]  }
0x28: {  	s2 =	sld [smem:$0x3FAF]  }
0x29: {  	s4 =	sld [smem:$0x3FB1]  }
0x2a: {  	p0 =	seq.s32 s5, $0x0;
	s5 =	sld [smem:$0x3FB2]  }
0x2b: {  	s6 =	sld [smem:$0x3FB3]  }
0x2c: {  	s7 =	sld [smem:$0x3FB4]  }
0x2d: {  	s3 =	simm.s32 $0x108;
	s8 =	sld [smem:$0x3FB5]  }
0x2e: {  	s3 =	simm.s32 @!p0 $0x1082;
	s9 =	sld [smem:$0x3FB6]  }
0x2f: {  	lr =	sadd.s32 s0, s3;
	s0 =	sld [smem:$0x3FAD]  }
0x30: {  	s3 =	sld [smem:$0x3FB0]  }
0x31: {  	[smem:$0x3FB9] =	sst s10  }
0x32: {  	s10 =	sld [smem:$0x3FB7];
	_ =	sdelay $0x3  }
0x33: {  	p0 =	seq.s32 s10, $0x1;
	s10 =	sld [smem:$0x3FB9];
	_ =	sdelay $0x3  }
0x34: {  	[smem:$0x3FB9] =	sst s10  }
0x35: {  	s10 =	sld [smem:$0x3FB8];
	_ =	sdelay $0x3  }
0x36: {  	p1 =	seq.s32 s10, $0x1;
	s10 =	sld [smem:$0x3FB9];
	_ =	sdelay $0x3  }
0x37: {  	[smem:$0x3FB9] =	sst s10  }
0x38: {  	s10 =	sld [smem:$0x3FBA]  }
0x39: {  	_ = 	snop;
	(pc) =	sbr.ind lr, $3  }
0x3a: {  	_ = 	snop  }
0x3b: {  	_ = 	snop  }
0x3c: {  	p2 =	seq.s32 s10, $0x1;
	s10 =	sld [smem:$0x3FB9]  }
0x3d: {  	_ =	shalt  }
0x3e: {  	_ =	shalt  }
0x3f: {  	_ =	shalt  }
0x40: {  	_ =	shalt  }
0x41: {  	_ =	shalt  }
0x42: {  	_ =	shalt  }
0x43: {  	_ =	shalt  }
0x44: {  	_ =	shalt  }
0x45: {  	_ =	shalt  }
0x46: {  	_ =	shalt  }
0x47: {  	_ =	shalt  }
0x48: {  	_ =	shalt  }
0x49: {  	_ =	shalt  }
0x4a: {  	_ =	shalt  }
0x4b: {  	_ =	shalt  }
0x4c: {  	_ =	shalt  }
0x4d: {  	_ =	shalt  }
0x4e: {  	_ =	shalt  }
0x4f: {  	_ =	shalt  }
0x50: {  	_ =	shalt  }
0x51: {  	_ =	shalt  }
0x52: {  	_ =	shalt  }
0x53: {  	_ =	shalt  }
0x54: {  	_ =	shalt  }
0x55: {  	_ =	shalt  }
0x56: {  	_ =	shalt  }
0x57: {  	_ =	shalt  }
0x58: {  	_ =	shalt  }
0x59: {  	_ =	shalt  }
0x5a: {  	_ =	shalt  }
0x5b: {  	_ =	shalt  }
0x5c: {  	_ =	shalt  }
0x5d: {  	_ =	shalt  }
0x5e: {  	_ =	shalt  }
0x5f: {  	_ =	shalt  }
0x60: {  	_ =	shalt  }
0x61: {  	_ =	shalt  }
0x62: {  	_ =	shalt  }
0x63: {  	_ =	shalt  }
0x64: {  	_ =	shalt  }
0x65: {  	_ =	shalt  }
0x66: {  	_ =	shalt  }
0x67: {  	_ =	shalt  }
0x68: {  	_ =	shalt  }
0x69: {  	_ =	shalt  }
0x6a: {  	_ =	shalt  }
0x6b: {  	_ =	shalt  }
0x6c: {  	_ =	shalt  }
0x6d: {  	_ =	shalt  }
0x6e: {  	_ =	shalt  }
0x6f: {  	_ =	shalt  }
0x70: {  	_ =	shalt  }
0x71: {  	_ =	shalt  }
0x72: {  	_ =	shalt  }
0x73: {  	_ =	shalt  }
0x74: {  	_ =	shalt  }
0x75: {  	_ =	shalt  }
0x76: {  	_ =	shalt  }
0x77: {  	_ =	shalt  }
0x78: {  	_ =	shalt  }
0x79: {  	_ =	shalt  }
0x7a: {  	_ =	shalt  }
0x7b: {  	_ =	shalt  }
0x7c: {  	_ =	shalt  }
0x7d: {  	_ =	shalt  }
0x7e: {  	_ =	shalt  }
0x7f: {  	_ =	shalt  }
0x80: {  	_ =	shalt  }
0x81: {  	_ =	shalt  }
0x82: {  	_ =	shalt  }
0x83: {  	_ =	shalt  }
0x84: {  	_ =	shalt  }
0x85: {  	_ =	shalt  }
0x86: {  	_ =	shalt  }
0x87: {  	_ =	shalt  }
.Lfunc_end0:
.L_simem_size_0:
called_computation_lowered:
.L_overlay_start_0:
0x88: {  	s2 =	sld [smem:$0x3FD9]  }
0x89: {  	s3 =	sld [smem:$0x3FFE];
	_ =	sdelay $0x1  }
0x8a: {  	s1 =	srdreg.scid  }
0x8b: {  	s0 =	sand.u32 $0x1, s1  }
0x8c: {  	s17 =	sshll.u32 s0, $0xA;
	s2 =	sadd.s32 s3, s2  }
0x8d: {  	s2 =	sadd.s32 s2, s17  }
0x8e: {  	[smem:$0x3FC5] =	sst s2  }
0x8f: {  	_ = 	snop  }
0x90: {  	s2 =	sld [smem:$0x3FD0];
	(tm) =	ssettm $0x1  }
0x91: {  	s18 =	sld [smem:$0x3FFB];
	_ =	sdelay $0x3  }
0x92: {  	_ =	strace s18  }
0x93: {  	s3 =	sld [smem:$0x3FFC];
	_ =	sdelay $0x3  }
0x94: {  	_ =	strace s3  }
0x95: {  	s3 =	sld [smem:$0x3FFD];
	_ =	sdelay $0x3  }
0x96: {  	_ =	strace s3  }
0x97: {  	_ =	strace $0x8FFFFFFF  }
0x98: {  	s19 =	sld [smem:$0x3FDB];
	_ =	sdelay $0x1  }
0x99: {  	s4 =	simm.s32 $_scs_section_size  }
0x9a: {  	s5 =	simm.s32 $_size__tile_overlayer_lowered;
	s6 =	simm.s32 $_tile_overlayer_lowered  }
0x9b: {  	s22 =	simm.s32 $0x1BFF;
	s21 =	sshll.u32 s6, $0x1;
	s3 =	sadd.s32 s4, s19  }
0x9c: {  	s7 =	simm.s32 $0x0;
	s20 =	sshll.u32 s5, $0x1;
	s5 =	sadd.s32 s21, s3  }
0x9d: {  	[timem:s7], [sflag:s22] =	dma.local [hbm:s5], s20  }
0x9e: {  	_ =	swait.ge [sflag:s22], s20  }
0x9f: {  	s4 =	ssub.s32 $0x0, s20;
	[sflag:s22] =	ssyncset.done $0x0  }
0xa0: {  	[sflag:s22] =	ssyncadd.s32 s4;
	_ =	sdelay $0x1  }
0xa1: {  	s23 =	simm.s32 $0x1B8B  }
0xa2: {  	_ =	swait.ge [sflag:s23], $0x1  }
0xa3: {  	[sflag:s23] =	ssyncset.done $0x0  }
0xa4: {  	s25 =	simm.s32 $0x1B8E;
	s24 =	sld [smem:$0x3FFE];
	[sflag:s23] =	ssyncadd.s32 $0xFFFFFFFF  }
0xa5: {  	s26 =	simm.s32 $execute0_lowered;
	[smem:$0x3FD2] =	sst s25  }
0xa6: {  	s5 =	sshll.u32 s26, $0x1;
	_ =	strace $0x80000046;
	[dreg:$0x1] =	wrdreg $0xFFFFFFFF  }
0xa7: {  	s28 =	simm.s32 $_size_execute0_lowered;
	s3 =	sadd.s32 s3, s5;
	[dreg:$0x0] =	wrdreg $0x0  }
0xa8: {  	s5 =	sshll.u32 s28, $0x1;
	[dreg:$0x2] =	wrdreg s3  }
0xa9: {  	[dreg:$0x3] =	wrdreg s5  }
0xaa: {  	[dreg:$0x4] =	wrdreg $0xC0  }
0xab: {  	_ =	task [dreg:s7], $0x5FFFF  }
0xac: {  	[dreg:$0x1] =	wrdreg $0xFFFFFFFF  }
0xad: {  	[dreg:$0x0] =	wrdreg $0x60  }
0xae: {  	[dreg:$0x2] =	wrdreg s2  }
0xaf: {  	[dreg:$0x3] =	wrdreg s24  }
0xb0: {  	[dreg:$0x4] =	wrdreg $0xA5800  }
0xb1: {  	[dreg:$0x5] =	wrdreg $0x9  }
0xb2: {  	_ =	task.clear_ibuf [dreg:s7], $0x6FFFF;
	_ =	strace $0x90000046  }
0xb3: {  	s29 =	simm.s32 $0x9;
	_ =	strace $0x80000048  }
0xb4: {  	_ =	swait.ge [sflag:s29], $0x1  }
0xb5: {  	[sflag:s29] =	ssyncadd.s32 $0xFFFFFFFF  }
0xb6: {  	_ =	strace $0x90000048  }
0xb7: {  	_ =	sfence  }
0xb8: {  	s30 =	sld [smem:$0x0];
	_ =	sdelay $0x2  }
0xb9: {  	s31 =	sshll.u32 s1, $0xD;
	s1 =	sshrl.u32 s1, $0x2  }
0xba: {  	s3 =	sand.u32 $0x4000, s31;
	s1 =	sadd.s32 s1, s30  }
0xbb: {  	s0 =	sor.u32 s3, s0;
	s1 =	sshll.u32 s1, $0x11  }
0xbc: {  	s0 =	sor.u32 s1, s0  }
0xbd: {  	s0 =	sadd.s32 $0x8F2B, s0  }
0xbe: {  	[sflag:s0] =	ssyncadd.remote.s32 $0x1  }
0xbf: {  	_ =	sfence.sel $0xFFFF  }
0xc0: {  	[dreg:$0x0] =	wrdreg $0xFFFFFFFF;
	(pc) =	sbr.abs _section_cstart, $3  }
0xc1: {  	[dreg:$0x1] =	wrdreg $0xFFFFFFFF  }
0xc2: {  	_ =	task.clear_ibuf [dreg:s7], $0x2FFFF;
	_ =	strace $0x9FFFFFFF  }
0xc3: {  	(tm) =	ssettm $0x7FFFFFFF  }
tec
execute0_lowered:
.L_overlay_start_1:
0x0: {  	(tag) =	ssettag $0x1  }
0x1: {  	s0 =	srdreg.scid;
	s1 =	rddreg [dreg:$0x1]  }
0x2: {  	s7 =	rddreg [dreg:$0x2];
	s6 =	stileid.u32;
	s3 =	simm.s32 $0x0  }
0x3: {  	s28 =	simm.s32 $0x2C80;
	s0 =	sand.u32 $0x1, s0;
	s4 =	smul.u32 $0x4E200, s6  }
0x4: {  	[smem:$0x7FF] =	sst s3;
	s5 =	sadd.s32 $0xA400, s1;
	s22 =	smul.u32 $0x13800, s6  }
0x5: {  	s26 =	smul.u32 $0x4E000, s6;
	p0 =	sne.s32 s6, $0xF;
	s2 =	sshll.u32 s0, $0x4  }
0x6: {  	_ =	strace $0x80000047;
	s17 =	ssub.s32 $0x2, s0;
	s4 =	sshrl.u32 s4, $0x2  }
0x7: {  	[dreg:$0x4] =	wrdreg s5;
	s0 =	smul.u32 $0x138800, s0;
	s19 =	sadd.s32 s4, s7  }
0x8: {  	s2 =	sor.u32 s6, s2;
	s20 =	sadd.s32 $0x2800, s19;
	[dreg:$0x6] =	wrdreg s19  }
0x9: {  	s18 =	sshrl.u32 s17, $0x1;
	s21 =	sadd.s32 $0x5000, s19;
	[dreg:$0x7] =	wrdreg s20  }
0xa: {  	s29 =	sshrl.u32 s26, $0x2;
	s4 =	sadd.s32 $0x7800, s19;
	[dreg:$0x8] =	wrdreg s21  }
0xb: {  	s6 =	simm.s32 $0x2D00;
	s23 =	sadd.s32 $0xA000, s19;
	[dreg:$0x9] =	wrdreg s4  }
0xc: {  	s2 =	smul.u32 $0x4E2, s2;
	s24 =	sadd.s32 $0xC800, s19;
	[dreg:$0xa] =	wrdreg s23  }
0xd: {  	s3 =	ssub.s32 s17, s18;
	s25 =	sadd.s32 $0xF000, s19;
	[dreg:$0xb] =	wrdreg s24  }
0xe: {  	s5 =	sadd.s32 $0x11800, s19;
	s2 =	sadd.s32 s2, s1;
	[dreg:$0xc] =	wrdreg s25  }
0xf: {  	s31 =	smax.u32 s3, $0x1;
	[dreg:$0xd] =	wrdreg s5;
	s2 =	sadd.s32 $0x600, s2  }
0x10: {  	s1 =	sadd.s32 $0xC18400, s1;
	[dreg:$0x5] =	wrdreg s2;
	s2 =	sadd.s32 s22, s0  }
0x11: {  	[dreg:$0x10] =	wrdreg s31;
	s0 =	sshrl.u32 s0, $0x3;
	s2 =	sshrl.u32 s2, $0x3  }
.Ltmp0:
0x12: {  	s0 =	sadd.s32 s1, s0;
	s2 =	sadd.s32 s1, s2;
	(pc) =	sbr.rel .LBB2_1-.Ltmp0, $4  }
0x13: {  	v0 =	vimm.s32 $0xECA86420;
	s30 =	sadd.s32 s29, s7;
	s0 =	sadd.s32 $0x27000, s0;
	[dreg:$0xe] =	wrdreg s2  }
0x14: {  	vm0 =	vmmov $0xff;
	v3 =	vimm.s32 $0x0;
	v1 =	vunpack.c.l.s4.s8 v0;
	s1 =	sshrl.u32 s30, $0x3;
	[dreg:$0xf] =	wrdreg s0;
	s0 =	sadd.s32 $0x138000, s7  }
0x15: {  	v2 =	vlaneseq.u32;
	v0 =	vimm.f32 $0.0e+00;
	v3 =	vsel vm0, $0xFFFFFFFF, v3;
	s3 =	simm.s32 $0x0;
	[dreg:$0x11] =	wrdreg s1;
	s0 =	sshrl.u32 @!p0 s0, $0x3  }
0x16: {  	v2 =	vmul.u32 $0x2, v2;
	[tilespmem:$0x1FFF0] =	vst v3;
	v3 =	vimm.s32 $0x0;
	v1 =	vunpack.c.0.s8.s32 v1;
	s22 =	simm.s32 $0x2C00;
	s2 =	simm.s32 $0xA;
	[dreg:$0x12] =	wrdreg s0  }
.LBB2_16:
0x17: {  	s0 =	simm.s32 $0x9  }
0x18: {  	_ =	swait.ge [sflag:s0], $0x2800  }
0x19: {  	[sflag:s0] =	ssyncset.done $0x0  }
0x1a: {  	s25 =	simm.s32 $0x7;
	[sflag:s0] =	ssyncadd.s32 $0xFFFFD800  }
0x1b: {  	_ =	swait.ge [sflag:s25], $0x2800  }
0x1c: {  	[sflag:s25] =	ssyncset.done $0x0  }
0x1d: {  	s26 =	simm.s32 $0x8;
	[sflag:s25] =	ssyncadd.s32 $0xFFFFD800  }
0x1e: {  	_ =	swait.ge [sflag:s26], $0x2800  }
0x1f: {  	[sflag:s26] =	ssyncset.done $0x0  }
0x20: {  	[sflag:s26] =	ssyncadd.s32 $0xFFFFD800  }
0x21: {  	s29 =	stileid.u32;
	[bflag:$0x0] =	sbarrier.arrive $0xFFFF  }
0x22: {  	s0 =	sshll.u32 s29, $0x6;
	s1 =	rddreg [dreg:$0xe]  }
0x23: {  	s0 =	sor.u32 $0x1C0A, s0;
	s2 =	rddreg [dreg:$0x11]  }
0x24: {  	[hbm:s1], [sflag:s0] =	dma.local [spmem:s2], $0x2700  }
0x25: {  	s2 =	simm.s32 $0xA  }
0x26: {  	_ =	swait.ge [sflag:s2], $0x2700  }
0x27: {  	[sflag:s2] =	ssyncset.done $0x0;
	s1 =	rddreg [dreg:$0xf]  }
0x28: {  	s3 =	rddreg [dreg:$0x12];
	[sflag:s2] =	ssyncadd.s32 $0xFFFFD900  }
0x29: {  	[hbm:s1], [sflag:s0] =	dma.local @!p0 [spmem:s3], $0x100  }
0x2a: {  	s0 =	simm.s32 @!p0 $0xA  }
0x2b: {  	_ =	swait.ge @!p0 [sflag:s0], $0x100  }
0x2c: {  	s30 =	rddreg [dreg:$0x13]  }
0x2d: {  	s31 =	rddreg [dreg:$0x10];
	s3 =	sadd.s32 $0x1, s30  }
0x2e: {  	p1 =	sne.s32 s3, s31  }
.Ltmp1:
0x2f: {  	_ = 	snop;
	(pc) =	sbr.rel @!p1 .LBB2_17-.Ltmp1, $3  }
0x30: {  	_ =	sdelay $0x1  }
0x31: {  	[sflag:s0] =	ssyncset.done @!p0 $0x0  }
0x32: {  	[sflag:s0] =	ssyncadd.s32 @!p0 $0xFFFFFF00  }
.LBB2_1:
0x33: {  	[dreg:$0x13] =	wrdreg s3  }
0x34: {  	s0 =	simm.s32 $0x0;
	s1 =	rddreg [dreg:$0x5]  }
0x35: {  	[tilespmem:s0], [sflag:$0xA] =	stream.linear.gather [hbm4b:s1+s0], $0x2710, $0x38;
	[tilespmem:$0x1DE00] =	vst v63  }
0x36: {  	_ =	swait.ge [sflag:s2], $0x2710  }
0x37: {  	[sflag:s2] =	ssyncset.done $0x0  }
0x38: {  	s0 =	simm.s32 $0x0;
	s1 =	simm.s32 $0x200;
	[sflag:s2] =	ssyncadd.s32 $0xFFFFD8F0  }
.LBB2_2:
0x39: {  	p1 =	sne.s32 s1, $0x9E00;
	[tilespmem:s0+$0x2DF0] =	vst v0  }
0x3a: {  	[tilespmem:s0+$0x2D80] =	vst v0  }
0x3b: {  	[tilespmem:s0+$0x2D90] =	vst v0  }
.Ltmp2:
0x3c: {  	[tilespmem:s0+$0x2DA0] =	vst v0;
	(pc) =	sbr.rel @p1 .LBB2_2-.Ltmp2, $4  }
0x3d: {  	[tilespmem:s0+$0x2DB0] =	vst v0  }
0x3e: {  	[tilespmem:s0+$0x2DC0] =	vst v0  }
0x3f: {  	[tilespmem:s0+$0x2DD0] =	vst v0  }
0x40: {  	[tilespmem:s0+$0x2DE0] =	vst v0;
	s0 =	sshra.s32 s1, $0x2;
	s1 =	sadd.s32 $0x200, s1  }
0x41: {  	[tilespmem:s0+$0x2DF0] =	vst v0  }
0x42: {  	[tilespmem:s0+$0x2D80] =	vst v0  }
0x43: {  	[tilespmem:s0+$0x2D90] =	vst v0  }
0x44: {  	[tilespmem:s0+$0x2DA0] =	vst v0  }
0x45: {  	[tilespmem:s0+$0x2DB0] =	vst v0  }
0x46: {  	[tilespmem:s0+$0x2DC0] =	vst v0  }
0x47: {  	[tilespmem:s0+$0x2DD0] =	vst v0  }
0x48: {  	[tilespmem:s0+$0x2DE0] =	vst v0;
	s17 =	rddreg [dreg:$0x6];
	s1 =	simm.s32 $0x2D80  }
0x49: {  	[spmem:s17] =	stream.linear.scatter [tilespmem:s1], [sflag:$0xA], $0x2800, $0x38;
	[tilespmem:$0x1DE00] =	vst v63  }
0x4a: {  	_ =	swait.ge [sflag:s2], $0x2800  }
0x4b: {  	[sflag:s2] =	ssyncset.done $0x0  }
0x4c: {  	s18 =	rddreg [dreg:$0x7];
	[sflag:s2] =	ssyncadd.s32 $0xFFFFD800  }
0x4d: {  	[spmem:s18] =	stream.linear.scatter [tilespmem:s1], [sflag:$0xA], $0x2800, $0x38;
	[tilespmem:$0x1DE00] =	vst v63  }
0x4e: {  	_ =	swait.ge [sflag:s2], $0x2800  }
0x4f: {  	[sflag:s2] =	ssyncset.done $0x0  }
0x50: {  	s19 =	rddreg [dreg:$0x8];
	[sflag:s2] =	ssyncadd.s32 $0xFFFFD800  }
0x51: {  	[spmem:s19] =	stream.linear.scatter [tilespmem:s1], [sflag:$0xA], $0x2800, $0x38;
	[tilespmem:$0x1DE00] =	vst v63  }
0x52: {  	_ =	swait.ge [sflag:s2], $0x2800  }
0x53: {  	[sflag:s2] =	ssyncset.done $0x0  }
0x54: {  	[sflag:s2] =	ssyncadd.s32 $0xFFFFD800  }
0x55: {  	s20 =	rddreg [dreg:$0x9]  }
0x56: {  	[spmem:s20] =	stream.linear.scatter [tilespmem:s1], [sflag:$0xA], $0x2800, $0x38;
	[tilespmem:$0x1DE00] =	vst v63  }
0x57: {  	_ =	swait.ge [sflag:s2], $0x2800  }
0x58: {  	[sflag:s2] =	ssyncset.done $0x0  }
0x59: {  	s21 =	rddreg [dreg:$0xa];
	[sflag:s2] =	ssyncadd.s32 $0xFFFFD800  }
0x5a: {  	[spmem:s21] =	stream.linear.scatter [tilespmem:s1], [sflag:$0xA], $0x2800, $0x38;
	[tilespmem:$0x1DE00] =	vst v63  }
0x5b: {  	_ =	swait.ge [sflag:s2], $0x2800  }
0x5c: {  	[sflag:s2] =	ssyncset.done $0x0  }
0x5d: {  	s23 =	rddreg [dreg:$0xb];
	[sflag:s2] =	ssyncadd.s32 $0xFFFFD800  }
0x5e: {  	[spmem:s23] =	stream.linear.scatter [tilespmem:s1], [sflag:$0xA], $0x2800, $0x38;
	[tilespmem:$0x1DE00] =	vst v63  }
0x5f: {  	_ =	swait.ge [sflag:s2], $0x2800  }
0x60: {  	[sflag:s2] =	ssyncset.done $0x0  }
0x61: {  	s24 =	rddreg [dreg:$0xc];
	[sflag:s2] =	ssyncadd.s32 $0xFFFFD800  }
0x62: {  	[spmem:s24] =	stream.linear.scatter [tilespmem:s1], [sflag:$0xA], $0x2800, $0x38;
	[tilespmem:$0x1DE00] =	vst v63  }
0x63: {  	_ =	swait.ge [sflag:s2], $0x2800  }
0x64: {  	[sflag:s2] =	ssyncset.done $0x0  }
0x65: {  	s25 =	rddreg [dreg:$0xd];
	[sflag:s2] =	ssyncadd.s32 $0xFFFFD800  }
0x66: {  	[spmem:s25] =	stream.linear.scatter [tilespmem:s1], [sflag:$0xA], $0x2080, $0x38;
	[tilespmem:$0x1DE00] =	vst v63  }
0x67: {  	_ =	swait.ge [sflag:s2], $0x2080  }
0x68: {  	[sflag:s2] =	ssyncset.done $0x0  }
0x69: {  	[sflag:s2] =	ssyncadd.s32 $0xFFFFDF80  }
0x6a: {  	[bflag:$0x0] =	sbarrier.arrive $0xFFFF  }
0x6b: {  	v5 =	vld [tilespmem:$0x0];
	_ =	sdelay $0x4  }
0x6c: {  	(v2sf) =	vpush v5, $0xD;
	_ =	sdelay $0x1  }
0x6d: {  	(v2sf) =	vpush v5, $0xC;
	_ =	sdelay $0x1  }
0x6e: {  	(v2sf) =	vpush v5, $0xE;
	_ =	sdelay $0x1  }
0x6f: {  	(v2sf) =	vpush v5, $0xF  }
0x70: {  	(v2sf) =	vpush v5, $0x9;
	_ =	sdelay $0x1  }
0x71: {  	(v2sf) =	vpush v5, $0x8;
	_ =	sdelay $0x1  }
0x72: {  	(v2sf) =	vpush v5, $0xA;
	_ =	sdelay $0x1  }
0x73: {  	(v2sf) =	vpush v5, $0xB;
	_ =	sdelay $0x1  }
0x74: {  	s26 =	spop (v2sf);
	(v2sf) =	vpush v5, $0x0  }
0x75: {  	s29 =	smulhi.u32 $0x68DB8BAD, s26;
	s0 =	sshra.s32 s26, $0x1F  }
0x76: {  	s30 =	spop (v2sf);
	(v2sf) =	vpush v5, $0x1;
	s15 =	smul.u32 $0x68DB8BAD, s0  }
0x77: {  	s14 =	smulhi.u32 $0x68DB8BAD, s30;
	s0 =	sshra.s32 s30, $0x1F  }
0x78: {  	s31 =	spop (v2sf);
	(v2sf) =	vpush v5, $0x2;
	s17 =	smul.u32 $0x68DB8BAD, s0  }
0x79: {  	s16 =	smulhi.u32 $0x68DB8BAD, s31;
	s0 =	sshra.s32 s31, $0x1F  }
0x7a: {  	s1 =	spop (v2sf);
	(v2sf) =	vpush v5, $0x3;
	s19 =	smul.u32 $0x68DB8BAD, s0  }
0x7b: {  	s18 =	smulhi.u32 $0x68DB8BAD, s1;
	s0 =	sshra.s32 s1, $0x1F;
	s2 =	spop (v2sf);
	(v2sf) =	vpush v5, $0x4  }
0x7c: {  	s21 =	smul.u32 $0x68DB8BAD, s0  }
0x7d: {  	s20 =	smulhi.u32 $0x68DB8BAD, s2;
	s0 =	sshra.s32 s2, $0x1F;
	s3 =	spop (v2sf);
	(v2sf) =	vpush v5, $0x5  }
0x7e: {  	v4 =	vld [tilespmem:$0x10];
	s24 =	smul.u32 $0x68DB8BAD, s0  }
0x7f: {  	s23 =	smulhi.u32 $0x68DB8BAD, s3;
	s0 =	sshra.s32 s3, $0x1F;
	s4 =	spop (v2sf);
	(v2sf) =	vpush v5, $0x6  }
0x80: {  	s25 =	smul.u32 $0x68DB8BAD, s0  }
0x81: {  	s26 =	smulhi.u32 $0x68DB8BAD, s4;
	s0 =	sshra.s32 s4, $0x1F;
	s5 =	spop (v2sf);
	(v2sf) =	vpush v5, $0x7  }
0x82: {  	[smem:$0x773] =	sst s29;
	s30 =	smul.u32 $0x68DB8BAD, s0  }
0x83: {  	s29 =	smulhi.u32 $0x68DB8BAD, s5;
	s0 =	sshra.s32 s5, $0x1F;
	s7 =	spop (v2sf);
	(v2sf) =	vpush v4, $0xD  }
0x84: {  	s0 =	smul.u32 $0x68DB8BAD, s0  }
0x85: {  	s31 =	smulhi.u32 $0x68DB8BAD, s7;
	s8 =	spop (v2sf)  }
0x86: {  	(v2sf) =	vpush v4, $0xC;
	s9 =	smulhi.u32 $0x68DB8BAD, s8;
	s1 =	sshra.s32 s8, $0x1F  }
0x87: {  	s10 =	spop (v2sf);
	s2 =	smul.u32 $0x68DB8BAD, s1  }
0x88: {  	[smem:$0x774] =	sst s0;
	s3 =	smulhi.u32 $0x68DB8BAD, s10  }
0x89: {  	(v2sf) =	vpush v4, $0xE;
	s11 =	spop (v2sf);
	[smem:$0x775] =	sst s9  }
0x8a: {  	s1 =	sshra.s32 s10, $0x1F;
	s4 =	smulhi.u32 $0x68DB8BAD, s11;
	s12 =	spop (v2sf)  }
0x8b: {  	[smem:$0x776] =	sst s3;
	s3 =	smul.u32 $0x68DB8BAD, s1  }
0x8c: {  	(v2sf) =	vpush v4, $0xF;
	s1 =	sshra.s32 s11, $0x1F;
	s5 =	smulhi.u32 $0x68DB8BAD, s12;
	s13 =	spop (v2sf)  }
0x8d: {  	[smem:$0x777] =	sst s4;
	s4 =	smul.u32 $0x68DB8BAD, s1  }
0x8e: {  	s0 =	sshra.s32 s7, $0x1F;
	s7 =	smulhi.u32 $0x68DB8BAD, s13;
	s8 =	spop (v2sf)  }
0x8f: {  	(v2sf) =	vpush v4, $0x9;
	[smem:$0x778] =	sst s5;
	s5 =	sshra.s32 s13, $0x1F;
	s9 =	smulhi.u32 $0x68DB8BAD, s8  }
0x90: {  	s10 =	spop (v2sf);
	s13 =	smul.u32 $0x68DB8BAD, s5  }
0x91: {  	(v2sf) =	vpush v4, $0x8;
	s1 =	sshra.s32 s12, $0x1F;
	s5 =	sshra.s32 s8, $0x1F;
	s11 =	smulhi.u32 $0x68DB8BAD, s10  }
0x92: {  	s8 =	smul.u32 $0x68DB8BAD, s5;
	s5 =	sshra.s32 s10, $0x1F;
	s12 =	spop (v2sf)  }
0x93: {  	(v2sf) =	vpush v4, $0xA;
	[smem:$0x779] =	sst s7;
	s7 =	smul.u32 $0x68DB8BAD, s5;
	s5 =	sshra.s32 s12, $0x1F  }
0x94: {  	s5 =	smul.u32 $0x68DB8BAD, s5  }
0x95: {  	(v2sf) =	vpush v4, $0xB;
	[smem:$0x77A] =	sst s9;
	s10 =	spop (v2sf)  }
0x96: {  	s9 =	smulhi.u32 $0x68DB8BAD, s12;
	[smem:$0x77D] =	sst s5;
	s5 =	sshra.s32 s10, $0x1F  }
0x97: {  	[smem:$0x77B] =	sst s11;
	s5 =	smul.u32 $0x68DB8BAD, s5  }
0x98: {  	(v2sf) =	vpush v4, $0x0;
	s11 =	smulhi.u32 $0x68DB8BAD, s10;
	s12 =	spop (v2sf)  }
0x99: {  	[smem:$0x77F] =	sst s5;
	s5 =	sshra.s32 s12, $0x1F  }
0x9a: {  	(v2sf) =	vpush v4, $0x1;
	[smem:$0x77E] =	sst s11;
	s5 =	smul.u32 $0x68DB8BAD, s5  }
0x9b: {  	s10 =	smulhi.u32 $0x68DB8BAD, s12;
	s11 =	spop (v2sf)  }
0x9c: {  	s12 =	smulhi.u32 $0x68DB8BAD, s11;
	[smem:$0x781] =	sst s5;
	s5 =	sshra.s32 s11, $0x1F  }
0x9d: {  	[smem:$0x780] =	sst s10;
	s5 =	smul.u32 $0x68DB8BAD, s5  }
0x9e: {  	(v2sf) =	vpush v4, $0x2;
	s10 =	spop (v2sf);
	[smem:$0x782] =	sst s12  }
0x9f: {  	s11 =	smulhi.u32 $0x68DB8BAD, s10;
	[smem:$0x783] =	sst s5;
	s5 =	sshra.s32 s10, $0x1F  }
0xa0: {  	(v2sf) =	vpush v4, $0x3;
	s12 =	spop (v2sf);
	s5 =	smul.u32 $0x68DB8BAD, s5  }
0xa1: {  	[smem:$0x784] =	sst s11;
	s10 =	smulhi.u32 $0x68DB8BAD, s12  }
0xa2: {  	s11 =	spop (v2sf);
	[smem:$0x785] =	sst s5;
	s5 =	sshra.s32 s12, $0x1F  }
0xa3: {  	[smem:$0x786] =	sst s10;
	s5 =	smul.u32 $0x68DB8BAD, s5  }
0xa4: {  	(v2sf) =	vpush v4, $0x4;
	s10 =	spop (v2sf);
	s12 =	smulhi.u32 $0x68DB8BAD, s11  }
0xa5: {  	[smem:$0x787] =	sst s5;
	s5 =	sshra.s32 s11, $0x1F;
	s11 =	smulhi.u32 $0x68DB8BAD, s10  }
0xa6: {  	[smem:$0x788] =	sst s12;
	s5 =	smul.u32 $0x68DB8BAD, s5  }
0xa7: {  	s12 =	spop (v2sf);
	[smem:$0x78A] =	sst s11  }
0xa8: {  	(v2sf) =	vpush v4, $0x5;
	[smem:$0x789] =	sst s5;
	s5 =	sshra.s32 s10, $0x1F;
	s10 =	smulhi.u32 $0x68DB8BAD, s12  }
0xa9: {  	s11 =	spop (v2sf);
	s5 =	smul.u32 $0x68DB8BAD, s5  }
0xaa: {  	[smem:$0x78C] =	sst s10;
	s10 =	smulhi.u32 $0x68DB8BAD, s11  }
0xab: {  	[smem:$0x78B] =	sst s5;
	s5 =	sshra.s32 s12, $0x1F  }
0xac: {  	(v2sf) =	vpush v4, $0x6;
	s12 =	smul.u32 $0x68DB8BAD, s5;
	[smem:$0x78D] =	sst s10;
	s5 =	sshra.s32 s11, $0x1F  }
0xad: {  	s10 =	smul.u32 $0x68DB8BAD, s5;
	s5 =	spop (v2sf)  }
0xae: {  	s11 =	smulhi.u32 $0x68DB8BAD, s5  }
0xaf: {  	v6 =	vld [tilespmem:$0x20];
	[smem:$0x77C] =	sst s9;
	s9 =	spop (v2sf)  }
0xb0: {  	(v2sf) =	vpush v4, $0x7;
	[smem:$0x78E] =	sst s11;
	s11 =	smulhi.u32 $0x68DB8BAD, s9;
	s9 =	sshra.s32 s9, $0x1F  }
0xb1: {  	s9 =	smul.u32 $0x68DB8BAD, s9;
	_ =	sdelay $0x1  }
0xb2: {  	[smem:$0x790] =	sst s9;
	s9 =	spop (v2sf)  }
0xb3: {  	(v2sf) =	vpush v6, $0xD;
	[smem:$0x78F] =	sst s11;
	s11 =	smulhi.u32 $0x68DB8BAD, s9;
	s9 =	sshra.s32 s9, $0x1F  }
0xb4: {  	s9 =	smul.u32 $0x68DB8BAD, s9;
	_ =	sdelay $0x1  }
0xb5: {  	[smem:$0x792] =	sst s9;
	s9 =	spop (v2sf)  }
0xb6: {  	(v2sf) =	vpush v6, $0xC;
	[smem:$0x791] =	sst s11;
	s11 =	smulhi.u32 $0x68DB8BAD, s9;
	s9 =	sshra.s32 s9, $0x1F  }
0xb7: {  	s9 =	smul.u32 $0x68DB8BAD, s9;
	_ =	sdelay $0x1  }
0xb8: {  	[smem:$0x794] =	sst s9;
	s9 =	spop (v2sf)  }
0xb9: {  	(v2sf) =	vpush v6, $0xE;
	[smem:$0x793] =	sst s11;
	s11 =	smulhi.u32 $0x68DB8BAD, s9;
	s9 =	sshra.s32 s9, $0x1F  }
0xba: {  	s9 =	smul.u32 $0x68DB8BAD, s9;
	_ =	sdelay $0x1  }
0xbb: {  	[smem:$0x796] =	sst s9;
	s9 =	spop (v2sf)  }
0xbc: {  	(v2sf) =	vpush v6, $0xF;
	[smem:$0x795] =	sst s11;
	s11 =	smulhi.u32 $0x68DB8BAD, s9;
	s9 =	sshra.s32 s9, $0x1F  }
0xbd: {  	s9 =	smul.u32 $0x68DB8BAD, s9;
	_ =	sdelay $0x1  }
0xbe: {  	[smem:$0x798] =	sst s9;
	s9 =	spop (v2sf)  }
0xbf: {  	(v2sf) =	vpush v6, $0x9;
	[smem:$0x797] =	sst s11;
	s11 =	smulhi.u32 $0x68DB8BAD, s9;
	s9 =	sshra.s32 s9, $0x1F  }
0xc0: {  	s9 =	smul.u32 $0x68DB8BAD, s9;
	_ =	sdelay $0x1  }
0xc1: {  	[smem:$0x79A] =	sst s9;
	s9 =	spop (v2sf)  }
0xc2: {  	(v2sf) =	vpush v6, $0x8;
	[smem:$0x799] =	sst s11;
	s11 =	smulhi.u32 $0x68DB8BAD, s9;
	s9 =	sshra.s32 s9, $0x1F  }
0xc3: {  	s9 =	smul.u32 $0x68DB8BAD, s9;
	_ =	sdelay $0x1  }
0xc4: {  	[smem:$0x79C] =	sst s9;
	s9 =	spop (v2sf)  }
0xc5: {  	(v2sf) =	vpush v6, $0xA;
	[smem:$0x79B] =	sst s11;
	s11 =	smulhi.u32 $0x68DB8BAD, s9;
	s9 =	sshra.s32 s9, $0x1F  }
0xc6: {  	s9 =	smul.u32 $0x68DB8BAD, s9;
	_ =	sdelay $0x1  }
0xc7: {  	[smem:$0x79E] =	sst s9;
	s9 =	spop (v2sf)  }
0xc8: {  	(v2sf) =	vpush v6, $0xB;
	[smem:$0x79D] =	sst s11;
	s11 =	smulhi.u32 $0x68DB8BAD, s9;
	s9 =	sshra.s32 s9, $0x1F  }
0xc9: {  	s9 =	smul.u32 $0x68DB8BAD, s9;
	_ =	sdelay $0x1  }
0xca: {  	s14 =	sadd.s32 s17, s14;
	[smem:$0x7A0] =	sst s9;
	s9 =	spop (v2sf)  }
0xcb: {  	(v2sf) =	vpush v6, $0x0;
	[smem:$0x79F] =	sst s11;
	s11 =	smulhi.u32 $0x68DB8BAD, s9;
	s9 =	sshra.s32 s9, $0x1F  }
0xcc: {  	[smem:$0x7C1] =	sst s14;
	s16 =	sadd.s32 s19, s16;
	s9 =	smul.u32 $0x68DB8BAD, s9  }
0xcd: {  	[smem:$0x7C2] =	sst s16  }
0xce: {  	s18 =	sadd.s32 s21, s18;
	[smem:$0x7A2] =	sst s9;
	s9 =	spop (v2sf)  }
0xcf: {  	[smem:$0x7A1] =	sst s11;
	s11 =	smulhi.u32 $0x68DB8BAD, s9;
	s9 =	sshra.s32 s9, $0x1F  }
0xd0: {  	[smem:$0x7C3] =	sst s18;
	s14 =	sadd.s32 s24, s20;
	s9 =	smul.u32 $0x68DB8BAD, s9  }
0xd1: {  	[smem:$0x7C4] =	sst s14;
	s0 =	smul.u32 $0x68DB8BAD, s0;
	(v2sf) =	vpush v6, $0x1  }
0xd2: {  	s18 =	sadd.s32 s30, s26;
	[smem:$0x7A4] =	sst s9;
	s9 =	spop (v2sf)  }
0xd3: {  	[smem:$0x7A3] =	sst s11;
	s11 =	smulhi.u32 $0x68DB8BAD, s9;
	s9 =	sshra.s32 s9, $0x1F  }
0xd4: {  	[smem:$0x7C8] =	sst s18;
	s0 =	sadd.s32 s0, s31;
	(v2sf) =	vpush v6, $0x2;
	s9 =	smul.u32 $0x68DB8BAD, s9  }
0xd5: {  	[smem:$0x7C7] =	sst s0  }
0xd6: {  	(v2sf) =	vpush v6, $0x3;
	[smem:$0x7A6] =	sst s9;
	s9 =	spop (v2sf)  }
0xd7: {  	(v2sf) =	vpush v6, $0x4;
	[smem:$0x7A5] =	sst s11;
	s11 =	smulhi.u32 $0x68DB8BAD, s9;
	s9 =	sshra.s32 s9, $0x1F  }
0xd8: {  	s31 =	sld [smem:$0x775];
	s9 =	smul.u32 $0x68DB8BAD, s9  }
0xd9: {  	s14 =	sld [smem:$0x776];
	(v2sf) =	vpush v6, $0x5  }
0xda: {  	[smem:$0x7A8] =	sst s9;
	s9 =	spop (v2sf)  }
0xdb: {  	s2 =	sadd.s32 s2, s31;
	[smem:$0x7A7] =	sst s11;
	s11 =	smulhi.u32 $0x68DB8BAD, s9  }
0xdc: {  	[smem:$0x7C9] =	sst s2  }
0xdd: {  	s9 =	sshra.s32 s9, $0x1F;
	[smem:$0x7A9] =	sst s11  }
0xde: {  	s2 =	sadd.s32 s3, s14;
	s9 =	smul.u32 $0x68DB8BAD, s9;
	s11 =	sld [smem:$0x773]  }
0xdf: {  	[smem:$0x7CB] =	sst s2  }
0xe0: {  	(v2sf) =	vpush v6, $0x6;
	[smem:$0x7AA] =	sst s9;
	s9 =	spop (v2sf)  }
0xe1: {  	s11 =	sadd.s32 s15, s11;
	s15 =	smulhi.u32 $0x68DB8BAD, s9;
	s9 =	sshra.s32 s9, $0x1F  }
0xe2: {  	s3 =	sld [smem:$0x77A];
	s17 =	smul.u32 $0x68DB8BAD, s9  }
0xe3: {  	[smem:$0x7AB] =	sst s15;
	s15 =	spop (v2sf)  }
0xe4: {  	(v2sf) =	vpush v6, $0x7;
	[smem:$0x7C0] =	sst s11;
	s19 =	smulhi.u32 $0x68DB8BAD, s15;
	s9 =	sshra.s32 s15, $0x1F  }
0xe5: {  	v7 =	vld [tilespmem:$0x30];
	s21 =	spop (v2sf);
	s9 =	smul.u32 $0x68DB8BAD, s9  }
0xe6: {  	s15 =	sadd.s32 s25, s23;
	s20 =	smulhi.u32 $0x68DB8BAD, s21;
	s16 =	spop (v2sf)  }
0xe7: {  	[smem:$0x7C6] =	sst s15;
	s26 =	smulhi.u32 $0x68DB8BAD, s16  }
0xe8: {  	s24 =	spop (v2sf);
	[smem:$0x7AC] =	sst s9  }
0xe9: {  	s9 =	sshra.s32 s21, $0x1F;
	s21 =	sld [smem:$0x774];
	s25 =	sshra.s32 s24, $0x1F  }
0xea: {  	(v2sf) =	vpush v7, $0xD;
	s23 =	smul.u32 $0x68DB8BAD, s9;
	s9 =	sshra.s32 s16, $0x1F;
	s16 =	sld [smem:$0x777]  }
0xeb: {  	s31 =	smul.u32 $0x68DB8BAD, s25;
	s25 =	sld [smem:$0x779]  }
0xec: {  	(v2sf) =	vpush v7, $0xC;
	s11 =	sadd.s32 s21, s29;
	s21 =	sld [smem:$0x778]  }
0xed: {  	[smem:$0x7CA] =	sst s11  }
0xee: {  	s1 =	smul.u32 $0x68DB8BAD, s1;
	s2 =	sadd.s32 s4, s16;
	s16 =	sld [smem:$0x77F]  }
0xef: {  	s11 =	spop (v2sf);
	[smem:$0x7CC] =	sst s2  }
0xf0: {  	s15 =	smulhi.u32 $0x68DB8BAD, s11;
	s0 =	sshra.s32 s11, $0x1F;
	s11 =	sld [smem:$0x77C]  }
0xf1: {  	s1 =	sadd.s32 s1, s21;
	s21 =	sld [smem:$0x780]  }
0xf2: {  	s29 =	smulhi.u32 $0x68DB8BAD, s24;
	[smem:$0x7AD] =	sst s15  }
0xf3: {  	s18 =	spop (v2sf);
	[smem:$0x7CD] =	sst s1  }
0xf4: {  	s0 =	smul.u32 $0x68DB8BAD, s0;
	s1 =	sadd.s32 s13, s25;
	s13 =	sld [smem:$0x77D]  }
0xf5: {  	s24 =	smulhi.u32 $0x68DB8BAD, s18;
	s15 =	sld [smem:$0x77E]  }
0xf6: {  	[smem:$0x7AE] =	sst s0  }
0xf7: {  	[smem:$0x7AF] =	sst s24  }
0xf8: {  	s30 =	smul.u32 $0x68DB8BAD, s9;
	[smem:$0x7CE] =	sst s1  }
0xf9: {  	(v2sf) =	vpush v7, $0xE;
	s2 =	spop (v2sf);
	s1 =	sadd.s32 s8, s3;
	s8 =	sld [smem:$0x77B]  }
0xfa: {  	s4 =	smulhi.u32 $0x68DB8BAD, s2;
	s24 =	sld [smem:$0x781]  }
0xfb: {  	s9 =	spop (v2sf);
	s3 =	sld [smem:$0x783]  }
0xfc: {  	s0 =	sshra.s32 s18, $0x1F;
	s14 =	smulhi.u32 $0x68DB8BAD, s9;
	[smem:$0x7CF] =	sst s1  }
0xfd: {  	s0 =	smul.u32 $0x68DB8BAD, s0;
	[smem:$0x7B1] =	sst s4  }
0xfe: {  	[smem:$0x7B3] =	sst s14  }
0xff: {  	(v2sf) =	vpush v7, $0xF;
	[smem:$0x7B0] =	sst s0  }
0x100: {  	s0 =	sshra.s32 s2, $0x1F;
	s2 =	sld [smem:$0x782]  }
0x101: {  	(v2sf) =	vpush v7, $0x9;
	s1 =	sadd.s32 s7, s8;
	s7 =	sld [smem:$0x784]  }
0x102: {  	s8 =	sld [smem:$0x785]  }
0x103: {  	(v2sf) =	vpush v7, $0x8;
	[smem:$0x7C5] =	sst s1  }
0x104: {  	s1 =	sadd.s32 s13, s11;
	s11 =	sld [smem:$0x786]  }
0x105: {  	s13 =	sld [smem:$0x787]  }
0x106: {  	[smem:$0x7D0] =	sst s1  }
0x107: {  	s0 =	smul.u32 $0x68DB8BAD, s0;
	s1 =	sadd.s32 s16, s15;
	s15 =	sld [smem:$0x788]  }
0x108: {  	s18 =	spop (v2sf);
	s16 =	sld [smem:$0x789]  }
0x109: {  	s25 =	smulhi.u32 $0x68DB8BAD, s18;
	[smem:$0x7B2] =	sst s0  }
0x10a: {  	[smem:$0x7D1] =	sst s1  }
0x10b: {  	[smem:$0x7B5] =	sst s25  }
0x10c: {  	s1 =	sadd.s32 s24, s21;
	s21 =	sld [smem:$0x78A]  }
0x10d: {  	s24 =	sld [smem:$0x78B]  }
0x10e: {  	s4 =	spop (v2sf);
	s0 =	sshra.s32 s9, $0x1F;
	[smem:$0x7D2] =	sst s1  }
0x10f: {  	s9 =	smulhi.u32 $0x68DB8BAD, s4;
	s1 =	sadd.s32 s3, s2;
	s2 =	sld [smem:$0x78C]  }
0x110: {  	s14 =	spop (v2sf);
	[smem:$0x7D3] =	sst s1  }
0x111: {  	(v2sf) =	vpush v7, $0xA;
	s0 =	smul.u32 $0x68DB8BAD, s0;
	[smem:$0x7B7] =	sst s9  }
0x112: {  	s25 =	spop (v2sf);
	s1 =	sadd.s32 s8, s7;
	s8 =	sld [smem:$0x78E]  }
0x113: {  	s3 =	smulhi.u32 $0x68DB8BAD, s25;
	[smem:$0x7B4] =	sst s0  }
0x114: {  	[smem:$0x7D4] =	sst s1  }
0x115: {  	[smem:$0x7BB] =	sst s3  }
0x116: {  	(v2sf) =	vpush v7, $0xB;
	s1 =	sadd.s32 s13, s11;
	s11 =	sld [smem:$0x790]  }
0x117: {  	s13 =	sld [smem:$0x791]  }
0x118: {  	s3 =	sld [smem:$0x795]  }
0x119: {  	s0 =	sshra.s32 s18, $0x1F;
	[smem:$0x7D5] =	sst s1  }
0x11a: {  	s18 =	smulhi.u32 $0x68DB8BAD, s14;
	s1 =	sadd.s32 s16, s15;
	s16 =	sld [smem:$0x793]  }
0x11b: {  	[smem:$0x7D7] =	sst s1  }
0x11c: {  	s0 =	smul.u32 $0x68DB8BAD, s0;
	[smem:$0x7B9] =	sst s18  }
0x11d: {  	s18 =	sld [smem:$0x794]  }
0x11e: {  	s1 =	sadd.s32 s24, s21;
	[smem:$0x7B6] =	sst s0  }
0x11f: {  	[smem:$0x7D9] =	sst s1  }
0x120: {  	s7 =	spop (v2sf);
	s0 =	sshra.s32 s4, $0x1F;
	s4 =	sld [smem:$0x78D]  }
0x121: {  	s1 =	sadd.s32 s12, s2;
	s9 =	smulhi.u32 $0x68DB8BAD, s7;
	s2 =	sld [smem:$0x79F]  }
0x122: {  	[smem:$0x7D8] =	sst s1  }
0x123: {  	s0 =	smul.u32 $0x68DB8BAD, s0;
	[smem:$0x7BD] =	sst s9  }
0x124: {  	s9 =	sld [smem:$0x799]  }
0x125: {  	s12 =	spop (v2sf);
	[smem:$0x7B8] =	sst s0  }
0x126: {  	s15 =	smulhi.u32 $0x68DB8BAD, s12;
	s1 =	sadd.s32 s10, s4;
	s10 =	sld [smem:$0x78F]  }
0x127: {  	s0 =	sshra.s32 s14, $0x1F;
	s14 =	sld [smem:$0x792]  }
0x128: {  	s5 =	sshra.s32 s5, $0x1F;
	(v2sf) =	vpush v7, $0x0;
	[smem:$0x7BF] =	sst s15  }
0x129: {  	s5 =	smul.u32 $0x68DB8BAD, s5;
	s4 =	sld [smem:$0x796]  }
0x12a: {  	(v2sf) =	vpush v7, $0x1;
	[smem:$0x7DA] =	sst s1  }
0x12b: {  	s0 =	smul.u32 $0x68DB8BAD, s0;
	s1 =	sadd.s32 s5, s8;
	s5 =	sld [smem:$0x797]  }
0x12c: {  	[smem:$0x7DB] =	sst s1  }
0x12d: {  	(v2sf) =	vpush v7, $0x2;
	[smem:$0x7BA] =	sst s0  }
0x12e: {  	s1 =	sadd.s32 s11, s10;
	s10 =	sld [smem:$0x79A]  }
0x12f: {  	s11 =	sld [smem:$0x79B]  }
0x130: {  	[smem:$0x7DC] =	sst s1  }
0x131: {  	s1 =	sadd.s32 s14, s13;
	s13 =	sld [smem:$0x79C]  }
0x132: {  	(v2sf) =	vpush v7, $0x3;
	s0 =	sshra.s32 s25, $0x1F;
	[smem:$0x7DD] =	sst s1  }
0x133: {  	s0 =	smul.u32 $0x68DB8BAD, s0;
	s1 =	sadd.s32 s18, s16;
	s16 =	sld [smem:$0x79D]  }
0x134: {  	s18 =	sld [smem:$0x79E]  }
0x135: {  	[smem:$0x7BC] =	sst s0  }
0x136: {  	[smem:$0x7DE] =	sst s1  }
0x137: {  	s21 =	spop (v2sf);
	s0 =	sshra.s32 s7, $0x1F;
	s7 =	sld [smem:$0x798]  }
0x138: {  	s1 =	sadd.s32 s4, s3;
	s3 =	sld [smem:$0x7A0];
	s0 =	smul.u32 $0x68DB8BAD, s0  }
0x139: {  	s8 =	spop (v2sf);
	[smem:$0x7DF] =	sst s1  }
0x13a: {  	s15 =	smulhi.u32 $0x68DB8BAD, s8;
	[smem:$0x7BE] =	sst s0  }
0x13b: {  	s25 =	smulhi.u32 $0x68DB8BAD, s21;
	s1 =	sadd.s32 s7, s5;
	s5 =	sld [smem:$0x7A1]  }
0x13c: {  	(v2sf) =	vpush v7, $0x4;
	s14 =	spop (v2sf);
	s0 =	sshra.s32 s12, $0x1F;
	s7 =	sld [smem:$0x7A2]  }
0x13d: {  	s24 =	smul.u32 $0x68DB8BAD, s0;
	[smem:$0x7D6] =	sst s1  }
0x13e: {  	s0 =	sshra.s32 s21, $0x1F;
	s1 =	sadd.s32 s10, s9;
	s9 =	sld [smem:$0x7A4]  }
0x13f: {  	s12 =	smul.u32 $0x68DB8BAD, s0;
	[smem:$0x7E0] =	sst s1  }
0x140: {  	s0 =	sshra.s32 s8, $0x1F;
	s1 =	sadd.s32 s13, s11;
	s8 =	sld [smem:$0x7A3]  }
0x141: {  	s4 =	spop (v2sf);
	[smem:$0x7E1] =	sst s1;
	s1 =	sadd.s32 s18, s16  }
0x142: {  	s21 =	smul.u32 $0x68DB8BAD, s0;
	s0 =	sshra.s32 s14, $0x1F;
	[smem:$0x7E2] =	sst s1  }
0x143: {  	s16 =	smulhi.u32 $0x68DB8BAD, s4;
	s1 =	sadd.s32 s3, s2;
	s3 =	sld [smem:$0x7A5]  }
0x144: {  	s18 =	smul.u32 $0x68DB8BAD, s0;
	s0 =	sshra.s32 s4, $0x1F;
	s4 =	sld [smem:$0x7A6]  }
0x145: {  	s2 =	sld [smem:$0x7A9]  }
0x146: {  	[smem:$0x7E3] =	sst s1  }
0x147: {  	s1 =	sadd.s32 s7, s5;
	s5 =	sld [smem:$0x7A7]  }
0x148: {  	s7 =	sld [smem:$0x7A8]  }
0x149: {  	[smem:$0x7E4] =	sst s1;
	s1 =	sadd.s32 s9, s8  }
0x14a: {  	(v2sf) =	vpush v7, $0x5;
	s11 =	smulhi.u32 $0x68DB8BAD, s14;
	[smem:$0x7E5] =	sst s1  }
0x14b: {  	s10 =	spop (v2sf);
	s1 =	sadd.s32 s4, s3;
	s3 =	sld [smem:$0x7AA]  }
0x14c: {  	s13 =	smul.u32 $0x68DB8BAD, s0;
	s11 =	sadd.s32 s18, s11;
	s4 =	sld [smem:$0x7AB]  }
0x14d: {  	v8 =	vld [tilespmem:$0x40];
	(v2sf) =	vpush v7, $0x6;
	s14 =	smulhi.u32 $0x68DB8BAD, s10;
	s0 =	sshra.s32 s10, $0x1F;
	[smem:$0x7F8] =	sst s11  }
0x14e: {  	s9 =	smul.u32 $0x68DB8BAD, s0;
	s13 =	sadd.s32 s13, s16;
	[smem:$0x7E6] =	sst s1  }
0x14f: {  	s1 =	sadd.s32 s7, s5;
	[smem:$0x7F9] =	sst s13  }
0x150: {  	(v2sf) =	vpush v7, $0x7;
	s9 =	sadd.s32 s9, s14;
	[smem:$0x7E7] =	sst s1  }
0x151: {  	[smem:$0x7FA] =	sst s9  }
0x152: {  	(v2sf) =	vpush v8, $0xD;
	s1 =	sadd.s32 s3, s2;
	s2 =	sadd.s32 s23, s20;
	s23 =	sld [smem:$0x7AD]  }
0x153: {  	[smem:$0x7E9] =	sst s1  }
0x154: {  	s1 =	sadd.s32 s17, s4;
	s17 =	sld [smem:$0x7AC]  }
0x155: {  	(v2sf) =	vpush v8, $0xC;
	[smem:$0x7EC] =	sst s2  }
0x156: {  	(v2sf) =	vpush v8, $0xE;
	[smem:$0x7EA] =	sst s1  }
0x157: {  	s1 =	sadd.s32 s17, s19;
	s17 =	sadd.s32 s30, s26;
	s26 =	sld [smem:$0x7AE]  }
0x158: {  	s19 =	sadd.s32 s31, s29;
	s29 =	sld [smem:$0x7AF]  }
0x159: {  	s8 =	spop (v2sf);
	s30 =	sld [smem:$0x7B0]  }
0x15a: {  	s10 =	smulhi.u32 $0x68DB8BAD, s8;
	s0 =	sshra.s32 s8, $0x1F;
	[smem:$0x7EB] =	sst s1  }
0x15b: {  	s7 =	smul.u32 $0x68DB8BAD, s0;
	[smem:$0x7ED] =	sst s17  }
0x15c: {  	s5 =	spop (v2sf);
	[smem:$0x7EE] =	sst s19  }
0x15d: {  	s8 =	smulhi.u32 $0x68DB8BAD, s5;
	s0 =	sshra.s32 s5, $0x1F;
	s19 =	sld [smem:$0x7B1]  }
0x15e: {  	s5 =	smul.u32 $0x68DB8BAD, s0;
	s1 =	sadd.s32 s26, s23;
	s23 =	sld [smem:$0x7B2]  }
0x15f: {  	s3 =	spop (v2sf);
	s26 =	sld [smem:$0x7B3]  }
0x160: {  	s4 =	smulhi.u32 $0x68DB8BAD, s3;
	s0 =	sshra.s32 s3, $0x1F;
	[smem:$0x7EF] =	sst s1  }
0x161: {  	s20 =	spop (v2sf);
	s1 =	sadd.s32 s30, s29;
	s29 =	sld [smem:$0x7B4]  }
0x162: {  	s3 =	smul.u32 $0x68DB8BAD, s0;
	[smem:$0x7E8] =	sst s1  }
0x163: {  	s2 =	smulhi.u32 $0x68DB8BAD, s20;
	s1 =	sadd.s32 s23, s19;
	s19 =	sld [smem:$0x7B5]  }
0x164: {  	s0 =	sshra.s32 s20, $0x1F;
	s31 =	spop (v2sf);
	s23 =	sld [smem:$0x7B6]  }
0x165: {  	s20 =	sshra.s32 s31, $0x1F;
	s30 =	spop (v2sf);
	[smem:$0x7F0] =	sst s1  }
0x166: {  	s1 =	smulhi.u32 $0x68DB8BAD, s31;
	s17 =	sadd.s32 s29, s26;
	s29 =	sld [smem:$0x7B7]  }
0x167: {  	s31 =	smulhi.u32 $0x68DB8BAD, s30;
	s26 =	sshra.s32 s30, $0x1F;
	s30 =	sld [smem:$0x7B8]  }
0x168: {  	(v2sf) =	vpush v8, $0xF;
	[smem:$0x7F1] =	sst s17  }
0x169: {  	s17 =	sadd.s32 s23, s19;
	s23 =	sld [smem:$0x7B9]  }
0x16a: {  	(v2sf) =	vpush v8, $0x9;
	[smem:$0x7F2] =	sst s17  }
0x16b: {  	s17 =	sadd.s32 s30, s29;
	s30 =	sld [smem:$0x7BA]  }
0x16c: {  	s19 =	sld [smem:$0x7BB]  }
0x16d: {  	(v2sf) =	vpush v8, $0x8;
	[smem:$0x7F3] =	sst s17  }
0x16e: {  	(v2sf) =	vpush v8, $0xA;
	s7 =	sadd.s32 s7, s10;
	s17 =	sadd.s32 s30, s23;
	s23 =	sld [smem:$0x7BC]  }
0x16f: {  	[smem:$0x7FB] =	sst s7  }
0x170: {  	[smem:$0x7F4] =	sst s17  }
0x171: {  	(v2sf) =	vpush v8, $0xB;
	s17 =	sadd.s32 s23, s19;
	s23 =	sld [smem:$0x7BE]  }
0x172: {  	s0 =	smul.u32 $0x68DB8BAD, s0;
	[smem:$0x7F5] =	sst s17  }
0x173: {  	(v2sf) =	vpush v8, $0x0;
	s5 =	sadd.s32 s5, s8;
	s20 =	smul.u32 $0x68DB8BAD, s20;
	s17 =	sld [smem:$0x7BD]  }
0x174: {  	[smem:$0x7FC] =	sst s5;
	(v2sf) =	vpush v8, $0x1;
	s0 =	sadd.s32 s0, s2  }
0x175: {  	[dreg:$0x1d] =	wrdreg s0;
	s1 =	sadd.s32 s20, s1  }
0x176: {  	s26 =	smul.u32 $0x68DB8BAD, s26;
	[dreg:$0x1b] =	wrdreg s1;
	s17 =	sadd.s32 s23, s17  }
0x177: {  	s29 =	spop (v2sf);
	[smem:$0x7F6] =	sst s17  }
0x178: {  	(v2sf) =	vpush v8, $0x2;
	s30 =	smulhi.u32 $0x68DB8BAD, s29;
	s29 =	sshra.s32 s29, $0x1F;
	s17 =	sld [smem:$0x7BF]  }
0x179: {  	s29 =	smul.u32 $0x68DB8BAD, s29;
	s19 =	spop (v2sf)  }
0x17a: {  	s10 =	sadd.s32 s26, s31;
	s23 =	smulhi.u32 $0x68DB8BAD, s19;
	s19 =	sshra.s32 s19, $0x1F  }
0x17b: {  	(v2sf) =	vpush v8, $0x3;
	[dreg:$0x1f] =	wrdreg s10;
	s17 =	sadd.s32 s24, s17;
	s24 =	smul.u32 $0x68DB8BAD, s19  }
0x17c: {  	s25 =	sadd.s32 s12, s25;
	[smem:$0x7F7] =	sst s17;
	s17 =	spop (v2sf)  }
0x17d: {  	s12 =	smulhi.u32 $0x68DB8BAD, s17;
	s19 =	sshra.s32 s17, $0x1F;
	s17 =	spop (v2sf)  }
0x17e: {  	s20 =	sadd.s32 s24, s23;
	s23 =	sld [smem:$0x7C0];
	s19 =	smul.u32 $0x68DB8BAD, s19  }
0x17f: {  	s24 =	sld [smem:$0x7C1];
	s11 =	smulhi.u32 $0x68DB8BAD, s17;
	s17 =	sshra.s32 s17, $0x1F  }
0x180: {  	s15 =	sadd.s32 s21, s15;
	s21 =	spop (v2sf);
	s13 =	smul.u32 $0x68DB8BAD, s17  }
0x181: {  	[dreg:$0x1e] =	wrdreg s20;
	s9 =	smulhi.u32 $0x68DB8BAD, s21;
	s16 =	sshra.s32 s21, $0x1F  }
0x182: {  	s17 =	spop (v2sf);
	s7 =	smul.u32 $0x68DB8BAD, s16  }
0x183: {  	s5 =	smulhi.u32 $0x68DB8BAD, s17;
	s18 =	sshra.s32 s17, $0x1F;
	s21 =	spop (v2sf)  }
0x184: {  	s16 =	sadd.s32 s29, s30;
	s12 =	sadd.s32 s19, s12;
	s19 =	sld [smem:$0x7C5]  }
0x185: {  	s17 =	sadd.s32 s3, s4;
	s3 =	smul.u32 $0x68DB8BAD, s18;
	[dreg:$0x19] =	wrdreg s16  }
0x186: {  	s0 =	smulhi.u32 $0x68DB8BAD, s21;
	[dreg:$0x1c] =	wrdreg s12  }
0x187: {  	s4 =	sshra.s32 s21, $0x1F;
	s8 =	spop (v2sf);
	s12 =	sld [smem:$0x7C3]  }
0x188: {  	s11 =	sadd.s32 s13, s11;
	s13 =	sld [smem:$0x7C4];
	s1 =	smul.u32 $0x68DB8BAD, s4  }
0x189: {  	s26 =	sshrl.u32 s24, $0x1F;
	s16 =	sld [smem:$0x7C6];
	s14 =	smulhi.u32 $0x68DB8BAD, s8  }
0x18a: {  	s2 =	sshra.s32 s8, $0x1F;
	s18 =	spop (v2sf);
	[dreg:$0x1a] =	wrdreg s11  }
0x18b: {  	s7 =	sadd.s32 s7, s9;
	s11 =	sld [smem:$0x7C2];
	s2 =	smul.u32 $0x68DB8BAD, s2  }
0x18c: {  	s21 =	smulhi.u32 $0x68DB8BAD, s18;
	s8 =	sshra.s32 s18, $0x1F;
	[dreg:$0x18] =	wrdreg s7  }
0x18d: {  	s30 =	sadd.s32 s3, s5;
	s3 =	sshrl.u32 s23, $0x1F;
	s18 =	sld [smem:$0x7C7]  }
0x18e: {  	s5 =	sshra.s32 s23, $0xC;
	s23 =	sld [smem:$0x7C8];
	s8 =	smul.u32 $0x68DB8BAD, s8  }
0x18f: {  	s0 =	sadd.s32 s1, s0;
	s1 =	sshra.s32 s24, $0xC;
	s24 =	sld [smem:$0x7C9]  }
0x190: {  	s10 =	sshrl.u32 s12, $0x1F;
	[smem:$0x7FD] =	sst s0;
	s31 =	sadd.s32 s2, s14  }
0x191: {  	s9 =	sshrl.u32 s11, $0x1F;
	s4 =	sshra.s32 s11, $0xC;
	s14 =	sshra.s32 s19, $0x1F  }
0x192: {  	vm4 =	vcmask $0x300;
	s2 =	sshra.s32 s12, $0xC;
	s29 =	sadd.s32 s8, s21;
	v9 =	vmov s14;
	s20 =	sshra.s32 s18, $0xC  }
0x193: {  	vm8 =	vcmask $0x704;
	s21 =	sshrl.u32 s18, $0x1F;
	s14 =	sshra.s32 s18, $0x1F;
	s7 =	sshrl.u32 s23, $0x1F;
	v9 =	vsel vm4, s20, v9  }
0x194: {  	vm0 =	vcmask $0xB08;
	v10 =	vmov s26;
	s8 =	sshra.s32 s23, $0xC;
	s23 =	sld [smem:$0x7CB];
	s26 =	sshra.s32 s24, $0xC;
	v9 =	vsel vm8, s14, v9  }
0x195: {  	vm9 =	vcmask $0xF0C;
	s11 =	sshrl.u32 s13, $0x1F;
	v11 =	vmov s21;
	s20 =	sshra.s32 s24, $0x1F;
	s21 =	sld [smem:$0x7CA];
	v9 =	vsel vm0, s26, v9  }
0x196: {  	s0 =	sshra.s32 s13, $0xC;
	s12 =	sshrl.u32 s16, $0x1F;
	v12 =	vsel vm9, s20, v9;
	s20 =	sld [smem:$0x7CC]  }
0x197: {  	vm1 =	vcmask $0x1310;
	vm2 =	vcmask $0x1B18;
	s13 =	sshra.s32 s16, $0xC;
	s18 =	sshrl.u32 s24, $0x1F;
	v11 =	vnsel vm4, $0x0, v11;
	s24 =	sshrl.u32 s23, $0x1F  }
0x198: {  	vm10 =	vcmask $0x1714;
	v10 =	vsel vm0, s3, v10;
	v11 =	vsel vm0, s18, v11;
	s26 =	sshra.s32 s23, $0xC;
	s18 =	sshra.s32 s23, $0x1F;
	s16 =	sshrl.u32 s21, $0x1F  }
0x199: {  	v10 =	vsel vm1, s9, v10;
	s9 =	sshra.s32 s21, $0xC;
	v37 =	vsel vm1, s24, v11;
	v38 =	vsel vm1, s26, v12;
	s26 =	sld [smem:$0x7CD];
	s21 =	sshrl.u32 s20, $0x1F  }
0x19a: {  	v9 =	vsel vm2, s10, v10;
	v11 =	vsel vm10, s18, v38;
	s23 =	sshra.s32 s20, $0xC;
	v10 =	vsel vm2, s21, v37;
	s21 =	sld [smem:$0x7CE]  }
0x19b: {  	vm11 =	vcmask $0x1F1C;
	v41 =	vmov s1;
	s1 =	sld [smem:$0x7D4];
	s24 =	sshra.s32 s20, $0x1F;
	v11 =	vsel vm2, s23, v11  }
0x19c: {  	v13 =	vsel vm11, s24, v11;
	s24 =	sld [smem:$0x7CF]  }
0x19d: {  	vm5 =	vcmask $0x2320;
	v39 =	vmov s12;
	s12 =	sshrl.u32 s26, $0x1F;
	s20 =	sshra.s32 s26, $0xC;
	s23 =	sshrl.u32 s21, $0x1F  }
0x19e: {  	vm6 =	vcmask $0x2B28;
	v12 =	vsel vm0, s11, v39;
	v10 =	vsel vm5, s12, v10;
	s14 =	sshra.s32 s21, $0xC;
	s11 =	sshra.s32 s21, $0x1F;
	s21 =	sld [smem:$0x7D0]  }
0x19f: {  	s10 =	sshra.s32 s26, $0x1F;
	v10 =	vsel vm6, s23, v10;
	s26 =	sshrl.u32 s24, $0x1F;
	s23 =	sld [smem:$0x7D1]  }
0x1a0: {  	vm7 =	vcmask $0x3330;
	vm12 =	vcmask $0x3B38;
	vm13 =	vcmask $0x2724;
	s18 =	sshra.s32 s24, $0xC;
	s12 =	sshra.s32 s24, $0x1F;
	s24 =	sld [smem:$0x7D2]  }
0x1a1: {  	v12 =	vsel vm1, s7, v12;
	v40 =	vsel vm5, s20, v13;
	s20 =	sshrl.u32 s19, $0x1F;
	v10 =	vsel vm7, s26, v10;
	s26 =	sld [smem:$0x7D3]  }
0x1a2: {  	v11 =	vsel vm2, s16, v12;
	s16 =	sshra.s32 s19, $0xC;
	v12 =	vsel vm13, s10, v40;
	v10 =	vsel vm12, s20, v10;
	s19 =	sshrl.u32 s21, $0x1F;
	s20 =	sld [smem:$0x7D6]  }
0x1a3: {  	vm3 =	vcmask $0x2F2C;
	v14 =	vmov s13;
	v12 =	vsel vm6, s14, v12;
	s10 =	sshrl.u32 s23, $0x1F;
	s7 =	sshra.s32 s23, $0xC;
	s23 =	sld [smem:$0x7D7]  }
0x1a4: {  	v14 =	vsel vm0, s0, v14;
	v13 =	vsel vm0, s5, v41;
	v15 =	vsel vm3, s11, v12;
	s13 =	sshrl.u32 s24, $0x1F;
	s5 =	sshra.s32 s24, $0xC;
	s24 =	sld [smem:$0x7D8]  }
0x1a5: {  	v42 =	vsel vm1, s8, v14;
	s3 =	sshra.s32 s21, $0xC;
	v15 =	vsel vm7, s18, v15;
	s18 =	sld [smem:$0x7D5];
	s11 =	sshrl.u32 s26, $0x1F  }
0x1a6: {  	vm14 =	vcmask $0x3734;
	v14 =	vsel vm2, s9, v42;
	v13 =	vsel vm1, s4, v13;
	s4 =	sshra.s32 s26, $0xC;
	s21 =	sshra.s32 s20, $0x1F;
	s9 =	sshrl.u32 s23, $0x1F  }
0x1a7: {  	v43 =	vsel vm14, s12, v15;
	v16 =	vmov s10;
	s26 =	sshra.s32 s24, $0xC;
	s10 =	sshra.s32 s23, $0xC;
	s23 =	sld [smem:$0x7D9]  }
0x1a8: {  	v12 =	vsel vm2, s2, v13;
	v13 =	vsel vm12, s16, v43;
	v44 =	vmov s21;
	s16 =	sshrl.u32 s24, $0x1F;
	s21 =	sshra.s32 s24, $0x1F;
	s24 =	sld [smem:$0x7DA]  }
0x1a9: {  	v17 =	vmov s16;
	s16 =	sld [smem:$0x7DC]  }
0x1aa: {  	v49 =	vmov s7;
	v16 =	vsel vm0, s19, v16;
	v15 =	vsel vm4, s26, v44;
	s12 =	sshrl.u32 s23, $0x1F;
	s0 =	sshra.s32 s23, $0xC;
	s23 =	sld [smem:$0x7DB]  }
0x1ab: {  	v50 =	vsel vm0, s3, v49;
	s3 =	sld [smem:$0x7E2];
	v16 =	vsel vm1, s13, v16;
	v15 =	vsel vm8, s21, v15;
	s26 =	sshra.s32 s24, $0xC  }
0x1ac: {  	s19 =	sshrl.u32 s24, $0x1F;
	s21 =	sshra.s32 s24, $0x1F;
	v18 =	vsel vm0, s26, v15;
	v15 =	vsel vm2, s11, v16;
	s11 =	sshra.s32 s16, $0x1F  }
0x1ad: {  	v17 =	vnsel vm4, $0x0, v17;
	v46 =	vsel vm9, s21, v18;
	s21 =	sshrl.u32 s16, $0x1F;
	s24 =	sshrl.u32 s23, $0x1F;
	s26 =	sshra.s32 s23, $0xC  }
0x1ae: {  	v45 =	vsel vm0, s19, v17;
	s13 =	sshra.s32 s23, $0x1F;
	s23 =	sshra.s32 s16, $0xC;
	s16 =	sld [smem:$0x7DE]  }
0x1af: {  	s2 =	sshrl.u32 s18, $0x1F;
	v16 =	vsel vm1, s24, v45;
	v17 =	vsel vm1, s26, v46;
	s24 =	sld [smem:$0x7DD]  }
0x1b0: {  	v47 =	vmov s2;
	s2 =	sld [smem:$0x7E8];
	v17 =	vsel vm10, s13, v17  }
0x1b1: {  	s8 =	sshra.s32 s1, $0xC;
	s14 =	sshrl.u32 s1, $0x1F;
	v17 =	vsel vm2, s23, v17;
	s23 =	sld [smem:$0x7DF]  }
0x1b2: {  	v16 =	vsel vm2, s21, v16;
	s21 =	sshrl.u32 s16, $0x1F;
	s26 =	sshrl.u32 s24, $0x1F;
	s13 =	sshra.s32 s24, $0xC;
	v17 =	vsel vm11, s11, v17  }
0x1b3: {  	v18 =	vsel vm0, s14, v47;
	v19 =	vsel vm5, s26, v16;
	s26 =	sshrl.u32 s20, $0x1F;
	v20 =	vsel vm5, s13, v17;
	s13 =	sshra.s32 s20, $0xC;
	s20 =	sld [smem:$0x7E5]  }
0x1b4: {  	v18 =	vsel vm1, s9, v18;
	s14 =	sshra.s32 s24, $0x1F;
	s24 =	sshrl.u32 s23, $0x1F;
	v48 =	vsel vm6, s21, v19;
	s21 =	sld [smem:$0x7E0]  }
0x1b5: {  	v16 =	vsel vm2, s12, v18;
	s11 =	sshra.s32 s23, $0xC;
	s12 =	sshra.s32 s23, $0x1F;
	s23 =	sld [smem:$0x7E1]  }
0x1b6: {  	s1 =	sshra.s32 s18, $0xC;
	s9 =	sshra.s32 s16, $0xC;
	v51 =	vsel vm13, s14, v20;
	s14 =	sld [smem:$0x7E9]  }
0x1b7: {  	v52 =	vmov s1;
	s18 =	sshra.s32 s16, $0x1F;
	v18 =	vsel vm7, s24, v48;
	v19 =	vsel vm6, s9, v51;
	s9 =	sld [smem:$0x7E3]  }
0x1b8: {  	s16 =	sshrl.u32 s3, $0x1F;
	v17 =	vsel vm12, s26, v18;
	v18 =	vsel vm1, s5, v50;
	s5 =	sshra.s32 s3, $0xC;
	v19 =	vsel vm3, s18, v19;
	s18 =	sld [smem:$0x7E4]  }
0x1b9: {  	v20 =	vsel vm0, s8, v52;
	s8 =	sshra.s32 s20, $0xC;
	s19 =	sshrl.u32 s21, $0x1F;
	s24 =	sshra.s32 s21, $0xC  }
0x1ba: {  	s26 =	sshrl.u32 s23, $0x1F;
	s7 =	sshra.s32 s23, $0xC;
	s21 =	sld [smem:$0x7E6]  }
0x1bb: {  	s23 =	sld [smem:$0x7E7];
	s1 =	sshrl.u32 s9, $0x1F;
	s3 =	sshra.s32 s9, $0xC  }
0x1bc: {  	v20 =	vsel vm1, s10, v20;
	v18 =	vsel vm2, s4, v18;
	v22 =	vmov s26;
	s26 =	sshra.s32 s2, $0x1F;
	s4 =	sshrl.u32 s18, $0x1F;
	s9 =	sshra.s32 s18, $0xC  }
0x1bd: {  	v53 =	vsel vm2, s0, v20;
	v21 =	vsel vm7, s11, v19;
	s10 =	sshrl.u32 s21, $0x1F;
	s11 =	sshra.s32 s21, $0xC;
	s21 =	sld [smem:$0x7EA]  }
0x1be: {  	v26 =	vmov s8;
	s18 =	sshrl.u32 s20, $0x1F;
	v55 =	vsel vm0, s19, v22;
	v56 =	vmov s26;
	s19 =	sshrl.u32 s14, $0x1F;
	s20 =	sshra.s32 s14, $0xC  }
0x1bf: {  	v54 =	vsel vm14, s12, v21;
	s0 =	sshrl.u32 s23, $0x1F;
	v23 =	vmov s19;
	v22 =	vsel vm4, s20, v56;
	s20 =	sld [smem:$0x7EB]  }
0x1c0: {  	s12 =	sshra.s32 s23, $0xC;
	v24 =	vmov s18;
	v26 =	vsel vm0, s9, v26;
	s9 =	sld [smem:$0x7F5];
	v23 =	vnsel vm4, $0x0, v23;
	s23 =	sshrl.u32 s21, $0x1F  }
0x1c1: {  	v21 =	vsel vm1, s16, v55;
	s16 =	sshra.s32 s14, $0x1F;
	v24 =	vsel vm0, s4, v24;
	v23 =	vsel vm0, s23, v23;
	s23 =	sld [smem:$0x7EC]  }
0x1c2: {  	v22 =	vsel vm8, s16, v22;
	v24 =	vsel vm1, s10, v24;
	s10 =	sld [smem:$0x7F1];
	s26 =	sshra.s32 s21, $0xC  }
0x1c3: {  	s14 =	sshra.s32 s21, $0x1F;
	s21 =	sshrl.u32 s20, $0x1F;
	s18 =	sshra.s32 s20, $0xC;
	v22 =	vsel vm0, s26, v22  }
0x1c4: {  	s19 =	sshra.s32 s20, $0x1F;
	v23 =	vsel vm1, s21, v23;
	v22 =	vsel vm9, s14, v22;
	s21 =	sld [smem:$0x7ED];
	s26 =	sshrl.u32 s23, $0x1F  }
0x1c5: {  	(v2sf) =	vpush v8, $0x4;
	v20 =	vsel vm12, s13, v54;
	v22 =	vsel vm1, s18, v22;
	s13 =	sshra.s32 s23, $0xC;
	s20 =	sshra.s32 s23, $0x1F;
	s23 =	sld [smem:$0x7EE]  }
0x1c6: {  	v21 =	vsel vm2, s1, v21;
	s1 =	sshra.s32 s2, $0xC;
	v57 =	vsel vm2, s0, v24;
	s0 =	sshrl.u32 s2, $0x1F;
	s2 =	sshra.s32 s10, $0xC;
	v25 =	vsel vm10, s19, v22  }
0x1c7: {  	s4 =	sshrl.u32 s21, $0x1F;
	s14 =	sshra.s32 s21, $0xC;
	s16 =	sshra.s32 s21, $0x1F;
	v58 =	vsel vm2, s13, v25  }
0x1c8: {  	v23 =	vsel vm2, s26, v23;
	v24 =	vsel vm11, s20, v58;
	s20 =	sshrl.u32 s10, $0x1F;
	s10 =	sld [smem:$0x7F6];
	s26 =	sshrl.u32 s23, $0x1F  }
0x1c9: {  	(v2sf) =	vpush v8, $0x5;
	v59 =	vmov s7;
	v61 =	vsel vm1, s11, v26;
	s18 =	sshra.s32 s23, $0xC;
	s21 =	sshra.s32 s23, $0x1F;
	s23 =	sld [smem:$0x7EF]  }
0x1ca: {  	v26 =	vsel vm2, s12, v61;
	v40 =	vmov s2;
	v24 =	vsel vm5, s14, v24;
	s14 =	sld [smem:$0x7F2]  }
0x1cb: {  	s12 =	sshrl.u32 s25, $0x1F;
	v23 =	vsel vm5, s4, v23;
	v28 =	vmov s20;
	s20 =	sld [smem:$0x7F9];
	v24 =	vsel vm13, s16, v24  }
0x1cc: {  	s2 =	sshrl.u32 s30, $0x1F;
	v25 =	vsel vm0, s24, v59;
	v23 =	vsel vm6, s26, v23;
	s26 =	sld [smem:$0x7F0];
	v27 =	vsel vm6, s18, v24;
	s18 =	sshrl.u32 s9, $0x1F  }
0x1cd: {  	v25 =	vsel vm1, s5, v25;
	s24 =	sshrl.u32 s10, $0x1F;
	s5 =	sshra.s32 s10, $0xC;
	s10 =	sld [smem:$0x7F7]  }
0x1ce: {  	v9 =	vcombine.low v11, v9;
	s4 =	sshrl.u32 s23, $0x1F;
	s19 =	sshra.s32 s23, $0xC;
	s23 =	sshra.s32 s23, $0x1F  }
0x1cf: {  	(v2sf) =	vpush v8, $0x6;
	s7 =	sshra.s32 s14, $0xC;
	v27 =	vsel vm3, s21, v27;
	s21 =	sshrl.u32 s15, $0x1F;
	s13 =	sshrl.u32 s26, $0x1F  }
0x1d0: {  	(v2sf) =	vpush v8, $0x7;
	v9 =	vperm.xlane v9, v1;
	v23 =	vsel vm7, s4, v23;
	s4 =	sshra.s32 s26, $0xC;
	s26 =	sld [smem:$0x7F3];
	s11 =	sshrl.u32 s10, $0x1F  }
0x1d1: {  	v12 =	vcombine.low v14, v12;
	v60 =	vsel vm2, s3, v25;
	v62 =	vsel vm7, s19, v27;
	s3 =	sshra.s32 s10, $0xC;
	s10 =	smov.u32 s17;
	s17 =	sshra.s32 s17, $0x1F  }
0x1d2: {  	s19 =	sshra.s32 s25, $0xC;
	v23 =	vsel vm12, s0, v23;
	s0 =	sshrl.u32 s14, $0x1F;
	v25 =	vsel vm14, s23, v62;
	s23 =	sshra.s32 s25, $0x1F;
	v29 =	vmov s17  }
0x1d3: {  	v10 =	vperm.xlane v10, v2;
	v38 =	vmov s12;
	s14 =	sshrl.u32 s26, $0x1F;
	s8 =	sshra.s32 s26, $0xC;
	s26 =	sld [smem:$0x7F4];
	v37 =	vsel vm4, s19, v29  }
0x1d4: {  	s12 =	sshrl.u32 s20, $0x1F;
	v30 =	vmov s18;
	s25 =	sshra.s32 s15, $0xC;
	v36 =	vsel vm0, s13, v28;
	s19 =	sld [smem:$0x7F8];
	v28 =	vsel vm8, s23, v37  }
0x1d5: {  	s18 =	spop (v2sf);
	v63 =	vsel vm12, s1, v25;
	s1 =	sshra.s32 s15, $0x1F;
	v25 =	vsel vm1, s0, v36;
	v28 =	vsel vm0, s25, v28;
	s25 =	sld [smem:$0x7FA]  }
0x1d6: {  	v12 =	vperm.xlane v12, v1;
	s17 =	smulhi.u32 $0x68DB8BAD, s18;
	v29 =	vnsel vm4, $0x0, v38;
	v25 =	vsel vm2, s14, v25;
	s14 =	sshra.s32 s20, $0x1F;
	s16 =	sshrl.u32 s26, $0x1F  }
0x1d7: {  	v13 =	vperm.xlane v13, v2;
	v49 =	vcombine.low v16, v15;
	v29 =	vsel vm0, s21, v29;
	s13 =	sshrl.u32 s19, $0x1F;
	s15 =	sshra.s32 s19, $0xC;
	s0 =	sshra.s32 s19, $0x1F  }
0x1d8: {  	v52 =	vsub.s32 $0x0, v5;
	s19 =	sshra.s32 s20, $0xC;
	v28 =	vsel vm9, s1, v28;
	v29 =	vsel vm1, s13, v29;
	s20 =	sshrl.u32 s25, $0x1F;
	s23 =	sshra.s32 s25, $0xC  }
0x1d9: {  	v30 =	vsel vm0, s16, v30;
	v28 =	vsel vm1, s15, v28;
	s1 =	sshra.s32 s25, $0x1F;
	s25 =	sld [smem:$0x7FB];
	v29 =	vsel vm2, s12, v29;
	s12 =	sshra.s32 s18, $0x1F  }
0x1da: {  	v51 =	vcombine.low v53, v18;
	s9 =	sshra.s32 s9, $0xC;
	v30 =	vsel vm1, s24, v30;
	v31 =	vsel vm10, s0, v28;
	s24 =	sld [smem:$0x7FC];
	s0 =	smul.u32 $0x68DB8BAD, s12  }
0x1db: {  	v53 =	vperm.xlane v17, v2;
	s26 =	sshra.s32 s26, $0xC;
	v29 =	vsel vm5, s20, v29;
	v39 =	vsel vm2, s19, v31;
	s20 =	spop (v2sf);
	s19 =	rddreg [dreg:$0x1d]  }
0x1dc: {  	v28 =	vsel vm2, s11, v30;
	v31 =	vsel vm0, s4, v40;
	s4 =	sshra.s32 s10, $0xC;
	v30 =	vsel vm11, s14, v39;
	s16 =	smulhi.u32 $0x68DB8BAD, s20;
	s14 =	sshrl.u32 s19, $0x1F  }
0x1dd: {  	v54 =	vperm.xlane v20, v2;
	v33 =	vmov s2;
	v56 =	vcombine.low v26, v60;
	s21 =	sshrl.u32 s25, $0x1F;
	s13 =	sshra.s32 s25, $0xC;
	s15 =	sshra.s32 s25, $0x1F  }
0x1de: {  	v42 =	vmov s9;
	v31 =	vsel vm1, s7, v31;
	s25 =	sshrl.u32 s24, $0x1F;
	s18 =	sshra.s32 s24, $0xC;
	v30 =	vsel vm5, s23, v30;
	s23 =	rddreg [dreg:$0x1f]  }
0x1df: {  	s11 =	sshra.s32 s24, $0x1F;
	v41 =	vsel vm2, s8, v31;
	v31 =	vsel vm0, s26, v42;
	s26 =	sld [smem:$0x7FD];
	v29 =	vsel vm6, s21, v29;
	s21 =	sshra.s32 s20, $0x1F  }
0x1e0: {  	v20 =	vsub.s32 $0x0, v6;
	v55 =	vcombine.low v57, v21;
	v33 =	vnsel vm4, $0x0, v33;
	s24 =	sshrl.u32 s10, $0x1F;
	s20 =	rddreg [dreg:$0x1e];
	s12 =	smul.u32 $0x68DB8BAD, s21  }
0x1e1: {  	v15 =	vperm.xlane v56, v1;
	v62 =	vsub.s32 $0x0, v4;
	s9 =	sshrl.u32 s23, $0x1F;
	v29 =	vsel vm7, s25, v29;
	s25 =	spop (v2sf);
	s21 =	rddreg [dreg:$0x1a]  }
0x1e2: {  	v22 =	vcombine.low v28, v25;
	v32 =	vsel vm13, s1, v30;
	v31 =	vsel vm1, s5, v31;
	s10 =	smulhi.u32 $0x68DB8BAD, s25;
	s1 =	sshra.s32 s25, $0x1F;
	s25 =	rddreg [dreg:$0x1b]  }
0x1e3: {  	s23 =	sshra.s32 s23, $0xC;
	v32 =	vsel vm6, s13, v32;
	v31 =	vsel vm2, s3, v31;
	s3 =	sshrl.u32 s31, $0x1F;
	v29 =	vsel vm12, s24, v29;
	s24 =	rddreg [dreg:$0x19]  }
0x1e4: {  	v57 =	vperm.xlane v23, v2;
	v58 =	vperm.xlane v63, v2;
	v32 =	vsel vm3, s15, v32;
	s15 =	sshrl.u32 s20, $0x1F;
	s5 =	sshrl.u32 s21, $0x1F;
	s8 =	sshrl.u32 s25, $0x1F  }
0x1e5: {  	v16 =	vperm.xlane v22, v1;
	v25 =	vcombine.low v31, v41;
	s7 =	smul.u32 $0x68DB8BAD, s1;
	v32 =	vsel vm7, s18, v32;
	s1 =	rddreg [dreg:$0x1c];
	s18 =	sshrl.u32 s26, $0x1F  }
0x1e6: {  	s13 =	sshrl.u32 s24, $0x1F;
	v24 =	vperm.xlane v29, v2;
	s2 =	sshrl.u32 s1, $0x1F;
	v32 =	vsel vm14, s11, v32;
	v33 =	vsel vm0, s18, v33;
	s18 =	spop (v2sf)  }
0x1e7: {  	s11 =	sshrl.u32 s29, $0x1F;
	v34 =	vmov s8;
	v32 =	vsel vm12, s4, v32;
	v33 =	vsel vm1, s3, v33;
	s3 =	sadd.s32 s0, s17;
	s17 =	smulhi.u32 $0x68DB8BAD, s18  }
0x1e8: {  	s8 =	sshra.s32 s18, $0x1F;
	v34 =	vsel vm0, s14, v34;
	v35 =	vmov s2;
	s2 =	sadd.s32 s12, s16;
	s16 =	sshra.s32 s25, $0xC;
	v33 =	vsel vm2, s11, v33  }
0x1e9: {  	s18 =	sshra.s32 s19, $0xC;
	s25 =	sshra.s32 s1, $0xC;
	s11 =	sshrl.u32 s3, $0x1F;
	v34 =	vsel vm1, s9, v34;
	v35 =	vsel vm0, s15, v35;
	v36 =	vmov s16  }
0x1ea: {  	s4 =	smul.u32 $0x68DB8BAD, s8;
	s9 =	sadd.s32 s7, s10;
	s14 =	sshrl.u32 s2, $0x1F;
	v38 =	vmov s25;
	v28 =	vperm.xlane v32, v2;
	v33 =	vsel vm5, s11, v33  }
0x1eb: {  	s8 =	sshra.s32 s21, $0xC;
	s11 =	rddreg [dreg:$0x18];
	v34 =	vsel vm2, s13, v34;
	v35 =	vsel vm1, s5, v35;
	v36 =	vsel vm0, s18, v36;
	s5 =	sshra.s32 s20, $0xC  }
0x1ec: {  	s15 =	sshrl.u32 s9, $0x1F;
	s12 =	sshrl.u32 s11, $0x1F;
	v33 =	vsel vm6, s14, v33;
	s0 =	sadd.s32 s4, s17;
	v36 =	vsel vm1, s23, v36;
	v38 =	vsel vm0, s5, v38  }
0x1ed: {  	v47 =	vld [tilespmem:$0x1FFF0];
	s14 =	sshra.s32 s24, $0xC;
	v35 =	vsel vm2, s12, v35;
	v33 =	vsel vm7, s15, v33;
	s17 =	sshrl.u32 s0, $0x1F;
	v44 =	vsel vm1, s8, v38  }
0x1ee: {  	s19 =	sshra.s32 s0, $0x1F;
	s15 =	sshra.s32 s11, $0xC;
	v45 =	vsel vm2, s14, v36;
	v36 =	vsub.s32 $0x0, v8;
	v33 =	vsel vm12, s17, v33  }
0x1ef: {  	s1 =	sshra.s32 s30, $0xC;
	v37 =	vmov s19;
	v46 =	vsel vm2, s15, v44;
	v26 =	vcombine.low v35, v34  }
0x1f0: {  	s7 =	sshra.s32 s30, $0x1F;
	v34 =	vsub.s32 $0x0, v7;
	v37 =	vsel vm4, s1, v37;
	v14 =	vcombine.low v46, v45  }
0x1f1: {  	s10 =	sshra.s32 s26, $0xC;
	v29 =	vperm.xlane v33, v2;
	v43 =	vsel vm8, s7, v37;
	v17 =	vperm.xlane v26, v1  }
0x1f2: {  	s12 =	sshra.s32 s26, $0x1F;
	v11 =	vsel vm0, s10, v43;
	vm0 =	vnez.u8 v47;
	v14 =	vperm.xlane v14, v1  }
0x1f3: {  	v11 =	vsel vm9, s12, v11;
	v9 =	vsel vm0, v10, v9;
	v10 =	vperm.xlane v49, v1  }
0x1f4: {  	s13 =	sshra.s32 s31, $0xC;
	v48 =	vsel vm0, v13, v12;
	v13 =	vperm.xlane v51, v1;
	v12 =	vperm.xlane v55, v1  }
0x1f5: {  	s16 =	sshra.s32 s31, $0x1F;
	v15 =	vsel vm0, v58, v15;
	v16 =	vsel vm0, v24, v16;
	v11 =	vsel vm1, s13, v11  }
0x1f6: {  	v31 =	vsel vm0, v29, v17;
	v9 =	vadd.s32 v9, v48;
	v11 =	vsel vm10, s16, v11  }
0x1f7: {  	s17 =	sshra.s32 s29, $0xC;
	v50 =	vmul.u32 $0xFFFFD8F0, v9;
	v10 =	vsel vm0, v53, v10;
	v13 =	vsel vm0, v54, v13  }
0x1f8: {  	s18 =	sshra.s32 s29, $0x1F;
	v12 =	vsel vm0, v57, v12;
	v11 =	vsel vm2, s17, v11;
	v10 =	vadd.s32 v10, v13  }
0x1f9: {  	s19 =	sshra.s32 s3, $0xC;
	v12 =	vadd.s32 v12, v15;
	v11 =	vsel vm11, s18, v11;
	v60 =	vmul.u32 $0xFFFFD8F0, v10  }
0x1fa: {  	s3 =	sshra.s32 s3, $0x1F;
	v63 =	vmul.u32 $0xFFFFD8F0, v12;
	v11 =	vsel vm5, s19, v11;
	vm5 =	vlt.s32 v4, $0x1  }
0x1fb: {  	s20 =	sshra.s32 s2, $0xC;
	v11 =	vsel vm13, s3, v11;
	vm13 =	vlt.s32 v5, $0x1;
	vm15 =	vne.s32 v60, v62  }
0x1fc: {  	s2 =	sshra.s32 s2, $0x1F;
	vm4 =	vne.s32 v63, v20;
	v11 =	vsel vm6, s20, v11;
	vm6 =	vne.s32 v50, v52  }
0x1fd: {  	s21 =	sshra.s32 s9, $0xC;
	v11 =	vsel vm3, s2, v11;
	vm9 =	vmand vm13, vm6;
	vm6 =	vlt.s32 v6, $0x1  }
0x1fe: {  	vm13 =	vlt.s32 v8, $0x1;
	v11 =	vsel vm7, s21, v11;
	v59 =	vsel vm9, $0xFFFFFFFF, v3  }
0x1ff: {  	s23 =	sshra.s32 s9, $0x1F;
	vm9 =	vmand vm5, vm15;
	vm7 =	vlt.s32 v7, $0x1;
	v9 =	vadd.s32 v59, v9  }
0x200: {  	v11 =	vsel vm14, s23, v11;
	v23 =	vsel vm9, $0xFFFFFFFF, v3;
	vm9 =	vmand vm6, vm4  }
0x201: {  	s0 =	sshra.s32 s0, $0xC;
	v61 =	vmul.u32 $0xFFFFD8F0, v9;
	v21 =	vshrl.u32 v9, $0x3;
	v10 =	vadd.s32 v23, v10  }
0x202: {  	v27 =	vshll.u32 v9, $0x7;
	v11 =	vsel vm12, s0, v11;
	v33 =	vsel vm9, $0xFFFFFFFF, v3  }
0x203: {  	v13 =	vmul.u32 $0x13C00, v21;
	v11 =	vperm.xlane v11, v2;
	v18 =	vand.u32 $0x380, v27  }
0x204: {  	v30 =	vmul.u32 $0xFFFFD8F0, v10;
	v39 =	vshrl.u32 v10, $0x3;
	v5 =	vadd.s32 v5, v61  }
0x205: {  	v12 =	vadd.s32 v33, v12;
	v41 =	vshll.u32 v10, $0x7;
	v15 =	vshll.u32 v5, $0x3  }
0x206: {  	v42 =	vmul.u32 $0xFFFFD8F0, v12;
	v43 =	vand.u32 $0x380, v41;
	v15 =	vand.u32 $0xFFFFFC00, v15  }
0x207: {  	v44 =	vshrl.u32 v12, $0x3;
	v13 =	vadd.s32 v13, v15;
	v15 =	vperm.xlane v25, v1  }
0x208: {  	v47 =	vshll.u32 v12, $0x7;
	v11 =	vsel vm0, v11, v14;
	v38 =	vand.u32 $0x7F, v5  }
0x209: {  	v4 =	vadd.s32 v4, v30;
	v17 =	vmul.u32 $0x13C00, v44;
	v15 =	vsel vm0, v28, v15  }
0x20a: {  	v48 =	vand.u32 $0x380, v47;
	v11 =	vadd.s32 v31, v11;
	v15 =	vadd.s32 v16, v15  }
0x20b: {  	v19 =	vshll.u32 v4, $0x3;
	v6 =	vadd.s32 v6, v42;
	v32 =	vmul.u32 $0xFFFFD8F0, v15  }
0x20c: {  	v45 =	vand.u32 $0x7F, v4;
	v35 =	vmul.u32 $0xFFFFD8F0, v11;
	v40 =	vand.u32 $0xFFFFFC00, v19  }
0x20d: {  	[tilespmem:$0x2910] =	vst v4;
	v46 =	vshll.u32 v6, $0x3;
	v4 =	vand.u32 $0x7F, v6;
	vm12 =	vne.s32 v32, v34  }
0x20e: {  	v13 =	vor.u32 v18, v13;
	v18 =	vmul.u32 $0x13C00, v39;
	vm9 =	vmand vm7, vm12  }
0x20f: {  	[tilespmem:$0x2900] =	vst v5;
	v5 =	vand.u32 $0xFFFFFC00, v46;
	vm14 =	vne.s32 v35, v36;
	v37 =	vsel vm9, $0xFFFFFFFF, v3  }
0x210: {  	v13 =	vor.u32 v38, v13;
	v5 =	vadd.s32 v17, v5;
	v14 =	vadd.s32 v37, v15  }
0x211: {  	[tilespmem:$0x2780] =	vst v9;
	vm15 =	vmand vm13, vm14;
	v16 =	vadd.s32 v18, v40;
	v49 =	vmul.u32 $0xFFFFD8F0, v14  }
0x212: {  	[tilespmem:$0x2790] =	vst v10;
	v5 =	vor.u32 v48, v5;
	v16 =	vor.u32 v43, v16;
	v50 =	vsel vm15, $0xFFFFFFFF, v3  }
0x213: {  	[tilespmem:$0x27A0] =	vst v12;
	v4 =	vor.u32 v4, v5;
	v51 =	vshrl.u32 v14, $0x3;
	v7 =	vadd.s32 v7, v49  }
0x214: {  	[tilespmem:$0x2920] =	vst v6;
	v11 =	vadd.s32 v50, v11;
	v52 =	vmul.u32 $0x13C00, v51;
	v53 =	vshll.u32 v7, $0x3  }
0x215: {  	[tilespmem:$0x2A80] =	vst v13;
	v55 =	vmul.u32 $0xFFFFD8F0, v11;
	v54 =	vshll.u32 v14, $0x7;
	v10 =	vand.u32 $0xFFFFFC00, v53  }
0x216: {  	v9 =	vor.u32 v45, v16;
	[tilespmem:$0x2AA0] =	vst v4;
	v56 =	vand.u32 $0x380, v54;
	v5 =	vadd.s32 v52, v10  }
0x217: {  	[tilespmem:$0x2A90] =	vst v9;
	v57 =	vshrl.u32 v11, $0x3;
	v4 =	vor.u32 v56, v5;
	v5 =	vadd.s32 v8, v55  }
0x218: {  	[tilespmem:$0x27C0] =	vst v11;
	v6 =	vmul.u32 $0x13C00, v57;
	v58 =	vand.u32 $0x7F, v7;
	v59 =	vshll.u32 v5, $0x3  }
0x219: {  	v61 =	vshll.u32 v11, $0x7;
	[tilespmem:$0x27B0] =	vst v14;
	v4 =	vor.u32 v58, v4;
	v60 =	vand.u32 $0xFFFFFC00, v59  }
0x21a: {  	v62 =	vand.u32 $0x380, v61;
	[tilespmem:$0x2AB0] =	vst v4;
	v4 =	vadd.s32 v6, v60  }
0x21b: {  	[tilespmem:$0x2930] =	vst v7;
	v63 =	vand.u32 $0x7F, v5;
	v4 =	vor.u32 v62, v4  }
0x21c: {  	s25 =	simm.s32 $0x50;
	[tilespmem:$0x2940] =	vst v5;
	v4 =	vor.u32 v63, v4  }
0x21d: {  	s30 =	simm.s32 $0x2780;
	s24 =	rddreg [dreg:$0x4];
	s26 =	simm.s32 $0x2A80;
	[tilespmem:$0x2AC0] =	vst v4  }
0x21e: {  	[tilespmem:s22], [sflag:$0x1] =	stream.indirect.gather [hbm4b:s24+s25], $0x1, s26, s25, $0xb8;
	[tilespmem:$0x1DE00] =	vst v63  }
0x21f: {  	s31 =	simm.s32 $0x2D80;
	s29 =	rddreg [dreg:$0x0];
	s1 =	simm.s32 $0x0  }
0x220: {  	[tilespmem:s31], [sflag:$0x4] =	stream.indirect.gather [hbm4b:s29+s25], $0x80, s30, s25, $0xb8;
	[tilespmem:$0x1DE00] =	vst v63  }
.LBB2_4:
0x221: {  	p1 =	seq.s32 s1, $0x0  }
0x222: {  	s0 =	simm.s32 @!p1 $0x8  }
0x223: {  	_ =	swait.ge @!p1 [sflag:s0], $0x2800  }
0x224: {  	s7 =	smul.u32 $0xF0, s1;
	[sflag:s0] =	ssyncset.done @!p1 $0x0  }
0x225: {  	[sflag:s0] =	ssyncadd.s32 @!p1 $0xFFFFD800  }
0x226: {  	v4 =	vld [tilespmem:s7+$0x50];
	_ =	sdelay $0x4  }
0x227: {  	(v2sf) =	vpush v4, $0xD;
	_ =	sdelay $0x1  }
0x228: {  	(v2sf) =	vpush v4, $0xC;
	_ =	sdelay $0x1  }
0x229: {  	(v2sf) =	vpush v4, $0xE;
	_ =	sdelay $0x1  }
0x22a: {  	(v2sf) =	vpush v4, $0xF;
	_ =	sdelay $0x1  }
0x22b: {  	(v2sf) =	vpush v4, $0x9;
	_ =	sdelay $0x1  }
0x22c: {  	(v2sf) =	vpush v4, $0x8;
	_ =	sdelay $0x1  }
0x22d: {  	(v2sf) =	vpush v4, $0xA;
	_ =	sdelay $0x1  }
0x22e: {  	(v2sf) =	vpush v4, $0xB  }
0x22f: {  	s21 =	spop (v2sf)  }
0x230: {  	s23 =	smulhi.u32 $0x68DB8BAD, s21;
	s0 =	sshra.s32 s21, $0x1F  }
0x231: {  	(v2sf) =	vpush v4, $0x0;
	s2 =	spop (v2sf);
	s0 =	smul.u32 $0x68DB8BAD, s0  }
0x232: {  	(v2sf) =	vpush v4, $0x1;
	s3 =	smulhi.u32 $0x68DB8BAD, s2;
	s2 =	sshra.s32 s2, $0x1F  }
0x233: {  	s4 =	spop (v2sf);
	(v2sf) =	vpush v4, $0x2;
	s2 =	smul.u32 $0x68DB8BAD, s2  }
0x234: {  	s5 =	smulhi.u32 $0x68DB8BAD, s4;
	s4 =	sshra.s32 s4, $0x1F;
	(v2sf) =	vpush v4, $0x3  }
0x235: {  	s8 =	spop (v2sf);
	s4 =	smul.u32 $0x68DB8BAD, s4;
	(v2sf) =	vpush v4, $0x4  }
0x236: {  	[dreg:$0x14] =	wrdreg s1;
	s9 =	smulhi.u32 $0x68DB8BAD, s8;
	s8 =	sshra.s32 s8, $0x1F;
	(v2sf) =	vpush v4, $0x5  }
0x237: {  	s10 =	spop (v2sf);
	s8 =	smul.u32 $0x68DB8BAD, s8;
	(v2sf) =	vpush v4, $0x6  }
0x238: {  	s0 =	sadd.s32 s0, s23;
	s12 =	smulhi.u32 $0x68DB8BAD, s10;
	s10 =	sshra.s32 s10, $0x1F;
	(v2sf) =	vpush v4, $0x7  }
0x239: {  	s24 =	spop (v2sf);
	s11 =	sshrl.u32 s0, $0x1F;
	s10 =	smul.u32 $0x68DB8BAD, s10  }
0x23a: {  	s3 =	sadd.s32 s2, s3;
	s13 =	smulhi.u32 $0x68DB8BAD, s24;
	s1 =	sshra.s32 s24, $0x1F  }
0x23b: {  	s0 =	sshra.s32 s0, $0xC;
	s25 =	spop (v2sf);
	s14 =	smul.u32 $0x68DB8BAD, s1  }
0x23c: {  	s15 =	sshrl.u32 s3, $0x1F;
	s3 =	sshra.s32 s3, $0xC;
	s16 =	smulhi.u32 $0x68DB8BAD, s25  }
0x23d: {  	s26 =	sshra.s32 s25, $0x1F;
	s1 =	sadd.s32 s4, s5;
	s30 =	spop (v2sf)  }
0x23e: {  	s2 =	sadd.s32 s8, s9;
	s29 =	smul.u32 $0x68DB8BAD, s26;
	s18 =	sshrl.u32 s1, $0x1F  }
0x23f: {  	s19 =	smulhi.u32 $0x68DB8BAD, s30;
	s31 =	sshra.s32 s30, $0x1F;
	s20 =	sshrl.u32 s2, $0x1F  }
0x240: {  	s4 =	sadd.s32 s10, s12;
	s17 =	smul.u32 $0x68DB8BAD, s31;
	s24 =	spop (v2sf)  }
0x241: {  	s9 =	smulhi.u32 $0x68DB8BAD, s24;
	s21 =	sshra.s32 s24, $0x1F;
	s30 =	spop (v2sf)  }
0x242: {  	s25 =	smul.u32 $0x68DB8BAD, s21;
	s23 =	sshra.s32 s30, $0x1F;
	s24 =	spop (v2sf)  }
0x243: {  	s10 =	sadd.s32 s14, s13;
	s13 =	smul.u32 $0x68DB8BAD, s23;
	s31 =	spop (v2sf)  }
0x244: {  	s23 =	smulhi.u32 $0x68DB8BAD, s24;
	s24 =	sshra.s32 s24, $0x1F;
	s26 =	spop (v2sf)  }
0x245: {  	s5 =	sadd.s32 s29, s16;
	s16 =	smul.u32 $0x68DB8BAD, s24;
	s24 =	spop (v2sf)  }
0x246: {  	s1 =	sshra.s32 s1, $0xC;
	s21 =	smulhi.u32 $0x68DB8BAD, s30;
	s30 =	spop (v2sf)  }
0x247: {  	s8 =	sadd.s32 s17, s19;
	s29 =	smulhi.u32 $0x68DB8BAD, s31;
	s17 =	spop (v2sf)  }
0x248: {  	s12 =	sadd.s32 s25, s9;
	s25 =	smulhi.u32 $0x68DB8BAD, s17;
	s19 =	sshra.s32 s17, $0x1F  }
0x249: {  	vm4 =	vcmask $0x300;
	vm0 =	vcmask $0xB08;
	vm12 =	vcmask $0x704;
	s14 =	sshra.s32 s31, $0x1F;
	s31 =	sshrl.u32 s4, $0x1F;
	s19 =	smul.u32 $0x68DB8BAD, s19  }
0x24a: {  	vm1 =	vcmask $0x1310;
	vm2 =	vcmask $0x1B18;
	vm13 =	vcmask $0xF0C;
	s14 =	smul.u32 $0x68DB8BAD, s14;
	s13 =	sadd.s32 s13, s21;
	s21 =	sshrl.u32 s10, $0x1F  }
0x24b: {  	vm14 =	vcmask $0x1714;
	vm5 =	vcmask $0x2320;
	vm6 =	vcmask $0x2B28;
	s10 =	sshra.s32 s10, $0xC;
	s16 =	sadd.s32 s16, s23;
	s9 =	sadd.s32 s19, s25  }
0x24c: {  	vm15 =	vcmask $0x1F1C;
	vm7 =	vcmask $0x3330;
	v6 =	vmov s15;
	s23 =	sshrl.u32 s5, $0x1F;
	s15 =	sshrl.u32 s13, $0x1F;
	s17 =	sshra.s32 s9, $0x1F  }
0x24d: {  	vm3 =	vcmask $0x2724;
	v6 =	vsel vm0, s11, v6;
	s19 =	smulhi.u32 $0x68DB8BAD, s26;
	s26 =	sshra.s32 s26, $0x1F;
	s25 =	sshra.s32 s12, $0xC;
	v5 =	vmov s17  }
0x24e: {  	vm11 =	vcmask $0x2F2C;
	v6 =	vsel vm1, s18, v6;
	s17 =	smul.u32 $0x68DB8BAD, s26;
	s26 =	sshrl.u32 s12, $0x1F;
	s12 =	sshra.s32 s12, $0x1F;
	v5 =	vsel vm4, s25, v5  }
0x24f: {  	s11 =	smulhi.u32 $0x68DB8BAD, s24;
	v8 =	vmov s21;
	s14 =	sadd.s32 s14, s29;
	v7 =	vmov s26;
	s26 =	sshra.s32 s13, $0xC;
	v5 =	vsel vm12, s12, v5  }
0x250: {  	v6 =	vsel vm2, s20, v6;
	s29 =	sshrl.u32 s8, $0x1F;
	v8 =	vsel vm0, s31, v8;
	s21 =	sshra.s32 s14, $0xC;
	s13 =	sshra.s32 s13, $0x1F;
	v5 =	vsel vm0, s26, v5  }
0x251: {  	v8 =	vsel vm1, s23, v8;
	s25 =	sshrl.u32 s16, $0x1F;
	s12 =	sshra.s32 s24, $0x1F;
	v7 =	vnsel vm4, $0x0, v7;
	s26 =	sshra.s32 s16, $0xC;
	v5 =	vsel vm13, s13, v5  }
0x252: {  	v8 =	vsel vm2, s29, v8;
	s24 =	sshra.s32 s30, $0x1F;
	v7 =	vsel vm0, s15, v7;
	s15 =	smulhi.u32 $0x68DB8BAD, s30;
	s16 =	sshra.s32 s16, $0x1F;
	v5 =	vsel vm1, s26, v5  }
0x253: {  	v6 =	vcombine.low v8, v6;
	v8 =	vmov s3;
	s3 =	sshra.s32 s5, $0xC;
	s5 =	sshra.s32 s2, $0xC;
	s30 =	smul.u32 $0x68DB8BAD, s24;
	v5 =	vsel vm14, s16, v5  }
0x254: {  	vm8 =	vcmask $0x3734;
	v8 =	vsel vm0, s0, v8;
	s17 =	sadd.s32 s17, s19;
	s12 =	smul.u32 $0x68DB8BAD, s12;
	s24 =	sshra.s32 s14, $0x1F;
	v5 =	vsel vm2, s21, v5  }
0x255: {  	v9 =	vmov s10;
	v8 =	vsel vm1, s1, v8;
	s15 =	sadd.s32 s30, s15;
	s26 =	sshra.s32 s17, $0xC;
	s30 =	sshra.s32 s4, $0xC;
	v5 =	vsel vm15, s24, v5  }
0x256: {  	v8 =	vsel vm2, s5, v8;
	s29 =	sshra.s32 s17, $0x1F;
	s11 =	sadd.s32 s12, s11;
	v9 =	vsel vm0, s30, v9;
	v5 =	vsel vm5, s26, v5  }
0x257: {  	s10 =	sshra.s32 s8, $0xC;
	s18 =	sshrl.u32 s14, $0x1F;
	v7 =	vsel vm1, s25, v7;
	s31 =	sshra.s32 s11, $0xC;
	v9 =	vsel vm1, s3, v9;
	v5 =	vsel vm3, s29, v5  }
0x258: {  	s20 =	sshrl.u32 s17, $0x1F;
	v7 =	vsel vm2, s18, v7;
	s4 =	sshra.s32 s11, $0x1F;
	v9 =	vsel vm2, s10, v9;
	v5 =	vsel vm6, s31, v5  }
0x259: {  	v7 =	vsel vm5, s20, v7;
	s23 =	sshrl.u32 s11, $0x1F;
	s11 =	sshra.s32 s15, $0xC;
	v8 =	vcombine.low v9, v8;
	v9 =	vld [tilespmem:$0x1FFF0];
	v5 =	vsel vm11, s4, v5  }
0x25a: {  	v6 =	vperm.xlane v6, v1;
	s25 =	sshrl.u32 s15, $0x1F;
	s13 =	sshra.s32 s15, $0x1F;
	v7 =	vsel vm6, s23, v7;
	v5 =	vsel vm7, s11, v5  }
0x25b: {  	s14 =	sshra.s32 s9, $0xC;
	s12 =	sshrl.u32 s9, $0x1F;
	v7 =	vsel vm7, s25, v7;
	vm11 =	vcmask $0x3B38;
	v5 =	vsel vm8, s13, v5  }
0x25c: {  	v8 =	vperm.xlane v8, v1;
	v7 =	vsel vm11, s12, v7;
	v5 =	vsel vm11, s14, v5  }
0x25d: {  	v7 =	vperm.xlane v7, v2;
	v5 =	vperm.xlane v5, v2  }
0x25e: {  	vm8 =	vnez.u8 v9  }
0x25f: {  	v6 =	vsel vm8, v7, v6;
	v5 =	vsel vm8, v5, v8  }
0x260: {  	v5 =	vadd.s32 v6, v5  }
0x261: {  	v6 =	vmul.u32 $0xFFFFD8F0, v5  }
0x262: {  	v7 =	vsub.s32 $0x0, v4  }
0x263: {  	vm9 =	vlt.s32 v4, $0x1;
	vm10 =	vne.s32 v6, v7  }
0x264: {  	vm9 =	vmand vm9, vm10  }
0x265: {  	v6 =	vsel vm9, $0xFFFFFFFF, v3  }
0x266: {  	v5 =	vadd.s32 v6, v5  }
0x267: {  	v6 =	vmul.u32 $0xFFFFD8F0, v5;
	_ =	sdelay $0x1  }
0x268: {  	v4 =	vadd.s32 v4, v6;
	v6 =	vshrl.u32 v5, $0x3  }
0x269: {  	v6 =	vmul.u32 $0x13C00, v6;
	v7 =	vshll.u32 v4, $0x3  }
0x26a: {  	v8 =	vshll.u32 v5, $0x7;
	v7 =	vand.u32 $0xFFFFFC00, v7  }
0x26b: {  	v6 =	vadd.s32 v6, v7;
	v7 =	vand.u32 $0x380, v8  }
0x26c: {  	[tilespmem:$0x2800] =	vst v5;
	v5 =	vor.u32 v7, v6;
	v6 =	vand.u32 $0x7F, v4  }
0x26d: {  	[tilespmem:$0x2980] =	vst v4;
	v4 =	vor.u32 v6, v5  }
0x26e: {  	[tilespmem:$0x2B00] =	vst v4  }
0x26f: {  	v4 =	vld [tilespmem:s7+$0x60];
	_ =	sdelay $0x4  }
0x270: {  	(v2sf) =	vpush v4, $0xD;
	_ =	sdelay $0x1  }
0x271: {  	(v2sf) =	vpush v4, $0xC;
	_ =	sdelay $0x1  }
0x272: {  	(v2sf) =	vpush v4, $0xE;
	_ =	sdelay $0x1  }
0x273: {  	(v2sf) =	vpush v4, $0xF;
	_ =	sdelay $0x1  }
0x274: {  	(v2sf) =	vpush v4, $0x9  }
0x275: {  	(v2sf) =	vpush v4, $0x8;
	_ =	sdelay $0x2  }
0x276: {  	(v2sf) =	vpush v4, $0xA;
	_ =	sdelay $0x1  }
0x277: {  	(v2sf) =	vpush v4, $0xB  }
0x278: {  	s15 =	spop (v2sf)  }
0x279: {  	(v2sf) =	vpush v4, $0x0;
	s16 =	smulhi.u32 $0x68DB8BAD, s15;
	s0 =	sshra.s32 s15, $0x1F  }
0x27a: {  	(v2sf) =	vpush v4, $0x1;
	s17 =	spop (v2sf);
	s0 =	smul.u32 $0x68DB8BAD, s0  }
0x27b: {  	(v2sf) =	vpush v4, $0x2;
	s18 =	smulhi.u32 $0x68DB8BAD, s17;
	s2 =	sshra.s32 s17, $0x1F  }
0x27c: {  	s19 =	spop (v2sf);
	(v2sf) =	vpush v4, $0x3;
	s2 =	smul.u32 $0x68DB8BAD, s2  }
0x27d: {  	s20 =	smulhi.u32 $0x68DB8BAD, s19;
	s4 =	sshra.s32 s19, $0x1F;
	(v2sf) =	vpush v4, $0x4  }
0x27e: {  	s21 =	spop (v2sf);
	s4 =	smul.u32 $0x68DB8BAD, s4;
	(v2sf) =	vpush v4, $0x5  }
0x27f: {  	s23 =	smulhi.u32 $0x68DB8BAD, s21;
	s8 =	sshra.s32 s21, $0x1F;
	(v2sf) =	vpush v4, $0x6  }
0x280: {  	s24 =	spop (v2sf);
	s0 =	sadd.s32 s0, s16;
	s8 =	smul.u32 $0x68DB8BAD, s8;
	(v2sf) =	vpush v4, $0x7  }
0x281: {  	s25 =	smulhi.u32 $0x68DB8BAD, s24;
	s10 =	sshra.s32 s24, $0x1F;
	s26 =	spop (v2sf)  }
0x282: {  	s11 =	sshrl.u32 s0, $0x1F;
	s3 =	sadd.s32 s2, s18;
	s10 =	smul.u32 $0x68DB8BAD, s10  }
0x283: {  	s0 =	sshra.s32 s0, $0xC;
	s13 =	smulhi.u32 $0x68DB8BAD, s26;
	s1 =	sshra.s32 s26, $0x1F  }
0x284: {  	s29 =	spop (v2sf);
	s15 =	sshrl.u32 s3, $0x1F;
	s14 =	smul.u32 $0x68DB8BAD, s1  }
0x285: {  	s3 =	sshra.s32 s3, $0xC;
	s16 =	smulhi.u32 $0x68DB8BAD, s29;
	s30 =	sshra.s32 s29, $0x1F  }
0x286: {  	s1 =	sadd.s32 s4, s20;
	s20 =	spop (v2sf);
	s31 =	smul.u32 $0x68DB8BAD, s30  }
0x287: {  	s2 =	sadd.s32 s8, s23;
	s18 =	smulhi.u32 $0x68DB8BAD, s20;
	s21 =	sshra.s32 s20, $0x1F  }
0x288: {  	s23 =	spop (v2sf);
	s4 =	sadd.s32 s10, s25;
	s8 =	smul.u32 $0x68DB8BAD, s21  }
0x289: {  	s9 =	smulhi.u32 $0x68DB8BAD, s23;
	s24 =	sshra.s32 s23, $0x1F;
	s25 =	spop (v2sf)  }
0x28a: {  	s10 =	sadd.s32 s14, s13;
	s12 =	smul.u32 $0x68DB8BAD, s24;
	s29 =	spop (v2sf)  }
0x28b: {  	s20 =	smulhi.u32 $0x68DB8BAD, s25;
	s26 =	sshra.s32 s25, $0x1F;
	s30 =	spop (v2sf)  }
0x28c: {  	s13 =	smul.u32 $0x68DB8BAD, s26;
	s23 =	sshra.s32 s29, $0x1F;
	s24 =	spop (v2sf)  }
0x28d: {  	s17 =	sshrl.u32 s1, $0x1F;
	s25 =	smul.u32 $0x68DB8BAD, s23;
	s23 =	spop (v2sf)  }
0x28e: {  	s5 =	sadd.s32 s31, s16;
	s21 =	smulhi.u32 $0x68DB8BAD, s29;
	s26 =	spop (v2sf)  }
0x28f: {  	s8 =	sadd.s32 s8, s18;
	s31 =	smulhi.u32 $0x68DB8BAD, s30;
	s29 =	spop (v2sf)  }
0x290: {  	s14 =	sshra.s32 s30, $0x1F;
	s30 =	smulhi.u32 $0x68DB8BAD, s29;
	s18 =	sshra.s32 s29, $0x1F  }
0x291: {  	s19 =	sshrl.u32 s2, $0x1F;
	s1 =	sshra.s32 s1, $0xC;
	s18 =	smul.u32 $0x68DB8BAD, s18  }
0x292: {  	s12 =	sadd.s32 s12, s9;
	s13 =	sadd.s32 s13, s20;
	s14 =	smul.u32 $0x68DB8BAD, s14  }
0x293: {  	s20 =	sshrl.u32 s10, $0x1F;
	s10 =	sshra.s32 s10, $0xC;
	s9 =	sadd.s32 s18, s30  }
0x294: {  	v6 =	vmov s15;
	s16 =	sadd.s32 s25, s21;
	s14 =	sadd.s32 s14, s31;
	s31 =	sshra.s32 s9, $0x1F  }
0x295: {  	v6 =	vsel vm0, s11, v6;
	s21 =	sshrl.u32 s5, $0x1F;
	v8 =	vmov s20;
	s29 =	sshrl.u32 s4, $0x1F;
	v5 =	vmov s31;
	s31 =	sshra.s32 s12, $0xC  }
0x296: {  	v6 =	vsel vm1, s17, v6;
	s25 =	sshrl.u32 s8, $0x1F;
	v8 =	vsel vm0, s29, v8;
	s30 =	sshrl.u32 s12, $0x1F;
	s12 =	sshra.s32 s12, $0x1F;
	v5 =	vsel vm4, s31, v5  }
0x297: {  	s15 =	sshrl.u32 s13, $0x1F;
	s11 =	smulhi.u32 $0x68DB8BAD, s23;
	v8 =	vsel vm1, s21, v8;
	v7 =	vmov s30;
	s30 =	sshra.s32 s13, $0xC;
	v5 =	vsel vm12, s12, v5  }
0x298: {  	v6 =	vsel vm2, s19, v6;
	s18 =	smulhi.u32 $0x68DB8BAD, s24;
	s24 =	sshra.s32 s24, $0x1F;
	v8 =	vsel vm2, s25, v8;
	s13 =	sshra.s32 s13, $0x1F;
	v5 =	vsel vm0, s30, v5  }
0x299: {  	s20 =	sshra.s32 s14, $0xC;
	s24 =	smul.u32 $0x68DB8BAD, s24;
	v6 =	vcombine.low v8, v6;
	s30 =	sshra.s32 s16, $0xC;
	v5 =	vsel vm13, s13, v5  }
0x29a: {  	v8 =	vmov s3;
	s3 =	sshra.s32 s5, $0xC;
	v7 =	vnsel vm4, $0x0, v7;
	s31 =	sshrl.u32 s16, $0x1F;
	s16 =	sshra.s32 s16, $0x1F;
	v5 =	vsel vm1, s30, v5  }
0x29b: {  	vm3 =	vcmask $0x2724;
	v7 =	vsel vm0, s15, v7;
	s15 =	smulhi.u32 $0x68DB8BAD, s26;
	s26 =	sshra.s32 s26, $0x1F;
	s12 =	sshra.s32 s23, $0x1F;
	v5 =	vsel vm14, s16, v5  }
0x29c: {  	vm9 =	vcmask $0x3734;
	v8 =	vsel vm0, s0, v8;
	s18 =	sadd.s32 s24, s18;
	s24 =	sshra.s32 s14, $0x1F;
	s12 =	smul.u32 $0x68DB8BAD, s12;
	v5 =	vsel vm2, s20, v5  }
0x29d: {  	v9 =	vmov s10;
	s5 =	sshra.s32 s2, $0xC;
	v8 =	vsel vm1, s1, v8;
	s19 =	smul.u32 $0x68DB8BAD, s26;
	s26 =	sshra.s32 s18, $0xC;
	v5 =	vsel vm15, s24, v5  }
0x29e: {  	vm4 =	vcmask $0x2F2C;
	s23 =	sshrl.u32 s14, $0x1F;
	v7 =	vsel vm1, s31, v7;
	s29 =	sshra.s32 s18, $0x1F;
	s11 =	sadd.s32 s12, s11;
	v5 =	vsel vm5, s26, v5  }
0x29f: {  	s17 =	sshrl.u32 s18, $0x1F;
	v8 =	vsel vm2, s5, v8;
	v7 =	vsel vm2, s23, v7;
	s30 =	sshra.s32 s4, $0xC;
	s31 =	sshra.s32 s11, $0xC;
	v5 =	vsel vm3, s29, v5  }
0x2a0: {  	v7 =	vsel vm5, s17, v7;
	s15 =	sadd.s32 s19, s15;
	s23 =	sshrl.u32 s11, $0x1F;
	v9 =	vsel vm0, s30, v9;
	s4 =	sshra.s32 s11, $0x1F;
	v5 =	vsel vm6, s31, v5  }
0x2a1: {  	s10 =	sshra.s32 s8, $0xC;
	s25 =	sshrl.u32 s15, $0x1F;
	s11 =	sshra.s32 s15, $0xC;
	v7 =	vsel vm6, s23, v7;
	v9 =	vsel vm1, s3, v9;
	v5 =	vsel vm4, s4, v5  }
0x2a2: {  	s12 =	sshrl.u32 s9, $0x1F;
	s13 =	sshra.s32 s15, $0x1F;
	v7 =	vsel vm7, s25, v7;
	v9 =	vsel vm2, s10, v9;
	v5 =	vsel vm7, s11, v5  }
0x2a3: {  	s14 =	sshra.s32 s9, $0xC;
	v7 =	vsel vm11, s12, v7;
	v8 =	vcombine.low v9, v8;
	v5 =	vsel vm9, s13, v5  }
0x2a4: {  	v6 =	vperm.xlane v6, v1;
	v7 =	vperm.xlane v7, v2;
	v5 =	vsel vm11, s14, v5  }
0x2a5: {  	v8 =	vperm.xlane v8, v1;
	v5 =	vperm.xlane v5, v2;
	_ =	sdelay $0x1  }
0x2a6: {  	v6 =	vsel vm8, v7, v6;
	v5 =	vsel vm8, v5, v8  }
0x2a7: {  	v5 =	vadd.s32 v6, v5  }
0x2a8: {  	v6 =	vmul.u32 $0xFFFFD8F0, v5  }
0x2a9: {  	v7 =	vsub.s32 $0x0, v4  }
0x2aa: {  	vm9 =	vlt.s32 v4, $0x1;
	vm10 =	vne.s32 v6, v7  }
0x2ab: {  	vm9 =	vmand vm9, vm10  }
0x2ac: {  	v6 =	vsel vm9, $0xFFFFFFFF, v3  }
0x2ad: {  	v5 =	vadd.s32 v6, v5  }
0x2ae: {  	v6 =	vmul.u32 $0xFFFFD8F0, v5;
	_ =	sdelay $0x1  }
0x2af: {  	v4 =	vadd.s32 v4, v6;
	v6 =	vshrl.u32 v5, $0x3  }
0x2b0: {  	v6 =	vmul.u32 $0x13C00, v6;
	v7 =	vshll.u32 v4, $0x3  }
0x2b1: {  	v8 =	vshll.u32 v5, $0x7;
	v7 =	vand.u32 $0xFFFFFC00, v7  }
0x2b2: {  	v6 =	vadd.s32 v6, v7;
	v7 =	vand.u32 $0x380, v8  }
0x2b3: {  	[tilespmem:$0x2810] =	vst v5;
	v5 =	vor.u32 v7, v6;
	v6 =	vand.u32 $0x7F, v4  }
0x2b4: {  	[tilespmem:$0x2990] =	vst v4;
	v4 =	vor.u32 v6, v5  }
0x2b5: {  	[tilespmem:$0x2B10] =	vst v4  }
0x2b6: {  	v4 =	vld [tilespmem:s7+$0x70];
	_ =	sdelay $0x4  }
0x2b7: {  	(v2sf) =	vpush v4, $0xD;
	_ =	sdelay $0x1  }
0x2b8: {  	(v2sf) =	vpush v4, $0xC;
	_ =	sdelay $0x1  }
0x2b9: {  	(v2sf) =	vpush v4, $0xE;
	_ =	sdelay $0x1  }
0x2ba: {  	(v2sf) =	vpush v4, $0xF;
	_ =	sdelay $0x1  }
0x2bb: {  	(v2sf) =	vpush v4, $0x9;
	_ =	sdelay $0x1  }
0x2bc: {  	(v2sf) =	vpush v4, $0x8;
	_ =	sdelay $0x1  }
0x2bd: {  	(v2sf) =	vpush v4, $0xA;
	_ =	sdelay $0x2  }
0x2be: {  	(v2sf) =	vpush v4, $0xB;
	s15 =	spop (v2sf)  }
0x2bf: {  	s16 =	smulhi.u32 $0x68DB8BAD, s15;
	s0 =	sshra.s32 s15, $0x1F  }
0x2c0: {  	(v2sf) =	vpush v4, $0x0;
	s17 =	spop (v2sf);
	s0 =	smul.u32 $0x68DB8BAD, s0  }
0x2c1: {  	(v2sf) =	vpush v4, $0x1;
	s18 =	smulhi.u32 $0x68DB8BAD, s17;
	s2 =	sshra.s32 s17, $0x1F  }
0x2c2: {  	(v2sf) =	vpush v4, $0x2;
	s19 =	spop (v2sf);
	s2 =	smul.u32 $0x68DB8BAD, s2  }
0x2c3: {  	(v2sf) =	vpush v4, $0x3;
	s20 =	smulhi.u32 $0x68DB8BAD, s19;
	s4 =	sshra.s32 s19, $0x1F  }
0x2c4: {  	s21 =	spop (v2sf);
	(v2sf) =	vpush v4, $0x4;
	s4 =	smul.u32 $0x68DB8BAD, s4  }
0x2c5: {  	s23 =	smulhi.u32 $0x68DB8BAD, s21;
	s8 =	sshra.s32 s21, $0x1F;
	(v2sf) =	vpush v4, $0x5  }
0x2c6: {  	s24 =	spop (v2sf);
	s8 =	smul.u32 $0x68DB8BAD, s8;
	(v2sf) =	vpush v4, $0x6  }
0x2c7: {  	s0 =	sadd.s32 s0, s16;
	s25 =	smulhi.u32 $0x68DB8BAD, s24;
	(v2sf) =	vpush v4, $0x7  }
0x2c8: {  	s10 =	sshra.s32 s24, $0x1F;
	s26 =	spop (v2sf);
	s11 =	sshrl.u32 s0, $0x1F  }
0x2c9: {  	s3 =	sadd.s32 s2, s18;
	s0 =	sshra.s32 s0, $0xC;
	s10 =	smul.u32 $0x68DB8BAD, s10  }
0x2ca: {  	s13 =	smulhi.u32 $0x68DB8BAD, s26;
	s1 =	sshra.s32 s26, $0x1F;
	s29 =	spop (v2sf)  }
0x2cb: {  	s15 =	sshrl.u32 s3, $0x1F;
	s3 =	sshra.s32 s3, $0xC;
	s14 =	smul.u32 $0x68DB8BAD, s1  }
0x2cc: {  	s16 =	smulhi.u32 $0x68DB8BAD, s29;
	s30 =	sshra.s32 s29, $0x1F;
	s1 =	sadd.s32 s4, s20  }
0x2cd: {  	s20 =	spop (v2sf);
	s2 =	sadd.s32 s8, s23;
	s31 =	smul.u32 $0x68DB8BAD, s30  }
0x2ce: {  	s17 =	sshrl.u32 s1, $0x1F;
	s18 =	smulhi.u32 $0x68DB8BAD, s20;
	s21 =	sshra.s32 s20, $0x1F  }
0x2cf: {  	s23 =	spop (v2sf);
	s4 =	sadd.s32 s10, s25;
	s8 =	smul.u32 $0x68DB8BAD, s21  }
0x2d0: {  	s9 =	smulhi.u32 $0x68DB8BAD, s23;
	s24 =	sshra.s32 s23, $0x1F;
	s25 =	spop (v2sf)  }
0x2d1: {  	s10 =	sadd.s32 s14, s13;
	s12 =	smul.u32 $0x68DB8BAD, s24;
	s29 =	spop (v2sf)  }
0x2d2: {  	s20 =	smulhi.u32 $0x68DB8BAD, s25;
	s26 =	sshra.s32 s25, $0x1F;
	s30 =	spop (v2sf)  }
0x2d3: {  	s13 =	smul.u32 $0x68DB8BAD, s26;
	s23 =	sshra.s32 s29, $0x1F;
	s24 =	spop (v2sf)  }
0x2d4: {  	s19 =	sshrl.u32 s2, $0x1F;
	s25 =	smul.u32 $0x68DB8BAD, s23;
	s23 =	spop (v2sf)  }
0x2d5: {  	s5 =	sadd.s32 s31, s16;
	s21 =	smulhi.u32 $0x68DB8BAD, s29;
	s26 =	spop (v2sf)  }
0x2d6: {  	s8 =	sadd.s32 s8, s18;
	s31 =	smulhi.u32 $0x68DB8BAD, s30;
	s29 =	spop (v2sf)  }
0x2d7: {  	s14 =	sshra.s32 s30, $0x1F;
	s30 =	smulhi.u32 $0x68DB8BAD, s29;
	s18 =	sshra.s32 s29, $0x1F  }
0x2d8: {  	s12 =	sadd.s32 s12, s9;
	s13 =	sadd.s32 s13, s20;
	s18 =	smul.u32 $0x68DB8BAD, s18  }
0x2d9: {  	s20 =	sshrl.u32 s10, $0x1F;
	s10 =	sshra.s32 s10, $0xC;
	s14 =	smul.u32 $0x68DB8BAD, s14  }
0x2da: {  	s16 =	sadd.s32 s25, s21;
	s21 =	sshrl.u32 s5, $0x1F;
	s9 =	sadd.s32 s18, s30  }
0x2db: {  	v6 =	vmov s15;
	s25 =	sshrl.u32 s8, $0x1F;
	s14 =	sadd.s32 s14, s31;
	s31 =	sshra.s32 s9, $0x1F  }
0x2dc: {  	vm9 =	vcmask $0x300;
	v6 =	vsel vm0, s11, v6;
	s15 =	sshrl.u32 s13, $0x1F;
	s11 =	smulhi.u32 $0x68DB8BAD, s23;
	v5 =	vmov s31;
	s31 =	sshra.s32 s12, $0xC  }
0x2dd: {  	v6 =	vsel vm1, s17, v6;
	s29 =	sshrl.u32 s4, $0x1F;
	s30 =	sshrl.u32 s12, $0x1F;
	s12 =	sshra.s32 s12, $0x1F;
	v5 =	vsel vm9, s31, v5  }
0x2de: {  	v8 =	vmov s20;
	s18 =	smulhi.u32 $0x68DB8BAD, s24;
	s24 =	sshra.s32 s24, $0x1F;
	v7 =	vmov s30;
	s30 =	sshra.s32 s13, $0xC;
	v5 =	vsel vm12, s12, v5  }
0x2df: {  	s17 =	sshrl.u32 s14, $0x1F;
	v8 =	vsel vm0, s29, v8;
	s24 =	smul.u32 $0x68DB8BAD, s24;
	s13 =	sshra.s32 s13, $0x1F;
	v7 =	vnsel vm9, $0x0, v7;
	v5 =	vsel vm0, s30, v5  }
0x2e0: {  	v8 =	vsel vm1, s21, v8;
	v7 =	vsel vm0, s15, v7;
	s15 =	smulhi.u32 $0x68DB8BAD, s26;
	s12 =	sshra.s32 s23, $0x1F;
	s23 =	sshra.s32 s16, $0xC;
	v5 =	vsel vm13, s13, v5  }
0x2e1: {  	v6 =	vsel vm2, s19, v6;
	v8 =	vsel vm2, s25, v8;
	s12 =	smul.u32 $0x68DB8BAD, s12;
	s30 =	sshra.s32 s26, $0x1F;
	s26 =	sshra.s32 s16, $0x1F;
	v5 =	vsel vm1, s23, v5  }
0x2e2: {  	v6 =	vcombine.low v8, v6;
	s31 =	sshrl.u32 s16, $0x1F;
	s19 =	smul.u32 $0x68DB8BAD, s30;
	s30 =	sshra.s32 s14, $0xC;
	v5 =	vsel vm14, s26, v5  }
0x2e3: {  	s21 =	sshra.s32 s1, $0xC;
	v8 =	vmov s3;
	s18 =	sadd.s32 s24, s18;
	v7 =	vsel vm1, s31, v7;
	s14 =	sshra.s32 s14, $0x1F;
	v5 =	vsel vm2, s30, v5  }
0x2e4: {  	s25 =	sshra.s32 s2, $0xC;
	v8 =	vsel vm0, s0, v8;
	v7 =	vsel vm2, s17, v7;
	s17 =	sshra.s32 s18, $0xC;
	s11 =	sadd.s32 s12, s11;
	v5 =	vsel vm15, s14, v5  }
0x2e5: {  	v9 =	vmov s10;
	v8 =	vsel vm1, s21, v8;
	s29 =	sshrl.u32 s18, $0x1F;
	s18 =	sshra.s32 s18, $0x1F;
	s31 =	sshrl.u32 s11, $0x1F;
	v5 =	vsel vm5, s17, v5  }
0x2e6: {  	v8 =	vsel vm2, s25, v8;
	v7 =	vsel vm5, s29, v7;
	s15 =	sadd.s32 s19, s15;
	s19 =	sshra.s32 s4, $0xC;
	s20 =	sshra.s32 s11, $0xC;
	v5 =	vsel vm3, s18, v5  }
0x2e7: {  	s23 =	sshra.s32 s5, $0xC;
	s24 =	sshra.s32 s11, $0x1F;
	v7 =	vsel vm6, s31, v7;
	s16 =	sshrl.u32 s15, $0x1F;
	v9 =	vsel vm0, s19, v9;
	v5 =	vsel vm6, s20, v5  }
0x2e8: {  	s26 =	sshra.s32 s8, $0xC;
	s29 =	sshra.s32 s15, $0xC;
	v7 =	vsel vm7, s16, v7;
	v9 =	vsel vm1, s23, v9;
	v5 =	vsel vm4, s24, v5  }
0x2e9: {  	s30 =	sshrl.u32 s9, $0x1F;
	s31 =	sshra.s32 s15, $0x1F;
	v9 =	vsel vm2, s26, v9;
	v5 =	vsel vm7, s29, v5;
	vm7 =	vcmask $0x3734  }
0x2ea: {  	s1 =	sshra.s32 s9, $0xC;
	v7 =	vsel vm11, s30, v7;
	v8 =	vcombine.low v9, v8;
	v5 =	vsel vm7, s31, v5  }
0x2eb: {  	v6 =	vperm.xlane v6, v1;
	v7 =	vperm.xlane v7, v2;
	v5 =	vsel vm11, s1, v5  }
0x2ec: {  	v8 =	vperm.xlane v8, v1;
	v5 =	vperm.xlane v5, v2;
	_ =	sdelay $0x1  }
0x2ed: {  	v6 =	vsel vm8, v7, v6;
	v5 =	vsel vm8, v5, v8  }
0x2ee: {  	v5 =	vadd.s32 v6, v5  }
0x2ef: {  	v6 =	vmul.u32 $0xFFFFD8F0, v5  }
0x2f0: {  	vm5 =	vmmov vm3;
	v7 =	vsub.s32 $0x0, v4  }
0x2f1: {  	vm3 =	vlt.s32 v4, $0x1;
	vm6 =	vmmov vm4;
	vm4 =	vne.s32 v6, v7  }
0x2f2: {  	vm9 =	vmand vm3, vm4  }
0x2f3: {  	v6 =	vsel vm9, $0xFFFFFFFF, v3  }
0x2f4: {  	v5 =	vadd.s32 v6, v5  }
0x2f5: {  	v6 =	vmul.u32 $0xFFFFD8F0, v5;
	_ =	sdelay $0x1  }
0x2f6: {  	v4 =	vadd.s32 v4, v6;
	v6 =	vshrl.u32 v5, $0x3  }
0x2f7: {  	v6 =	vmul.u32 $0x13C00, v6;
	v7 =	vshll.u32 v4, $0x3  }
0x2f8: {  	v8 =	vshll.u32 v5, $0x7;
	v7 =	vand.u32 $0xFFFFFC00, v7  }
0x2f9: {  	v6 =	vadd.s32 v6, v7;
	v7 =	vand.u32 $0x380, v8  }
0x2fa: {  	[tilespmem:$0x2820] =	vst v5;
	v5 =	vor.u32 v7, v6;
	v6 =	vand.u32 $0x7F, v4  }
0x2fb: {  	s2 =	sand.u32 $0x3F80, s7;
	s3 =	sand.u32 $0x70, s7;
	[tilespmem:$0x29A0] =	vst v4;
	v4 =	vor.u32 v6, v5  }
0x2fc: {  	s0 =	sor.u32 s3, s2;
	[tilespmem:$0x2B20] =	vst v4  }
0x2fd: {  	v4 =	vld [tilespmem:s0+$0x80];
	_ =	sdelay $0x4  }
0x2fe: {  	(v2sf) =	vpush v4, $0xD;
	_ =	sdelay $0x1  }
0x2ff: {  	(v2sf) =	vpush v4, $0xC;
	_ =	sdelay $0x1  }
0x300: {  	(v2sf) =	vpush v4, $0xE;
	_ =	sdelay $0x1  }
0x301: {  	(v2sf) =	vpush v4, $0xF;
	_ =	sdelay $0x1  }
0x302: {  	(v2sf) =	vpush v4, $0x9  }
0x303: {  	(v2sf) =	vpush v4, $0x8;
	_ =	sdelay $0x2  }
0x304: {  	(v2sf) =	vpush v4, $0xA;
	_ =	sdelay $0x1  }
0x305: {  	(v2sf) =	vpush v4, $0xB  }
0x306: {  	s4 =	spop (v2sf)  }
0x307: {  	(v2sf) =	vpush v4, $0x0;
	s5 =	smulhi.u32 $0x68DB8BAD, s4;
	s0 =	sshra.s32 s4, $0x1F  }
0x308: {  	s8 =	spop (v2sf);
	s0 =	smul.u32 $0x68DB8BAD, s0  }
0x309: {  	[dreg:$0x16] =	wrdreg s2;
	(v2sf) =	vpush v4, $0x1;
	s9 =	smulhi.u32 $0x68DB8BAD, s8;
	s2 =	sshra.s32 s8, $0x1F  }
0x30a: {  	(v2sf) =	vpush v4, $0x2;
	s10 =	spop (v2sf);
	s2 =	smul.u32 $0x68DB8BAD, s2  }
0x30b: {  	(v2sf) =	vpush v4, $0x3;
	s11 =	smulhi.u32 $0x68DB8BAD, s10;
	s4 =	sshra.s32 s10, $0x1F  }
0x30c: {  	s12 =	spop (v2sf);
	(v2sf) =	vpush v4, $0x4;
	s4 =	smul.u32 $0x68DB8BAD, s4  }
0x30d: {  	s13 =	smulhi.u32 $0x68DB8BAD, s12;
	s8 =	sshra.s32 s12, $0x1F;
	(v2sf) =	vpush v4, $0x5  }
0x30e: {  	s14 =	spop (v2sf);
	s8 =	smul.u32 $0x68DB8BAD, s8;
	(v2sf) =	vpush v4, $0x6  }
0x30f: {  	s15 =	smulhi.u32 $0x68DB8BAD, s14;
	s10 =	sshra.s32 s14, $0x1F;
	s16 =	spop (v2sf);
	(v2sf) =	vpush v4, $0x7  }
0x310: {  	[dreg:$0x17] =	wrdreg s3;
	s10 =	smul.u32 $0x68DB8BAD, s10  }
0x311: {  	s0 =	sadd.s32 s0, s5;
	s17 =	smulhi.u32 $0x68DB8BAD, s16;
	s12 =	sshra.s32 s16, $0x1F  }
0x312: {  	s14 =	sshrl.u32 s0, $0x1F;
	s23 =	spop (v2sf);
	s12 =	smul.u32 $0x68DB8BAD, s12  }
0x313: {  	s3 =	sadd.s32 s2, s9;
	s24 =	smulhi.u32 $0x68DB8BAD, s23;
	s25 =	sshra.s32 s23, $0x1F  }
0x314: {  	s0 =	sshra.s32 s0, $0xC;
	s20 =	spop (v2sf);
	s26 =	smul.u32 $0x68DB8BAD, s25  }
0x315: {  	s19 =	sshrl.u32 s3, $0x1F;
	s18 =	smulhi.u32 $0x68DB8BAD, s20;
	s1 =	sshra.s32 s20, $0x1F  }
0x316: {  	s2 =	sadd.s32 s4, s11;
	s21 =	spop (v2sf);
	s20 =	smul.u32 $0x68DB8BAD, s1  }
0x317: {  	s3 =	sshra.s32 s3, $0xC;
	s23 =	smulhi.u32 $0x68DB8BAD, s21;
	s30 =	sshra.s32 s21, $0x1F  }
0x318: {  	s1 =	sadd.s32 s8, s13;
	s9 =	spop (v2sf);
	s31 =	smul.u32 $0x68DB8BAD, s30  }
0x319: {  	s11 =	smulhi.u32 $0x68DB8BAD, s9;
	s5 =	sshra.s32 s9, $0x1F;
	s8 =	spop (v2sf)  }
0x31a: {  	s4 =	sadd.s32 s10, s15;
	s29 =	smul.u32 $0x68DB8BAD, s5;
	s15 =	spop (v2sf)  }
0x31b: {  	s9 =	sadd.s32 s12, s17;
	s12 =	smulhi.u32 $0x68DB8BAD, s8;
	s25 =	spop (v2sf)  }
0x31c: {  	s13 =	sshra.s32 s8, $0x1F;
	s5 =	sadd.s32 s26, s24;
	s30 =	spop (v2sf)  }
0x31d: {  	s8 =	sadd.s32 s20, s18;
	s24 =	smul.u32 $0x68DB8BAD, s13;
	s18 =	spop (v2sf)  }
0x31e: {  	s20 =	sadd.s32 s31, s23;
	s26 =	smulhi.u32 $0x68DB8BAD, s15;
	s31 =	spop (v2sf)  }
0x31f: {  	s13 =	sshra.s32 s15, $0x1F;
	s15 =	smulhi.u32 $0x68DB8BAD, s31;
	s23 =	sshra.s32 s31, $0x1F  }
0x320: {  	v6 =	vmov s19;
	s19 =	sshrl.u32 s9, $0x1F;
	s9 =	sshra.s32 s9, $0xC;
	s23 =	smul.u32 $0x68DB8BAD, s23  }
0x321: {  	s11 =	sadd.s32 s29, s11;
	s29 =	sshrl.u32 s2, $0x1F;
	s16 =	sshrl.u32 s20, $0x1F  }
0x322: {  	s12 =	sadd.s32 s24, s12;
	s24 =	sshra.s32 s20, $0xC;
	s10 =	sadd.s32 s23, s15  }
0x323: {  	s20 =	sshra.s32 s20, $0x1F;
	s13 =	smul.u32 $0x68DB8BAD, s13;
	s15 =	sshra.s32 s10, $0x1F  }
0x324: {  	vm3 =	vcmask $0x300;
	v7 =	vmov s16;
	s16 =	sshrl.u32 s11, $0x1F;
	s21 =	smulhi.u32 $0x68DB8BAD, s25;
	s17 =	sshra.s32 s25, $0x1F;
	v5 =	vmov s15  }
0x325: {  	vm10 =	vcmask $0x3330;
	v6 =	vsel vm0, s14, v6;
	s13 =	sadd.s32 s13, s26;
	s26 =	sshrl.u32 s5, $0x1F;
	s17 =	smul.u32 $0x68DB8BAD, s17;
	v5 =	vsel vm3, s24, v5  }
0x326: {  	vm4 =	vcmask $0x2320;
	v6 =	vsel vm1, s29, v6;
	s25 =	smulhi.u32 $0x68DB8BAD, s30;
	s29 =	sshra.s32 s18, $0x1F;
	s24 =	sshra.s32 s11, $0xC;
	v5 =	vsel vm12, s20, v5  }
0x327: {  	vm9 =	vcmask $0x2B28;
	v7 =	vnsel vm3, $0x0, v7;
	s23 =	sshra.s32 s30, $0x1F;
	s30 =	sshrl.u32 s1, $0x1F;
	s11 =	sshra.s32 s11, $0x1F;
	v5 =	vsel vm0, s24, v5  }
0x328: {  	v7 =	vsel vm0, s16, v7;
	s14 =	smul.u32 $0x68DB8BAD, s23;
	s23 =	sshrl.u32 s12, $0x1F;
	v6 =	vsel vm2, s30, v6;
	s30 =	sshra.s32 s12, $0xC;
	v5 =	vsel vm13, s11, v5  }
0x329: {  	v8 =	vmov s19;
	s31 =	sshrl.u32 s4, $0x1F;
	s12 =	sshra.s32 s12, $0x1F;
	v7 =	vsel vm1, s23, v7;
	s24 =	sshrl.u32 s13, $0x1F;
	v5 =	vsel vm1, s30, v5  }
0x32a: {  	s17 =	sadd.s32 s17, s21;
	s16 =	smul.u32 $0x68DB8BAD, s29;
	v8 =	vsel vm0, s31, v8;
	v7 =	vsel vm2, s24, v7;
	s24 =	sshra.s32 s13, $0xC;
	v5 =	vsel vm14, s12, v5  }
0x32b: {  	v9 =	vmov s9;
	s4 =	sshra.s32 s4, $0xC;
	v8 =	vsel vm1, s26, v8;
	s26 =	sshra.s32 s13, $0x1F;
	s15 =	sshrl.u32 s8, $0x1F;
	v5 =	vsel vm2, s24, v5  }
0x32c: {  	s31 =	sshra.s32 s17, $0x1F;
	v9 =	vsel vm0, s4, v9;
	s23 =	sshrl.u32 s17, $0x1F;
	v8 =	vsel vm2, s15, v8;
	s30 =	sshra.s32 s17, $0xC;
	v5 =	vsel vm15, s26, v5  }
0x32d: {  	s14 =	sadd.s32 s14, s25;
	s15 =	sshra.s32 s5, $0xC;
	v6 =	vcombine.low v8, v6;
	v8 =	vmov s3;
	s11 =	smulhi.u32 $0x68DB8BAD, s18;
	v5 =	vsel vm4, s30, v5  }
0x32e: {  	v9 =	vsel vm1, s15, v9;
	v8 =	vsel vm0, s0, v8;
	s13 =	sshra.s32 s2, $0xC;
	s18 =	sshra.s32 s8, $0xC;
	s12 =	sshra.s32 s14, $0xC;
	v5 =	vsel vm5, s31, v5  }
0x32f: {  	v7 =	vsel vm4, s23, v7;
	v8 =	vsel vm1, s13, v8;
	s17 =	sshra.s32 s1, $0xC;
	s11 =	sadd.s32 s16, s11;
	s16 =	sshra.s32 s14, $0x1F;
	v5 =	vsel vm9, s12, v5  }
0x330: {  	s25 =	sshrl.u32 s14, $0x1F;
	v9 =	vsel vm2, s18, v9;
	v8 =	vsel vm2, s17, v8;
	s19 =	sshra.s32 s11, $0xC;
	v5 =	vsel vm6, s16, v5  }
0x331: {  	v7 =	vsel vm9, s25, v7;
	s29 =	sshrl.u32 s11, $0x1F;
	s21 =	sshra.s32 s11, $0x1F;
	v8 =	vcombine.low v9, v8;
	v5 =	vsel vm10, s19, v5  }
0x332: {  	s20 =	sshrl.u32 s10, $0x1F;
	v6 =	vperm.xlane v6, v1;
	s23 =	sshra.s32 s10, $0xC;
	v7 =	vsel vm10, s29, v7;
	v5 =	vsel vm7, s21, v5  }
0x333: {  	v7 =	vsel vm11, s20, v7;
	v8 =	vperm.xlane v8, v1;
	v5 =	vsel vm11, s23, v5  }
0x334: {  	v7 =	vperm.xlane v7, v2;
	v5 =	vperm.xlane v5, v2;
	_ =	sdelay $0x1  }
0x335: {  	v6 =	vsel vm8, v7, v6;
	v5 =	vsel vm8, v5, v8  }
0x336: {  	v5 =	vadd.s32 v6, v5  }
0x337: {  	v6 =	vmul.u32 $0xFFFFD8F0, v5  }
0x338: {  	vm5 =	vmmov vm9;
	v7 =	vsub.s32 $0x0, v4  }
0x339: {  	vm9 =	vlt.s32 v4, $0x1;
	vm6 =	vmmov vm10;
	vm10 =	vne.s32 v6, v7  }
0x33a: {  	vm9 =	vmand vm9, vm10  }
0x33b: {  	v6 =	vsel vm9, $0xFFFFFFFF, v3  }
0x33c: {  	v5 =	vadd.s32 v6, v5  }
0x33d: {  	v6 =	vmul.u32 $0xFFFFD8F0, v5;
	_ =	sdelay $0x1  }
0x33e: {  	v4 =	vadd.s32 v4, v6;
	v6 =	vshrl.u32 v5, $0x3  }
0x33f: {  	v6 =	vmul.u32 $0x13C00, v6;
	v7 =	vshll.u32 v4, $0x3  }
0x340: {  	v8 =	vshll.u32 v5, $0x7;
	v7 =	vand.u32 $0xFFFFFC00, v7  }
0x341: {  	v6 =	vadd.s32 v6, v7;
	v7 =	vand.u32 $0x380, v8  }
0x342: {  	[tilespmem:$0x2830] =	vst v5;
	v5 =	vor.u32 v7, v6;
	v6 =	vand.u32 $0x7F, v4  }
0x343: {  	[tilespmem:$0x29B0] =	vst v4;
	v4 =	vor.u32 v6, v5  }
0x344: {  	[tilespmem:$0x2B30] =	vst v4  }
0x345: {  	v4 =	vld [tilespmem:s7+$0x90];
	_ =	sdelay $0x4  }
0x346: {  	(v2sf) =	vpush v4, $0xD;
	_ =	sdelay $0x1  }
0x347: {  	(v2sf) =	vpush v4, $0xC;
	_ =	sdelay $0x1  }
0x348: {  	(v2sf) =	vpush v4, $0xE;
	_ =	sdelay $0x1  }
0x349: {  	(v2sf) =	vpush v4, $0xF;
	_ =	sdelay $0x1  }
0x34a: {  	(v2sf) =	vpush v4, $0x9;
	_ =	sdelay $0x1  }
0x34b: {  	(v2sf) =	vpush v4, $0x8;
	_ =	sdelay $0x1  }
0x34c: {  	(v2sf) =	vpush v4, $0xA;
	_ =	sdelay $0x1  }
0x34d: {  	(v2sf) =	vpush v4, $0xB  }
0x34e: {  	s24 =	spop (v2sf)  }
0x34f: {  	(v2sf) =	vpush v4, $0x0;
	s1 =	smulhi.u32 $0x68DB8BAD, s24;
	s0 =	sshra.s32 s24, $0x1F  }
0x350: {  	(v2sf) =	vpush v4, $0x1;
	s25 =	spop (v2sf);
	s0 =	smul.u32 $0x68DB8BAD, s0  }
0x351: {  	s3 =	smulhi.u32 $0x68DB8BAD, s25;
	s2 =	sshra.s32 s25, $0x1F  }
0x352: {  	s26 =	spop (v2sf);
	s2 =	smul.u32 $0x68DB8BAD, s2  }
0x353: {  	(v2sf) =	vpush v4, $0x2;
	s5 =	smulhi.u32 $0x68DB8BAD, s26;
	s4 =	sshra.s32 s26, $0x1F  }
0x354: {  	(v2sf) =	vpush v4, $0x3;
	s29 =	spop (v2sf);
	s4 =	smul.u32 $0x68DB8BAD, s4  }
0x355: {  	(v2sf) =	vpush v4, $0x4;
	s10 =	smulhi.u32 $0x68DB8BAD, s29;
	s8 =	sshra.s32 s29, $0x1F  }
0x356: {  	s30 =	spop (v2sf);
	s8 =	smul.u32 $0x68DB8BAD, s8  }
0x357: {  	(v2sf) =	vpush v4, $0x5;
	s11 =	smulhi.u32 $0x68DB8BAD, s30;
	s9 =	sshra.s32 s30, $0x1F  }
0x358: {  	(v2sf) =	vpush v4, $0x6;
	s31 =	spop (v2sf);
	s12 =	smul.u32 $0x68DB8BAD, s9  }
0x359: {  	[dreg:$0x15] =	wrdreg s7;
	(v2sf) =	vpush v4, $0x7;
	s13 =	smulhi.u32 $0x68DB8BAD, s31;
	s9 =	sshra.s32 s31, $0x1F  }
0x35a: {  	s7 =	spop (v2sf);
	s15 =	smul.u32 $0x68DB8BAD, s9  }
0x35b: {  	s16 =	smulhi.u32 $0x68DB8BAD, s7;
	s14 =	sshra.s32 s7, $0x1F  }
0x35c: {  	s17 =	spop (v2sf);
	s14 =	smul.u32 $0x68DB8BAD, s14  }
0x35d: {  	s1 =	sadd.s32 s0, s1;
	s19 =	smulhi.u32 $0x68DB8BAD, s17;
	s9 =	sshra.s32 s17, $0x1F  }
0x35e: {  	s0 =	sadd.s32 s8, s10;
	s18 =	spop (v2sf);
	s21 =	smul.u32 $0x68DB8BAD, s9  }
0x35f: {  	s20 =	spop (v2sf);
	s25 =	smulhi.u32 $0x68DB8BAD, s18;
	s24 =	sshra.s32 s18, $0x1F  }
0x360: {  	s9 =	sadd.s32 s2, s3;
	s2 =	sadd.s32 s4, s5;
	s24 =	smul.u32 $0x68DB8BAD, s24  }
0x361: {  	s10 =	sadd.s32 s15, s13;
	s29 =	smulhi.u32 $0x68DB8BAD, s20;
	s31 =	sshra.s32 s20, $0x1F  }
0x362: {  	s4 =	sadd.s32 s14, s16;
	s30 =	smul.u32 $0x68DB8BAD, s31;
	s23 =	spop (v2sf)  }
0x363: {  	s7 =	spop (v2sf);
	s31 =	smulhi.u32 $0x68DB8BAD, s23;
	s5 =	sshra.s32 s23, $0x1F  }
0x364: {  	s3 =	sadd.s32 s21, s19;
	s26 =	spop (v2sf);
	s8 =	smul.u32 $0x68DB8BAD, s5  }
0x365: {  	s5 =	sadd.s32 s12, s11;
	s11 =	smulhi.u32 $0x68DB8BAD, s7;
	s7 =	sshra.s32 s7, $0x1F  }
0x366: {  	s19 =	sshrl.u32 s10, $0x1F;
	s18 =	spop (v2sf);
	s13 =	smul.u32 $0x68DB8BAD, s7  }
0x367: {  	s14 =	smulhi.u32 $0x68DB8BAD, s26;
	s17 =	sshra.s32 s26, $0x1F;
	s20 =	spop (v2sf)  }
0x368: {  	s12 =	sshrl.u32 s1, $0x1F;
	s15 =	smul.u32 $0x68DB8BAD, s17;
	s23 =	spop (v2sf)  }
0x369: {  	s17 =	sadd.s32 s24, s25;
	s24 =	smulhi.u32 $0x68DB8BAD, s23;
	s16 =	sshra.s32 s23, $0x1F  }
0x36a: {  	s1 =	sshra.s32 s1, $0xC;
	s7 =	sshrl.u32 s9, $0x1F;
	s16 =	smul.u32 $0x68DB8BAD, s16  }
0x36b: {  	s9 =	sshra.s32 s9, $0xC;
	s25 =	sshrl.u32 s2, $0x1F;
	s26 =	sadd.s32 s8, s31  }
0x36c: {  	s2 =	sshra.s32 s2, $0xC;
	s11 =	sadd.s32 s13, s11;
	s8 =	sadd.s32 s16, s24  }
0x36d: {  	v6 =	vmov s7;
	s31 =	sshra.s32 s17, $0xC;
	s7 =	sshrl.u32 s17, $0x1F;
	s16 =	sshra.s32 s8, $0x1F  }
0x36e: {  	s21 =	smulhi.u32 $0x68DB8BAD, s20;
	s23 =	sadd.s32 s30, s29;
	s30 =	sshra.s32 s18, $0x1F;
	v5 =	vmov s16  }
0x36f: {  	v8 =	vmov s19;
	v9 =	vmov s9;
	s17 =	sshra.s32 s17, $0x1F;
	s13 =	sadd.s32 s15, s14;
	s15 =	smul.u32 $0x68DB8BAD, s30;
	v5 =	vsel vm3, s31, v5  }
0x370: {  	v6 =	vsel vm0, s12, v6;
	v9 =	vsel vm0, s1, v9;
	s29 =	sshrl.u32 s0, $0x1F;
	s24 =	smulhi.u32 $0x68DB8BAD, s18;
	v5 =	vsel vm12, s17, v5;
	s17 =	sshra.s32 s23, $0xC  }
0x371: {  	v7 =	vmov s7;
	v6 =	vsel vm1, s25, v6;
	s7 =	sshrl.u32 s4, $0x1F;
	s0 =	sshra.s32 s0, $0xC;
	s25 =	sshra.s32 s23, $0x1F;
	v5 =	vsel vm0, s17, v5  }
0x372: {  	v9 =	vsel vm1, s2, v9;
	v7 =	vnsel vm3, $0x0, v7;
	s18 =	sshrl.u32 s5, $0x1F;
	s12 =	sadd.s32 s15, s24;
	s31 =	sshra.s32 s26, $0xC;
	v5 =	vsel vm13, s25, v5  }
0x373: {  	v6 =	vsel vm2, s29, v6;
	v9 =	vsel vm2, s0, v9;
	s16 =	sshrl.u32 s23, $0x1F;
	s24 =	sshra.s32 s20, $0x1F;
	s20 =	sshra.s32 s26, $0x1F;
	v5 =	vsel vm1, s31, v5  }
0x374: {  	s19 =	sshrl.u32 s11, $0x1F;
	s30 =	sshrl.u32 s26, $0x1F;
	v8 =	vsel vm0, s18, v8;
	v7 =	vsel vm0, s16, v7;
	s23 =	sshra.s32 s11, $0xC;
	v5 =	vsel vm14, s20, v5  }
0x375: {  	v8 =	vsel vm1, s7, v8;
	s16 =	smul.u32 $0x68DB8BAD, s24;
	s24 =	sshrl.u32 s3, $0x1F;
	v7 =	vsel vm1, s30, v7;
	s11 =	sshra.s32 s11, $0x1F;
	v5 =	vsel vm2, s23, v5  }
0x376: {  	s29 =	sshra.s32 s13, $0xC;
	v8 =	vsel vm2, s24, v8;
	s30 =	sshra.s32 s10, $0xC;
	vm12 =	vcmask $0x2724;
	v5 =	vsel vm15, s11, v5  }
0x377: {  	v7 =	vsel vm2, s19, v7;
	s15 =	sadd.s32 s16, s21;
	s21 =	sshrl.u32 s13, $0x1F;
	v10 =	vmov s30;
	s31 =	sshra.s32 s13, $0x1F;
	v5 =	vsel vm4, s29, v5  }
0x378: {  	s7 =	sshra.s32 s5, $0xC;
	s9 =	sshra.s32 s12, $0xC;
	v6 =	vcombine.low v8, v6;
	v7 =	vsel vm4, s21, v7;
	v5 =	vsel vm12, s31, v5  }
0x379: {  	s10 =	sshra.s32 s4, $0xC;
	s25 =	sshrl.u32 s12, $0x1F;
	v10 =	vsel vm0, s7, v10;
	vm13 =	vcmask $0x2F2C;
	s11 =	sshra.s32 s12, $0x1F;
	v5 =	vsel vm5, s9, v5  }
0x37a: {  	s26 =	sshrl.u32 s15, $0x1F;
	v7 =	vsel vm5, s25, v7;
	v10 =	vsel vm1, s10, v10;
	s13 =	sshra.s32 s15, $0xC;
	s12 =	sshra.s32 s3, $0xC;
	v5 =	vsel vm13, s11, v5  }
0x37b: {  	s14 =	sshrl.u32 s8, $0x1F;
	s16 =	sshra.s32 s15, $0x1F;
	v7 =	vsel vm6, s26, v7;
	v8 =	vsel vm2, s12, v10;
	v5 =	vsel vm6, s13, v5  }
0x37c: {  	s17 =	sshra.s32 s8, $0xC;
	v7 =	vsel vm11, s14, v7;
	v8 =	vcombine.low v8, v9;
	v5 =	vsel vm7, s16, v5  }
0x37d: {  	v6 =	vperm.xlane v6, v1;
	v7 =	vperm.xlane v7, v2;
	v5 =	vsel vm11, s17, v5  }
0x37e: {  	v8 =	vperm.xlane v8, v1;
	v5 =	vperm.xlane v5, v2;
	_ =	sdelay $0x1  }
0x37f: {  	v6 =	vsel vm8, v7, v6;
	v5 =	vsel vm8, v5, v8  }
0x380: {  	v5 =	vadd.s32 v6, v5  }
0x381: {  	v6 =	vmul.u32 $0xFFFFD8F0, v5  }
0x382: {  	v7 =	vsub.s32 $0x0, v4  }
0x383: {  	vm14 =	vlt.s32 v4, $0x1;
	vm15 =	vne.s32 v6, v7  }
0x384: {  	vm9 =	vmand vm14, vm15  }
0x385: {  	v6 =	vsel vm9, $0xFFFFFFFF, v3  }
0x386: {  	v5 =	vadd.s32 v6, v5  }
0x387: {  	v6 =	vmul.u32 $0xFFFFD8F0, v5;
	_ =	sdelay $0x1  }
0x388: {  	v4 =	vadd.s32 v4, v6;
	v6 =	vshrl.u32 v5, $0x3  }
0x389: {  	v6 =	vmul.u32 $0x13C00, v6;
	v7 =	vshll.u32 v4, $0x3  }
0x38a: {  	v8 =	vshll.u32 v5, $0x7;
	v7 =	vand.u32 $0xFFFFFC00, v7  }
0x38b: {  	v6 =	vadd.s32 v6, v7;
	v7 =	vand.u32 $0x380, v8  }
0x38c: {  	[tilespmem:$0x2840] =	vst v5;
	v5 =	vor.u32 v7, v6;
	v6 =	vand.u32 $0x7F, v4  }
0x38d: {  	s18 =	rddreg [dreg:$0x4];
	s24 =	simm.s32 $0x5580;
	[tilespmem:$0x29C0] =	vst v4;
	v4 =	vor.u32 v6, v5  }
0x38e: {  	s19 =	simm.s32 $0x2B00;
	s21 =	rddreg [dreg:$0x0];
	s20 =	simm.s32 $0x50;
	[tilespmem:$0x2B40] =	vst v4  }
0x38f: {  	[tilespmem:s28], [sflag:$0x2] =	stream.indirect.gather [hbm4b:s18+s20], $0x1, s19, s20, $0xb8;
	[tilespmem:$0x1DE00] =	vst v63  }
0x390: {  	s25 =	simm.s32 $0x0;
	s26 =	simm.s32 $0x1;
	s23 =	simm.s32 $0x2800  }
0x391: {  	v4 =	vmov s25;
	[tilespmem:s24], [sflag:$0x5] =	stream.indirect.gather [hbm4b:s21+s20], $0x80, s23, s20, $0xb8;
	[tilespmem:$0x1DE00] =	vst v63  }
0x392: {  	v4 =	vand.u32 $0xFFFFFFFC, v4;
	_ =	swait.ge [sflag:s26], $0x50  }
0x393: {  	v4 =	vbroadcast v4, $0x0;
	[sflag:s26] =	ssyncset.done $0x0  }
0x394: {  	s29 =	simm.s32 $0x4;
	[sflag:s26] =	ssyncadd.s32 $0xFFFFFFB0  }
0x395: {  	_ =	swait.ge [sflag:s29], $0x2800  }
0x396: {  	[sflag:s29] =	ssyncset.done $0x0  }
0x397: {  	s0 =	simm.s32 $0x2E80;
	[sflag:s29] =	ssyncadd.s32 $0xFFFFD800  }
0x398: {  	v6 =	vld [tilespmem:s0+$0xFFFFFF70]  }
0x399: {  	v4 =	vld.idx.msk [tilespmem:v4+s22+$0x0], $0xffff  }
0x39a: {  	v7 =	vld [tilespmem:s0+$0xFFFFFF00]  }
0x39b: {  	v8 =	vld [tilespmem:s0+$0xFFFFFF20]  }
0x39c: {  	v9 =	vld [tilespmem:s0+$0xFFFFFF30]  }
0x39d: {  	v5 =	vld [tilespmem:s0+$0xFFFFFF50]  }
0x39e: {  	v11 =	vld [tilespmem:s0+$0xFFFFFF10];
	v6 =	vmul.f32 v6, v4  }
0x39f: {  	s30 =	simm.s32 $0x1;
	v10 =	vld [tilespmem:s0+$0xFFFFFF60];
	v7 =	vmul.f32 v7, v4  }
0x3a0: {  	v12 =	vld [tilespmem:s0+$0xFFFFFF40];
	v8 =	vmul.f32 v8, v4;
	[tilespmem:s0+$0xFFFFFF70] =	vst v6;
	v6 =	vmov s30  }
0x3a1: {  	v9 =	vmul.f32 v9, v4;
	[tilespmem:s0+$0xFFFFFF00] =	vst v7;
	v6 =	vand.u32 $0xFFFFFFFD, v6  }
0x3a2: {  	v5 =	vmul.f32 v5, v4;
	[tilespmem:s0+$0xFFFFFF20] =	vst v8;
	v6 =	vbroadcast v6, $0x0  }
0x3a3: {  	v7 =	vmul.f32 v11, v4;
	[tilespmem:s0+$0xFFFFFF30] =	vst v9  }
0x3a4: {  	v8 =	vmul.f32 v10, v4;
	[tilespmem:s0+$0xFFFFFF50] =	vst v5  }
0x3a5: {  	v4 =	vmul.f32 v12, v4;
	[tilespmem:s0+$0xFFFFFF10] =	vst v7  }
0x3a6: {  	[tilespmem:s0+$0xFFFFFF60] =	vst v8  }
0x3a7: {  	[tilespmem:s0+$0xFFFFFF40] =	vst v4;
	v4 =	vld [tilespmem:s0+$0xFFFFFF80]  }
0x3a8: {  	v6 =	vld.idx.msk [tilespmem:v6+s22+$0x0], $0xffff  }
0x3a9: {  	v5 =	vld [tilespmem:s0+$0xFFFFFFA0]  }
0x3aa: {  	v7 =	vld [tilespmem:s0+$0xFFFFFF90]  }
0x3ab: {  	v8 =	vld [tilespmem:s0+$0xFFFFFFD0]  }
0x3ac: {  	v9 =	vld [tilespmem:s0+$0xFFFFFFE0]  }
0x3ad: {  	v10 =	vld [tilespmem:s0+$0xFFFFFFF0];
	v4 =	vmul.f32 v4, v6  }
0x3ae: {  	s31 =	simm.s32 $0x2;
	v11 =	vld [tilespmem:s0+$0xFFFFFFB0];
	v5 =	vmul.f32 v5, v6  }
0x3af: {  	v63 =	vld [tilespmem:s0+$0xFFFFFFC0];
	v7 =	vmul.f32 v7, v6;
	[tilespmem:s0+$0xFFFFFF80] =	vst v4;
	v4 =	vmov s31  }
0x3b0: {  	v8 =	vmul.f32 v8, v6;
	[tilespmem:s0+$0xFFFFFFA0] =	vst v5;
	v4 =	vand.u32 $0xFFFFFFFE, v4  }
0x3b1: {  	v5 =	vmul.f32 v9, v6;
	[tilespmem:s0+$0xFFFFFF90] =	vst v7;
	v7 =	vbroadcast v4, $0x0  }
0x3b2: {  	v9 =	vmul.f32 v10, v6;
	[tilespmem:s0+$0xFFFFFFD0] =	vst v8;
	v10 =	vld [tilespmem:s0+$0x30]  }
0x3b3: {  	v8 =	vmul.f32 v11, v6;
	v4 =	vld [tilespmem:s0+$0x40];
	[tilespmem:s0+$0xFFFFFFE0] =	vst v5  }
0x3b4: {  	v6 =	vmul.f32 v63, v6;
	v5 =	vld [tilespmem:s0+$0x70];
	[tilespmem:s0+$0xFFFFFFF0] =	vst v9  }
0x3b5: {  	[tilespmem:s0+$0xFFFFFFB0] =	vst v8;
	v8 =	vld [tilespmem:s0+$0x20]  }
0x3b6: {  	[tilespmem:s0+$0xFFFFFFC0] =	vst v6;
	v9 =	vld [tilespmem:s0+$0x0]  }
0x3b7: {  	s1 =	simm.s32 $0x3;
	v6 =	vld.idx.msk [tilespmem:v7+s22+$0x0], $0xffff  }
0x3b8: {  	s2 =	simm.s32 $0x7;
	s5 =	simm.s32 $0x50;
	s3 =	simm.s32 $0x2E80;
	v7 =	vld [tilespmem:s0+$0x10]  }
.LBB2_5:
0x3b9: {  	p2 =	sne.s32 s2, $0x4F  }
0x3ba: {  	v11 =	vld [tilespmem:s0+$0x50];
	s3 =	sadd.s32 $0x200, s3;
	s4 =	smov.u32 s2;
	s2 =	sadd.s32 $0x4, s2  }
0x3bb: {  	v12 =	vld [tilespmem:s0+$0x60];
	_ =	sdelay $0x1  }
0x3bc: {  	v9 =	vmul.f32 v9, v6;
	v7 =	vmul.f32 v7, v6  }
0x3bd: {  	v8 =	vmul.f32 v8, v6;
	v10 =	vmul.f32 v10, v6  }
0x3be: {  	v4 =	vmul.f32 v4, v6;
	v5 =	vmul.f32 v5, v6;
	[tilespmem:s0+$0x0] =	vst v9  }
0x3bf: {  	[tilespmem:s0+$0x20] =	vst v8;
	v8 =	vmul.f32 v11, v6;
	v6 =	vmul.f32 v12, v6  }
0x3c0: {  	[tilespmem:s0+$0x30] =	vst v10;
	v9 =	vld [tilespmem:s0+$0x80]  }
0x3c1: {  	[tilespmem:s0+$0x60] =	vst v6;
	v6 =	vmov s1;
	v10 =	vld [tilespmem:s0+$0xD0];
	s1 =	smov.u32 s4  }
0x3c2: {  	[tilespmem:s0+$0x50] =	vst v8;
	v8 =	vld [tilespmem:s0+$0xE0]  }
0x3c3: {  	[tilespmem:s0+$0x40] =	vst v4;
	v11 =	vld [tilespmem:s0+$0xB0]  }
0x3c4: {  	v4 =	vld [tilespmem:s3+$0x40];
	[tilespmem:s0+$0x70] =	vst v5  }
0x3c5: {  	v5 =	vld [tilespmem:s3+$0x70];
	[tilespmem:s0+$0x10] =	vst v7  }
0x3c6: {  	v6 =	vld.idx.msk [tilespmem:v6+s22+$0x0], $0xffff  }
0x3c7: {  	v7 =	vld [tilespmem:s0+$0x90]  }
0x3c8: {  	v12 =	vld [tilespmem:s0+$0xA0]  }
0x3c9: {  	v13 =	vld [tilespmem:s0+$0xC0]  }
0x3ca: {  	v14 =	vld [tilespmem:s0+$0xF0];
	_ =	sdelay $0x1  }
0x3cb: {  	v9 =	vmul.f32 v9, v6;
	v7 =	vmul.f32 v7, v6  }
0x3cc: {  	s4 =	sadd.s32 $0xFFFFFFFD, s1;
	v11 =	vmul.f32 v11, v6;
	v12 =	vmul.f32 v12, v6  }
0x3cd: {  	v15 =	vmov s4;
	v10 =	vmul.f32 v10, v6;
	[tilespmem:s0+$0x80] =	vst v9;
	v9 =	vmul.f32 v13, v6  }
0x3ce: {  	v13 =	vand.u32 $0xFFFFFFFC, v15;
	[tilespmem:s0+$0x90] =	vst v7;
	v7 =	vmul.f32 v8, v6;
	v6 =	vmul.f32 v14, v6  }
0x3cf: {  	v8 =	vbroadcast v13, $0x0;
	[tilespmem:s0+$0xA0] =	vst v12  }
0x3d0: {  	[tilespmem:s0+$0xD0] =	vst v10  }
0x3d1: {  	v10 =	vld [tilespmem:s3+$0xFFFFFF50];
	[tilespmem:s0+$0xB0] =	vst v11  }
0x3d2: {  	v11 =	vld [tilespmem:s3+$0xFFFFFF30];
	[tilespmem:s0+$0xC0] =	vst v9  }
0x3d3: {  	v9 =	vld [tilespmem:s3+$0xFFFFFF60];
	[tilespmem:s0+$0xE0] =	vst v7  }
0x3d4: {  	v7 =	vld [tilespmem:s3+$0xFFFFFF70];
	[tilespmem:s0+$0xF0] =	vst v6;
	s0 =	smov.u32 s3  }
0x3d5: {  	v6 =	vld.idx.msk [tilespmem:v8+s22+$0x0], $0xffff  }
0x3d6: {  	v8 =	vld [tilespmem:s3+$0xFFFFFF00]  }
0x3d7: {  	v12 =	vld [tilespmem:s3+$0xFFFFFF20]  }
0x3d8: {  	v13 =	vld [tilespmem:s3+$0xFFFFFF10]  }
0x3d9: {  	v14 =	vld [tilespmem:s3+$0xFFFFFF40];
	_ =	sdelay $0x1  }
0x3da: {  	v7 =	vmul.f32 v7, v6;
	v8 =	vmul.f32 v8, v6  }
0x3db: {  	s4 =	sadd.s32 $0xFFFFFFFE, s1;
	v9 =	vmul.f32 v9, v6;
	v12 =	vmul.f32 v12, v6  }
0x3dc: {  	v11 =	vmul.f32 v11, v6;
	v13 =	vmul.f32 v13, v6;
	[tilespmem:s3+$0xFFFFFF70] =	vst v7;
	v7 =	vmov s4  }
0x3dd: {  	[tilespmem:s3+$0xFFFFFF00] =	vst v8;
	v8 =	vmul.f32 v14, v6;
	v6 =	vmul.f32 v10, v6;
	v7 =	vand.u32 $0xFFFFFFFD, v7  }
0x3de: {  	[tilespmem:s3+$0xFFFFFF20] =	vst v12;
	v7 =	vbroadcast v7, $0x0  }
0x3df: {  	[tilespmem:s3+$0xFFFFFF30] =	vst v11  }
0x3e0: {  	[tilespmem:s3+$0xFFFFFF50] =	vst v6;
	v6 =	vld [tilespmem:s3+$0xFFFFFFF0]  }
0x3e1: {  	[tilespmem:s3+$0xFFFFFF10] =	vst v13;
	v10 =	vld [tilespmem:s3+$0xFFFFFFD0]  }
0x3e2: {  	[tilespmem:s3+$0xFFFFFF60] =	vst v9;
	v9 =	vld [tilespmem:s3+$0xFFFFFFB0]  }
0x3e3: {  	[tilespmem:s3+$0xFFFFFF40] =	vst v8;
	v8 =	vld [tilespmem:s3+$0xFFFFFF90]  }
0x3e4: {  	v7 =	vld.idx.msk [tilespmem:v7+s22+$0x0], $0xffff  }
0x3e5: {  	v11 =	vld [tilespmem:s3+$0xFFFFFF80]  }
0x3e6: {  	v12 =	vld [tilespmem:s3+$0xFFFFFFA0]  }
0x3e7: {  	v13 =	vld [tilespmem:s3+$0xFFFFFFC0]  }
0x3e8: {  	v14 =	vld [tilespmem:s3+$0xFFFFFFE0];
	_ =	sdelay $0x1  }
0x3e9: {  	v8 =	vmul.f32 v8, v7;
	v11 =	vmul.f32 v11, v7  }
0x3ea: {  	s4 =	sadd.s32 $0xFFFFFFFF, s1;
	v9 =	vmul.f32 v9, v7;
	v12 =	vmul.f32 v12, v7  }
0x3eb: {  	v10 =	vmul.f32 v10, v7;
	[tilespmem:s3+$0xFFFFFF80] =	vst v11;
	v11 =	vmul.f32 v13, v7;
	v13 =	vmov s4  }
0x3ec: {  	v6 =	vmul.f32 v6, v7;
	[tilespmem:s3+$0xFFFFFFA0] =	vst v12;
	v12 =	vmul.f32 v14, v7;
	v7 =	vand.u32 $0xFFFFFFFE, v13  }
0x3ed: {  	[tilespmem:s3+$0xFFFFFF90] =	vst v8;
	v7 =	vbroadcast v7, $0x0  }
0x3ee: {  	[tilespmem:s3+$0xFFFFFFD0] =	vst v10  }
0x3ef: {  	[tilespmem:s3+$0xFFFFFFE0] =	vst v12  }
0x3f0: {  	[tilespmem:s3+$0xFFFFFFB0] =	vst v9  }
.Ltmp3:
0x3f1: {  	[tilespmem:s3+$0xFFFFFFF0] =	vst v6;
	v8 =	vld [tilespmem:s3+$0x20];
	(pc) =	sbr.rel @p2 .LBB2_5-.Ltmp3, $4  }
0x3f2: {  	[tilespmem:s3+$0xFFFFFFC0] =	vst v11;
	v9 =	vld [tilespmem:s3+$0x0]  }
0x3f3: {  	v6 =	vld.idx.msk [tilespmem:v7+s22+$0x0], $0xffff  }
0x3f4: {  	v7 =	vld [tilespmem:s3+$0x10]  }
0x3f5: {  	v10 =	vld [tilespmem:s3+$0x30]  }
0x3f6: {  	_ =	sdelay $0x1  }
0x3f7: {  	v9 =	vmul.f32 v9, v6  }
0x3f8: {  	v11 =	vld [tilespmem:s0+$0x60];
	v8 =	vmul.f32 v8, v6  }
0x3f9: {  	v12 =	vld [tilespmem:s0+$0x50];
	v4 =	vmul.f32 v4, v6;
	[tilespmem:s0+$0x0] =	vst v9  }
0x3fa: {  	v5 =	vmul.f32 v5, v6;
	[tilespmem:s0+$0x20] =	vst v8  }
0x3fb: {  	v55 =	vmul.f32 v7, v6;
	[tilespmem:s0+$0x40] =	vst v4  }
0x3fc: {  	v54 =	vmov s1;
	v10 =	vmul.f32 v10, v6;
	[tilespmem:s0+$0x70] =	vst v5  }
0x3fd: {  	v51 =	vmul.f32 v11, v6;
	[tilespmem:s0+$0x10] =	vst v55  }
0x3fe: {  	v52 =	vmul.f32 v12, v6;
	[tilespmem:s0+$0x30] =	vst v10  }
0x3ff: {  	[tilespmem:s0+$0x60] =	vst v51  }
0x400: {  	v53 =	vld [tilespmem:s0+$0x80];
	[tilespmem:s0+$0x50] =	vst v52  }
0x401: {  	v4 =	vld.idx.msk [tilespmem:v54+s22+$0x0], $0xffff  }
0x402: {  	v5 =	vld [tilespmem:s0+$0x90]  }
0x403: {  	v56 =	vld [tilespmem:s0+$0xA0]  }
0x404: {  	v57 =	vld [tilespmem:s0+$0xD0]  }
0x405: {  	v59 =	vld [tilespmem:s0+$0xC0]  }
0x406: {  	v60 =	vld [tilespmem:s0+$0xE0];
	v10 =	vmul.f32 v53, v4  }
0x407: {  	v58 =	vld [tilespmem:s0+$0xB0];
	v5 =	vmul.f32 v5, v4  }
0x408: {  	v61 =	vld [tilespmem:s0+$0xF0];
	v6 =	vmul.f32 v56, v4;
	[tilespmem:s0+$0x80] =	vst v10  }
0x409: {  	v7 =	vmul.f32 v57, v4;
	[tilespmem:s0+$0x90] =	vst v5  }
0x40a: {  	v62 =	vmul.f32 v59, v4;
	[tilespmem:s0+$0xA0] =	vst v6  }
0x40b: {  	v63 =	vmul.f32 v60, v4;
	[tilespmem:s0+$0xD0] =	vst v7  }
.Ltmp4:
0x40c: {  	v5 =	vmul.f32 v58, v4;
	[tilespmem:s0+$0xC0] =	vst v62;
	(pc) =	sbr.rel @p1 .LBB2_9-.Ltmp4, $4  }
0x40d: {  	v4 =	vmul.f32 v61, v4;
	[tilespmem:s0+$0xE0] =	vst v63  }
0x40e: {  	[tilespmem:s0+$0xB0] =	vst v5  }
0x40f: {  	s30 =	rddreg [dreg:$0x2];
	s31 =	simm.s32 $0x2D80;
	s2 =	simm.s32 $0x2900;
	[tilespmem:s0+$0xF0] =	vst v4  }
0x410: {  	[spmem:s30] =	stream.indirect.scatter.add.f32 [tilespmem:s31], [sflag:$0x7], $0x80, s2, s5, $0xb8;
	[tilespmem:$0x1DE00] =	vst v63  }
0x411: {  	s7 =	rddreg [dreg:$0x14]  }
0x412: {  	p1 =	seq.s32 s7, $0x29  }
.Ltmp5:
0x413: {  	_ = 	snop;
	(pc) =	sbr.rel @p1 .LBB2_10-.Ltmp5, $1  }
0x414: {  	_ =	sdelay $0x3  }
0x415: {  	s0 =	simm.s32 $0x9  }
0x416: {  	_ =	swait.ge [sflag:s0], $0x2800  }
0x417: {  	[sflag:s0] =	ssyncset.done $0x0  }
0x418: {  	[sflag:s0] =	ssyncadd.s32 $0xFFFFD800  }
.LBB2_9:
0x419: {  	s0 =	rddreg [dreg:$0x15]  }
0x41a: {  	v4 =	vld [tilespmem:s0+$0xA0];
	_ =	sdelay $0x4  }
0x41b: {  	(v2sf) =	vpush v4, $0xD;
	_ =	sdelay $0x1  }
0x41c: {  	(v2sf) =	vpush v4, $0xC;
	_ =	sdelay $0x1  }
0x41d: {  	(v2sf) =	vpush v4, $0xE;
	_ =	sdelay $0x1  }
0x41e: {  	(v2sf) =	vpush v4, $0xF  }
0x41f: {  	(v2sf) =	vpush v4, $0x9;
	_ =	sdelay $0x1  }
0x420: {  	(v2sf) =	vpush v4, $0x8;
	_ =	sdelay $0x2  }
0x421: {  	(v2sf) =	vpush v4, $0xA;
	_ =	sdelay $0x1  }
0x422: {  	(v2sf) =	vpush v4, $0xB  }
0x423: {  	s26 =	spop (v2sf)  }
0x424: {  	(v2sf) =	vpush v4, $0x0;
	s1 =	smulhi.u32 $0x68DB8BAD, s26;
	s0 =	sshra.s32 s26, $0x1F  }
0x425: {  	s2 =	spop (v2sf);
	(v2sf) =	vpush v4, $0x1;
	s0 =	smul.u32 $0x68DB8BAD, s0  }
0x426: {  	s3 =	smulhi.u32 $0x68DB8BAD, s2;
	s2 =	sshra.s32 s2, $0x1F;
	(v2sf) =	vpush v4, $0x2  }
0x427: {  	s4 =	spop (v2sf);
	s2 =	smul.u32 $0x68DB8BAD, s2;
	(v2sf) =	vpush v4, $0x3  }
0x428: {  	s5 =	smulhi.u32 $0x68DB8BAD, s4;
	s4 =	sshra.s32 s4, $0x1F;
	(v2sf) =	vpush v4, $0x4  }
0x429: {  	s8 =	spop (v2sf);
	s4 =	smul.u32 $0x68DB8BAD, s4;
	s0 =	sadd.s32 s0, s1;
	(v2sf) =	vpush v4, $0x5  }
0x42a: {  	s9 =	smulhi.u32 $0x68DB8BAD, s8;
	s29 =	sshra.s32 s8, $0x1F;
	s30 =	spop (v2sf);
	(v2sf) =	vpush v4, $0x6  }
0x42b: {  	s11 =	sshrl.u32 s0, $0x1F;
	s8 =	smul.u32 $0x68DB8BAD, s29;
	s3 =	sadd.s32 s2, s3;
	(v2sf) =	vpush v4, $0x7  }
0x42c: {  	s10 =	smulhi.u32 $0x68DB8BAD, s30;
	s1 =	sshra.s32 s30, $0x1F;
	s31 =	spop (v2sf)  }
0x42d: {  	s0 =	sshra.s32 s0, $0xC;
	s15 =	sshrl.u32 s3, $0x1F;
	s12 =	smul.u32 $0x68DB8BAD, s1  }
0x42e: {  	s1 =	sadd.s32 s4, s5;
	s7 =	smulhi.u32 $0x68DB8BAD, s31;
	s2 =	sshra.s32 s31, $0x1F  }
0x42f: {  	s23 =	spop (v2sf);
	s3 =	sshra.s32 s3, $0xC;
	s16 =	smul.u32 $0x68DB8BAD, s2  }
0x430: {  	s13 =	sshrl.u32 s1, $0x1F;
	s24 =	smulhi.u32 $0x68DB8BAD, s23;
	s4 =	sshra.s32 s23, $0x1F  }
0x431: {  	s2 =	sadd.s32 s8, s9;
	s26 =	spop (v2sf);
	s17 =	smul.u32 $0x68DB8BAD, s4  }
0x432: {  	s14 =	sshrl.u32 s2, $0x1F;
	s18 =	smulhi.u32 $0x68DB8BAD, s26;
	s9 =	sshra.s32 s26, $0x1F  }
0x433: {  	s4 =	sadd.s32 s12, s10;
	s19 =	smul.u32 $0x68DB8BAD, s9;
	s29 =	spop (v2sf)  }
0x434: {  	s20 =	smulhi.u32 $0x68DB8BAD, s29;
	s30 =	sshra.s32 s29, $0x1F;
	s21 =	spop (v2sf)  }
0x435: {  	s9 =	sadd.s32 s16, s7;
	s16 =	smul.u32 $0x68DB8BAD, s30;
	s31 =	spop (v2sf)  }
0x436: {  	s23 =	smulhi.u32 $0x68DB8BAD, s21;
	s7 =	sshra.s32 s21, $0x1F;
	s21 =	spop (v2sf)  }
0x437: {  	s12 =	sshrl.u32 s4, $0x1F;
	s26 =	smul.u32 $0x68DB8BAD, s7;
	s29 =	spop (v2sf)  }
0x438: {  	s30 =	smulhi.u32 $0x68DB8BAD, s31;
	s5 =	sshra.s32 s31, $0x1F;
	s31 =	spop (v2sf)  }
0x439: {  	s10 =	sadd.s32 s17, s24;
	s8 =	smul.u32 $0x68DB8BAD, s5;
	s17 =	spop (v2sf)  }
0x43a: {  	s5 =	sadd.s32 s19, s18;
	s18 =	smulhi.u32 $0x68DB8BAD, s21;
	s24 =	spop (v2sf)  }
0x43b: {  	vm4 =	vcmask $0x300;
	s4 =	sshra.s32 s4, $0xC;
	s7 =	smulhi.u32 $0x68DB8BAD, s24;
	s19 =	sshra.s32 s24, $0x1F  }
0x43c: {  	vm1 =	vcmask $0xB08;
	vm8 =	vcmask $0x704;
	s25 =	sshrl.u32 s9, $0x1F;
	s9 =	sshra.s32 s9, $0xC;
	s19 =	smul.u32 $0x68DB8BAD, s19  }
0x43d: {  	vm2 =	vcmask $0x1310;
	vm0 =	vcmask $0x1B18;
	vm12 =	vcmask $0xF0C;
	s16 =	sadd.s32 s16, s20;
	s21 =	sshra.s32 s21, $0x1F;
	s23 =	sadd.s32 s26, s23  }
0x43e: {  	vm13 =	vcmask $0x1714;
	vm5 =	vcmask $0x2320;
	vm6 =	vcmask $0x2B28;
	s21 =	smul.u32 $0x68DB8BAD, s21;
	s30 =	sadd.s32 s8, s30;
	s8 =	sadd.s32 s19, s7  }
0x43f: {  	vm14 =	vcmask $0x1F1C;
	vm7 =	vcmask $0x3330;
	vm15 =	vcmask $0x2724;
	s26 =	sshrl.u32 s10, $0x1F;
	s20 =	smulhi.u32 $0x68DB8BAD, s29;
	s7 =	sshra.s32 s8, $0x1F  }
0x440: {  	vm11 =	vcmask $0x3B38;
	vm3 =	vcmask $0x3734;
	s18 =	sadd.s32 s21, s18;
	s21 =	sshra.s32 s29, $0x1F;
	v5 =	vmov s7;
	s7 =	sshra.s32 s16, $0xC  }
0x441: {  	v6 =	vmov s15;
	v62 =	vmov s3;
	s19 =	sshrl.u32 s16, $0x1F;
	v5 =	vsel vm4, s7, v5;
	s7 =	smul.u32 $0x68DB8BAD, s21;
	s21 =	sshra.s32 s16, $0x1F  }
0x442: {  	v6 =	vsel vm1, s11, v6;
	s11 =	smulhi.u32 $0x68DB8BAD, s31;
	s31 =	sshra.s32 s31, $0x1F;
	v7 =	vmov s19;
	v5 =	vsel vm8, s21, v5;
	s21 =	sshra.s32 s23, $0xC  }
0x443: {  	v6 =	vsel vm2, s13, v6;
	s29 =	sshrl.u32 s23, $0x1F;
	s19 =	smul.u32 $0x68DB8BAD, s31;
	v7 =	vnsel vm4, $0x0, v7;
	s23 =	sshra.s32 s23, $0x1F;
	v5 =	vsel vm1, s21, v5  }
0x444: {  	v6 =	vsel vm0, s14, v6;
	s31 =	sshra.s32 s30, $0xC;
	v7 =	vsel vm1, s29, v7;
	s29 =	smulhi.u32 $0x68DB8BAD, s17;
	s17 =	sshra.s32 s17, $0x1F;
	v5 =	vsel vm12, s23, v5  }
0x445: {  	v8 =	vmov s25;
	v9 =	vmov s9;
	s7 =	sadd.s32 s7, s20;
	s20 =	smul.u32 $0x68DB8BAD, s17;
	s21 =	sshra.s32 s30, $0x1F;
	v5 =	vsel vm2, s31, v5  }
0x446: {  	v8 =	vsel vm1, s12, v8;
	v9 =	vsel vm1, s4, v9;
	s10 =	sshra.s32 s10, $0xC;
	s15 =	sshra.s32 s5, $0xC;
	s25 =	sshra.s32 s18, $0xC;
	v5 =	vsel vm13, s21, v5  }
0x447: {  	v8 =	vsel vm2, s26, v8;
	v9 =	vsel vm2, s10, v9;
	s24 =	sshrl.u32 s5, $0x1F;
	s14 =	sadd.s32 s20, s29;
	s29 =	sshra.s32 s18, $0x1F;
	v5 =	vsel vm0, s25, v5  }
0x448: {  	s9 =	sshra.s32 s1, $0xC;
	v9 =	vsel vm0, s15, v9;
	v8 =	vsel vm0, s24, v8;
	s16 =	sshrl.u32 s30, $0x1F;
	s31 =	sshra.s32 s7, $0xC;
	v5 =	vsel vm14, s29, v5  }
0x449: {  	v6 =	vcombine.low v8, v6;
	v8 =	vsel vm1, s0, v62;
	s11 =	sadd.s32 s19, s11;
	s23 =	sshrl.u32 s7, $0x1F;
	s7 =	sshra.s32 s7, $0x1F;
	v5 =	vsel vm5, s31, v5  }
0x44a: {  	s13 =	sshrl.u32 s18, $0x1F;
	v8 =	vsel vm2, s9, v8;
	v7 =	vsel vm2, s16, v7;
	v5 =	vsel vm15, s7, v5;
	s7 =	sshra.s32 s11, $0xC  }
0x44b: {  	s12 =	sshra.s32 s11, $0x1F;
	v7 =	vsel vm0, s13, v7;
	s13 =	sshra.s32 s2, $0xC;
	vm15 =	vcmask $0x2F2C;
	v5 =	vsel vm6, s7, v5  }
0x44c: {  	v63 =	vld [tilespmem:$0x1FFF0];
	s26 =	sshrl.u32 s11, $0x1F;
	v8 =	vsel vm0, s13, v8;
	v7 =	vsel vm5, s23, v7;
	s16 =	sshra.s32 s14, $0xC;
	v5 =	vsel vm15, s12, v5  }
0x44d: {  	v8 =	vcombine.low v9, v8;
	v7 =	vsel vm6, s26, v7;
	s30 =	sshrl.u32 s14, $0x1F;
	s18 =	sshra.s32 s14, $0x1F;
	v5 =	vsel vm7, s16, v5  }
0x44e: {  	v6 =	vperm.xlane v6, v1;
	s19 =	sshra.s32 s8, $0xC;
	s17 =	sshrl.u32 s8, $0x1F;
	v7 =	vsel vm7, s30, v7;
	v5 =	vsel vm3, s18, v5  }
0x44f: {  	v8 =	vperm.xlane v8, v1;
	v7 =	vsel vm11, s17, v7;
	v5 =	vsel vm11, s19, v5  }
0x450: {  	v7 =	vperm.xlane v7, v2;
	v5 =	vperm.xlane v5, v2  }
0x451: {  	vm3 =	vnez.u8 v63  }
0x452: {  	v6 =	vsel vm3, v7, v6;
	v5 =	vsel vm3, v5, v8  }
0x453: {  	v5 =	vadd.s32 v6, v5  }
0x454: {  	v6 =	vmul.u32 $0xFFFFD8F0, v5  }
0x455: {  	v9 =	vsub.s32 $0x0, v4  }
0x456: {  	vm9 =	vlt.s32 v4, $0x1;
	vm10 =	vne.s32 v6, v9  }
0x457: {  	vm9 =	vmand vm9, vm10  }
0x458: {  	v10 =	vsel vm9, $0xFFFFFFFF, v3  }
0x459: {  	v5 =	vadd.s32 v10, v5  }
0x45a: {  	v6 =	vmul.u32 $0xFFFFD8F0, v5;
	_ =	sdelay $0x1  }
0x45b: {  	v11 =	vshrl.u32 v5, $0x3;
	v4 =	vadd.s32 v4, v6  }
0x45c: {  	v6 =	vmul.u32 $0x13C00, v11;
	v12 =	vshll.u32 v4, $0x3  }
0x45d: {  	v13 =	vshll.u32 v5, $0x7;
	v7 =	vand.u32 $0xFFFFFC00, v12  }
0x45e: {  	v14 =	vand.u32 $0x380, v13;
	v6 =	vadd.s32 v6, v7  }
0x45f: {  	[tilespmem:$0x2880] =	vst v5;
	v15 =	vand.u32 $0x7F, v4;
	v5 =	vor.u32 v14, v6  }
0x460: {  	[tilespmem:$0x2A00] =	vst v4;
	v4 =	vor.u32 v15, v5  }
0x461: {  	s20 =	rddreg [dreg:$0x15];
	[tilespmem:$0x2B80] =	vst v4  }
0x462: {  	v4 =	vld [tilespmem:s20+$0xB0];
	_ =	sdelay $0x4  }
0x463: {  	(v2sf) =	vpush v4, $0xD;
	_ =	sdelay $0x1  }
0x464: {  	(v2sf) =	vpush v4, $0xC;
	_ =	sdelay $0x1  }
0x465: {  	(v2sf) =	vpush v4, $0xE;
	_ =	sdelay $0x1  }
0x466: {  	(v2sf) =	vpush v4, $0xF;
	_ =	sdelay $0x1  }
0x467: {  	(v2sf) =	vpush v4, $0x9;
	_ =	sdelay $0x1  }
0x468: {  	(v2sf) =	vpush v4, $0x8;
	_ =	sdelay $0x1  }
0x469: {  	(v2sf) =	vpush v4, $0xA;
	_ =	sdelay $0x1  }
0x46a: {  	(v2sf) =	vpush v4, $0xB  }
0x46b: {  	s21 =	spop (v2sf)  }
0x46c: {  	(v2sf) =	vpush v4, $0x0;
	s23 =	smulhi.u32 $0x68DB8BAD, s21;
	s0 =	sshra.s32 s21, $0x1F  }
0x46d: {  	(v2sf) =	vpush v4, $0x1;
	s24 =	spop (v2sf);
	s0 =	smul.u32 $0x68DB8BAD, s0  }
0x46e: {  	(v2sf) =	vpush v4, $0x2;
	s25 =	smulhi.u32 $0x68DB8BAD, s24;
	s2 =	sshra.s32 s24, $0x1F  }
0x46f: {  	(v2sf) =	vpush v4, $0x3;
	s26 =	spop (v2sf);
	s2 =	smul.u32 $0x68DB8BAD, s2  }
0x470: {  	(v2sf) =	vpush v4, $0x4;
	s29 =	smulhi.u32 $0x68DB8BAD, s26;
	s4 =	sshra.s32 s26, $0x1F  }
0x471: {  	(v2sf) =	vpush v4, $0x5;
	s30 =	spop (v2sf);
	s4 =	smul.u32 $0x68DB8BAD, s4  }
0x472: {  	(v2sf) =	vpush v4, $0x6;
	s0 =	sadd.s32 s0, s23;
	s31 =	smulhi.u32 $0x68DB8BAD, s30;
	s7 =	sshra.s32 s30, $0x1F  }
0x473: {  	s9 =	spop (v2sf);
	(v2sf) =	vpush v4, $0x7;
	s11 =	sshrl.u32 s0, $0x1F;
	s7 =	smul.u32 $0x68DB8BAD, s7  }
0x474: {  	s3 =	sadd.s32 s2, s25;
	s10 =	smulhi.u32 $0x68DB8BAD, s9;
	s1 =	sshra.s32 s9, $0x1F  }
0x475: {  	s14 =	spop (v2sf);
	s0 =	sshra.s32 s0, $0xC;
	s12 =	smul.u32 $0x68DB8BAD, s1  }
0x476: {  	s15 =	sshrl.u32 s3, $0x1F;
	s1 =	sadd.s32 s4, s29;
	s16 =	smulhi.u32 $0x68DB8BAD, s14  }
0x477: {  	s2 =	sshra.s32 s14, $0x1F;
	s21 =	spop (v2sf);
	s3 =	sshra.s32 s3, $0xC  }
0x478: {  	s13 =	sshrl.u32 s1, $0x1F;
	s20 =	smul.u32 $0x68DB8BAD, s2;
	s2 =	sadd.s32 s7, s31  }
0x479: {  	s7 =	smulhi.u32 $0x68DB8BAD, s21;
	s4 =	sshra.s32 s21, $0x1F;
	s23 =	spop (v2sf)  }
0x47a: {  	s14 =	sshrl.u32 s2, $0x1F;
	s8 =	smul.u32 $0x68DB8BAD, s4;
	s4 =	sadd.s32 s12, s10  }
0x47b: {  	s17 =	smulhi.u32 $0x68DB8BAD, s23;
	s24 =	sshra.s32 s23, $0x1F;
	s25 =	spop (v2sf)  }
0x47c: {  	s12 =	sshrl.u32 s4, $0x1F;
	s18 =	smul.u32 $0x68DB8BAD, s24;
	s29 =	spop (v2sf)  }
0x47d: {  	s19 =	smulhi.u32 $0x68DB8BAD, s25;
	s26 =	sshra.s32 s25, $0x1F;
	s30 =	spop (v2sf)  }
0x47e: {  	s9 =	sadd.s32 s20, s16;
	s16 =	smul.u32 $0x68DB8BAD, s26;
	s20 =	spop (v2sf)  }
0x47f: {  	s21 =	smulhi.u32 $0x68DB8BAD, s29;
	s31 =	sshra.s32 s29, $0x1F;
	s25 =	spop (v2sf)  }
0x480: {  	s10 =	sadd.s32 s8, s7;
	s24 =	smul.u32 $0x68DB8BAD, s31;
	s29 =	spop (v2sf)  }
0x481: {  	s26 =	smulhi.u32 $0x68DB8BAD, s30;
	s5 =	sshra.s32 s30, $0x1F;
	s30 =	spop (v2sf)  }
0x482: {  	v16 =	vmov s15;
	s7 =	smul.u32 $0x68DB8BAD, s5;
	s5 =	sadd.s32 s18, s17;
	s18 =	spop (v2sf)  }
0x483: {  	v6 =	vsel vm1, s11, v16;
	s4 =	sshra.s32 s4, $0xC;
	s31 =	smulhi.u32 $0x68DB8BAD, s18;
	s8 =	sshra.s32 s18, $0x1F  }
0x484: {  	v6 =	vsel vm2, s13, v6;
	s23 =	sshrl.u32 s9, $0x1F;
	s9 =	sshra.s32 s9, $0xC;
	s8 =	smul.u32 $0x68DB8BAD, s8  }
0x485: {  	v6 =	vsel vm0, s14, v6;
	s14 =	sshra.s32 s2, $0xC;
	s16 =	sadd.s32 s16, s19;
	s19 =	sadd.s32 s24, s21  }
0x486: {  	s21 =	sshrl.u32 s10, $0x1F;
	s24 =	sshrl.u32 s5, $0x1F;
	s8 =	sadd.s32 s8, s31  }
0x487: {  	s17 =	smulhi.u32 $0x68DB8BAD, s20;
	s20 =	sshra.s32 s20, $0x1F;
	s31 =	sshra.s32 s8, $0x1F  }
0x488: {  	s7 =	sadd.s32 s7, s26;
	s20 =	smul.u32 $0x68DB8BAD, s20;
	v5 =	vmov s31;
	s31 =	sshra.s32 s16, $0xC  }
0x489: {  	s26 =	sshrl.u32 s19, $0x1F;
	s18 =	sshrl.u32 s16, $0x1F;
	s16 =	sshra.s32 s16, $0x1F;
	v5 =	vsel vm4, s31, v5  }
0x48a: {  	v19 =	vmov s3;
	s11 =	smulhi.u32 $0x68DB8BAD, s29;
	s17 =	sadd.s32 s20, s17;
	s31 =	sshra.s32 s19, $0xC;
	v5 =	vsel vm8, s16, v5  }
0x48b: {  	v18 =	vmov s23;
	v20 =	vmov s9;
	s20 =	smulhi.u32 $0x68DB8BAD, s25;
	s25 =	sshra.s32 s25, $0x1F;
	s19 =	sshra.s32 s19, $0x1F;
	v5 =	vsel vm1, s31, v5  }
0x48c: {  	v8 =	vsel vm1, s12, v18;
	v9 =	vsel vm1, s4, v20;
	s10 =	sshra.s32 s10, $0xC;
	s15 =	smul.u32 $0x68DB8BAD, s25;
	s31 =	sshra.s32 s7, $0xC;
	v5 =	vsel vm12, s19, v5  }
0x48d: {  	v8 =	vsel vm2, s21, v8;
	s29 =	sshra.s32 s29, $0x1F;
	s25 =	sshrl.u32 s7, $0x1F;
	v17 =	vmov s18;
	s7 =	sshra.s32 s7, $0x1F;
	v5 =	vsel vm2, s31, v5  }
0x48e: {  	v9 =	vsel vm2, s10, v9;
	s18 =	smul.u32 $0x68DB8BAD, s29;
	v7 =	vnsel vm4, $0x0, v17;
	s15 =	sadd.s32 s15, s20;
	s20 =	sshra.s32 s17, $0xC;
	v5 =	vsel vm13, s7, v5  }
0x48f: {  	v8 =	vsel vm0, s24, v8;
	s29 =	smulhi.u32 $0x68DB8BAD, s30;
	s30 =	sshra.s32 s30, $0x1F;
	v7 =	vsel vm1, s26, v7;
	s26 =	sshra.s32 s17, $0x1F;
	v5 =	vsel vm0, s20, v5  }
0x490: {  	s9 =	sshra.s32 s1, $0xC;
	v6 =	vcombine.low v8, v6;
	v8 =	vsel vm1, s0, v19;
	s19 =	smul.u32 $0x68DB8BAD, s30;
	s30 =	sshra.s32 s15, $0xC;
	v5 =	vsel vm14, s26, v5  }
0x491: {  	s13 =	sshrl.u32 s17, $0x1F;
	s11 =	sadd.s32 s18, s11;
	v7 =	vsel vm2, s25, v7;
	vm4 =	vcmask $0x2724;
	s31 =	sshra.s32 s15, $0x1F;
	v5 =	vsel vm5, s30, v5  }
0x492: {  	v8 =	vsel vm2, s9, v8;
	s23 =	sshrl.u32 s11, $0x1F;
	v7 =	vsel vm0, s13, v7;
	s16 =	sshrl.u32 s15, $0x1F;
	s7 =	sshra.s32 s11, $0xC;
	v5 =	vsel vm4, s31, v5  }
0x493: {  	v8 =	vsel vm0, s14, v8;
	s12 =	sshra.s32 s11, $0x1F;
	v7 =	vsel vm5, s16, v7;
	s15 =	sshra.s32 s5, $0xC;
	s25 =	sadd.s32 s19, s29;
	v5 =	vsel vm6, s7, v5  }
0x494: {  	v7 =	vsel vm6, s23, v7;
	v9 =	vsel vm0, s15, v9;
	s16 =	sshra.s32 s25, $0xC;
	v5 =	vsel vm15, s12, v5  }
0x495: {  	s29 =	sshrl.u32 s25, $0x1F;
	s18 =	sshra.s32 s25, $0x1F;
	v8 =	vcombine.low v9, v8;
	vm5 =	vcmask $0x3734;
	v5 =	vsel vm7, s16, v5  }
0x496: {  	v6 =	vperm.xlane v6, v1;
	s17 =	sshrl.u32 s8, $0x1F;
	s19 =	sshra.s32 s8, $0xC;
	v7 =	vsel vm7, s29, v7;
	v5 =	vsel vm5, s18, v5  }
0x497: {  	v7 =	vsel vm11, s17, v7;
	v8 =	vperm.xlane v8, v1;
	v5 =	vsel vm11, s19, v5  }
0x498: {  	v7 =	vperm.xlane v7, v2;
	v5 =	vperm.xlane v5, v2;
	_ =	sdelay $0x1  }
0x499: {  	v6 =	vsel vm3, v7, v6;
	v5 =	vsel vm3, v5, v8  }
0x49a: {  	v5 =	vadd.s32 v6, v5  }
0x49b: {  	v6 =	vmul.u32 $0xFFFFD8F0, v5  }
0x49c: {  	v21 =	vsub.s32 $0x0, v4  }
0x49d: {  	vm9 =	vlt.s32 v4, $0x1;
	vm10 =	vne.s32 v6, v21  }
0x49e: {  	vm9 =	vmand vm9, vm10  }
0x49f: {  	v22 =	vsel vm9, $0xFFFFFFFF, v3  }
0x4a0: {  	v5 =	vadd.s32 v22, v5  }
0x4a1: {  	v6 =	vmul.u32 $0xFFFFD8F0, v5;
	_ =	sdelay $0x1  }
0x4a2: {  	v23 =	vshrl.u32 v5, $0x3;
	v4 =	vadd.s32 v4, v6  }
0x4a3: {  	v6 =	vmul.u32 $0x13C00, v23;
	v24 =	vshll.u32 v4, $0x3  }
0x4a4: {  	v25 =	vshll.u32 v5, $0x7;
	v7 =	vand.u32 $0xFFFFFC00, v24  }
0x4a5: {  	v26 =	vand.u32 $0x380, v25;
	v6 =	vadd.s32 v6, v7  }
0x4a6: {  	[tilespmem:$0x2890] =	vst v5;
	v27 =	vand.u32 $0x7F, v4;
	v5 =	vor.u32 v26, v6  }
0x4a7: {  	[tilespmem:$0x2A10] =	vst v4;
	v4 =	vor.u32 v27, v5  }
0x4a8: {  	s20 =	rddreg [dreg:$0x15];
	[tilespmem:$0x2B90] =	vst v4  }
0x4a9: {  	v4 =	vld [tilespmem:s20+$0xC0];
	_ =	sdelay $0x4  }
0x4aa: {  	(v2sf) =	vpush v4, $0xD;
	_ =	sdelay $0x1  }
0x4ab: {  	(v2sf) =	vpush v4, $0xC;
	_ =	sdelay $0x1  }
0x4ac: {  	(v2sf) =	vpush v4, $0xE;
	_ =	sdelay $0x1  }
0x4ad: {  	(v2sf) =	vpush v4, $0xF;
	_ =	sdelay $0x1  }
0x4ae: {  	(v2sf) =	vpush v4, $0x9;
	_ =	sdelay $0x1  }
0x4af: {  	(v2sf) =	vpush v4, $0x8;
	_ =	sdelay $0x1  }
0x4b0: {  	(v2sf) =	vpush v4, $0xA;
	_ =	sdelay $0x1  }
0x4b1: {  	(v2sf) =	vpush v4, $0xB  }
0x4b2: {  	s21 =	spop (v2sf)  }
0x4b3: {  	(v2sf) =	vpush v4, $0x0;
	s23 =	smulhi.u32 $0x68DB8BAD, s21;
	s0 =	sshra.s32 s21, $0x1F  }
0x4b4: {  	(v2sf) =	vpush v4, $0x1;
	s24 =	spop (v2sf);
	s0 =	smul.u32 $0x68DB8BAD, s0  }
0x4b5: {  	(v2sf) =	vpush v4, $0x2;
	s25 =	smulhi.u32 $0x68DB8BAD, s24;
	s2 =	sshra.s32 s24, $0x1F  }
0x4b6: {  	(v2sf) =	vpush v4, $0x3;
	s26 =	spop (v2sf);
	s2 =	smul.u32 $0x68DB8BAD, s2  }
0x4b7: {  	(v2sf) =	vpush v4, $0x4;
	s29 =	smulhi.u32 $0x68DB8BAD, s26;
	s4 =	sshra.s32 s26, $0x1F  }
0x4b8: {  	(v2sf) =	vpush v4, $0x5;
	s30 =	spop (v2sf);
	s4 =	smul.u32 $0x68DB8BAD, s4  }
0x4b9: {  	(v2sf) =	vpush v4, $0x6;
	s0 =	sadd.s32 s0, s23;
	s31 =	smulhi.u32 $0x68DB8BAD, s30;
	s7 =	sshra.s32 s30, $0x1F  }
0x4ba: {  	s9 =	spop (v2sf);
	(v2sf) =	vpush v4, $0x7;
	s11 =	sshrl.u32 s0, $0x1F;
	s7 =	smul.u32 $0x68DB8BAD, s7  }
0x4bb: {  	s3 =	sadd.s32 s2, s25;
	s10 =	smulhi.u32 $0x68DB8BAD, s9;
	s1 =	sshra.s32 s9, $0x1F  }
0x4bc: {  	s14 =	spop (v2sf);
	s0 =	sshra.s32 s0, $0xC;
	s12 =	smul.u32 $0x68DB8BAD, s1  }
0x4bd: {  	s15 =	sshrl.u32 s3, $0x1F;
	s1 =	sadd.s32 s4, s29;
	s16 =	smulhi.u32 $0x68DB8BAD, s14  }
0x4be: {  	s2 =	sshra.s32 s14, $0x1F;
	s21 =	spop (v2sf);
	s3 =	sshra.s32 s3, $0xC  }
0x4bf: {  	s13 =	sshrl.u32 s1, $0x1F;
	s20 =	smul.u32 $0x68DB8BAD, s2;
	s2 =	sadd.s32 s7, s31  }
0x4c0: {  	s7 =	smulhi.u32 $0x68DB8BAD, s21;
	s4 =	sshra.s32 s21, $0x1F;
	s23 =	spop (v2sf)  }
0x4c1: {  	s14 =	sshrl.u32 s2, $0x1F;
	s8 =	smul.u32 $0x68DB8BAD, s4;
	s4 =	sadd.s32 s12, s10  }
0x4c2: {  	s17 =	smulhi.u32 $0x68DB8BAD, s23;
	s24 =	sshra.s32 s23, $0x1F;
	s25 =	spop (v2sf)  }
0x4c3: {  	s12 =	sshrl.u32 s4, $0x1F;
	s18 =	smul.u32 $0x68DB8BAD, s24;
	s29 =	spop (v2sf)  }
0x4c4: {  	s19 =	smulhi.u32 $0x68DB8BAD, s25;
	s26 =	sshra.s32 s25, $0x1F;
	s30 =	spop (v2sf)  }
0x4c5: {  	s9 =	sadd.s32 s20, s16;
	s16 =	smul.u32 $0x68DB8BAD, s26;
	s20 =	spop (v2sf)  }
0x4c6: {  	s21 =	smulhi.u32 $0x68DB8BAD, s29;
	s31 =	sshra.s32 s29, $0x1F;
	s25 =	spop (v2sf)  }
0x4c7: {  	s10 =	sadd.s32 s8, s7;
	s24 =	smul.u32 $0x68DB8BAD, s31;
	s29 =	spop (v2sf)  }
0x4c8: {  	s26 =	smulhi.u32 $0x68DB8BAD, s30;
	s5 =	sshra.s32 s30, $0x1F;
	s30 =	spop (v2sf)  }
0x4c9: {  	v28 =	vmov s15;
	s7 =	smul.u32 $0x68DB8BAD, s5;
	s5 =	sadd.s32 s18, s17;
	s18 =	spop (v2sf)  }
0x4ca: {  	v6 =	vsel vm1, s11, v28;
	s4 =	sshra.s32 s4, $0xC;
	s31 =	smulhi.u32 $0x68DB8BAD, s18;
	s8 =	sshra.s32 s18, $0x1F  }
0x4cb: {  	v6 =	vsel vm2, s13, v6;
	s23 =	sshrl.u32 s9, $0x1F;
	s9 =	sshra.s32 s9, $0xC;
	s8 =	smul.u32 $0x68DB8BAD, s8  }
0x4cc: {  	v6 =	vsel vm0, s14, v6;
	s14 =	sshra.s32 s2, $0xC;
	s16 =	sadd.s32 s16, s19;
	s19 =	sadd.s32 s24, s21  }
0x4cd: {  	s21 =	sshrl.u32 s10, $0x1F;
	s24 =	sshrl.u32 s5, $0x1F;
	s8 =	sadd.s32 s8, s31  }
0x4ce: {  	s17 =	smulhi.u32 $0x68DB8BAD, s20;
	s20 =	sshra.s32 s20, $0x1F;
	s31 =	sshra.s32 s8, $0x1F  }
0x4cf: {  	vm9 =	vcmask $0x300;
	s7 =	sadd.s32 s7, s26;
	s20 =	smul.u32 $0x68DB8BAD, s20;
	v5 =	vmov s31;
	s31 =	sshra.s32 s16, $0xC  }
0x4d0: {  	vm10 =	vmmov vm6;
	s26 =	sshrl.u32 s19, $0x1F;
	s18 =	sshrl.u32 s16, $0x1F;
	s16 =	sshra.s32 s16, $0x1F;
	v5 =	vsel vm9, s31, v5  }
0x4d1: {  	v31 =	vmov s3;
	v30 =	vmov s23;
	s11 =	smulhi.u32 $0x68DB8BAD, s29;
	s17 =	sadd.s32 s20, s17;
	s31 =	sshra.s32 s19, $0xC;
	v5 =	vsel vm8, s16, v5  }
0x4d2: {  	v32 =	vmov s9;
	v8 =	vsel vm1, s12, v30;
	s20 =	smulhi.u32 $0x68DB8BAD, s25;
	s25 =	sshra.s32 s25, $0x1F;
	s19 =	sshra.s32 s19, $0x1F;
	v5 =	vsel vm1, s31, v5  }
0x4d3: {  	v9 =	vsel vm1, s4, v32;
	s10 =	sshra.s32 s10, $0xC;
	v8 =	vsel vm2, s21, v8;
	s15 =	smul.u32 $0x68DB8BAD, s25;
	s31 =	sshra.s32 s7, $0xC;
	v5 =	vsel vm12, s19, v5  }
0x4d4: {  	v9 =	vsel vm2, s10, v9;
	s29 =	sshra.s32 s29, $0x1F;
	s25 =	sshrl.u32 s7, $0x1F;
	v29 =	vmov s18;
	s7 =	sshra.s32 s7, $0x1F;
	v5 =	vsel vm2, s31, v5  }
0x4d5: {  	v8 =	vsel vm0, s24, v8;
	s18 =	smul.u32 $0x68DB8BAD, s29;
	v7 =	vnsel vm9, $0x0, v29;
	s15 =	sadd.s32 s15, s20;
	s20 =	sshra.s32 s17, $0xC;
	v5 =	vsel vm13, s7, v5  }
0x4d6: {  	v6 =	vcombine.low v8, v6;
	s29 =	smulhi.u32 $0x68DB8BAD, s30;
	s30 =	sshra.s32 s30, $0x1F;
	v7 =	vsel vm1, s26, v7;
	s26 =	sshra.s32 s17, $0x1F;
	v5 =	vsel vm0, s20, v5  }
0x4d7: {  	s9 =	sshra.s32 s1, $0xC;
	v8 =	vsel vm1, s0, v31;
	vm9 =	vcmask $0x2320;
	s19 =	smul.u32 $0x68DB8BAD, s30;
	s30 =	sshra.s32 s15, $0xC;
	v5 =	vsel vm14, s26, v5  }
0x4d8: {  	v8 =	vsel vm2, s9, v8;
	s13 =	sshrl.u32 s17, $0x1F;
	s11 =	sadd.s32 s18, s11;
	v7 =	vsel vm2, s25, v7;
	s31 =	sshra.s32 s15, $0x1F;
	v5 =	vsel vm9, s30, v5  }
0x4d9: {  	v8 =	vsel vm0, s14, v8;
	s23 =	sshrl.u32 s11, $0x1F;
	v7 =	vsel vm0, s13, v7;
	s16 =	sshrl.u32 s15, $0x1F;
	s7 =	sshra.s32 s11, $0xC;
	v5 =	vsel vm4, s31, v5  }
0x4da: {  	v6 =	vperm.xlane v6, v1;
	s12 =	sshra.s32 s11, $0x1F;
	v7 =	vsel vm9, s16, v7;
	s15 =	sshra.s32 s5, $0xC;
	s25 =	sadd.s32 s19, s29;
	v5 =	vsel vm10, s7, v5  }
0x4db: {  	v7 =	vsel vm6, s23, v7;
	v9 =	vsel vm0, s15, v9;
	s16 =	sshra.s32 s25, $0xC;
	v5 =	vsel vm15, s12, v5  }
0x4dc: {  	vm6 =	vmmov vm4;
	s29 =	sshrl.u32 s25, $0x1F;
	s18 =	sshra.s32 s25, $0x1F;
	v8 =	vcombine.low v9, v8;
	v5 =	vsel vm7, s16, v5  }
0x4dd: {  	s17 =	sshrl.u32 s8, $0x1F;
	s19 =	sshra.s32 s8, $0xC;
	v7 =	vsel vm7, s29, v7;
	vm4 =	vmmov vm11;
	v5 =	vsel vm5, s18, v5  }
0x4de: {  	v7 =	vsel vm11, s17, v7;
	v8 =	vperm.xlane v8, v1;
	v5 =	vsel vm4, s19, v5  }
0x4df: {  	v7 =	vperm.xlane v7, v2;
	v5 =	vperm.xlane v5, v2;
	_ =	sdelay $0x1  }
0x4e0: {  	v6 =	vsel vm3, v7, v6;
	v5 =	vsel vm3, v5, v8  }
0x4e1: {  	v5 =	vadd.s32 v6, v5  }
0x4e2: {  	v6 =	vmul.u32 $0xFFFFD8F0, v5  }
0x4e3: {  	v33 =	vsub.s32 $0x0, v4  }
0x4e4: {  	vm11 =	vmmov vm5;
	vm4 =	vlt.s32 v4, $0x1;
	vm5 =	vne.s32 v6, v33  }
0x4e5: {  	vm9 =	vmand vm4, vm5  }
0x4e6: {  	v34 =	vsel vm9, $0xFFFFFFFF, v3  }
0x4e7: {  	v5 =	vadd.s32 v34, v5  }
0x4e8: {  	v6 =	vmul.u32 $0xFFFFD8F0, v5;
	_ =	sdelay $0x1  }
0x4e9: {  	v35 =	vshrl.u32 v5, $0x3;
	v4 =	vadd.s32 v4, v6  }
0x4ea: {  	v6 =	vmul.u32 $0x13C00, v35;
	v36 =	vshll.u32 v4, $0x3  }
0x4eb: {  	v37 =	vshll.u32 v5, $0x7;
	v7 =	vand.u32 $0xFFFFFC00, v36  }
0x4ec: {  	v38 =	vand.u32 $0x380, v37;
	v6 =	vadd.s32 v6, v7  }
0x4ed: {  	[tilespmem:$0x28A0] =	vst v5;
	v39 =	vand.u32 $0x7F, v4;
	v5 =	vor.u32 v38, v6  }
0x4ee: {  	[tilespmem:$0x2A20] =	vst v4;
	v4 =	vor.u32 v39, v5  }
0x4ef: {  	s20 =	rddreg [dreg:$0x15];
	[tilespmem:$0x2BA0] =	vst v4  }
0x4f0: {  	v4 =	vld [tilespmem:s20+$0xD0];
	_ =	sdelay $0x4  }
0x4f1: {  	(v2sf) =	vpush v4, $0xD;
	_ =	sdelay $0x1  }
0x4f2: {  	(v2sf) =	vpush v4, $0xC;
	_ =	sdelay $0x1  }
0x4f3: {  	(v2sf) =	vpush v4, $0xE;
	_ =	sdelay $0x1  }
0x4f4: {  	(v2sf) =	vpush v4, $0xF;
	_ =	sdelay $0x1  }
0x4f5: {  	(v2sf) =	vpush v4, $0x9;
	_ =	sdelay $0x1  }
0x4f6: {  	(v2sf) =	vpush v4, $0x8;
	_ =	sdelay $0x1  }
0x4f7: {  	(v2sf) =	vpush v4, $0xA;
	_ =	sdelay $0x1  }
0x4f8: {  	(v2sf) =	vpush v4, $0xB  }
0x4f9: {  	s21 =	spop (v2sf)  }
0x4fa: {  	(v2sf) =	vpush v4, $0x0;
	s23 =	smulhi.u32 $0x68DB8BAD, s21;
	s0 =	sshra.s32 s21, $0x1F  }
0x4fb: {  	(v2sf) =	vpush v4, $0x1;
	s24 =	spop (v2sf);
	s0 =	smul.u32 $0x68DB8BAD, s0  }
0x4fc: {  	(v2sf) =	vpush v4, $0x2;
	s25 =	smulhi.u32 $0x68DB8BAD, s24;
	s2 =	sshra.s32 s24, $0x1F  }
0x4fd: {  	(v2sf) =	vpush v4, $0x3;
	s26 =	spop (v2sf);
	s2 =	smul.u32 $0x68DB8BAD, s2  }
0x4fe: {  	(v2sf) =	vpush v4, $0x4;
	s29 =	smulhi.u32 $0x68DB8BAD, s26;
	s4 =	sshra.s32 s26, $0x1F  }
0x4ff: {  	s30 =	spop (v2sf);
	(v2sf) =	vpush v4, $0x5;
	s4 =	smul.u32 $0x68DB8BAD, s4  }
0x500: {  	s0 =	sadd.s32 s0, s23;
	s31 =	smulhi.u32 $0x68DB8BAD, s30;
	s7 =	sshra.s32 s30, $0x1F;
	(v2sf) =	vpush v4, $0x6  }
0x501: {  	s9 =	spop (v2sf);
	s11 =	sshrl.u32 s0, $0x1F;
	s7 =	smul.u32 $0x68DB8BAD, s7;
	(v2sf) =	vpush v4, $0x7  }
0x502: {  	s3 =	sadd.s32 s2, s25;
	s10 =	smulhi.u32 $0x68DB8BAD, s9;
	s1 =	sshra.s32 s9, $0x1F  }
0x503: {  	s14 =	spop (v2sf);
	s0 =	sshra.s32 s0, $0xC;
	s12 =	smul.u32 $0x68DB8BAD, s1  }
0x504: {  	s15 =	sshrl.u32 s3, $0x1F;
	s16 =	smulhi.u32 $0x68DB8BAD, s14;
	s2 =	sshra.s32 s14, $0x1F  }
0x505: {  	s1 =	sadd.s32 s4, s29;
	s21 =	spop (v2sf);
	s20 =	smul.u32 $0x68DB8BAD, s2  }
0x506: {  	s2 =	sadd.s32 s7, s31;
	s7 =	smulhi.u32 $0x68DB8BAD, s21;
	s4 =	sshra.s32 s21, $0x1F  }
0x507: {  	s3 =	sshra.s32 s3, $0xC;
	s23 =	spop (v2sf);
	s8 =	smul.u32 $0x68DB8BAD, s4  }
0x508: {  	s13 =	sshrl.u32 s1, $0x1F;
	s17 =	smulhi.u32 $0x68DB8BAD, s23;
	s24 =	sshra.s32 s23, $0x1F  }
0x509: {  	s4 =	sadd.s32 s12, s10;
	s25 =	spop (v2sf);
	s18 =	smul.u32 $0x68DB8BAD, s24  }
0x50a: {  	s19 =	smulhi.u32 $0x68DB8BAD, s25;
	s26 =	sshra.s32 s25, $0x1F;
	s29 =	spop (v2sf)  }
0x50b: {  	s9 =	sadd.s32 s20, s16;
	s16 =	smul.u32 $0x68DB8BAD, s26;
	s30 =	spop (v2sf)  }
0x50c: {  	s12 =	sshrl.u32 s4, $0x1F;
	s21 =	smulhi.u32 $0x68DB8BAD, s29;
	s20 =	spop (v2sf)  }
0x50d: {  	s31 =	sshra.s32 s29, $0x1F;
	s23 =	sshrl.u32 s9, $0x1F;
	s25 =	spop (v2sf)  }
0x50e: {  	s10 =	sadd.s32 s8, s7;
	s24 =	smul.u32 $0x68DB8BAD, s31;
	s29 =	spop (v2sf)  }
0x50f: {  	s26 =	smulhi.u32 $0x68DB8BAD, s30;
	s5 =	sshra.s32 s30, $0x1F;
	s30 =	spop (v2sf)  }
0x510: {  	s7 =	smul.u32 $0x68DB8BAD, s5;
	s5 =	sadd.s32 s18, s17;
	s18 =	spop (v2sf)  }
0x511: {  	v42 =	vmov s23;
	s16 =	sadd.s32 s16, s19;
	s31 =	smulhi.u32 $0x68DB8BAD, s18;
	s8 =	sshra.s32 s18, $0x1F  }
0x512: {  	v8 =	vsel vm1, s12, v42;
	s19 =	sadd.s32 s24, s21;
	s21 =	sshrl.u32 s10, $0x1F;
	s8 =	smul.u32 $0x68DB8BAD, s8  }
0x513: {  	s14 =	sshrl.u32 s2, $0x1F;
	s9 =	sshra.s32 s9, $0xC;
	v8 =	vsel vm2, s21, v8;
	s21 =	sshra.s32 s10, $0xC  }
0x514: {  	s17 =	smulhi.u32 $0x68DB8BAD, s20;
	s20 =	sshra.s32 s20, $0x1F;
	s8 =	sadd.s32 s8, s31  }
0x515: {  	v40 =	vmov s15;
	s20 =	smul.u32 $0x68DB8BAD, s20;
	s24 =	sshrl.u32 s5, $0x1F;
	s31 =	sshra.s32 s8, $0x1F  }
0x516: {  	vm4 =	vcmask $0x300;
	v6 =	vsel vm1, s11, v40;
	s7 =	sadd.s32 s7, s26;
	s11 =	smulhi.u32 $0x68DB8BAD, s29;
	v5 =	vmov s31;
	s31 =	sshra.s32 s16, $0xC  }
0x517: {  	s29 =	sshra.s32 s29, $0x1F;
	s18 =	sshrl.u32 s16, $0x1F;
	s16 =	sshra.s32 s16, $0x1F;
	v5 =	vsel vm4, s31, v5  }
0x518: {  	vm5 =	vcmask $0x2320;
	vm9 =	vcmask $0x2B28;
	s17 =	sadd.s32 s20, s17;
	s20 =	smulhi.u32 $0x68DB8BAD, s25;
	s31 =	sshra.s32 s19, $0xC;
	v5 =	vsel vm8, s16, v5  }
0x519: {  	v43 =	vmov s3;
	v6 =	vsel vm2, s13, v6;
	s26 =	sshrl.u32 s19, $0x1F;
	s16 =	smul.u32 $0x68DB8BAD, s29;
	s29 =	sshra.s32 s19, $0x1F;
	v5 =	vsel vm1, s31, v5  }
0x51a: {  	v6 =	vsel vm0, s14, v6;
	s25 =	sshra.s32 s25, $0x1F;
	s14 =	smulhi.u32 $0x68DB8BAD, s30;
	v41 =	vmov s18;
	s31 =	sshra.s32 s7, $0xC;
	v5 =	vsel vm12, s29, v5  }
0x51b: {  	v8 =	vsel vm0, s24, v8;
	s15 =	smul.u32 $0x68DB8BAD, s25;
	s25 =	sshrl.u32 s7, $0x1F;
	v7 =	vnsel vm4, $0x0, v41;
	s7 =	sshra.s32 s7, $0x1F;
	v5 =	vsel vm2, s31, v5  }
0x51c: {  	s30 =	sshra.s32 s30, $0x1F;
	v6 =	vcombine.low v8, v6;
	s18 =	sshra.s32 s4, $0xC;
	v7 =	vsel vm1, s26, v7;
	s26 =	sshra.s32 s17, $0xC;
	v5 =	vsel vm13, s7, v5  }
0x51d: {  	v44 =	vmov s9;
	v8 =	vsel vm1, s0, v43;
	s15 =	sadd.s32 s15, s20;
	s20 =	sshra.s32 s1, $0xC;
	s31 =	sshra.s32 s17, $0x1F;
	v5 =	vsel vm0, s26, v5  }
0x51e: {  	v6 =	vperm.xlane v6, v1;
	v9 =	vsel vm1, s18, v44;
	s19 =	smul.u32 $0x68DB8BAD, s30;
	s11 =	sadd.s32 s16, s11;
	s16 =	sshra.s32 s15, $0xC;
	v5 =	vsel vm14, s31, v5  }
0x51f: {  	s24 =	sshra.s32 s2, $0xC;
	s13 =	sshrl.u32 s17, $0x1F;
	v8 =	vsel vm2, s20, v8;
	v7 =	vsel vm2, s25, v7;
	s17 =	sshra.s32 s15, $0x1F;
	v5 =	vsel vm5, s16, v5  }
0x520: {  	v9 =	vsel vm2, s21, v9;
	s25 =	sshrl.u32 s15, $0x1F;
	v7 =	vsel vm0, s13, v7;
	s30 =	sadd.s32 s19, s14;
	s19 =	sshra.s32 s11, $0xC;
	v5 =	vsel vm6, s17, v5  }
0x521: {  	v8 =	vsel vm0, s24, v8;
	v7 =	vsel vm5, s25, v7;
	s25 =	sshra.s32 s5, $0xC;
	s29 =	sshrl.u32 s11, $0x1F;
	s23 =	sshra.s32 s11, $0x1F;
	v5 =	vsel vm9, s19, v5  }
0x522: {  	v9 =	vsel vm0, s25, v9;
	s14 =	sshrl.u32 s30, $0x1F;
	v7 =	vsel vm9, s29, v7;
	s26 =	sshra.s32 s30, $0xC;
	v5 =	vsel vm15, s23, v5  }
0x523: {  	v8 =	vcombine.low v9, v8;
	v7 =	vsel vm7, s14, v7;
	s30 =	sshra.s32 s30, $0x1F;
	v5 =	vsel vm7, s26, v5  }
0x524: {  	s29 =	sshrl.u32 s8, $0x1F;
	s31 =	sshra.s32 s8, $0xC;
	vm6 =	vmmov vm9;
	vm9 =	vcmask $0x3B38;
	v5 =	vsel vm11, s30, v5  }
0x525: {  	v8 =	vperm.xlane v8, v1;
	v7 =	vsel vm9, s29, v7;
	v5 =	vsel vm9, s31, v5  }
0x526: {  	v7 =	vperm.xlane v7, v2;
	v5 =	vperm.xlane v5, v2;
	_ =	sdelay $0x1  }
0x527: {  	v6 =	vsel vm3, v7, v6;
	v5 =	vsel vm3, v5, v8  }
0x528: {  	v5 =	vadd.s32 v6, v5  }
0x529: {  	v6 =	vmul.u32 $0xFFFFD8F0, v5  }
0x52a: {  	v45 =	vsub.s32 $0x0, v4  }
0x52b: {  	vm11 =	vmmov vm9;
	vm9 =	vlt.s32 v4, $0x1;
	vm10 =	vne.s32 v6, v45  }
0x52c: {  	vm9 =	vmand vm9, vm10  }
0x52d: {  	v46 =	vsel vm9, $0xFFFFFFFF, v3  }
0x52e: {  	v5 =	vadd.s32 v46, v5  }
0x52f: {  	v6 =	vmul.u32 $0xFFFFD8F0, v5;
	_ =	sdelay $0x1  }
0x530: {  	v47 =	vshrl.u32 v5, $0x3;
	v4 =	vadd.s32 v4, v6  }
0x531: {  	v6 =	vmul.u32 $0x13C00, v47;
	v48 =	vshll.u32 v4, $0x3  }
0x532: {  	v49 =	vshll.u32 v5, $0x7;
	v7 =	vand.u32 $0xFFFFFC00, v48  }
0x533: {  	v50 =	vand.u32 $0x380, v49;
	v6 =	vadd.s32 v6, v7  }
0x534: {  	[tilespmem:$0x28B0] =	vst v5;
	v51 =	vand.u32 $0x7F, v4;
	v5 =	vor.u32 v50, v6  }
0x535: {  	[tilespmem:$0x2A30] =	vst v4;
	v4 =	vor.u32 v51, v5  }
0x536: {  	s1 =	rddreg [dreg:$0x15];
	[tilespmem:$0x2BB0] =	vst v4  }
0x537: {  	v4 =	vld [tilespmem:s1+$0xE0];
	_ =	sdelay $0x4  }
0x538: {  	(v2sf) =	vpush v4, $0xD;
	_ =	sdelay $0x1  }
0x539: {  	(v2sf) =	vpush v4, $0xC;
	_ =	sdelay $0x1  }
0x53a: {  	(v2sf) =	vpush v4, $0xE;
	_ =	sdelay $0x1  }
0x53b: {  	(v2sf) =	vpush v4, $0xF;
	_ =	sdelay $0x1  }
0x53c: {  	(v2sf) =	vpush v4, $0x9;
	_ =	sdelay $0x1  }
0x53d: {  	(v2sf) =	vpush v4, $0x8;
	_ =	sdelay $0x1  }
0x53e: {  	(v2sf) =	vpush v4, $0xA;
	_ =	sdelay $0x1  }
0x53f: {  	(v2sf) =	vpush v4, $0xB  }
0x540: {  	s2 =	spop (v2sf)  }
0x541: {  	(v2sf) =	vpush v4, $0x0;
	s3 =	smulhi.u32 $0x68DB8BAD, s2;
	s0 =	sshra.s32 s2, $0x1F  }
0x542: {  	(v2sf) =	vpush v4, $0x1;
	s13 =	spop (v2sf);
	s0 =	smul.u32 $0x68DB8BAD, s0  }
0x543: {  	s14 =	smulhi.u32 $0x68DB8BAD, s13;
	s2 =	sshra.s32 s13, $0x1F  }
0x544: {  	(v2sf) =	vpush v4, $0x2;
	s20 =	spop (v2sf);
	s2 =	smul.u32 $0x68DB8BAD, s2  }
0x545: {  	s7 =	smulhi.u32 $0x68DB8BAD, s20;
	s4 =	sshra.s32 s20, $0x1F  }
0x546: {  	(v2sf) =	vpush v4, $0x3;
	s21 =	spop (v2sf);
	s4 =	smul.u32 $0x68DB8BAD, s4  }
0x547: {  	(v2sf) =	vpush v4, $0x4;
	s10 =	smulhi.u32 $0x68DB8BAD, s21;
	s5 =	sshra.s32 s21, $0x1F  }
0x548: {  	(v2sf) =	vpush v4, $0x5;
	s23 =	spop (v2sf);
	s5 =	smul.u32 $0x68DB8BAD, s5  }
0x549: {  	(v2sf) =	vpush v4, $0x6;
	s12 =	smulhi.u32 $0x68DB8BAD, s23;
	s8 =	sshra.s32 s23, $0x1F  }
0x54a: {  	(v2sf) =	vpush v4, $0x7;
	s24 =	spop (v2sf);
	s8 =	smul.u32 $0x68DB8BAD, s8  }
0x54b: {  	s16 =	smulhi.u32 $0x68DB8BAD, s24;
	s9 =	sshra.s32 s24, $0x1F  }
0x54c: {  	s25 =	spop (v2sf);
	s18 =	smul.u32 $0x68DB8BAD, s9  }
0x54d: {  	s1 =	sadd.s32 s0, s3;
	s20 =	smulhi.u32 $0x68DB8BAD, s25;
	s30 =	sshra.s32 s25, $0x1F  }
0x54e: {  	s3 =	sadd.s32 s2, s14;
	s26 =	spop (v2sf);
	s23 =	smul.u32 $0x68DB8BAD, s30  }
0x54f: {  	s14 =	sshrl.u32 s1, $0x1F;
	s25 =	smulhi.u32 $0x68DB8BAD, s26;
	s31 =	sshra.s32 s26, $0x1F  }
0x550: {  	s1 =	sshra.s32 s1, $0xC;
	s29 =	spop (v2sf);
	s13 =	smul.u32 $0x68DB8BAD, s31  }
0x551: {  	s0 =	sadd.s32 s5, s10;
	s15 =	spop (v2sf);
	s26 =	smulhi.u32 $0x68DB8BAD, s29  }
0x552: {  	s2 =	sshra.s32 s29, $0x1F;
	s29 =	sshrl.u32 s3, $0x1F;
	s10 =	sadd.s32 s18, s16  }
0x553: {  	s3 =	sshra.s32 s3, $0xC;
	s17 =	spop (v2sf);
	s30 =	smul.u32 $0x68DB8BAD, s2  }
0x554: {  	s2 =	sadd.s32 s4, s7;
	s7 =	smulhi.u32 $0x68DB8BAD, s15;
	s9 =	sshra.s32 s15, $0x1F  }
0x555: {  	s19 =	spop (v2sf);
	s31 =	smul.u32 $0x68DB8BAD, s9;
	s9 =	sadd.s32 s8, s12  }
0x556: {  	s8 =	smulhi.u32 $0x68DB8BAD, s17;
	s17 =	sshra.s32 s17, $0x1F;
	s21 =	spop (v2sf)  }
0x557: {  	s5 =	sadd.s32 s23, s20;
	s16 =	smul.u32 $0x68DB8BAD, s17;
	s24 =	spop (v2sf)  }
0x558: {  	s17 =	smulhi.u32 $0x68DB8BAD, s19;
	s23 =	sshra.s32 s19, $0x1F;
	s11 =	spop (v2sf)  }
0x559: {  	s4 =	sadd.s32 s13, s25;
	s13 =	smul.u32 $0x68DB8BAD, s23;
	s25 =	spop (v2sf)  }
0x55a: {  	s15 =	sshrl.u32 s2, $0x1F;
	s20 =	smulhi.u32 $0x68DB8BAD, s25;
	s18 =	sshra.s32 s25, $0x1F  }
0x55b: {  	s12 =	sshrl.u32 s0, $0x1F;
	s19 =	sadd.s32 s30, s26;
	s18 =	smul.u32 $0x68DB8BAD, s18  }
0x55c: {  	v52 =	vmov s29;
	s7 =	sadd.s32 s31, s7;
	s26 =	sshra.s32 s21, $0x1F;
	s29 =	sshrl.u32 s19, $0x1F  }
0x55d: {  	s16 =	sadd.s32 s16, s8;
	s30 =	smul.u32 $0x68DB8BAD, s26;
	s8 =	sadd.s32 s18, s20  }
0x55e: {  	v6 =	vsel vm1, s14, v52;
	s14 =	smulhi.u32 $0x68DB8BAD, s24;
	s24 =	sshra.s32 s24, $0x1F;
	s31 =	sshra.s32 s8, $0x1F  }
0x55f: {  	s23 =	sshrl.u32 s9, $0x1F;
	s26 =	sshra.s32 s19, $0xC;
	v53 =	vmov s29;
	s29 =	smul.u32 $0x68DB8BAD, s24;
	v5 =	vmov s31  }
0x560: {  	s19 =	sshra.s32 s19, $0x1F;
	s13 =	sadd.s32 s13, s17;
	s25 =	smulhi.u32 $0x68DB8BAD, s21;
	v5 =	vsel vm4, s26, v5  }
0x561: {  	v55 =	vmov s3;
	v6 =	vsel vm2, s15, v6;
	s17 =	sshra.s32 s16, $0x1F;
	s21 =	sshrl.u32 s10, $0x1F;
	s31 =	sshra.s32 s7, $0xC;
	v5 =	vsel vm8, s19, v5  }
0x562: {  	v6 =	vsel vm0, s12, v6;
	v54 =	vmov s21;
	s20 =	sadd.s32 s30, s25;
	s30 =	sshrl.u32 s7, $0x1F;
	s7 =	sshra.s32 s7, $0x1F;
	v5 =	vsel vm1, s31, v5  }
0x563: {  	v7 =	vnsel vm4, $0x0, v53;
	s10 =	sshra.s32 s10, $0xC;
	v8 =	vsel vm1, s23, v54;
	s18 =	sshrl.u32 s5, $0x1F;
	s31 =	sshra.s32 s16, $0xC;
	v5 =	vsel vm12, s7, v5  }
0x564: {  	s21 =	sadd.s32 s29, s14;
	s14 =	sshra.s32 s9, $0xC;
	v56 =	vmov s10;
	s25 =	sshrl.u32 s4, $0x1F;
	v8 =	vsel vm2, s18, v8;
	v5 =	vsel vm2, s31, v5  }
0x565: {  	s0 =	sshra.s32 s0, $0xC;
	s24 =	sshra.s32 s13, $0xC;
	s29 =	sshra.s32 s13, $0x1F;
	v9 =	vsel vm1, s14, v56;
	v8 =	vsel vm0, s25, v8;
	v5 =	vsel vm13, s17, v5  }
0x566: {  	v7 =	vsel vm1, s30, v7;
	s30 =	smulhi.u32 $0x68DB8BAD, s11;
	s11 =	sshra.s32 s11, $0x1F;
	s26 =	sshrl.u32 s16, $0x1F;
	v6 =	vcombine.low v8, v6;
	v5 =	vsel vm0, s24, v5  }
0x567: {  	s15 =	sshrl.u32 s13, $0x1F;
	s11 =	smul.u32 $0x68DB8BAD, s11;
	v8 =	vsel vm1, s1, v55;
	v7 =	vsel vm2, s26, v7;
	s31 =	sshra.s32 s20, $0xC;
	v5 =	vsel vm14, s29, v5  }
0x568: {  	s23 =	sshrl.u32 s20, $0x1F;
	s13 =	sshra.s32 s20, $0x1F;
	v7 =	vsel vm0, s15, v7;
	s16 =	sshra.s32 s2, $0xC;
	vm12 =	vcmask $0x2724;
	v5 =	vsel vm5, s31, v5  }
0x569: {  	s26 =	sshrl.u32 s21, $0x1F;
	s11 =	sadd.s32 s11, s30;
	s15 =	sshra.s32 s21, $0xC;
	v7 =	vsel vm5, s23, v7;
	v8 =	vsel vm2, s16, v8;
	v5 =	vsel vm12, s13, v5  }
0x56a: {  	s18 =	sshra.s32 s21, $0x1F;
	s30 =	sshrl.u32 s11, $0x1F;
	v7 =	vsel vm6, s26, v7;
	v8 =	vsel vm0, s0, v8;
	s17 =	sshra.s32 s5, $0xC;
	v5 =	vsel vm6, s15, v5  }
0x56b: {  	s19 =	sshra.s32 s4, $0xC;
	s20 =	sshra.s32 s11, $0xC;
	v7 =	vsel vm7, s30, v7;
	v9 =	vsel vm2, s17, v9;
	v5 =	vsel vm15, s18, v5  }
0x56c: {  	s21 =	sshrl.u32 s8, $0x1F;
	s23 =	sshra.s32 s11, $0x1F;
	vm13 =	vcmask $0x3734;
	v9 =	vsel vm0, s19, v9;
	v5 =	vsel vm7, s20, v5  }
0x56d: {  	v7 =	vsel vm11, s21, v7;
	s24 =	sshra.s32 s8, $0xC;
	v8 =	vcombine.low v9, v8;
	v5 =	vsel vm13, s23, v5  }
0x56e: {  	v6 =	vperm.xlane v6, v1;
	v7 =	vperm.xlane v7, v2;
	v5 =	vsel vm11, s24, v5  }
0x56f: {  	v8 =	vperm.xlane v8, v1;
	v5 =	vperm.xlane v5, v2;
	_ =	sdelay $0x1  }
0x570: {  	v6 =	vsel vm3, v7, v6;
	v5 =	vsel vm3, v5, v8  }
0x571: {  	v5 =	vadd.s32 v6, v5  }
0x572: {  	v6 =	vmul.u32 $0xFFFFD8F0, v5  }
0x573: {  	v57 =	vsub.s32 $0x0, v4  }
0x574: {  	vm14 =	vlt.s32 v4, $0x1;
	vm15 =	vne.s32 v6, v57  }
0x575: {  	vm9 =	vmand vm14, vm15  }
0x576: {  	v58 =	vsel vm9, $0xFFFFFFFF, v3  }
0x577: {  	v5 =	vadd.s32 v58, v5  }
0x578: {  	v6 =	vmul.u32 $0xFFFFD8F0, v5;
	_ =	sdelay $0x1  }
0x579: {  	v59 =	vshrl.u32 v5, $0x3;
	v4 =	vadd.s32 v4, v6  }
0x57a: {  	v6 =	vmul.u32 $0x13C00, v59;
	v60 =	vshll.u32 v4, $0x3  }
0x57b: {  	v61 =	vshll.u32 v5, $0x7;
	v7 =	vand.u32 $0xFFFFFC00, v60  }
0x57c: {  	v62 =	vand.u32 $0x380, v61;
	v6 =	vadd.s32 v6, v7  }
0x57d: {  	[tilespmem:$0x28C0] =	vst v5;
	v63 =	vand.u32 $0x7F, v4;
	v5 =	vor.u32 v62, v6  }
0x57e: {  	s25 =	rddreg [dreg:$0x4];
	[tilespmem:$0x2A40] =	vst v4;
	v4 =	vor.u32 v63, v5  }
0x57f: {  	s7 =	rddreg [dreg:$0x14];
	s26 =	simm.s32 $0x2B80;
	s5 =	simm.s32 $0x50;
	[tilespmem:$0x2BC0] =	vst v4  }
0x580: {  	[tilespmem:s6], [sflag:$0x3] =	stream.indirect.gather [hbm4b:s25+s5], $0x1, s26, s5, $0xb8;
	[tilespmem:$0x1DE00] =	vst v63  }
0x581: {  	s30 =	simm.s32 $0x2880;
	s29 =	rddreg [dreg:$0x0];
	s31 =	simm.s32 $0x7D80  }
0x582: {  	[tilespmem:s31], [sflag:$0x6] =	stream.indirect.gather [hbm4b:s29+s5], $0x80, s30, s5, $0xb8;
	[tilespmem:$0x1DE00] =	vst v63  }
.LBB2_10:
0x583: {  	s0 =	simm.s32 $0x0  }
0x584: {  	s1 =	simm.s32 $0x2;
	v4 =	vmov s0  }
0x585: {  	_ =	swait.ge [sflag:s1], $0x50;
	v4 =	vand.u32 $0xFFFFFFFC, v4  }
0x586: {  	[sflag:s1] =	ssyncset.done $0x0;
	v4 =	vbroadcast v4, $0x0  }
0x587: {  	s29 =	simm.s32 $0x5;
	[sflag:s1] =	ssyncadd.s32 $0xFFFFFFB0  }
0x588: {  	_ =	swait.ge [sflag:s29], $0x2800  }
0x589: {  	[sflag:s29] =	ssyncset.done $0x0  }
0x58a: {  	s0 =	simm.s32 $0x5680;
	[sflag:s29] =	ssyncadd.s32 $0xFFFFD800  }
0x58b: {  	v6 =	vld [tilespmem:s0+$0xFFFFFF70]  }
0x58c: {  	v4 =	vld.idx.msk [tilespmem:v4+s28+$0x0], $0xffff  }
0x58d: {  	v7 =	vld [tilespmem:s0+$0xFFFFFF00]  }
0x58e: {  	v8 =	vld [tilespmem:s0+$0xFFFFFF20]  }
0x58f: {  	v9 =	vld [tilespmem:s0+$0xFFFFFF30]  }
0x590: {  	v5 =	vld [tilespmem:s0+$0xFFFFFF50]  }
0x591: {  	v11 =	vld [tilespmem:s0+$0xFFFFFF10];
	v6 =	vmul.f32 v6, v4  }
0x592: {  	s30 =	simm.s32 $0x1;
	v10 =	vld [tilespmem:s0+$0xFFFFFF60];
	v7 =	vmul.f32 v7, v4  }
0x593: {  	v12 =	vld [tilespmem:s0+$0xFFFFFF40];
	v8 =	vmul.f32 v8, v4;
	[tilespmem:s0+$0xFFFFFF70] =	vst v6;
	v6 =	vmov s30  }
0x594: {  	v9 =	vmul.f32 v9, v4;
	[tilespmem:s0+$0xFFFFFF00] =	vst v7;
	v6 =	vand.u32 $0xFFFFFFFD, v6  }
0x595: {  	v5 =	vmul.f32 v5, v4;
	[tilespmem:s0+$0xFFFFFF20] =	vst v8;
	v6 =	vbroadcast v6, $0x0  }
0x596: {  	v7 =	vmul.f32 v11, v4;
	[tilespmem:s0+$0xFFFFFF30] =	vst v9  }
0x597: {  	v8 =	vmul.f32 v10, v4;
	[tilespmem:s0+$0xFFFFFF50] =	vst v5  }
0x598: {  	v4 =	vmul.f32 v12, v4;
	[tilespmem:s0+$0xFFFFFF10] =	vst v7  }
0x599: {  	[tilespmem:s0+$0xFFFFFF60] =	vst v8  }
0x59a: {  	[tilespmem:s0+$0xFFFFFF40] =	vst v4;
	v4 =	vld [tilespmem:s0+$0xFFFFFF80]  }
0x59b: {  	v6 =	vld.idx.msk [tilespmem:v6+s28+$0x0], $0xffff  }
0x59c: {  	v5 =	vld [tilespmem:s0+$0xFFFFFFA0]  }
0x59d: {  	v7 =	vld [tilespmem:s0+$0xFFFFFF90]  }
0x59e: {  	v8 =	vld [tilespmem:s0+$0xFFFFFFD0]  }
0x59f: {  	v9 =	vld [tilespmem:s0+$0xFFFFFFE0]  }
0x5a0: {  	v10 =	vld [tilespmem:s0+$0xFFFFFFF0];
	v4 =	vmul.f32 v4, v6  }
0x5a1: {  	s31 =	simm.s32 $0x2;
	v11 =	vld [tilespmem:s0+$0xFFFFFFB0];
	v5 =	vmul.f32 v5, v6  }
0x5a2: {  	v63 =	vld [tilespmem:s0+$0xFFFFFFC0];
	v7 =	vmul.f32 v7, v6;
	[tilespmem:s0+$0xFFFFFF80] =	vst v4;
	v4 =	vmov s31  }
0x5a3: {  	v8 =	vmul.f32 v8, v6;
	[tilespmem:s0+$0xFFFFFFA0] =	vst v5;
	v4 =	vand.u32 $0xFFFFFFFE, v4  }
0x5a4: {  	v5 =	vmul.f32 v9, v6;
	[tilespmem:s0+$0xFFFFFF90] =	vst v7;
	v7 =	vbroadcast v4, $0x0  }
0x5a5: {  	v9 =	vmul.f32 v10, v6;
	[tilespmem:s0+$0xFFFFFFD0] =	vst v8;
	v10 =	vld [tilespmem:s0+$0x30]  }
0x5a6: {  	v8 =	vmul.f32 v11, v6;
	v4 =	vld [tilespmem:s0+$0x40];
	[tilespmem:s0+$0xFFFFFFE0] =	vst v5  }
0x5a7: {  	v6 =	vmul.f32 v63, v6;
	v5 =	vld [tilespmem:s0+$0x70];
	[tilespmem:s0+$0xFFFFFFF0] =	vst v9  }
0x5a8: {  	[tilespmem:s0+$0xFFFFFFB0] =	vst v8;
	v8 =	vld [tilespmem:s0+$0x20]  }
0x5a9: {  	[tilespmem:s0+$0xFFFFFFC0] =	vst v6;
	v9 =	vld [tilespmem:s0+$0x0]  }
0x5aa: {  	v6 =	vld.idx.msk [tilespmem:v7+s28+$0x0], $0xffff  }
0x5ab: {  	s2 =	simm.s32 $0x7;
	s3 =	simm.s32 $0x5680;
	s1 =	simm.s32 $0x3;
	v7 =	vld [tilespmem:s0+$0x10]  }
.LBB2_11:
0x5ac: {  	p1 =	sne.s32 s2, $0x4F  }
0x5ad: {  	v11 =	vld [tilespmem:s0+$0x50];
	s3 =	sadd.s32 $0x200, s3;
	s4 =	smov.u32 s2;
	s2 =	sadd.s32 $0x4, s2  }
0x5ae: {  	v12 =	vld [tilespmem:s0+$0x60];
	_ =	sdelay $0x1  }
0x5af: {  	v9 =	vmul.f32 v9, v6;
	v7 =	vmul.f32 v7, v6  }
0x5b0: {  	v8 =	vmul.f32 v8, v6;
	v10 =	vmul.f32 v10, v6  }
0x5b1: {  	v4 =	vmul.f32 v4, v6;
	v5 =	vmul.f32 v5, v6;
	[tilespmem:s0+$0x0] =	vst v9  }
0x5b2: {  	[tilespmem:s0+$0x20] =	vst v8;
	v8 =	vmul.f32 v11, v6;
	v6 =	vmul.f32 v12, v6  }
0x5b3: {  	[tilespmem:s0+$0x30] =	vst v10;
	v9 =	vld [tilespmem:s0+$0x80]  }
0x5b4: {  	[tilespmem:s0+$0x60] =	vst v6;
	v6 =	vmov s1;
	v10 =	vld [tilespmem:s0+$0xD0];
	s1 =	smov.u32 s4  }
0x5b5: {  	[tilespmem:s0+$0x50] =	vst v8;
	v8 =	vld [tilespmem:s0+$0xE0]  }
0x5b6: {  	[tilespmem:s0+$0x40] =	vst v4;
	v11 =	vld [tilespmem:s0+$0xB0]  }
0x5b7: {  	v4 =	vld [tilespmem:s3+$0x40];
	[tilespmem:s0+$0x70] =	vst v5  }
0x5b8: {  	v5 =	vld [tilespmem:s3+$0x70];
	[tilespmem:s0+$0x10] =	vst v7  }
0x5b9: {  	v6 =	vld.idx.msk [tilespmem:v6+s28+$0x0], $0xffff  }
0x5ba: {  	v7 =	vld [tilespmem:s0+$0x90]  }
0x5bb: {  	v12 =	vld [tilespmem:s0+$0xA0]  }
0x5bc: {  	v13 =	vld [tilespmem:s0+$0xC0]  }
0x5bd: {  	v14 =	vld [tilespmem:s0+$0xF0];
	_ =	sdelay $0x1  }
0x5be: {  	v9 =	vmul.f32 v9, v6;
	v7 =	vmul.f32 v7, v6  }
0x5bf: {  	s4 =	sadd.s32 $0xFFFFFFFD, s1;
	v11 =	vmul.f32 v11, v6;
	v12 =	vmul.f32 v12, v6  }
0x5c0: {  	v15 =	vmov s4;
	v10 =	vmul.f32 v10, v6;
	[tilespmem:s0+$0x80] =	vst v9;
	v9 =	vmul.f32 v13, v6  }
0x5c1: {  	v13 =	vand.u32 $0xFFFFFFFC, v15;
	[tilespmem:s0+$0x90] =	vst v7;
	v7 =	vmul.f32 v8, v6;
	v6 =	vmul.f32 v14, v6  }
0x5c2: {  	v8 =	vbroadcast v13, $0x0;
	[tilespmem:s0+$0xA0] =	vst v12  }
0x5c3: {  	[tilespmem:s0+$0xD0] =	vst v10  }
0x5c4: {  	v10 =	vld [tilespmem:s3+$0xFFFFFF50];
	[tilespmem:s0+$0xB0] =	vst v11  }
0x5c5: {  	v11 =	vld [tilespmem:s3+$0xFFFFFF30];
	[tilespmem:s0+$0xC0] =	vst v9  }
0x5c6: {  	v9 =	vld [tilespmem:s3+$0xFFFFFF60];
	[tilespmem:s0+$0xE0] =	vst v7  }
0x5c7: {  	v7 =	vld [tilespmem:s3+$0xFFFFFF70];
	[tilespmem:s0+$0xF0] =	vst v6;
	s0 =	smov.u32 s3  }
0x5c8: {  	v6 =	vld.idx.msk [tilespmem:v8+s28+$0x0], $0xffff  }
0x5c9: {  	v8 =	vld [tilespmem:s3+$0xFFFFFF00]  }
0x5ca: {  	v12 =	vld [tilespmem:s3+$0xFFFFFF20]  }
0x5cb: {  	v13 =	vld [tilespmem:s3+$0xFFFFFF10]  }
0x5cc: {  	v14 =	vld [tilespmem:s3+$0xFFFFFF40];
	_ =	sdelay $0x1  }
0x5cd: {  	v7 =	vmul.f32 v7, v6;
	v8 =	vmul.f32 v8, v6  }
0x5ce: {  	s4 =	sadd.s32 $0xFFFFFFFE, s1;
	v9 =	vmul.f32 v9, v6;
	v12 =	vmul.f32 v12, v6  }
0x5cf: {  	v11 =	vmul.f32 v11, v6;
	v13 =	vmul.f32 v13, v6;
	[tilespmem:s3+$0xFFFFFF70] =	vst v7;
	v7 =	vmov s4  }
0x5d0: {  	[tilespmem:s3+$0xFFFFFF00] =	vst v8;
	v8 =	vmul.f32 v14, v6;
	v6 =	vmul.f32 v10, v6;
	v7 =	vand.u32 $0xFFFFFFFD, v7  }
0x5d1: {  	[tilespmem:s3+$0xFFFFFF20] =	vst v12;
	v7 =	vbroadcast v7, $0x0  }
0x5d2: {  	[tilespmem:s3+$0xFFFFFF30] =	vst v11  }
0x5d3: {  	[tilespmem:s3+$0xFFFFFF50] =	vst v6;
	v6 =	vld [tilespmem:s3+$0xFFFFFFF0]  }
0x5d4: {  	[tilespmem:s3+$0xFFFFFF10] =	vst v13;
	v10 =	vld [tilespmem:s3+$0xFFFFFFD0]  }
0x5d5: {  	[tilespmem:s3+$0xFFFFFF60] =	vst v9;
	v9 =	vld [tilespmem:s3+$0xFFFFFFB0]  }
0x5d6: {  	[tilespmem:s3+$0xFFFFFF40] =	vst v8;
	v8 =	vld [tilespmem:s3+$0xFFFFFF90]  }
0x5d7: {  	v7 =	vld.idx.msk [tilespmem:v7+s28+$0x0], $0xffff  }
0x5d8: {  	v11 =	vld [tilespmem:s3+$0xFFFFFF80]  }
0x5d9: {  	v12 =	vld [tilespmem:s3+$0xFFFFFFA0]  }
0x5da: {  	v13 =	vld [tilespmem:s3+$0xFFFFFFC0]  }
0x5db: {  	v14 =	vld [tilespmem:s3+$0xFFFFFFE0];
	_ =	sdelay $0x1  }
0x5dc: {  	v8 =	vmul.f32 v8, v7;
	v11 =	vmul.f32 v11, v7  }
0x5dd: {  	s4 =	sadd.s32 $0xFFFFFFFF, s1;
	v9 =	vmul.f32 v9, v7;
	v12 =	vmul.f32 v12, v7  }
0x5de: {  	v10 =	vmul.f32 v10, v7;
	[tilespmem:s3+$0xFFFFFF80] =	vst v11;
	v11 =	vmul.f32 v13, v7;
	v13 =	vmov s4  }
0x5df: {  	v6 =	vmul.f32 v6, v7;
	[tilespmem:s3+$0xFFFFFFA0] =	vst v12;
	v12 =	vmul.f32 v14, v7;
	v7 =	vand.u32 $0xFFFFFFFE, v13  }
0x5e0: {  	[tilespmem:s3+$0xFFFFFF90] =	vst v8;
	v7 =	vbroadcast v7, $0x0  }
0x5e1: {  	[tilespmem:s3+$0xFFFFFFD0] =	vst v10  }
0x5e2: {  	[tilespmem:s3+$0xFFFFFFE0] =	vst v12  }
0x5e3: {  	[tilespmem:s3+$0xFFFFFFB0] =	vst v9  }
.Ltmp6:
0x5e4: {  	[tilespmem:s3+$0xFFFFFFF0] =	vst v6;
	v8 =	vld [tilespmem:s3+$0x20];
	(pc) =	sbr.rel @p1 .LBB2_11-.Ltmp6, $4  }
0x5e5: {  	[tilespmem:s3+$0xFFFFFFC0] =	vst v11;
	v9 =	vld [tilespmem:s3+$0x0]  }
0x5e6: {  	v6 =	vld.idx.msk [tilespmem:v7+s28+$0x0], $0xffff  }
0x5e7: {  	v7 =	vld [tilespmem:s3+$0x10]  }
0x5e8: {  	v10 =	vld [tilespmem:s3+$0x30]  }
0x5e9: {  	_ =	sdelay $0x1  }
0x5ea: {  	v9 =	vmul.f32 v9, v6  }
0x5eb: {  	v11 =	vld [tilespmem:s0+$0x60];
	v8 =	vmul.f32 v8, v6  }
0x5ec: {  	v12 =	vld [tilespmem:s0+$0x50];
	v4 =	vmul.f32 v4, v6;
	[tilespmem:s0+$0x0] =	vst v9  }
0x5ed: {  	v5 =	vmul.f32 v5, v6;
	[tilespmem:s0+$0x20] =	vst v8  }
0x5ee: {  	v55 =	vmul.f32 v7, v6;
	[tilespmem:s0+$0x40] =	vst v4  }
0x5ef: {  	v54 =	vmov s1;
	v10 =	vmul.f32 v10, v6;
	[tilespmem:s0+$0x70] =	vst v5  }
0x5f0: {  	v51 =	vmul.f32 v11, v6;
	[tilespmem:s0+$0x10] =	vst v55  }
0x5f1: {  	v52 =	vmul.f32 v12, v6;
	[tilespmem:s0+$0x30] =	vst v10  }
0x5f2: {  	[tilespmem:s0+$0x60] =	vst v51  }
0x5f3: {  	v53 =	vld [tilespmem:s0+$0x80];
	[tilespmem:s0+$0x50] =	vst v52  }
0x5f4: {  	v4 =	vld.idx.msk [tilespmem:v54+s28+$0x0], $0xffff  }
0x5f5: {  	v5 =	vld [tilespmem:s0+$0x90]  }
0x5f6: {  	v56 =	vld [tilespmem:s0+$0xA0]  }
0x5f7: {  	v57 =	vld [tilespmem:s0+$0xD0]  }
0x5f8: {  	v59 =	vld [tilespmem:s0+$0xC0]  }
0x5f9: {  	v60 =	vld [tilespmem:s0+$0xE0];
	v10 =	vmul.f32 v53, v4  }
0x5fa: {  	v58 =	vld [tilespmem:s0+$0xB0];
	v5 =	vmul.f32 v5, v4  }
0x5fb: {  	v61 =	vld [tilespmem:s0+$0xF0];
	v6 =	vmul.f32 v56, v4;
	[tilespmem:s0+$0x80] =	vst v10  }
0x5fc: {  	v7 =	vmul.f32 v57, v4;
	[tilespmem:s0+$0x90] =	vst v5  }
0x5fd: {  	v62 =	vmul.f32 v59, v4;
	[tilespmem:s0+$0xA0] =	vst v6  }
0x5fe: {  	p1 =	seq.s32 s7, $0x29;
	v63 =	vmul.f32 v60, v4;
	[tilespmem:s0+$0xD0] =	vst v7  }
.Ltmp7:
0x5ff: {  	v5 =	vmul.f32 v58, v4;
	[tilespmem:s0+$0xC0] =	vst v62;
	(pc) =	sbr.rel @p1 .LBB2_16-.Ltmp7, $4  }
0x600: {  	v4 =	vmul.f32 v61, v4;
	[tilespmem:s0+$0xE0] =	vst v63  }
0x601: {  	[tilespmem:s0+$0xB0] =	vst v5  }
0x602: {  	s30 =	rddreg [dreg:$0x2];
	s31 =	simm.s32 $0x5580;
	s2 =	simm.s32 $0x2980;
	[tilespmem:s0+$0xF0] =	vst v4  }
0x603: {  	[spmem:s30] =	stream.indirect.scatter.add.f32 [tilespmem:s31], [sflag:$0x8], $0x80, s2, s5, $0xb8;
	[tilespmem:$0x1DE00] =	vst v63  }
0x604: {  	s0 =	simm.s32 $0x7  }
0x605: {  	_ =	swait.ge [sflag:s0], $0x2800  }
0x606: {  	[sflag:s0] =	ssyncset.done $0x0  }
0x607: {  	s31 =	rddreg [dreg:$0x15];
	[sflag:s0] =	ssyncadd.s32 $0xFFFFD800  }
0x608: {  	v4 =	vld [tilespmem:s31+$0xF0];
	_ =	sdelay $0x4  }
0x609: {  	(v2sf) =	vpush v4, $0xD;
	_ =	sdelay $0x1  }
0x60a: {  	(v2sf) =	vpush v4, $0xC;
	_ =	sdelay $0x1  }
0x60b: {  	(v2sf) =	vpush v4, $0xE;
	_ =	sdelay $0x1  }
0x60c: {  	(v2sf) =	vpush v4, $0xF;
	_ =	sdelay $0x1  }
0x60d: {  	(v2sf) =	vpush v4, $0x9;
	_ =	sdelay $0x1  }
0x60e: {  	(v2sf) =	vpush v4, $0x8;
	_ =	sdelay $0x1  }
0x60f: {  	(v2sf) =	vpush v4, $0xA;
	_ =	sdelay $0x1  }
0x610: {  	(v2sf) =	vpush v4, $0xB  }
0x611: {  	s17 =	spop (v2sf)  }
0x612: {  	(v2sf) =	vpush v4, $0x0;
	s1 =	smulhi.u32 $0x68DB8BAD, s17;
	s0 =	sshra.s32 s17, $0x1F  }
0x613: {  	s2 =	spop (v2sf);
	s0 =	smul.u32 $0x68DB8BAD, s0  }
0x614: {  	(v2sf) =	vpush v4, $0x1;
	s3 =	smulhi.u32 $0x68DB8BAD, s2;
	s2 =	sshra.s32 s2, $0x1F  }
0x615: {  	s4 =	spop (v2sf);
	s2 =	smul.u32 $0x68DB8BAD, s2  }
0x616: {  	(v2sf) =	vpush v4, $0x2;
	s5 =	smulhi.u32 $0x68DB8BAD, s4;
	s4 =	sshra.s32 s4, $0x1F  }
0x617: {  	s7 =	spop (v2sf);
	(v2sf) =	vpush v4, $0x3;
	s4 =	smul.u32 $0x68DB8BAD, s4  }
0x618: {  	s8 =	smulhi.u32 $0x68DB8BAD, s7;
	s7 =	sshra.s32 s7, $0x1F;
	(v2sf) =	vpush v4, $0x4  }
0x619: {  	s9 =	spop (v2sf);
	s7 =	smul.u32 $0x68DB8BAD, s7;
	(v2sf) =	vpush v4, $0x5  }
0x61a: {  	s10 =	smulhi.u32 $0x68DB8BAD, s9;
	s9 =	sshra.s32 s9, $0x1F;
	(v2sf) =	vpush v4, $0x6  }
0x61b: {  	s11 =	spop (v2sf);
	s9 =	smul.u32 $0x68DB8BAD, s9;
	(v2sf) =	vpush v4, $0x7  }
0x61c: {  	s12 =	smulhi.u32 $0x68DB8BAD, s11;
	s11 =	sshra.s32 s11, $0x1F  }
0x61d: {  	s0 =	sadd.s32 s0, s1;
	s13 =	spop (v2sf);
	s11 =	smul.u32 $0x68DB8BAD, s11  }
0x61e: {  	s3 =	sadd.s32 s2, s3;
	s14 =	smulhi.u32 $0x68DB8BAD, s13;
	s18 =	sshra.s32 s13, $0x1F  }
0x61f: {  	s17 =	sshrl.u32 s3, $0x1F;
	s19 =	spop (v2sf);
	s15 =	smul.u32 $0x68DB8BAD, s18  }
0x620: {  	s2 =	sadd.s32 s4, s5;
	s16 =	smulhi.u32 $0x68DB8BAD, s19;
	s1 =	sshra.s32 s19, $0x1F  }
0x621: {  	s3 =	sshra.s32 s3, $0xC;
	s18 =	smul.u32 $0x68DB8BAD, s1;
	s20 =	spop (v2sf)  }
0x622: {  	s13 =	sshrl.u32 s0, $0x1F;
	s19 =	smulhi.u32 $0x68DB8BAD, s20;
	s21 =	sshra.s32 s20, $0x1F  }
0x623: {  	s1 =	sadd.s32 s7, s8;
	s23 =	spop (v2sf);
	s7 =	smul.u32 $0x68DB8BAD, s21  }
0x624: {  	s4 =	sadd.s32 s9, s10;
	s10 =	smulhi.u32 $0x68DB8BAD, s23;
	s5 =	sshra.s32 s23, $0x1F  }
0x625: {  	s9 =	sadd.s32 s11, s12;
	s26 =	spop (v2sf);
	s24 =	smul.u32 $0x68DB8BAD, s5  }
0x626: {  	s12 =	smulhi.u32 $0x68DB8BAD, s26;
	s29 =	sshra.s32 s26, $0x1F;
	s20 =	spop (v2sf)  }
0x627: {  	s5 =	sadd.s32 s15, s14;
	s14 =	smul.u32 $0x68DB8BAD, s29;
	s30 =	spop (v2sf)  }
0x628: {  	s21 =	smulhi.u32 $0x68DB8BAD, s20;
	s20 =	sshra.s32 s20, $0x1F;
	s23 =	spop (v2sf)  }
0x629: {  	s8 =	sadd.s32 s18, s16;
	s25 =	smul.u32 $0x68DB8BAD, s20;
	s18 =	spop (v2sf)  }
0x62a: {  	s7 =	sadd.s32 s7, s19;
	s19 =	smulhi.u32 $0x68DB8BAD, s30;
	s26 =	spop (v2sf)  }
0x62b: {  	vm4 =	vcmask $0x300;
	s0 =	sshra.s32 s0, $0xC;
	s29 =	smulhi.u32 $0x68DB8BAD, s26;
	s20 =	sshra.s32 s26, $0x1F  }
0x62c: {  	vm1 =	vcmask $0xB08;
	vm12 =	vcmask $0x704;
	v6 =	vmov s17;
	s17 =	sshrl.u32 s9, $0x1F;
	s9 =	sshra.s32 s9, $0xC;
	s20 =	smul.u32 $0x68DB8BAD, s20  }
0x62d: {  	vm2 =	vcmask $0x1310;
	vm0 =	vcmask $0x1B18;
	vm13 =	vcmask $0xF0C;
	s11 =	sadd.s32 s24, s10;
	s24 =	sshrl.u32 s2, $0x1F;
	s15 =	sshra.s32 s30, $0x1F  }
0x62e: {  	vm8 =	vcmask $0x1714;
	vm5 =	vcmask $0x2320;
	vm6 =	vcmask $0x2B28;
	s12 =	sadd.s32 s14, s12;
	s14 =	sshrl.u32 s7, $0x1F;
	s10 =	sadd.s32 s20, s29  }
0x62f: {  	vm14 =	vcmask $0x1F1C;
	vm7 =	vcmask $0x3330;
	vm15 =	vcmask $0x2724;
	s15 =	smul.u32 $0x68DB8BAD, s15;
	s16 =	sadd.s32 s25, s21;
	s25 =	sshra.s32 s10, $0x1F  }
0x630: {  	vm3 =	vcmask $0x2F2C;
	vm11 =	vcmask $0x3B38;
	s30 =	sshra.s32 s23, $0x1F;
	s21 =	smulhi.u32 $0x68DB8BAD, s23;
	s29 =	sshra.s32 s7, $0xC;
	v5 =	vmov s25  }
0x631: {  	v6 =	vsel vm1, s13, v6;
	s23 =	sshrl.u32 s5, $0x1F;
	v7 =	vmov s14;
	s14 =	sshrl.u32 s12, $0x1F;
	s7 =	sshra.s32 s7, $0x1F;
	v5 =	vsel vm4, s29, v5  }
0x632: {  	v8 =	vmov s17;
	v6 =	vsel vm2, s24, v6;
	s24 =	smulhi.u32 $0x68DB8BAD, s18;
	s26 =	sshrl.u32 s4, $0x1F;
	s20 =	sshra.s32 s11, $0xC;
	v5 =	vsel vm12, s7, v5  }
0x633: {  	v7 =	vnsel vm4, $0x0, v7;
	v8 =	vsel vm1, s26, v8;
	s7 =	smul.u32 $0x68DB8BAD, s30;
	s30 =	sshrl.u32 s11, $0x1F;
	s11 =	sshra.s32 s11, $0x1F;
	v5 =	vsel vm1, s20, v5  }
0x634: {  	v8 =	vsel vm2, s23, v8;
	s25 =	sshrl.u32 s1, $0x1F;
	s29 =	sshrl.u32 s8, $0x1F;
	v7 =	vsel vm1, s30, v7;
	s30 =	sshra.s32 s12, $0xC;
	v5 =	vsel vm13, s11, v5  }
0x635: {  	s17 =	sadd.s32 s15, s19;
	v6 =	vsel vm0, s25, v6;
	s25 =	sshra.s32 s18, $0x1F;
	v8 =	vsel vm0, s29, v8;
	s12 =	sshra.s32 s12, $0x1F;
	v5 =	vsel vm2, s30, v5  }
0x636: {  	s18 =	sshra.s32 s16, $0xC;
	s13 =	smul.u32 $0x68DB8BAD, s25;
	s20 =	sshrl.u32 s16, $0x1F;
	v6 =	vcombine.low v8, v6;
	v7 =	vsel vm2, s14, v7;
	v5 =	vsel vm8, s12, v5  }
0x637: {  	s26 =	sshra.s32 s2, $0xC;
	v8 =	vmov s3;
	s7 =	sadd.s32 s7, s21;
	v7 =	vsel vm0, s20, v7;
	s20 =	sshra.s32 s16, $0x1F;
	v5 =	vsel vm0, s18, v5  }
0x638: {  	v9 =	vmov s9;
	s11 =	sadd.s32 s13, s24;
	s21 =	sshra.s32 s17, $0xC;
	s24 =	sshra.s32 s4, $0xC;
	v8 =	vsel vm1, s0, v8;
	v5 =	vsel vm14, s20, v5  }
0x639: {  	s15 =	sshrl.u32 s17, $0x1F;
	s23 =	sshra.s32 s17, $0x1F;
	s29 =	sshra.s32 s5, $0xC;
	v9 =	vsel vm1, s24, v9;
	v8 =	vsel vm2, s26, v8;
	v5 =	vsel vm5, s21, v5  }
0x63a: {  	s2 =	sshra.s32 s8, $0xC;
	s1 =	sshra.s32 s1, $0xC;
	s25 =	sshra.s32 s7, $0xC;
	v7 =	vsel vm5, s15, v7;
	v9 =	vsel vm2, s29, v9;
	v5 =	vsel vm15, s23, v5  }
0x63b: {  	s19 =	sshrl.u32 s7, $0x1F;
	s30 =	sshra.s32 s7, $0x1F;
	v8 =	vsel vm0, s1, v8;
	v9 =	vsel vm0, s2, v9;
	v5 =	vsel vm6, s25, v5  }
0x63c: {  	s13 =	sshrl.u32 s11, $0x1F;
	s4 =	sshra.s32 s11, $0xC;
	v7 =	vsel vm6, s19, v7;
	v8 =	vcombine.low v9, v8;
	v9 =	vld [tilespmem:$0x1FFF0];
	v5 =	vsel vm3, s30, v5  }
0x63d: {  	vm10 =	vcmask $0x3734;
	s5 =	sshrl.u32 s10, $0x1F;
	s7 =	sshra.s32 s11, $0x1F;
	v7 =	vsel vm7, s13, v7;
	v5 =	vsel vm7, s4, v5  }
0x63e: {  	s8 =	sshra.s32 s10, $0xC;
	v7 =	vsel vm11, s5, v7;
	v5 =	vsel vm10, s7, v5  }
0x63f: {  	v6 =	vperm.xlane v6, v1;
	v7 =	vperm.xlane v7, v2;
	v5 =	vsel vm11, s8, v5  }
0x640: {  	v8 =	vperm.xlane v8, v1;
	v5 =	vperm.xlane v5, v2  }
0x641: {  	vm3 =	vnez.u8 v9  }
0x642: {  	v6 =	vsel vm3, v7, v6;
	v5 =	vsel vm3, v5, v8  }
0x643: {  	v5 =	vadd.s32 v6, v5  }
0x644: {  	v6 =	vmul.u32 $0xFFFFD8F0, v5  }
0x645: {  	v7 =	vsub.s32 $0x0, v4  }
0x646: {  	vm9 =	vlt.s32 v4, $0x1;
	vm10 =	vne.s32 v6, v7  }
0x647: {  	vm9 =	vmand vm9, vm10  }
0x648: {  	v6 =	vsel vm9, $0xFFFFFFFF, v3  }
0x649: {  	v5 =	vadd.s32 v6, v5  }
0x64a: {  	v6 =	vmul.u32 $0xFFFFD8F0, v5;
	_ =	sdelay $0x1  }
0x64b: {  	v4 =	vadd.s32 v4, v6;
	v6 =	vshrl.u32 v5, $0x3  }
0x64c: {  	v6 =	vmul.u32 $0x13C00, v6;
	v7 =	vshll.u32 v4, $0x3  }
0x64d: {  	v8 =	vshll.u32 v5, $0x7;
	v7 =	vand.u32 $0xFFFFFC00, v7  }
0x64e: {  	v6 =	vadd.s32 v6, v7;
	v7 =	vand.u32 $0x380, v8  }
0x64f: {  	s9 =	rddreg [dreg:$0x16];
	[tilespmem:$0x2780] =	vst v5;
	v5 =	vor.u32 v7, v6;
	v6 =	vand.u32 $0x7F, v4  }
0x650: {  	s10 =	rddreg [dreg:$0x17];
	[tilespmem:$0x2900] =	vst v4;
	v4 =	vor.u32 v6, v5  }
0x651: {  	s0 =	sadd.s32 s10, s9;
	[tilespmem:$0x2A80] =	vst v4  }
0x652: {  	v4 =	vld [tilespmem:s0+$0x100];
	_ =	sdelay $0x4  }
0x653: {  	(v2sf) =	vpush v4, $0xD;
	_ =	sdelay $0x1  }
0x654: {  	(v2sf) =	vpush v4, $0xC;
	_ =	sdelay $0x1  }
0x655: {  	(v2sf) =	vpush v4, $0xE;
	_ =	sdelay $0x1  }
0x656: {  	(v2sf) =	vpush v4, $0xF;
	_ =	sdelay $0x1  }
0x657: {  	(v2sf) =	vpush v4, $0x9;
	_ =	sdelay $0x1  }
0x658: {  	(v2sf) =	vpush v4, $0x8;
	_ =	sdelay $0x1  }
0x659: {  	(v2sf) =	vpush v4, $0xA;
	_ =	sdelay $0x1  }
0x65a: {  	(v2sf) =	vpush v4, $0xB  }
0x65b: {  	s11 =	spop (v2sf)  }
0x65c: {  	(v2sf) =	vpush v4, $0x0;
	s12 =	smulhi.u32 $0x68DB8BAD, s11;
	s0 =	sshra.s32 s11, $0x1F  }
0x65d: {  	s13 =	spop (v2sf);
	s0 =	smul.u32 $0x68DB8BAD, s0  }
0x65e: {  	(v2sf) =	vpush v4, $0x1;
	s14 =	smulhi.u32 $0x68DB8BAD, s13;
	s2 =	sshra.s32 s13, $0x1F  }
0x65f: {  	(v2sf) =	vpush v4, $0x2;
	s15 =	spop (v2sf);
	s2 =	smul.u32 $0x68DB8BAD, s2  }
0x660: {  	(v2sf) =	vpush v4, $0x3;
	s16 =	smulhi.u32 $0x68DB8BAD, s15;
	s4 =	sshra.s32 s15, $0x1F  }
0x661: {  	s17 =	spop (v2sf);
	(v2sf) =	vpush v4, $0x4;
	s4 =	smul.u32 $0x68DB8BAD, s4  }
0x662: {  	s18 =	smulhi.u32 $0x68DB8BAD, s17;
	s7 =	sshra.s32 s17, $0x1F;
	(v2sf) =	vpush v4, $0x5  }
0x663: {  	s19 =	spop (v2sf);
	s7 =	smul.u32 $0x68DB8BAD, s7;
	(v2sf) =	vpush v4, $0x6  }
0x664: {  	s0 =	sadd.s32 s0, s12;
	s20 =	smulhi.u32 $0x68DB8BAD, s19;
	s9 =	sshra.s32 s19, $0x1F;
	(v2sf) =	vpush v4, $0x7  }
0x665: {  	s23 =	spop (v2sf);
	s11 =	sshrl.u32 s0, $0x1F;
	s9 =	smul.u32 $0x68DB8BAD, s9  }
0x666: {  	s3 =	sadd.s32 s2, s14;
	s12 =	smulhi.u32 $0x68DB8BAD, s23;
	s1 =	sshra.s32 s23, $0x1F  }
0x667: {  	s0 =	sshra.s32 s0, $0xC;
	s24 =	spop (v2sf);
	s13 =	smul.u32 $0x68DB8BAD, s1  }
0x668: {  	s14 =	sshrl.u32 s3, $0x1F;
	s15 =	smulhi.u32 $0x68DB8BAD, s24;
	s25 =	sshra.s32 s24, $0x1F  }
0x669: {  	s3 =	sshra.s32 s3, $0xC;
	s26 =	spop (v2sf);
	s5 =	smul.u32 $0x68DB8BAD, s25  }
0x66a: {  	s1 =	sadd.s32 s4, s16;
	s17 =	smulhi.u32 $0x68DB8BAD, s26;
	s29 =	sshra.s32 s26, $0x1F  }
0x66b: {  	s2 =	sadd.s32 s7, s18;
	s21 =	spop (v2sf);
	s30 =	smul.u32 $0x68DB8BAD, s29  }
0x66c: {  	s16 =	sshrl.u32 s1, $0x1F;
	s19 =	smulhi.u32 $0x68DB8BAD, s21;
	s23 =	sshra.s32 s21, $0x1F  }
0x66d: {  	s4 =	sadd.s32 s9, s20;
	s24 =	spop (v2sf);
	s9 =	smul.u32 $0x68DB8BAD, s23  }
0x66e: {  	s20 =	smulhi.u32 $0x68DB8BAD, s24;
	s8 =	sshra.s32 s24, $0x1F;
	s25 =	spop (v2sf)  }
0x66f: {  	s10 =	sadd.s32 s13, s12;
	s12 =	smul.u32 $0x68DB8BAD, s8;
	s26 =	spop (v2sf)  }
0x670: {  	s13 =	smulhi.u32 $0x68DB8BAD, s25;
	s21 =	sshra.s32 s25, $0x1F;
	s23 =	spop (v2sf)  }
0x671: {  	s5 =	sadd.s32 s5, s15;
	s15 =	smul.u32 $0x68DB8BAD, s21;
	s21 =	spop (v2sf)  }
0x672: {  	s24 =	smulhi.u32 $0x68DB8BAD, s26;
	s29 =	sshra.s32 s26, $0x1F;
	s26 =	spop (v2sf)  }
0x673: {  	s8 =	sadd.s32 s30, s17;
	s30 =	smul.u32 $0x68DB8BAD, s29;
	s25 =	spop (v2sf)  }
0x674: {  	s18 =	sshrl.u32 s2, $0x1F;
	s29 =	smulhi.u32 $0x68DB8BAD, s25;
	s17 =	sshra.s32 s25, $0x1F  }
0x675: {  	s19 =	sadd.s32 s9, s19;
	s12 =	sadd.s32 s12, s20;
	s17 =	smul.u32 $0x68DB8BAD, s17  }
0x676: {  	v6 =	vmov s14;
	s20 =	sshrl.u32 s10, $0x1F;
	s14 =	sshra.s32 s19, $0x1F;
	s10 =	sshra.s32 s10, $0xC  }
0x677: {  	v6 =	vsel vm1, s11, v6;
	s13 =	sadd.s32 s15, s13;
	s15 =	sshrl.u32 s5, $0x1F;
	s9 =	sadd.s32 s17, s29  }
0x678: {  	v6 =	vsel vm2, s16, v6;
	s11 =	smulhi.u32 $0x68DB8BAD, s21;
	s7 =	sadd.s32 s30, s24;
	s30 =	sshra.s32 s9, $0x1F  }
0x679: {  	v6 =	vsel vm0, s18, v6;
	s24 =	sshrl.u32 s8, $0x1F;
	s18 =	smulhi.u32 $0x68DB8BAD, s26;
	v5 =	vmov s30;
	s30 =	sshra.s32 s19, $0xC  }
0x67a: {  	v8 =	vmov s20;
	s25 =	sshrl.u32 s4, $0x1F;
	s16 =	sshrl.u32 s7, $0x1F;
	s29 =	sshrl.u32 s19, $0x1F;
	v5 =	vsel vm4, s30, v5  }
0x67b: {  	v8 =	vsel vm1, s25, v8;
	s17 =	smulhi.u32 $0x68DB8BAD, s23;
	s23 =	sshra.s32 s23, $0x1F;
	v7 =	vmov s29;
	s29 =	sshra.s32 s12, $0xC;
	v5 =	vsel vm12, s14, v5  }
0x67c: {  	v8 =	vsel vm2, s15, v8;
	s19 =	sshrl.u32 s12, $0x1F;
	s12 =	sshra.s32 s12, $0x1F;
	s14 =	sshra.s32 s21, $0x1F;
	v5 =	vsel vm1, s29, v5  }
0x67d: {  	v8 =	vsel vm0, s24, v8;
	s21 =	sshra.s32 s26, $0x1F;
	s26 =	sshra.s32 s13, $0xC;
	s14 =	smul.u32 $0x68DB8BAD, s14;
	v5 =	vsel vm13, s12, v5  }
0x67e: {  	v9 =	vmov s10;
	s24 =	sshra.s32 s4, $0xC;
	s23 =	smul.u32 $0x68DB8BAD, s23;
	v6 =	vcombine.low v8, v6;
	s29 =	sshra.s32 s13, $0x1F;
	v5 =	vsel vm2, s26, v5  }
0x67f: {  	v8 =	vmov s3;
	v7 =	vnsel vm4, $0x0, v7;
	s30 =	sshrl.u32 s13, $0x1F;
	s11 =	sadd.s32 s14, s11;
	s14 =	sshra.s32 s7, $0xC;
	v5 =	vsel vm8, s29, v5  }
0x680: {  	v9 =	vsel vm1, s24, v9;
	v7 =	vsel vm1, s19, v7;
	s17 =	sadd.s32 s23, s17;
	s19 =	smul.u32 $0x68DB8BAD, s21;
	s7 =	sshra.s32 s7, $0x1F;
	v5 =	vsel vm0, s14, v5  }
0x681: {  	v8 =	vsel vm1, s0, v8;
	v7 =	vsel vm2, s30, v7;
	s30 =	sshrl.u32 s17, $0x1F;
	s21 =	sshra.s32 s17, $0xC;
	v5 =	vsel vm14, s7, v5  }
0x682: {  	vm4 =	vcmask $0x2F2C;
	s23 =	sshra.s32 s17, $0x1F;
	v7 =	vsel vm0, s16, v7;
	s19 =	sadd.s32 s19, s18;
	s26 =	sshra.s32 s1, $0xC;
	v5 =	vsel vm5, s21, v5  }
0x683: {  	v7 =	vsel vm5, s30, v7;
	s16 =	sshrl.u32 s11, $0x1F;
	s25 =	sshra.s32 s11, $0xC;
	s29 =	sshra.s32 s5, $0xC;
	v8 =	vsel vm2, s26, v8;
	v5 =	vsel vm15, s23, v5  }
0x684: {  	s2 =	sshra.s32 s2, $0xC;
	s20 =	sshrl.u32 s19, $0x1F;
	s30 =	sshra.s32 s11, $0x1F;
	v7 =	vsel vm6, s16, v7;
	v9 =	vsel vm2, s29, v9;
	v5 =	vsel vm6, s25, v5  }
0x685: {  	s4 =	sshra.s32 s8, $0xC;
	s5 =	sshra.s32 s19, $0xC;
	v8 =	vsel vm0, s2, v8;
	v7 =	vsel vm7, s20, v7;
	v5 =	vsel vm4, s30, v5  }
0x686: {  	s8 =	sshra.s32 s19, $0x1F;
	s7 =	sshrl.u32 s9, $0x1F;
	v9 =	vsel vm0, s4, v9;
	vm6 =	vcmask $0x3734;
	v5 =	vsel vm7, s5, v5  }
0x687: {  	s10 =	sshra.s32 s9, $0xC;
	v7 =	vsel vm11, s7, v7;
	v8 =	vcombine.low v9, v8;
	v5 =	vsel vm6, s8, v5  }
0x688: {  	v6 =	vperm.xlane v6, v1;
	v7 =	vperm.xlane v7, v2;
	v5 =	vsel vm11, s10, v5  }
0x689: {  	v8 =	vperm.xlane v8, v1;
	v5 =	vperm.xlane v5, v2;
	_ =	sdelay $0x1  }
0x68a: {  	v6 =	vsel vm3, v7, v6;
	v5 =	vsel vm3, v5, v8  }
0x68b: {  	v5 =	vadd.s32 v6, v5  }
0x68c: {  	v6 =	vmul.u32 $0xFFFFD8F0, v5  }
0x68d: {  	v7 =	vsub.s32 $0x0, v4  }
0x68e: {  	vm9 =	vlt.s32 v4, $0x1;
	vm5 =	vne.s32 v6, v7  }
0x68f: {  	vm9 =	vmand vm9, vm5  }
0x690: {  	v6 =	vsel vm9, $0xFFFFFFFF, v3  }
0x691: {  	v5 =	vadd.s32 v6, v5  }
0x692: {  	v6 =	vmul.u32 $0xFFFFD8F0, v5;
	_ =	sdelay $0x1  }
0x693: {  	v4 =	vadd.s32 v4, v6;
	v6 =	vshrl.u32 v5, $0x3  }
0x694: {  	v6 =	vmul.u32 $0x13C00, v6;
	v7 =	vshll.u32 v4, $0x3  }
0x695: {  	v8 =	vshll.u32 v5, $0x7;
	v7 =	vand.u32 $0xFFFFFC00, v7  }
0x696: {  	v6 =	vadd.s32 v6, v7;
	v7 =	vand.u32 $0x380, v8  }
0x697: {  	[tilespmem:$0x2790] =	vst v5;
	v5 =	vor.u32 v7, v6;
	v6 =	vand.u32 $0x7F, v4  }
0x698: {  	[tilespmem:$0x2910] =	vst v4;
	v4 =	vor.u32 v6, v5  }
0x699: {  	[tilespmem:$0x2A90] =	vst v4  }
0x69a: {  	v4 =	vld [tilespmem:s31+$0x110];
	_ =	sdelay $0x4  }
0x69b: {  	(v2sf) =	vpush v4, $0xD;
	_ =	sdelay $0x1  }
0x69c: {  	(v2sf) =	vpush v4, $0xC;
	_ =	sdelay $0x1  }
0x69d: {  	(v2sf) =	vpush v4, $0xE;
	_ =	sdelay $0x1  }
0x69e: {  	(v2sf) =	vpush v4, $0xF;
	_ =	sdelay $0x1  }
0x69f: {  	(v2sf) =	vpush v4, $0x9;
	_ =	sdelay $0x1  }
0x6a0: {  	(v2sf) =	vpush v4, $0x8;
	_ =	sdelay $0x1  }
0x6a1: {  	(v2sf) =	vpush v4, $0xA;
	_ =	sdelay $0x1  }
0x6a2: {  	(v2sf) =	vpush v4, $0xB  }
0x6a3: {  	s11 =	spop (v2sf)  }
0x6a4: {  	(v2sf) =	vpush v4, $0x0;
	s12 =	smulhi.u32 $0x68DB8BAD, s11;
	s0 =	sshra.s32 s11, $0x1F  }
0x6a5: {  	s13 =	spop (v2sf);
	s0 =	smul.u32 $0x68DB8BAD, s0  }
0x6a6: {  	(v2sf) =	vpush v4, $0x1;
	s14 =	smulhi.u32 $0x68DB8BAD, s13;
	s2 =	sshra.s32 s13, $0x1F  }
0x6a7: {  	(v2sf) =	vpush v4, $0x2;
	s15 =	spop (v2sf);
	s2 =	smul.u32 $0x68DB8BAD, s2  }
0x6a8: {  	(v2sf) =	vpush v4, $0x3;
	s16 =	smulhi.u32 $0x68DB8BAD, s15;
	s4 =	sshra.s32 s15, $0x1F  }
0x6a9: {  	s17 =	spop (v2sf);
	(v2sf) =	vpush v4, $0x4;
	s4 =	smul.u32 $0x68DB8BAD, s4  }
0x6aa: {  	s18 =	smulhi.u32 $0x68DB8BAD, s17;
	s7 =	sshra.s32 s17, $0x1F;
	(v2sf) =	vpush v4, $0x5  }
0x6ab: {  	s19 =	spop (v2sf);
	s7 =	smul.u32 $0x68DB8BAD, s7;
	(v2sf) =	vpush v4, $0x6  }
0x6ac: {  	s20 =	smulhi.u32 $0x68DB8BAD, s19;
	s9 =	sshra.s32 s19, $0x1F;
	(v2sf) =	vpush v4, $0x7  }
0x6ad: {  	s23 =	spop (v2sf);
	s9 =	smul.u32 $0x68DB8BAD, s9  }
0x6ae: {  	s0 =	sadd.s32 s0, s12;
	s12 =	smulhi.u32 $0x68DB8BAD, s23;
	s1 =	sshra.s32 s23, $0x1F  }
0x6af: {  	s11 =	sshrl.u32 s0, $0x1F;
	s24 =	spop (v2sf);
	s13 =	smul.u32 $0x68DB8BAD, s1  }
0x6b0: {  	s3 =	sadd.s32 s2, s14;
	s15 =	smulhi.u32 $0x68DB8BAD, s24;
	s25 =	sshra.s32 s24, $0x1F  }
0x6b1: {  	s0 =	sshra.s32 s0, $0xC;
	s26 =	spop (v2sf);
	s5 =	smul.u32 $0x68DB8BAD, s25  }
0x6b2: {  	s14 =	sshrl.u32 s3, $0x1F;
	s17 =	smulhi.u32 $0x68DB8BAD, s26;
	s29 =	sshra.s32 s26, $0x1F  }
0x6b3: {  	s3 =	sshra.s32 s3, $0xC;
	s21 =	spop (v2sf);
	s30 =	smul.u32 $0x68DB8BAD, s29  }
0x6b4: {  	s1 =	sadd.s32 s4, s16;
	s19 =	smulhi.u32 $0x68DB8BAD, s21;
	s23 =	sshra.s32 s21, $0x1F  }
0x6b5: {  	s4 =	sadd.s32 s9, s20;
	s24 =	spop (v2sf);
	s9 =	smul.u32 $0x68DB8BAD, s23  }
0x6b6: {  	s20 =	smulhi.u32 $0x68DB8BAD, s24;
	s8 =	sshra.s32 s24, $0x1F;
	s25 =	spop (v2sf)  }
0x6b7: {  	s10 =	sadd.s32 s13, s12;
	s12 =	smul.u32 $0x68DB8BAD, s8;
	s26 =	spop (v2sf)  }
0x6b8: {  	s13 =	smulhi.u32 $0x68DB8BAD, s25;
	s21 =	sshra.s32 s25, $0x1F;
	s23 =	spop (v2sf)  }
0x6b9: {  	s5 =	sadd.s32 s5, s15;
	s15 =	smul.u32 $0x68DB8BAD, s21;
	s21 =	spop (v2sf)  }
0x6ba: {  	s24 =	smulhi.u32 $0x68DB8BAD, s26;
	s29 =	sshra.s32 s26, $0x1F;
	s26 =	spop (v2sf)  }
0x6bb: {  	s8 =	sadd.s32 s30, s17;
	s30 =	smul.u32 $0x68DB8BAD, s29;
	s25 =	spop (v2sf)  }
0x6bc: {  	s2 =	sadd.s32 s7, s18;
	s29 =	smulhi.u32 $0x68DB8BAD, s25;
	s17 =	sshra.s32 s25, $0x1F  }
0x6bd: {  	s16 =	sshrl.u32 s1, $0x1F;
	s18 =	sshrl.u32 s2, $0x1F;
	s17 =	smul.u32 $0x68DB8BAD, s17  }
0x6be: {  	s19 =	sadd.s32 s9, s19;
	s12 =	sadd.s32 s12, s20;
	s20 =	sshrl.u32 s10, $0x1F  }
0x6bf: {  	v6 =	vmov s14;
	s14 =	sshra.s32 s19, $0x1F;
	s10 =	sshra.s32 s10, $0xC;
	s9 =	sadd.s32 s17, s29  }
0x6c0: {  	v6 =	vsel vm1, s11, v6;
	s13 =	sadd.s32 s15, s13;
	s7 =	sadd.s32 s30, s24;
	s30 =	sshra.s32 s9, $0x1F  }
0x6c1: {  	vm10 =	vcmask $0x300;
	v6 =	vsel vm2, s16, v6;
	s15 =	sshrl.u32 s5, $0x1F;
	s11 =	smulhi.u32 $0x68DB8BAD, s21;
	v5 =	vmov s30;
	s30 =	sshra.s32 s19, $0xC  }
0x6c2: {  	v6 =	vsel vm0, s18, v6;
	s18 =	smulhi.u32 $0x68DB8BAD, s26;
	s25 =	sshrl.u32 s4, $0x1F;
	s29 =	sshrl.u32 s19, $0x1F;
	v5 =	vsel vm10, s30, v5  }
0x6c3: {  	s17 =	smulhi.u32 $0x68DB8BAD, s23;
	s23 =	sshra.s32 s23, $0x1F;
	v7 =	vmov s29;
	s29 =	sshra.s32 s12, $0xC;
	v5 =	vsel vm12, s14, v5  }
0x6c4: {  	vm5 =	vcmask $0x2320;
	v8 =	vmov s20;
	s19 =	sshrl.u32 s12, $0x1F;
	s12 =	sshra.s32 s12, $0x1F;
	s14 =	sshra.s32 s21, $0x1F;
	v5 =	vsel vm1, s29, v5  }
0x6c5: {  	vm9 =	vcmask $0x2B28;
	v8 =	vsel vm1, s25, v8;
	s21 =	sshra.s32 s26, $0x1F;
	s26 =	sshra.s32 s13, $0xC;
	s14 =	smul.u32 $0x68DB8BAD, s14;
	v5 =	vsel vm13, s12, v5  }
0x6c6: {  	v9 =	vmov s10;
	s24 =	sshrl.u32 s8, $0x1F;
	v8 =	vsel vm2, s15, v8;
	s23 =	smul.u32 $0x68DB8BAD, s23;
	s29 =	sshra.s32 s13, $0x1F;
	v5 =	vsel vm2, s26, v5  }
0x6c7: {  	s16 =	sshrl.u32 s7, $0x1F;
	v8 =	vsel vm0, s24, v8;
	v7 =	vnsel vm10, $0x0, v7;
	s11 =	sadd.s32 s14, s11;
	s14 =	sshra.s32 s7, $0xC;
	v5 =	vsel vm8, s29, v5  }
0x6c8: {  	v6 =	vcombine.low v8, v6;
	s30 =	sshrl.u32 s13, $0x1F;
	v7 =	vsel vm1, s19, v7;
	s17 =	sadd.s32 s23, s17;
	s7 =	sshra.s32 s7, $0x1F;
	v5 =	vsel vm0, s14, v5  }
0x6c9: {  	s24 =	sshra.s32 s4, $0xC;
	v8 =	vmov s3;
	v7 =	vsel vm2, s30, v7;
	s19 =	smul.u32 $0x68DB8BAD, s21;
	s21 =	sshra.s32 s17, $0xC;
	v5 =	vsel vm14, s7, v5  }
0x6ca: {  	s2 =	sshra.s32 s2, $0xC;
	v9 =	vsel vm1, s24, v9;
	s30 =	sshrl.u32 s17, $0x1F;
	s23 =	sshra.s32 s17, $0x1F;
	v7 =	vsel vm0, s16, v7;
	v5 =	vsel vm5, s21, v5  }
0x6cb: {  	v8 =	vsel vm1, s0, v8;
	v7 =	vsel vm5, s30, v7;
	s26 =	sshra.s32 s1, $0xC;
	s16 =	sshrl.u32 s11, $0x1F;
	s25 =	sshra.s32 s11, $0xC;
	v5 =	vsel vm15, s23, v5  }
0x6cc: {  	s19 =	sadd.s32 s19, s18;
	s29 =	sshra.s32 s5, $0xC;
	s30 =	sshra.s32 s11, $0x1F;
	v8 =	vsel vm2, s26, v8;
	v7 =	vsel vm9, s16, v7;
	v5 =	vsel vm9, s25, v5  }
0x6cd: {  	s4 =	sshra.s32 s8, $0xC;
	s20 =	sshrl.u32 s19, $0x1F;
	s5 =	sshra.s32 s19, $0xC;
	v9 =	vsel vm2, s29, v9;
	v8 =	vsel vm0, s2, v8;
	v5 =	vsel vm4, s30, v5  }
0x6ce: {  	s8 =	sshra.s32 s19, $0x1F;
	v7 =	vsel vm7, s20, v7;
	s7 =	sshrl.u32 s9, $0x1F;
	v9 =	vsel vm0, s4, v9;
	v5 =	vsel vm7, s5, v5  }
0x6cf: {  	s10 =	sshra.s32 s9, $0xC;
	v7 =	vsel vm11, s7, v7;
	v8 =	vcombine.low v9, v8;
	v5 =	vsel vm6, s8, v5  }
0x6d0: {  	v6 =	vperm.xlane v6, v1;
	v7 =	vperm.xlane v7, v2;
	v5 =	vsel vm11, s10, v5  }
0x6d1: {  	v8 =	vperm.xlane v8, v1;
	v5 =	vperm.xlane v5, v2;
	_ =	sdelay $0x1  }
0x6d2: {  	v6 =	vsel vm3, v7, v6;
	v5 =	vsel vm3, v5, v8  }
0x6d3: {  	v5 =	vadd.s32 v6, v5  }
0x6d4: {  	v6 =	vmul.u32 $0xFFFFD8F0, v5  }
0x6d5: {  	v7 =	vsub.s32 $0x0, v4  }
0x6d6: {  	vm4 =	vlt.s32 v4, $0x1;
	vm6 =	vne.s32 v6, v7  }
0x6d7: {  	vm9 =	vmand vm4, vm6  }
0x6d8: {  	v6 =	vsel vm9, $0xFFFFFFFF, v3  }
0x6d9: {  	v5 =	vadd.s32 v6, v5  }
0x6da: {  	v6 =	vmul.u32 $0xFFFFD8F0, v5;
	_ =	sdelay $0x1  }
0x6db: {  	v4 =	vadd.s32 v4, v6;
	v6 =	vshrl.u32 v5, $0x3  }
0x6dc: {  	v6 =	vmul.u32 $0x13C00, v6;
	v7 =	vshll.u32 v4, $0x3  }
0x6dd: {  	v8 =	vshll.u32 v5, $0x7;
	v7 =	vand.u32 $0xFFFFFC00, v7  }
0x6de: {  	v6 =	vadd.s32 v6, v7;
	v7 =	vand.u32 $0x380, v8  }
0x6df: {  	[tilespmem:$0x27A0] =	vst v5;
	v5 =	vor.u32 v7, v6;
	v6 =	vand.u32 $0x7F, v4  }
0x6e0: {  	[tilespmem:$0x2920] =	vst v4;
	v4 =	vor.u32 v6, v5  }
0x6e1: {  	[tilespmem:$0x2AA0] =	vst v4  }
0x6e2: {  	v4 =	vld [tilespmem:s31+$0x120];
	_ =	sdelay $0x4  }
0x6e3: {  	(v2sf) =	vpush v4, $0xD;
	_ =	sdelay $0x1  }
0x6e4: {  	(v2sf) =	vpush v4, $0xC;
	_ =	sdelay $0x1  }
0x6e5: {  	(v2sf) =	vpush v4, $0xE;
	_ =	sdelay $0x1  }
0x6e6: {  	(v2sf) =	vpush v4, $0xF;
	_ =	sdelay $0x1  }
0x6e7: {  	(v2sf) =	vpush v4, $0x9;
	_ =	sdelay $0x1  }
0x6e8: {  	(v2sf) =	vpush v4, $0x8;
	_ =	sdelay $0x1  }
0x6e9: {  	(v2sf) =	vpush v4, $0xA;
	_ =	sdelay $0x1  }
0x6ea: {  	(v2sf) =	vpush v4, $0xB  }
0x6eb: {  	s11 =	spop (v2sf)  }
0x6ec: {  	(v2sf) =	vpush v4, $0x0;
	s12 =	smulhi.u32 $0x68DB8BAD, s11;
	s0 =	sshra.s32 s11, $0x1F  }
0x6ed: {  	s13 =	spop (v2sf);
	s0 =	smul.u32 $0x68DB8BAD, s0  }
0x6ee: {  	(v2sf) =	vpush v4, $0x1;
	s14 =	smulhi.u32 $0x68DB8BAD, s13;
	s2 =	sshra.s32 s13, $0x1F  }
0x6ef: {  	(v2sf) =	vpush v4, $0x2;
	s15 =	spop (v2sf);
	s2 =	smul.u32 $0x68DB8BAD, s2  }
0x6f0: {  	(v2sf) =	vpush v4, $0x3;
	s16 =	smulhi.u32 $0x68DB8BAD, s15;
	s4 =	sshra.s32 s15, $0x1F  }
0x6f1: {  	s17 =	spop (v2sf);
	(v2sf) =	vpush v4, $0x4;
	s4 =	smul.u32 $0x68DB8BAD, s4  }
0x6f2: {  	s18 =	smulhi.u32 $0x68DB8BAD, s17;
	s7 =	sshra.s32 s17, $0x1F;
	(v2sf) =	vpush v4, $0x5  }
0x6f3: {  	s19 =	spop (v2sf);
	s7 =	smul.u32 $0x68DB8BAD, s7;
	(v2sf) =	vpush v4, $0x6  }
0x6f4: {  	s20 =	smulhi.u32 $0x68DB8BAD, s19;
	s9 =	sshra.s32 s19, $0x1F;
	(v2sf) =	vpush v4, $0x7  }
0x6f5: {  	s0 =	sadd.s32 s0, s12;
	s23 =	spop (v2sf);
	s9 =	smul.u32 $0x68DB8BAD, s9  }
0x6f6: {  	s11 =	sshrl.u32 s0, $0x1F;
	s12 =	smulhi.u32 $0x68DB8BAD, s23;
	s1 =	sshra.s32 s23, $0x1F  }
0x6f7: {  	s3 =	sadd.s32 s2, s14;
	s24 =	spop (v2sf);
	s13 =	smul.u32 $0x68DB8BAD, s1  }
0x6f8: {  	s0 =	sshra.s32 s0, $0xC;
	s15 =	smulhi.u32 $0x68DB8BAD, s24;
	s25 =	sshra.s32 s24, $0x1F  }
0x6f9: {  	s14 =	sshrl.u32 s3, $0x1F;
	s26 =	spop (v2sf);
	s5 =	smul.u32 $0x68DB8BAD, s25  }
0x6fa: {  	s3 =	sshra.s32 s3, $0xC;
	s17 =	smulhi.u32 $0x68DB8BAD, s26;
	s29 =	sshra.s32 s26, $0x1F  }
0x6fb: {  	s1 =	sadd.s32 s4, s16;
	s21 =	spop (v2sf);
	s30 =	smul.u32 $0x68DB8BAD, s29  }
0x6fc: {  	s2 =	sadd.s32 s7, s18;
	s19 =	smulhi.u32 $0x68DB8BAD, s21;
	s23 =	sshra.s32 s21, $0x1F  }
0x6fd: {  	s4 =	sadd.s32 s9, s20;
	s24 =	spop (v2sf);
	s9 =	smul.u32 $0x68DB8BAD, s23  }
0x6fe: {  	s20 =	smulhi.u32 $0x68DB8BAD, s24;
	s8 =	sshra.s32 s24, $0x1F;
	s25 =	spop (v2sf)  }
0x6ff: {  	s10 =	sadd.s32 s13, s12;
	s12 =	smul.u32 $0x68DB8BAD, s8;
	s26 =	spop (v2sf)  }
0x700: {  	s13 =	smulhi.u32 $0x68DB8BAD, s25;
	s21 =	sshra.s32 s25, $0x1F;
	s23 =	spop (v2sf)  }
0x701: {  	s5 =	sadd.s32 s5, s15;
	s15 =	smul.u32 $0x68DB8BAD, s21;
	s21 =	spop (v2sf)  }
0x702: {  	s24 =	smulhi.u32 $0x68DB8BAD, s26;
	s29 =	sshra.s32 s26, $0x1F;
	s26 =	spop (v2sf)  }
0x703: {  	s8 =	sadd.s32 s30, s17;
	s30 =	smul.u32 $0x68DB8BAD, s29;
	s25 =	spop (v2sf)  }
0x704: {  	s16 =	sshrl.u32 s1, $0x1F;
	s29 =	smulhi.u32 $0x68DB8BAD, s25;
	s17 =	sshra.s32 s25, $0x1F  }
0x705: {  	s18 =	sshrl.u32 s2, $0x1F;
	s19 =	sadd.s32 s9, s19;
	s17 =	smul.u32 $0x68DB8BAD, s17  }
0x706: {  	v6 =	vmov s14;
	s12 =	sadd.s32 s12, s20;
	s20 =	sshrl.u32 s10, $0x1F;
	s14 =	sshra.s32 s19, $0x1F  }
0x707: {  	s10 =	sshra.s32 s10, $0xC;
	s13 =	sadd.s32 s15, s13;
	s9 =	sadd.s32 s17, s29  }
0x708: {  	vm6 =	vcmask $0x300;
	s15 =	sshrl.u32 s5, $0x1F;
	s7 =	sadd.s32 s30, s24;
	s30 =	sshra.s32 s9, $0x1F  }
0x709: {  	v6 =	vsel vm1, s11, v6;
	v8 =	vmov s20;
	s20 =	sshra.s32 s1, $0xC;
	s11 =	smulhi.u32 $0x68DB8BAD, s21;
	v5 =	vmov s30;
	s30 =	sshra.s32 s19, $0xC  }
0x70a: {  	vm4 =	vcmask $0x2B28;
	s24 =	sshrl.u32 s8, $0x1F;
	s25 =	sshrl.u32 s4, $0x1F;
	s29 =	sshrl.u32 s19, $0x1F;
	v5 =	vsel vm6, s30, v5  }
0x70b: {  	vm9 =	vcmask $0x2F2C;
	s17 =	smulhi.u32 $0x68DB8BAD, s23;
	s23 =	sshra.s32 s23, $0x1F;
	v7 =	vmov s29;
	s29 =	sshra.s32 s12, $0xC;
	v5 =	vsel vm12, s14, v5  }
0x70c: {  	v6 =	vsel vm2, s16, v6;
	v8 =	vsel vm1, s25, v8;
	s23 =	smul.u32 $0x68DB8BAD, s23;
	s19 =	sshrl.u32 s12, $0x1F;
	s12 =	sshra.s32 s12, $0x1F;
	v5 =	vsel vm1, s29, v5  }
0x70d: {  	v6 =	vsel vm0, s18, v6;
	s18 =	smulhi.u32 $0x68DB8BAD, s26;
	v8 =	vsel vm2, s15, v8;
	s14 =	sshra.s32 s21, $0x1F;
	s21 =	sshra.s32 s13, $0xC;
	v5 =	vsel vm13, s12, v5  }
0x70e: {  	v8 =	vsel vm0, s24, v8;
	v7 =	vnsel vm6, $0x0, v7;
	s30 =	sshrl.u32 s13, $0x1F;
	s17 =	sadd.s32 s23, s17;
	s23 =	sshra.s32 s13, $0x1F;
	v5 =	vsel vm2, s21, v5  }
0x70f: {  	v6 =	vcombine.low v8, v6;
	v7 =	vsel vm1, s19, v7;
	s14 =	smul.u32 $0x68DB8BAD, s14;
	s29 =	sshra.s32 s26, $0x1F;
	s26 =	sshra.s32 s7, $0xC;
	v5 =	vsel vm8, s23, v5  }
0x710: {  	s16 =	sshrl.u32 s7, $0x1F;
	s24 =	sshra.s32 s2, $0xC;
	v8 =	vmov s3;
	v7 =	vsel vm2, s30, v7;
	s7 =	sshra.s32 s7, $0x1F;
	v5 =	vsel vm0, s26, v5  }
0x711: {  	v8 =	vsel vm1, s0, v8;
	v7 =	vsel vm0, s16, v7;
	s16 =	sshra.s32 s17, $0xC;
	s19 =	smul.u32 $0x68DB8BAD, s29;
	s11 =	sadd.s32 s14, s11;
	v5 =	vsel vm14, s7, v5  }
0x712: {  	v9 =	vmov s10;
	v8 =	vsel vm2, s20, v8;
	s25 =	sshrl.u32 s17, $0x1F;
	s17 =	sshra.s32 s17, $0x1F;
	s29 =	sshrl.u32 s11, $0x1F;
	v5 =	vsel vm5, s16, v5  }
0x713: {  	v8 =	vsel vm0, s24, v8;
	v7 =	vsel vm5, s25, v7;
	s30 =	sadd.s32 s19, s18;
	s18 =	sshra.s32 s4, $0xC;
	s19 =	sshra.s32 s11, $0xC;
	v5 =	vsel vm15, s17, v5  }
0x714: {  	s21 =	sshra.s32 s5, $0xC;
	s23 =	sshra.s32 s11, $0x1F;
	v7 =	vsel vm4, s29, v7;
	s15 =	sshrl.u32 s30, $0x1F;
	v9 =	vsel vm1, s18, v9;
	v5 =	vsel vm4, s19, v5  }
0x715: {  	s25 =	sshra.s32 s8, $0xC;
	s26 =	sshra.s32 s30, $0xC;
	v7 =	vsel vm7, s15, v7;
	v9 =	vsel vm2, s21, v9;
	v5 =	vsel vm9, s23, v5  }
0x716: {  	s29 =	sshrl.u32 s9, $0x1F;
	s30 =	sshra.s32 s30, $0x1F;
	v9 =	vsel vm0, s25, v9;
	vm9 =	vcmask $0x3734;
	v5 =	vsel vm7, s26, v5  }
0x717: {  	s1 =	sshra.s32 s9, $0xC;
	v7 =	vsel vm11, s29, v7;
	v8 =	vcombine.low v9, v8;
	v5 =	vsel vm9, s30, v5  }
0x718: {  	v6 =	vperm.xlane v6, v1;
	v7 =	vperm.xlane v7, v2;
	v5 =	vsel vm11, s1, v5  }
0x719: {  	v8 =	vperm.xlane v8, v1;
	v5 =	vperm.xlane v5, v2;
	_ =	sdelay $0x1  }
0x71a: {  	v6 =	vsel vm3, v7, v6;
	v5 =	vsel vm3, v5, v8  }
0x71b: {  	v5 =	vadd.s32 v6, v5  }
0x71c: {  	v6 =	vmul.u32 $0xFFFFD8F0, v5  }
0x71d: {  	v7 =	vsub.s32 $0x0, v4  }
0x71e: {  	vm9 =	vlt.s32 v4, $0x1;
	vm10 =	vne.s32 v6, v7  }
0x71f: {  	vm9 =	vmand vm9, vm10  }
0x720: {  	v6 =	vsel vm9, $0xFFFFFFFF, v3  }
0x721: {  	v5 =	vadd.s32 v6, v5  }
0x722: {  	v6 =	vmul.u32 $0xFFFFD8F0, v5;
	_ =	sdelay $0x1  }
0x723: {  	v4 =	vadd.s32 v4, v6;
	v6 =	vshrl.u32 v5, $0x3  }
0x724: {  	v6 =	vmul.u32 $0x13C00, v6;
	v7 =	vshll.u32 v4, $0x3  }
0x725: {  	v8 =	vshll.u32 v5, $0x7;
	v7 =	vand.u32 $0xFFFFFC00, v7  }
0x726: {  	v6 =	vadd.s32 v6, v7;
	v7 =	vand.u32 $0x380, v8  }
0x727: {  	[tilespmem:$0x27B0] =	vst v5;
	v5 =	vor.u32 v7, v6;
	v6 =	vand.u32 $0x7F, v4  }
0x728: {  	[tilespmem:$0x2930] =	vst v4;
	v4 =	vor.u32 v6, v5  }
0x729: {  	[tilespmem:$0x2AB0] =	vst v4  }
0x72a: {  	v4 =	vld [tilespmem:s31+$0x130];
	_ =	sdelay $0x4  }
0x72b: {  	(v2sf) =	vpush v4, $0xD;
	_ =	sdelay $0x1  }
0x72c: {  	(v2sf) =	vpush v4, $0xC;
	_ =	sdelay $0x1  }
0x72d: {  	(v2sf) =	vpush v4, $0xE;
	_ =	sdelay $0x1  }
0x72e: {  	(v2sf) =	vpush v4, $0xF;
	_ =	sdelay $0x1  }
0x72f: {  	(v2sf) =	vpush v4, $0x9;
	_ =	sdelay $0x1  }
0x730: {  	(v2sf) =	vpush v4, $0x8;
	_ =	sdelay $0x1  }
0x731: {  	(v2sf) =	vpush v4, $0xA;
	_ =	sdelay $0x1  }
0x732: {  	(v2sf) =	vpush v4, $0xB  }
0x733: {  	s2 =	spop (v2sf)  }
0x734: {  	(v2sf) =	vpush v4, $0x0;
	s3 =	smulhi.u32 $0x68DB8BAD, s2;
	s0 =	sshra.s32 s2, $0x1F  }
0x735: {  	(v2sf) =	vpush v4, $0x1;
	s4 =	spop (v2sf);
	s0 =	smul.u32 $0x68DB8BAD, s0  }
0x736: {  	s5 =	smulhi.u32 $0x68DB8BAD, s4;
	s2 =	sshra.s32 s4, $0x1F  }
0x737: {  	s18 =	spop (v2sf);
	s2 =	smul.u32 $0x68DB8BAD, s2  }
0x738: {  	s19 =	smulhi.u32 $0x68DB8BAD, s18;
	s4 =	sshra.s32 s18, $0x1F  }
0x739: {  	(v2sf) =	vpush v4, $0x2;
	s21 =	spop (v2sf);
	s4 =	smul.u32 $0x68DB8BAD, s4  }
0x73a: {  	(v2sf) =	vpush v4, $0x3;
	s9 =	smulhi.u32 $0x68DB8BAD, s21;
	s7 =	sshra.s32 s21, $0x1F  }
0x73b: {  	(v2sf) =	vpush v4, $0x4;
	s23 =	spop (v2sf);
	s7 =	smul.u32 $0x68DB8BAD, s7  }
0x73c: {  	(v2sf) =	vpush v4, $0x5;
	s10 =	smulhi.u32 $0x68DB8BAD, s23;
	s8 =	sshra.s32 s23, $0x1F  }
0x73d: {  	(v2sf) =	vpush v4, $0x6;
	s24 =	spop (v2sf);
	s11 =	smul.u32 $0x68DB8BAD, s8  }
0x73e: {  	(v2sf) =	vpush v4, $0x7;
	s12 =	smulhi.u32 $0x68DB8BAD, s24;
	s8 =	sshra.s32 s24, $0x1F  }
0x73f: {  	s25 =	spop (v2sf);
	s14 =	smul.u32 $0x68DB8BAD, s8  }
0x740: {  	s15 =	smulhi.u32 $0x68DB8BAD, s25;
	s13 =	sshra.s32 s25, $0x1F  }
0x741: {  	s26 =	spop (v2sf);
	s13 =	smul.u32 $0x68DB8BAD, s13  }
0x742: {  	s18 =	smulhi.u32 $0x68DB8BAD, s26;
	s8 =	sshra.s32 s26, $0x1F  }
0x743: {  	s1 =	sadd.s32 s0, s3;
	s29 =	spop (v2sf);
	s20 =	smul.u32 $0x68DB8BAD, s8  }
0x744: {  	s0 =	sadd.s32 s7, s9;
	s30 =	spop (v2sf);
	s23 =	smulhi.u32 $0x68DB8BAD, s29  }
0x745: {  	s29 =	sshra.s32 s29, $0x1F;
	s8 =	sadd.s32 s2, s5;
	s2 =	sadd.s32 s4, s19  }
0x746: {  	s5 =	sadd.s32 s11, s10;
	s11 =	sshrl.u32 s1, $0x1F;
	s24 =	smul.u32 $0x68DB8BAD, s29  }
0x747: {  	s9 =	sadd.s32 s14, s12;
	s25 =	smulhi.u32 $0x68DB8BAD, s30;
	s30 =	sshra.s32 s30, $0x1F  }
0x748: {  	s1 =	sshra.s32 s1, $0xC;
	s26 =	smul.u32 $0x68DB8BAD, s30;
	s31 =	spop (v2sf)  }
0x749: {  	s21 =	spop (v2sf);
	s29 =	smulhi.u32 $0x68DB8BAD, s31;
	s31 =	sshra.s32 s31, $0x1F  }
0x74a: {  	s3 =	sadd.s32 s20, s18;
	s16 =	spop (v2sf);
	s7 =	smul.u32 $0x68DB8BAD, s31  }
0x74b: {  	s10 =	smulhi.u32 $0x68DB8BAD, s21;
	s4 =	sshra.s32 s21, $0x1F;
	s17 =	spop (v2sf)  }
0x74c: {  	s18 =	sshrl.u32 s9, $0x1F;
	s12 =	smul.u32 $0x68DB8BAD, s4;
	s19 =	spop (v2sf)  }
0x74d: {  	s4 =	sadd.s32 s13, s15;
	s13 =	smulhi.u32 $0x68DB8BAD, s16;
	s21 =	spop (v2sf)  }
0x74e: {  	s31 =	sshrl.u32 s8, $0x1F;
	s30 =	smulhi.u32 $0x68DB8BAD, s21;
	s15 =	sshra.s32 s21, $0x1F  }
0x74f: {  	s8 =	sshra.s32 s8, $0xC;
	s16 =	sshra.s32 s16, $0x1F;
	s15 =	smul.u32 $0x68DB8BAD, s15  }
0x750: {  	s14 =	smul.u32 $0x68DB8BAD, s16;
	s16 =	sadd.s32 s24, s23;
	s23 =	sshrl.u32 s2, $0x1F  }
0x751: {  	s24 =	sadd.s32 s7, s29;
	s29 =	sshra.s32 s17, $0x1F;
	s7 =	sadd.s32 s15, s30  }
0x752: {  	v6 =	vmov s31;
	s10 =	sadd.s32 s12, s10;
	s31 =	sshrl.u32 s16, $0x1F;
	s15 =	sshra.s32 s7, $0x1F  }
0x753: {  	s21 =	sadd.s32 s26, s25;
	s26 =	smulhi.u32 $0x68DB8BAD, s17;
	s30 =	sshra.s32 s16, $0xC;
	v5 =	vmov s15  }
0x754: {  	v8 =	vmov s18;
	v6 =	vsel vm1, s11, v6;
	s12 =	sadd.s32 s14, s13;
	s14 =	smul.u32 $0x68DB8BAD, s29;
	s16 =	sshra.s32 s16, $0x1F;
	v5 =	vsel vm6, s30, v5  }
0x755: {  	v9 =	vmov s8;
	s2 =	sshra.s32 s2, $0xC;
	v6 =	vsel vm2, s23, v6;
	s23 =	sshra.s32 s19, $0x1F;
	s20 =	sshra.s32 s21, $0xC;
	v5 =	vsel vm12, s16, v5  }
0x756: {  	v9 =	vsel vm1, s1, v9;
	s25 =	sshrl.u32 s0, $0x1F;
	v7 =	vmov s31;
	s11 =	sadd.s32 s14, s26;
	s26 =	sshra.s32 s21, $0x1F;
	v5 =	vsel vm1, s20, v5  }
0x757: {  	v9 =	vsel vm2, s2, v9;
	s17 =	sshrl.u32 s5, $0x1F;
	s29 =	sshrl.u32 s24, $0x1F;
	v7 =	vnsel vm6, $0x0, v7;
	s30 =	sshra.s32 s24, $0xC;
	v5 =	vsel vm13, s26, v5  }
0x758: {  	s0 =	sshra.s32 s0, $0xC;
	v6 =	vsel vm0, s25, v6;
	v8 =	vsel vm1, s17, v8;
	s15 =	sshrl.u32 s21, $0x1F;
	s20 =	sshra.s32 s24, $0x1F;
	v5 =	vsel vm2, s30, v5  }
0x759: {  	s31 =	sshrl.u32 s4, $0x1F;
	v9 =	vsel vm0, s0, v9;
	v7 =	vsel vm1, s15, v7;
	s15 =	smul.u32 $0x68DB8BAD, s23;
	s23 =	sshra.s32 s10, $0xC;
	v5 =	vsel vm8, s20, v5  }
0x75a: {  	s14 =	smulhi.u32 $0x68DB8BAD, s19;
	s19 =	sshrl.u32 s10, $0x1F;
	v8 =	vsel vm2, s31, v8;
	s10 =	sshra.s32 s10, $0x1F;
	v7 =	vsel vm2, s29, v7;
	v5 =	vsel vm0, s23, v5  }
0x75b: {  	s21 =	sshrl.u32 s12, $0x1F;
	s29 =	sshra.s32 s12, $0xC;
	vm12 =	vcmask $0x2F2C;
	v7 =	vsel vm0, s19, v7;
	s24 =	sshrl.u32 s3, $0x1F;
	v5 =	vsel vm14, s10, v5  }
0x75c: {  	s31 =	sshra.s32 s12, $0x1F;
	v7 =	vsel vm5, s21, v7;
	v8 =	vsel vm0, s24, v8;
	s30 =	sshra.s32 s9, $0xC;
	v5 =	vsel vm5, s29, v5  }
0x75d: {  	s8 =	sshra.s32 s5, $0xC;
	s25 =	sshrl.u32 s11, $0x1F;
	vm13 =	vcmask $0x3734;
	v10 =	vmov s30;
	s10 =	sshra.s32 s11, $0xC;
	v5 =	vsel vm15, s31, v5  }
0x75e: {  	s13 =	sshra.s32 s11, $0x1F;
	s12 =	sshra.s32 s4, $0xC;
	s14 =	sadd.s32 s15, s14;
	v7 =	vsel vm4, s25, v7;
	v10 =	vsel vm1, s8, v10;
	v5 =	vsel vm4, s10, v5  }
0x75f: {  	s15 =	sshra.s32 s3, $0xC;
	s26 =	sshrl.u32 s14, $0x1F;
	s16 =	sshra.s32 s14, $0xC;
	v6 =	vcombine.low v8, v6;
	v10 =	vsel vm2, s12, v10;
	v5 =	vsel vm12, s13, v5  }
0x760: {  	s17 =	sshrl.u32 s7, $0x1F;
	s18 =	sshra.s32 s14, $0x1F;
	v7 =	vsel vm7, s26, v7;
	v8 =	vsel vm0, s15, v10;
	v5 =	vsel vm7, s16, v5  }
0x761: {  	s19 =	sshra.s32 s7, $0xC;
	v7 =	vsel vm11, s17, v7;
	v8 =	vcombine.low v8, v9;
	v5 =	vsel vm13, s18, v5  }
0x762: {  	v6 =	vperm.xlane v6, v1;
	v7 =	vperm.xlane v7, v2;
	v5 =	vsel vm11, s19, v5  }
0x763: {  	v8 =	vperm.xlane v8, v1;
	v5 =	vperm.xlane v5, v2;
	_ =	sdelay $0x1  }
0x764: {  	v6 =	vsel vm3, v7, v6;
	v5 =	vsel vm3, v5, v8  }
0x765: {  	v5 =	vadd.s32 v6, v5  }
0x766: {  	v6 =	vmul.u32 $0xFFFFD8F0, v5  }
0x767: {  	v7 =	vsub.s32 $0x0, v4  }
0x768: {  	vm14 =	vlt.s32 v4, $0x1;
	vm15 =	vne.s32 v6, v7  }
0x769: {  	vm9 =	vmand vm14, vm15  }
0x76a: {  	v6 =	vsel vm9, $0xFFFFFFFF, v3  }
0x76b: {  	v5 =	vadd.s32 v6, v5  }
0x76c: {  	v6 =	vmul.u32 $0xFFFFD8F0, v5;
	_ =	sdelay $0x1  }
0x76d: {  	v4 =	vadd.s32 v4, v6;
	v6 =	vshrl.u32 v5, $0x3  }
0x76e: {  	v6 =	vmul.u32 $0x13C00, v6;
	v7 =	vshll.u32 v4, $0x3  }
0x76f: {  	v8 =	vshll.u32 v5, $0x7;
	v7 =	vand.u32 $0xFFFFFC00, v7  }
0x770: {  	v6 =	vadd.s32 v6, v7;
	v7 =	vand.u32 $0x380, v8  }
0x771: {  	[tilespmem:$0x27C0] =	vst v5;
	v5 =	vor.u32 v7, v6;
	v6 =	vand.u32 $0x7F, v4  }
0x772: {  	s1 =	simm.s32 $0x3;
	s5 =	simm.s32 $0x50;
	[tilespmem:$0x2940] =	vst v4;
	v4 =	vor.u32 v6, v5  }
0x773: {  	s21 =	simm.s32 $0x2A80;
	s24 =	simm.s32 $0x2D80;
	s20 =	rddreg [dreg:$0x4];
	[tilespmem:$0x2AC0] =	vst v4  }
0x774: {  	[tilespmem:s22], [sflag:$0x1] =	stream.indirect.gather [hbm4b:s20+s5], $0x1, s21, s5, $0xb8;
	[tilespmem:$0x1DE00] =	vst v63  }
0x775: {  	s25 =	simm.s32 $0x2780;
	s26 =	simm.s32 $0x0;
	s23 =	rddreg [dreg:$0x0]  }
0x776: {  	v4 =	vmov s26;
	[tilespmem:s24], [sflag:$0x4] =	stream.indirect.gather [hbm4b:s23+s5], $0x80, s25, s5, $0xb8;
	[tilespmem:$0x1DE00] =	vst v63  }
0x777: {  	v4 =	vand.u32 $0xFFFFFFFC, v4;
	_ =	swait.ge [sflag:s1], $0x50  }
0x778: {  	v4 =	vbroadcast v4, $0x0;
	[sflag:s1] =	ssyncset.done $0x0  }
0x779: {  	s29 =	simm.s32 $0x6;
	[sflag:s1] =	ssyncadd.s32 $0xFFFFFFB0  }
0x77a: {  	_ =	swait.ge [sflag:s29], $0x2800  }
0x77b: {  	[sflag:s29] =	ssyncset.done $0x0  }
0x77c: {  	s0 =	simm.s32 $0x7E80;
	[sflag:s29] =	ssyncadd.s32 $0xFFFFD800  }
0x77d: {  	v6 =	vld [tilespmem:s0+$0xFFFFFF70]  }
0x77e: {  	v4 =	vld.idx.msk [tilespmem:v4+s6+$0x0], $0xffff  }
0x77f: {  	v7 =	vld [tilespmem:s0+$0xFFFFFF00]  }
0x780: {  	v8 =	vld [tilespmem:s0+$0xFFFFFF20]  }
0x781: {  	v9 =	vld [tilespmem:s0+$0xFFFFFF30]  }
0x782: {  	v5 =	vld [tilespmem:s0+$0xFFFFFF50]  }
0x783: {  	v11 =	vld [tilespmem:s0+$0xFFFFFF10];
	v6 =	vmul.f32 v6, v4  }
0x784: {  	s30 =	simm.s32 $0x1;
	v10 =	vld [tilespmem:s0+$0xFFFFFF60];
	v7 =	vmul.f32 v7, v4  }
0x785: {  	v12 =	vld [tilespmem:s0+$0xFFFFFF40];
	v8 =	vmul.f32 v8, v4;
	[tilespmem:s0+$0xFFFFFF70] =	vst v6;
	v6 =	vmov s30  }
0x786: {  	v9 =	vmul.f32 v9, v4;
	[tilespmem:s0+$0xFFFFFF00] =	vst v7;
	v6 =	vand.u32 $0xFFFFFFFD, v6  }
0x787: {  	v5 =	vmul.f32 v5, v4;
	[tilespmem:s0+$0xFFFFFF20] =	vst v8;
	v6 =	vbroadcast v6, $0x0  }
0x788: {  	v7 =	vmul.f32 v11, v4;
	[tilespmem:s0+$0xFFFFFF30] =	vst v9  }
0x789: {  	v8 =	vmul.f32 v10, v4;
	[tilespmem:s0+$0xFFFFFF50] =	vst v5  }
0x78a: {  	v4 =	vmul.f32 v12, v4;
	[tilespmem:s0+$0xFFFFFF10] =	vst v7  }
0x78b: {  	[tilespmem:s0+$0xFFFFFF60] =	vst v8  }
0x78c: {  	[tilespmem:s0+$0xFFFFFF40] =	vst v4;
	v4 =	vld [tilespmem:s0+$0xFFFFFF80]  }
0x78d: {  	v6 =	vld.idx.msk [tilespmem:v6+s6+$0x0], $0xffff  }
0x78e: {  	v5 =	vld [tilespmem:s0+$0xFFFFFFA0]  }
0x78f: {  	v7 =	vld [tilespmem:s0+$0xFFFFFF90]  }
0x790: {  	v8 =	vld [tilespmem:s0+$0xFFFFFFD0]  }
0x791: {  	v9 =	vld [tilespmem:s0+$0xFFFFFFE0]  }
0x792: {  	v10 =	vld [tilespmem:s0+$0xFFFFFFF0];
	v4 =	vmul.f32 v4, v6  }
0x793: {  	s31 =	simm.s32 $0x2;
	v11 =	vld [tilespmem:s0+$0xFFFFFFB0];
	v5 =	vmul.f32 v5, v6  }
0x794: {  	v63 =	vld [tilespmem:s0+$0xFFFFFFC0];
	v7 =	vmul.f32 v7, v6;
	[tilespmem:s0+$0xFFFFFF80] =	vst v4;
	v4 =	vmov s31  }
0x795: {  	v8 =	vmul.f32 v8, v6;
	[tilespmem:s0+$0xFFFFFFA0] =	vst v5;
	v4 =	vand.u32 $0xFFFFFFFE, v4  }
0x796: {  	v5 =	vmul.f32 v9, v6;
	[tilespmem:s0+$0xFFFFFF90] =	vst v7;
	v7 =	vbroadcast v4, $0x0  }
0x797: {  	v9 =	vmul.f32 v10, v6;
	[tilespmem:s0+$0xFFFFFFD0] =	vst v8;
	v10 =	vld [tilespmem:s0+$0x30]  }
0x798: {  	v8 =	vmul.f32 v11, v6;
	v4 =	vld [tilespmem:s0+$0x40];
	[tilespmem:s0+$0xFFFFFFE0] =	vst v5  }
0x799: {  	v6 =	vmul.f32 v63, v6;
	v5 =	vld [tilespmem:s0+$0x70];
	[tilespmem:s0+$0xFFFFFFF0] =	vst v9  }
0x79a: {  	[tilespmem:s0+$0xFFFFFFB0] =	vst v8;
	v8 =	vld [tilespmem:s0+$0x20]  }
0x79b: {  	[tilespmem:s0+$0xFFFFFFC0] =	vst v6;
	v9 =	vld [tilespmem:s0+$0x0]  }
0x79c: {  	v6 =	vld.idx.msk [tilespmem:v7+s6+$0x0], $0xffff  }
0x79d: {  	s2 =	simm.s32 $0x7;
	s3 =	simm.s32 $0x7E80;
	v7 =	vld [tilespmem:s0+$0x10]  }
.LBB2_14:
0x79e: {  	p1 =	sne.s32 s2, $0x4F  }
0x79f: {  	v11 =	vld [tilespmem:s0+$0x50];
	s3 =	sadd.s32 $0x200, s3;
	s4 =	smov.u32 s2;
	s2 =	sadd.s32 $0x4, s2  }
0x7a0: {  	v12 =	vld [tilespmem:s0+$0x60];
	_ =	sdelay $0x1  }
0x7a1: {  	v9 =	vmul.f32 v9, v6;
	v7 =	vmul.f32 v7, v6  }
0x7a2: {  	v8 =	vmul.f32 v8, v6;
	v10 =	vmul.f32 v10, v6  }
0x7a3: {  	v4 =	vmul.f32 v4, v6;
	v5 =	vmul.f32 v5, v6;
	[tilespmem:s0+$0x0] =	vst v9  }
0x7a4: {  	[tilespmem:s0+$0x20] =	vst v8;
	v8 =	vmul.f32 v11, v6;
	v6 =	vmul.f32 v12, v6  }
0x7a5: {  	[tilespmem:s0+$0x30] =	vst v10;
	v9 =	vld [tilespmem:s0+$0x80]  }
0x7a6: {  	[tilespmem:s0+$0x60] =	vst v6;
	v6 =	vmov s1;
	v10 =	vld [tilespmem:s0+$0xD0];
	s1 =	smov.u32 s4  }
0x7a7: {  	[tilespmem:s0+$0x50] =	vst v8;
	v8 =	vld [tilespmem:s0+$0xE0]  }
0x7a8: {  	[tilespmem:s0+$0x40] =	vst v4;
	v11 =	vld [tilespmem:s0+$0xB0]  }
0x7a9: {  	v4 =	vld [tilespmem:s3+$0x40];
	[tilespmem:s0+$0x70] =	vst v5  }
0x7aa: {  	v5 =	vld [tilespmem:s3+$0x70];
	[tilespmem:s0+$0x10] =	vst v7  }
0x7ab: {  	v6 =	vld.idx.msk [tilespmem:v6+s6+$0x0], $0xffff  }
0x7ac: {  	v7 =	vld [tilespmem:s0+$0x90]  }
0x7ad: {  	v12 =	vld [tilespmem:s0+$0xA0]  }
0x7ae: {  	v13 =	vld [tilespmem:s0+$0xC0]  }
0x7af: {  	v14 =	vld [tilespmem:s0+$0xF0];
	_ =	sdelay $0x1  }
0x7b0: {  	v9 =	vmul.f32 v9, v6;
	v7 =	vmul.f32 v7, v6  }
0x7b1: {  	s4 =	sadd.s32 $0xFFFFFFFD, s1;
	v11 =	vmul.f32 v11, v6;
	v12 =	vmul.f32 v12, v6  }
0x7b2: {  	v15 =	vmov s4;
	v10 =	vmul.f32 v10, v6;
	[tilespmem:s0+$0x80] =	vst v9;
	v9 =	vmul.f32 v13, v6  }
0x7b3: {  	v13 =	vand.u32 $0xFFFFFFFC, v15;
	[tilespmem:s0+$0x90] =	vst v7;
	v7 =	vmul.f32 v8, v6;
	v6 =	vmul.f32 v14, v6  }
0x7b4: {  	v8 =	vbroadcast v13, $0x0;
	[tilespmem:s0+$0xA0] =	vst v12  }
0x7b5: {  	[tilespmem:s0+$0xD0] =	vst v10  }
0x7b6: {  	v10 =	vld [tilespmem:s3+$0xFFFFFF50];
	[tilespmem:s0+$0xB0] =	vst v11  }
0x7b7: {  	v11 =	vld [tilespmem:s3+$0xFFFFFF30];
	[tilespmem:s0+$0xC0] =	vst v9  }
0x7b8: {  	v9 =	vld [tilespmem:s3+$0xFFFFFF60];
	[tilespmem:s0+$0xE0] =	vst v7  }
0x7b9: {  	v7 =	vld [tilespmem:s3+$0xFFFFFF70];
	[tilespmem:s0+$0xF0] =	vst v6;
	s0 =	smov.u32 s3  }
0x7ba: {  	v6 =	vld.idx.msk [tilespmem:v8+s6+$0x0], $0xffff  }
0x7bb: {  	v8 =	vld [tilespmem:s3+$0xFFFFFF00]  }
0x7bc: {  	v12 =	vld [tilespmem:s3+$0xFFFFFF20]  }
0x7bd: {  	v13 =	vld [tilespmem:s3+$0xFFFFFF10]  }
0x7be: {  	v14 =	vld [tilespmem:s3+$0xFFFFFF40];
	_ =	sdelay $0x1  }
0x7bf: {  	v7 =	vmul.f32 v7, v6;
	v8 =	vmul.f32 v8, v6  }
0x7c0: {  	s4 =	sadd.s32 $0xFFFFFFFE, s1;
	v9 =	vmul.f32 v9, v6;
	v12 =	vmul.f32 v12, v6  }
0x7c1: {  	v11 =	vmul.f32 v11, v6;
	v13 =	vmul.f32 v13, v6;
	[tilespmem:s3+$0xFFFFFF70] =	vst v7;
	v7 =	vmov s4  }
0x7c2: {  	[tilespmem:s3+$0xFFFFFF00] =	vst v8;
	v8 =	vmul.f32 v14, v6;
	v6 =	vmul.f32 v10, v6;
	v7 =	vand.u32 $0xFFFFFFFD, v7  }
0x7c3: {  	[tilespmem:s3+$0xFFFFFF20] =	vst v12;
	v7 =	vbroadcast v7, $0x0  }
0x7c4: {  	[tilespmem:s3+$0xFFFFFF30] =	vst v11  }
0x7c5: {  	[tilespmem:s3+$0xFFFFFF50] =	vst v6;
	v6 =	vld [tilespmem:s3+$0xFFFFFFF0]  }
0x7c6: {  	[tilespmem:s3+$0xFFFFFF10] =	vst v13;
	v10 =	vld [tilespmem:s3+$0xFFFFFFD0]  }
0x7c7: {  	[tilespmem:s3+$0xFFFFFF60] =	vst v9;
	v9 =	vld [tilespmem:s3+$0xFFFFFFB0]  }
0x7c8: {  	[tilespmem:s3+$0xFFFFFF40] =	vst v8;
	v8 =	vld [tilespmem:s3+$0xFFFFFF90]  }
0x7c9: {  	v7 =	vld.idx.msk [tilespmem:v7+s6+$0x0], $0xffff  }
0x7ca: {  	v11 =	vld [tilespmem:s3+$0xFFFFFF80]  }
0x7cb: {  	v12 =	vld [tilespmem:s3+$0xFFFFFFA0]  }
0x7cc: {  	v13 =	vld [tilespmem:s3+$0xFFFFFFC0]  }
0x7cd: {  	v14 =	vld [tilespmem:s3+$0xFFFFFFE0];
	_ =	sdelay $0x1  }
0x7ce: {  	v8 =	vmul.f32 v8, v7;
	v11 =	vmul.f32 v11, v7  }
0x7cf: {  	s4 =	sadd.s32 $0xFFFFFFFF, s1;
	v9 =	vmul.f32 v9, v7;
	v12 =	vmul.f32 v12, v7  }
0x7d0: {  	v10 =	vmul.f32 v10, v7;
	[tilespmem:s3+$0xFFFFFF80] =	vst v11;
	v11 =	vmul.f32 v13, v7;
	v13 =	vmov s4  }
0x7d1: {  	v6 =	vmul.f32 v6, v7;
	[tilespmem:s3+$0xFFFFFFA0] =	vst v12;
	v12 =	vmul.f32 v14, v7;
	v7 =	vand.u32 $0xFFFFFFFE, v13  }
0x7d2: {  	[tilespmem:s3+$0xFFFFFF90] =	vst v8;
	v7 =	vbroadcast v7, $0x0  }
0x7d3: {  	[tilespmem:s3+$0xFFFFFFD0] =	vst v10  }
0x7d4: {  	[tilespmem:s3+$0xFFFFFFE0] =	vst v12  }
0x7d5: {  	[tilespmem:s3+$0xFFFFFFB0] =	vst v9  }
.Ltmp8:
0x7d6: {  	[tilespmem:s3+$0xFFFFFFF0] =	vst v6;
	v8 =	vld [tilespmem:s3+$0x20];
	(pc) =	sbr.rel @p1 .LBB2_14-.Ltmp8, $4  }
0x7d7: {  	[tilespmem:s3+$0xFFFFFFC0] =	vst v11;
	v9 =	vld [tilespmem:s3+$0x0]  }
0x7d8: {  	v6 =	vld.idx.msk [tilespmem:v7+s6+$0x0], $0xffff  }
0x7d9: {  	v7 =	vld [tilespmem:s3+$0x10]  }
0x7da: {  	v10 =	vld [tilespmem:s3+$0x30]  }
0x7db: {  	_ =	sdelay $0x1  }
0x7dc: {  	v9 =	vmul.f32 v9, v6  }
0x7dd: {  	v11 =	vld [tilespmem:s0+$0x60];
	v8 =	vmul.f32 v8, v6  }
0x7de: {  	v12 =	vld [tilespmem:s0+$0x50];
	v4 =	vmul.f32 v4, v6;
	[tilespmem:s0+$0x0] =	vst v9  }
0x7df: {  	v5 =	vmul.f32 v5, v6;
	[tilespmem:s0+$0x20] =	vst v8  }
0x7e0: {  	v55 =	vmul.f32 v7, v6;
	[tilespmem:s0+$0x40] =	vst v4  }
0x7e1: {  	v54 =	vmov s1;
	v10 =	vmul.f32 v10, v6;
	[tilespmem:s0+$0x70] =	vst v5  }
0x7e2: {  	v51 =	vmul.f32 v11, v6;
	[tilespmem:s0+$0x10] =	vst v55  }
0x7e3: {  	v52 =	vmul.f32 v12, v6;
	[tilespmem:s0+$0x30] =	vst v10  }
0x7e4: {  	[tilespmem:s0+$0x60] =	vst v51  }
0x7e5: {  	v53 =	vld [tilespmem:s0+$0x80];
	[tilespmem:s0+$0x50] =	vst v52  }
0x7e6: {  	v4 =	vld.idx.msk [tilespmem:v54+s6+$0x0], $0xffff  }
0x7e7: {  	v5 =	vld [tilespmem:s0+$0x90]  }
0x7e8: {  	v56 =	vld [tilespmem:s0+$0xA0]  }
0x7e9: {  	v57 =	vld [tilespmem:s0+$0xD0]  }
0x7ea: {  	v59 =	vld [tilespmem:s0+$0xC0]  }
0x7eb: {  	v60 =	vld [tilespmem:s0+$0xE0];
	v10 =	vmul.f32 v53, v4  }
0x7ec: {  	v58 =	vld [tilespmem:s0+$0xB0];
	v5 =	vmul.f32 v5, v4  }
0x7ed: {  	v61 =	vld [tilespmem:s0+$0xF0];
	v6 =	vmul.f32 v56, v4;
	[tilespmem:s0+$0x80] =	vst v10  }
0x7ee: {  	v7 =	vmul.f32 v57, v4;
	[tilespmem:s0+$0x90] =	vst v5  }
0x7ef: {  	v62 =	vmul.f32 v59, v4;
	[tilespmem:s0+$0xA0] =	vst v6  }
0x7f0: {  	v63 =	vmul.f32 v60, v4;
	[tilespmem:s0+$0xD0] =	vst v7  }
.Ltmp9:
0x7f1: {  	v5 =	vmul.f32 v58, v4;
	[tilespmem:s0+$0xC0] =	vst v62;
	(pc) =	sbr.rel .LBB2_4-.Ltmp9, $4  }
0x7f2: {  	s29 =	rddreg [dreg:$0x2];
	v4 =	vmul.f32 v61, v4;
	[tilespmem:s0+$0xE0] =	vst v63  }
0x7f3: {  	s31 =	rddreg [dreg:$0x14];
	[tilespmem:s0+$0xB0] =	vst v5  }
0x7f4: {  	s30 =	simm.s32 $0x7D80;
	s2 =	simm.s32 $0x2A00;
	s1 =	sadd.s32 $0x1, s31;
	[tilespmem:s0+$0xF0] =	vst v4  }
0x7f5: {  	[spmem:s29] =	stream.indirect.scatter.add.f32 [tilespmem:s30], [sflag:$0x9], $0x80, s2, s5, $0xb8;
	[tilespmem:$0x1DE00] =	vst v63  }
.LBB2_17:
0x7f6: {  	_ =	sfence.sel $0x180000  }
0x7f7: {  	[bflag:$0x0] =	sbarrier.arrive $0xFFFF  }
0x7f8: {  	_ =	strace $0x90000047  }
0x7f9: {  	s0 =	stileid.u32;
	[bflag:$0x2] =	sbarrier.arrive $0xFFFF  }
0x7fa: {  	p0 =	sne.s32 s0, $0x0;
	s0 =	rddreg [dreg:$0x3]  }
0x7fb: {  	s0 =	sadd.s32 @!p0 $0x100000, s0  }
0x7fc: {  	[sflag:s0] =	ssyncadd.tile.s32 @!p0 $0x1;
	_ =	shalt  }
.Lfunc_end2:
_tile_overlayer_lowered:
.L_overlay_start_2:
0x7fd: {  	(tag) =	ssettag $0x2  }
0x7fe: {  	s0 =	rddreg [dreg:$0x0];
	s2 =	stileid.u32  }
0x7ff: {  	s1 =	rddreg [dreg:$0x1];
	p0 =	sne.s32 s2, $0x0  }
0x800: {  	s3 =	rddreg [dreg:$0x2];
	[bflag:$0x3] =	sbarrier.arrive $0xFFFF;
	s2 =	simm.s32 @!p0 $0x1C0A  }
0x801: {  	[timem:s3], [sflag:s2] =	dma.local @!p0 [hbm:s0], s1  }
0x802: {  	s0 =	simm.s32 @!p0 $0xA  }
0x803: {  	_ =	swait.ge @!p0 [sflag:s0], s1  }
0x804: {  	s1 =	ssub.s32 @!p0 $0x0, s1;
	[sflag:s0] =	ssyncset.done @!p0 $0x0  }
0x805: {  	[sflag:s0] =	ssyncadd.s32 @!p0 s1  }
0x806: {  	[bflag:$0x3] =	sbarrier.arrive $0xFFFF  }
0x807: {  	_ =	shalt  }

</sc_bundles>
